<compile_context>
chip_gen: v7x
topology: tpu7x:2x2x1
jax: 0.10.2.dev20260603
libtpu: 0.0.44.dev20260713+nightly
codegen_flags: <defaults>
</compile_context>

<pallas_src>
import functools

import jax
import jax.numpy as jnp
from jax import lax
from jax.experimental import pallas as pl
from jax.experimental.pallas import tpu as pltpu
from jax.experimental.pallas import tpu_sc as plsc

N = 10000
E = 160000
VOCAB = 100000
EMB = 256
HID = 512
G = 128
NCLS = 10

NC = 2
NS = 16
K = 80

def _mesh():
    return plsc.VectorSubcoreMesh(core_axis_name="c", subcore_axis_name="s",
                                  num_cores=NC, num_subcores=NS)

NODE_BLK = 640


def _node_blocks(t):
    return t * NODE_BLK, jnp.where(t == NS - 1, (N - 15 * NODE_BLK) // K,
                                   NODE_BLK // K)



def _agg_pair_body(hA_hbm, hB_hbm, src_hbm, dst_hbm, zeros_hbm, sA_hbm, sB_hbm,
                   sidx_v, didx_v, rows_v, acc):
    c = lax.axis_index("c")
    t = lax.axis_index("s")

    pltpu.sync_copy(zeros_hbm, rows_v)

    base, nb = _node_blocks(t)

    def z(m, carry):
        pltpu.sync_copy(rows_v, acc.at[pl.ds(base + K * m, K)])
        return carry
    lax.fori_loop(0, nb, z, 0)
    plsc.subcore_barrier()

    def accumulate(h_hbm):
        def body(j, carry):
            off = t * (E // NS) + K * ((j * 57) % (E // NS // K))
            pltpu.sync_copy(src_hbm.at[pl.ds(off, K)], sidx_v)
            pltpu.sync_copy(h_hbm.at[sidx_v], rows_v)
            pltpu.sync_copy(dst_hbm.at[pl.ds(off, K)], didx_v)
            pltpu.sync_copy(rows_v, acc.at[didx_v], add=True)
            return carry
        lax.fori_loop(0, E // NS // K, body, 0)

    @pl.when(c == 0)
    def _():
        accumulate(hA_hbm)

    @pl.when(c == 1)
    def _():
        accumulate(hB_hbm)

    plsc.subcore_barrier()

    def flush(out_hbm):
        def body(m, carry):
            off = base + K * m
            pltpu.sync_copy(acc.at[pl.ds(off, K)], rows_v)
            pltpu.sync_copy(rows_v, out_hbm.at[pl.ds(off, K)])
            return carry
        lax.fori_loop(0, nb, body, 0)

    @pl.when(c == 0)
    def _():
        flush(sA_hbm)

    @pl.when(c == 1)
    def _():
        flush(sB_hbm)


@functools.cache
def _agg_pair_k():
  return functools.partial(
    pl.kernel,
    out_type=[
        jax.ShapeDtypeStruct((N, 128), jnp.float32),
        jax.ShapeDtypeStruct((N, 128), jnp.float32),
    ],
    mesh=_mesh(),
    scratch_types=[
        pltpu.VMEM((K,), jnp.int32),
        pltpu.VMEM((K,), jnp.int32),
        pltpu.VMEM((K, 128), jnp.float32),
        pltpu.VMEM_SHARED((N, 128), jnp.float32),
    ],
)(_agg_pair_body)



RB = 1000


def _pool_tc(batch_ref, h2_ref, out_ref, cnt_ref):
    r = pl.program_id(0)
    b = batch_ref[...][0]
    gids = lax.broadcasted_iota(jnp.int32, (G, RB), 0)
    mask = (b == gids).astype(jnp.float32)
    h2 = h2_ref[...]

    @pl.when(r == 0)
    def _():
        out_ref[...] = jnp.zeros_like(out_ref)
        cnt_ref[...] = jnp.zeros_like(cnt_ref)

    for i in range(4):
        out_ref[i] = out_ref[i] + jnp.dot(mask, h2[i],
                                          preferred_element_type=jnp.float32)
    cnt_ref[...] = cnt_ref[...] + jnp.sum(mask, axis=1)[None, :]



def _layer1_tc(sa_ref, sb_ref, deg_ref, h0_ref, wl_ref, wr_ref, b_ref, out_ref):
    invd = 1.0 / jnp.maximum(deg_ref[...][:, 0:1], 1.0)
    wl = wl_ref[...]
    acc = jnp.dot(sa_ref[...] * invd, wl[0:128], preferred_element_type=jnp.float32)
    acc = acc + jnp.dot(sb_ref[...] * invd, wl[128:256],
                        preferred_element_type=jnp.float32)
    acc = acc + jnp.dot(h0_ref[...], wr_ref[...],
                        preferred_element_type=jnp.float32)
    acc = acc + b_ref[...][0]
    out_ref[...] = jnp.maximum(acc, 0.0)[None]


def _layer2_tc(s0_ref, s1_ref, s2_ref, s3_ref, deg_ref, h1_ref,
               wl_ref, wr_ref, b_ref, out_ref):
    invd = 1.0 / jnp.maximum(deg_ref[...][:, 0:1], 1.0)
    wl = wl_ref[...]
    wr = wr_ref[...]
    h1 = h1_ref[...]
    acc = jnp.dot(s0_ref[...] * invd, wl[0:128], preferred_element_type=jnp.float32)
    acc = acc + jnp.dot(s1_ref[...] * invd, wl[128:256],
                        preferred_element_type=jnp.float32)
    acc = acc + jnp.dot(s2_ref[...] * invd, wl[256:384],
                        preferred_element_type=jnp.float32)
    acc = acc + jnp.dot(s3_ref[...] * invd, wl[384:512],
                        preferred_element_type=jnp.float32)
    for i in range(4):
        acc = acc + jnp.dot(h1[i], wr[128 * i:128 * (i + 1)],
                            preferred_element_type=jnp.float32)
    acc = acc + b_ref[...][0]
    out_ref[...] = jnp.maximum(acc, 0.0)[None]


def _final_tc(ps_ref, cnt_ref, w_ref, b_ref, out_ref):
    invc = 1.0 / jnp.maximum(jnp.reshape(cnt_ref[...][0:1, :], (G, 1)), 1.0)
    w = w_ref[...]
    ps = ps_ref[...]
    acc = jnp.dot(ps[0] * invc, w[0:128], preferred_element_type=jnp.float32)
    for i in range(1, 4):
        acc = acc + jnp.dot(ps[i] * invc, w[128 * i:128 * (i + 1)],
                            preferred_element_type=jnp.float32)
    out_ref[...] = acc + b_ref[...][0:1]



def _embed_body(x_hbm, table_hbm, h0_hbm, idx_v, rows_v):
    c = lax.axis_index("c")
    t = lax.axis_index("s")
    w = c * NS + t
    ebase = w * 320
    enb = jnp.where(w == 31, 1, 4)

    def egather(j, carry):
        off = ebase + K * j
        pltpu.sync_copy(x_hbm.at[pl.ds(off, K)], idx_v)
        pltpu.sync_copy(table_hbm.at[idx_v], rows_v)
        pltpu.sync_copy(rows_v, h0_hbm.at[pl.ds(off, K)])
        return carry
    lax.fori_loop(0, enb, egather, 0)


@functools.cache
def _embed_k():
    return functools.partial(
        pl.kernel,
        out_type=[jax.ShapeDtypeStruct((N, EMB), jnp.float32)],
        mesh=_mesh(),
        scratch_types=[pltpu.VMEM((K,), jnp.int32),
                       pltpu.VMEM((K, EMB), jnp.float32)],
    )(_embed_body)



def kernel(x, edge_index, batch, embed_table, W1l, b1l, W1r, W2l, b2l, W2r,
           Wlin, blin):
    src0 = edge_index[0]
    dst0 = edge_index[1]
    order = jnp.argsort(dst0).astype(jnp.int32)
    D = E // K
    p = jnp.arange(E, dtype=jnp.int32)
    newpos = (p % D) * K + (p // D)
    perm = jnp.zeros((E,), jnp.int32).at[newpos].set(order)
    dst_g = dst0[perm].reshape(D, K)
    o2 = jnp.argsort(dst_g, axis=1)
    perm = jnp.take_along_axis(perm.reshape(D, K), o2, axis=1).reshape(E)
    src = src0[perm]
    dst = dst0[perm]

    zeros128 = jnp.zeros((K, 128), jnp.float32)
    ones_n = jnp.ones((N, 128), jnp.float32)

    (h0,) = _embed_k()(x, embed_table)
    deg, _deg_dup = _agg_pair_k()(ones_n, ones_n, src, dst, zeros128)

    h0a = h0[:, :128]
    h0b = h0[:, 128:]
    s1a, s1b = _agg_pair_k()(h0a, h0b, src, dst, zeros128)

    w1l_t = W1l.T
    w1r_t = W1r.T
    b1 = b1l.reshape(4, 1, 128)

    h1 = pl.pallas_call(
        _layer1_tc,
        grid=(N // RB, 4),
        in_specs=[
            pl.BlockSpec((RB, 128), lambda r, c: (r, 0)),
            pl.BlockSpec((RB, 128), lambda r, c: (r, 0)),
            pl.BlockSpec((RB, 128), lambda r, c: (r, 0)),
            pl.BlockSpec((RB, EMB), lambda r, c: (r, 0)),
            pl.BlockSpec((EMB, 128), lambda r, c: (0, c)),
            pl.BlockSpec((EMB, 128), lambda r, c: (0, c)),
            pl.BlockSpec((1, 1, 128), lambda r, c: (c, 0, 0)),
        ],
        out_specs=pl.BlockSpec((1, RB, 128), lambda r, c: (c, r, 0)),
        out_shape=jax.ShapeDtypeStruct((4, N, 128), jnp.float32),
    )(s1a, s1b, deg, h0, w1l_t, w1r_t, b1)

    s20, s21 = _agg_pair_k()(h1[0], h1[1], src, dst, zeros128)
    s22, s23 = _agg_pair_k()(h1[2], h1[3], src, dst, zeros128)

    w2l_t = W2l.T
    w2r_t = W2r.T
    b2 = b2l.reshape(4, 1, 128)

    h2 = pl.pallas_call(
        _layer2_tc,
        grid=(N // RB, 4),
        in_specs=[
            pl.BlockSpec((RB, 128), lambda r, c: (r, 0)),
            pl.BlockSpec((RB, 128), lambda r, c: (r, 0)),
            pl.BlockSpec((RB, 128), lambda r, c: (r, 0)),
            pl.BlockSpec((RB, 128), lambda r, c: (r, 0)),
            pl.BlockSpec((RB, 128), lambda r, c: (r, 0)),
            pl.BlockSpec((4, RB, 128), lambda r, c: (0, r, 0)),
            pl.BlockSpec((HID, 128), lambda r, c: (0, c)),
            pl.BlockSpec((HID, 128), lambda r, c: (0, c)),
            pl.BlockSpec((1, 1, 128), lambda r, c: (c, 0, 0)),
        ],
        out_specs=pl.BlockSpec((1, RB, 128), lambda r, c: (c, r, 0)),
        out_shape=jax.ShapeDtypeStruct((4, N, 128), jnp.float32),
    )(s20, s21, s22, s23, deg, h1, w2l_t, w2r_t, b2)

    ps, cnt = pl.pallas_call(
        _pool_tc,
        grid=(N // RB,),
        in_specs=[
            pl.BlockSpec((1, 1, RB), lambda r: (r, 0, 0)),
            pl.BlockSpec((4, RB, 128), lambda r: (0, r, 0)),
        ],
        out_specs=[
            pl.BlockSpec((4, G, 128), lambda r: (0, 0, 0)),
            pl.BlockSpec((8, G), lambda r: (0, 0)),
        ],
        out_shape=[jax.ShapeDtypeStruct((4, G, 128), jnp.float32),
                   jax.ShapeDtypeStruct((8, G), jnp.float32)],
    )(batch.reshape(N // RB, 1, RB), h2)

    w_pad = jnp.zeros((HID, 128), jnp.float32).at[:, :NCLS].set(Wlin.T)
    b_pad = jnp.zeros((8, 128), jnp.float32).at[0, :NCLS].set(blin)

    out = pl.pallas_call(
        _final_tc,
        out_shape=jax.ShapeDtypeStruct((G, 128), jnp.float32),
    )(ps, cnt, w_pad, b_pad)

    return out[:, :NCLS]

# --- scband reference (transcript-rebuilt; emitter-appended) ---
"""Pipeline reference for scband-graph-classifier-88648124990055 (READ-ONLY COPY).

The authoritative reference and input builder live on the scoring server;
editing this copy changes nothing except your own understanding.
"""

import jax, jax.numpy as jnp
import numpy as np

N_NODES = 10000
N_EDGES = 160000
VOCAB = 100000
EMB = 256
HID = 512
N_CLASSES = 10
N_GRAPHS = 128


def setup_inputs(seed: int = 0) -> dict:
    key = jax.random.key(seed)
    ks = jax.random.split(key, 16)
    x = jax.random.randint(ks[0], (N_NODES,), 0, VOCAB, dtype=jnp.int64 if jax.config.jax_enable_x64 else jnp.int32).astype(jnp.int32)
    edge_index = jax.random.randint(ks[1], (2, N_EDGES), 0, N_NODES).astype(jnp.int32)
    batch = jnp.sort(jax.random.randint(ks[2], (N_NODES,), 0, N_GRAPHS)).astype(jnp.int32)
    embed_table = jax.random.normal(ks[3], (VOCAB, EMB), dtype=jnp.float32) * 0.02
    W1l = jax.random.normal(ks[4], (HID, EMB), dtype=jnp.float32) * (1.0 / np.sqrt(EMB))
    b1l = jnp.zeros((HID,), dtype=jnp.float32)
    W1r = jax.random.normal(ks[5], (HID, EMB), dtype=jnp.float32) * (1.0 / np.sqrt(EMB))
    W2l = jax.random.normal(ks[6], (HID, HID), dtype=jnp.float32) * (1.0 / np.sqrt(HID))
    b2l = jnp.zeros((HID,), dtype=jnp.float32)
    W2r = jax.random.normal(ks[7], (HID, HID), dtype=jnp.float32) * (1.0 / np.sqrt(HID))
    Wlin = jax.random.normal(ks[8], (N_CLASSES, HID), dtype=jnp.float32) * (1.0 / np.sqrt(HID))
    blin = jnp.zeros((N_CLASSES,), dtype=jnp.float32)
    return {"x": x, "edge_index": edge_index, "batch": batch,
            "embed_table": embed_table,
            "W1l": W1l, "b1l": b1l, "W1r": W1r,
            "W2l": W2l, "b2l": b2l, "W2r": W2r,
            "Wlin": Wlin, "blin": blin}


def _sage_conv(h, edge_index, Wl, bl, Wr):
    # PyG SAGEConv with mean aggregation: out = lin_l(mean_{j in N(i)} h_j) + lin_r(h_i)
    src = edge_index[0]
    dst = edge_index[1]
    msg = jnp.take(h, src, axis=0)
    summed = jax.ops.segment_sum(msg, dst, num_segments=N_NODES)
    deg = jax.ops.segment_sum(jnp.ones((msg.shape[0],), dtype=h.dtype), dst, num_segments=N_NODES)
    mean = summed / jnp.clip(deg, 1.0, None)[:, None]
    return mean @ Wl.T + bl + h @ Wr.T


def _global_mean_pool(h, batch):
    summed = jax.ops.segment_sum(h, batch, num_segments=N_GRAPHS)
    cnt = jax.ops.segment_sum(jnp.ones((h.shape[0],), dtype=h.dtype), batch, num_segments=N_GRAPHS)
    return summed / jnp.clip(cnt, 1.0, None)[:, None]


def reference(x, edge_index, batch, embed_table, W1l, b1l, W1r, W2l, b2l, W2r, Wlin, blin):
    h = jnp.take(embed_table, x, axis=0)                 # embedding lookup
    h = jax.nn.relu(_sage_conv(h, edge_index, W1l, b1l, W1r))
    h = jax.nn.relu(_sage_conv(h, edge_index, W2l, b2l, W2r))
    g = _global_mean_pool(h, batch)                      # [N_GRAPHS, HID]
    return g @ Wlin.T + blin                             # [N_GRAPHS, N_CLASSES]

if __name__ == "__main__":
    import jax
    _d = setup_inputs()
    print(jax.jit(kernel)(*tuple(_d.values())))

</pallas_src>

<mosaic_0001>
#map = affine_map<(d0, d1) -> (0)>
#map1 = affine_map<(d0, d1) -> (0, 0)>
module attributes {stable_mosaic.version = 14 : i64} {
  func.func @_embed_body(%arg0: i32, %arg1: i32, %arg2: memref<10000xi32, #tpu.memory_space<hbm>>, %arg3: memref<100000x256xf32, #tpu.memory_space<hbm>>, %arg4: memref<10000x256xf32, #tpu.memory_space<hbm>>, %arg5: memref<80xi32, #tpu.memory_space<vmem>>, %arg6: memref<80x256xf32, #tpu.memory_space<vmem>>) attributes {dimension_semantics = [#tpu.dimension_semantics<core_parallel>, #tpu.dimension_semantics<subcore_parallel>], iteration_bounds = array<i64: 2, 16>, scalar_prefetch = 0 : i64, scratch_operands = 2 : i64, tpu.core_type = #tpu.core_type<sc_vector_subcore>, window_params = [{transform_indices = #map}, {transform_indices = #map1}, {transform_indices = #map1}]} {
    %mul3A = arith.constant 16 : i32
    %mul3A_0 = arith.muli %arg0, %mul3A : i32
    %add3A = arith.addi %mul3A_0, %arg1 : i32
    %mul3A_1 = arith.constant 320 : i32
    %mul3A_2 = arith.muli %add3A, %mul3A_1 : i32
    %eq3A = arith.constant 31 : i32
    %eq3A_3 = arith.cmpi eq, %add3A, %eq3A : i32
    %jit3A = arith.constant 1 : i32
    %jit3A_4 = arith.constant 4 : i32
    %select_n3A = arith.select %eq3A_3, %jit3A, %jit3A_4 : i32
    %while3A = arith.constant 0 : i32
    %while3A_5 = arith.constant 0 : i32
    %while3A_6 = arith.subi %select_n3A, %while3A_5 : i32
    %while3A_7 = arith.addi %while3A_5, %while3A_6 : i32
    %while3A_8 = arith.constant 1 : i32
    %while3A_9 = arith.divsi %while3A_6, %while3A_8 : i32
    %while3A_10 = arith.muli %while3A_9, %while3A_8 : i32
    %while3A_11 = arith.addi %while3A_5, %while3A_10 : i32
    %while3A_12 = arith.constant 1 : i32
    scf.for %while3A_14 = %while3A_5 to %while3A_11 step %while3A_12  : i32 {
      %mul3A_15 = arith.constant 80 : i32
      %mul3A_16 = arith.muli %mul3A_15, %while3A_14 : i32
      %add3A_17 = arith.addi %mul3A_2, %mul3A_16 : i32
      "tpu.region"() ({
        %run_scoped3A = tpu.sem_alloc : memref<!tpu.dma_semaphore, #tpu.memory_space<semaphore_mem>>
        %dma_start3A = tpu.memref_slice %arg2[%add3A_17] : memref<10000xi32, #tpu.memory_space<hbm>> -> memref<80xi32, #tpu.memory_space<hbm>>
        %dma_start3A_18 = tpu.memref_slice %arg2[%add3A_17] : memref<10000xi32, #tpu.memory_space<hbm>> -> memref<80xi32, #tpu.memory_space<hbm>>
        tpu.enqueue_dma source(%dma_start3A_18 : memref<80xi32, #tpu.memory_space<hbm>>) target(%arg5 : memref<80xi32, #tpu.memory_space<vmem>>) target_semaphore(%run_scoped3A : memref<!tpu.dma_semaphore, #tpu.memory_space<semaphore_mem>>)
        %dma_wait3A = tpu.memref_slice %arg2[%add3A_17] : memref<10000xi32, #tpu.memory_space<hbm>> -> memref<80xi32, #tpu.memory_space<hbm>>
        %dma_wait3A_19 = tpu.memref_slice %arg2[%add3A_17] : memref<10000xi32, #tpu.memory_space<hbm>> -> memref<80xi32, #tpu.memory_space<hbm>>
        tpu.wait_dma2 semaphore(%run_scoped3A : memref<!tpu.dma_semaphore, #tpu.memory_space<semaphore_mem>>) src(%dma_wait3A_19 : memref<80xi32, #tpu.memory_space<hbm>>) dst(%arg5 : memref<80xi32, #tpu.memory_space<vmem>>)
        tpu.yield
      }) : () -> ()
      "tpu.region"() ({
        %run_scoped3A = tpu.sem_alloc : memref<!tpu.dma_semaphore, #tpu.memory_space<semaphore_mem>>
        %dma_start3A = arith.constant 0 : i32
        %dma_start3A_18 = arith.constant 0 : i32
        %dma_start3A_19 = tpu.memref_slice %arg3[%dma_start3A, %dma_start3A_18] : memref<100000x256xf32, #tpu.memory_space<hbm>> -> memref<100000x256xf32, #tpu.memory_space<hbm>>
        tpu.enqueue_indirect_dma source(%dma_start3A_19 : memref<100000x256xf32, #tpu.memory_space<hbm>>) target(%arg6 : memref<80x256xf32, #tpu.memory_space<vmem>>) offsets(%arg5 : memref<80xi32, #tpu.memory_space<vmem>>) semaphore(%run_scoped3A : memref<!tpu.dma_semaphore, #tpu.memory_space<semaphore_mem>>)
        %dma_wait3A = arith.constant 0 : i32
        %dma_wait3A_20 = arith.constant 0 : i32
        %dma_wait3A_21 = tpu.memref_slice %arg3[%dma_wait3A, %dma_wait3A_20] : memref<100000x256xf32, #tpu.memory_space<hbm>> -> memref<100000x256xf32, #tpu.memory_space<hbm>>
        tpu.wait_indirect_dma semaphore(%run_scoped3A : memref<!tpu.dma_semaphore, #tpu.memory_space<semaphore_mem>>) src(%dma_wait3A_21 : memref<100000x256xf32, #tpu.memory_space<hbm>>) dst(%arg6 : memref<80x256xf32, #tpu.memory_space<vmem>>)
        tpu.yield
      }) : () -> ()
      "tpu.region"() ({
        %run_scoped3A = tpu.sem_alloc : memref<!tpu.dma_semaphore, #tpu.memory_space<semaphore_mem>>
        %dma_start3A = arith.constant 0 : i32
        %dma_start3A_18 = tpu.memref_slice %arg4[%add3A_17, %dma_start3A] : memref<10000x256xf32, #tpu.memory_space<hbm>> -> memref<80x256xf32, #tpu.memory_space<hbm>>
        %dma_start3A_19 = arith.constant 0 : i32
        %dma_start3A_20 = tpu.memref_slice %arg4[%add3A_17, %dma_start3A_19] : memref<10000x256xf32, #tpu.memory_space<hbm>> -> memref<80x256xf32, #tpu.memory_space<hbm>>
        tpu.enqueue_dma source(%arg6 : memref<80x256xf32, #tpu.memory_space<vmem>>) target(%dma_start3A_20 : memref<80x256xf32, #tpu.memory_space<hbm>>) target_semaphore(%run_scoped3A : memref<!tpu.dma_semaphore, #tpu.memory_space<semaphore_mem>>)
        %dma_wait3A = arith.constant 0 : i32
        %dma_wait3A_21 = tpu.memref_slice %arg4[%add3A_17, %dma_wait3A] : memref<10000x256xf32, #tpu.memory_space<hbm>> -> memref<80x256xf32, #tpu.memory_space<hbm>>
        %dma_wait3A_22 = arith.constant 0 : i32
        %dma_wait3A_23 = tpu.memref_slice %arg4[%add3A_17, %dma_wait3A_22] : memref<10000x256xf32, #tpu.memory_space<hbm>> -> memref<80x256xf32, #tpu.memory_space<hbm>>
        tpu.wait_dma2 semaphore(%run_scoped3A : memref<!tpu.dma_semaphore, #tpu.memory_space<semaphore_mem>>) src(%arg6 : memref<80x256xf32, #tpu.memory_space<vmem>>) dst(%dma_wait3A_23 : memref<80x256xf32, #tpu.memory_space<hbm>>)
        tpu.yield
      }) : () -> ()
    }
    %while3A_13 = arith.constant 1 : i32
    scf.for %while3A_14 = %while3A_11 to %while3A_7 step %while3A_13  : i32 {
      %mul3A_15 = arith.constant 80 : i32
      %mul3A_16 = arith.muli %mul3A_15, %while3A_14 : i32
      %add3A_17 = arith.addi %mul3A_2, %mul3A_16 : i32
      "tpu.region"() ({
        %run_scoped3A = tpu.sem_alloc : memref<!tpu.dma_semaphore, #tpu.memory_space<semaphore_mem>>
        %dma_start3A = tpu.memref_slice %arg2[%add3A_17] : memref<10000xi32, #tpu.memory_space<hbm>> -> memref<80xi32, #tpu.memory_space<hbm>>
        %dma_start3A_18 = tpu.memref_slice %arg2[%add3A_17] : memref<10000xi32, #tpu.memory_space<hbm>> -> memref<80xi32, #tpu.memory_space<hbm>>
        tpu.enqueue_dma source(%dma_start3A_18 : memref<80xi32, #tpu.memory_space<hbm>>) target(%arg5 : memref<80xi32, #tpu.memory_space<vmem>>) target_semaphore(%run_scoped3A : memref<!tpu.dma_semaphore, #tpu.memory_space<semaphore_mem>>)
        %dma_wait3A = tpu.memref_slice %arg2[%add3A_17] : memref<10000xi32, #tpu.memory_space<hbm>> -> memref<80xi32, #tpu.memory_space<hbm>>
        %dma_wait3A_19 = tpu.memref_slice %arg2[%add3A_17] : memref<10000xi32, #tpu.memory_space<hbm>> -> memref<80xi32, #tpu.memory_space<hbm>>
        tpu.wait_dma2 semaphore(%run_scoped3A : memref<!tpu.dma_semaphore, #tpu.memory_space<semaphore_mem>>) src(%dma_wait3A_19 : memref<80xi32, #tpu.memory_space<hbm>>) dst(%arg5 : memref<80xi32, #tpu.memory_space<vmem>>)
        tpu.yield
      }) : () -> ()
      "tpu.region"() ({
        %run_scoped3A = tpu.sem_alloc : memref<!tpu.dma_semaphore, #tpu.memory_space<semaphore_mem>>
        %dma_start3A = arith.constant 0 : i32
        %dma_start3A_18 = arith.constant 0 : i32
        %dma_start3A_19 = tpu.memref_slice %arg3[%dma_start3A, %dma_start3A_18] : memref<100000x256xf32, #tpu.memory_space<hbm>> -> memref<100000x256xf32, #tpu.memory_space<hbm>>
        tpu.enqueue_indirect_dma source(%dma_start3A_19 : memref<100000x256xf32, #tpu.memory_space<hbm>>) target(%arg6 : memref<80x256xf32, #tpu.memory_space<vmem>>) offsets(%arg5 : memref<80xi32, #tpu.memory_space<vmem>>) semaphore(%run_scoped3A : memref<!tpu.dma_semaphore, #tpu.memory_space<semaphore_mem>>)
        %dma_wait3A = arith.constant 0 : i32
        %dma_wait3A_20 = arith.constant 0 : i32
        %dma_wait3A_21 = tpu.memref_slice %arg3[%dma_wait3A, %dma_wait3A_20] : memref<100000x256xf32, #tpu.memory_space<hbm>> -> memref<100000x256xf32, #tpu.memory_space<hbm>>
        tpu.wait_indirect_dma semaphore(%run_scoped3A : memref<!tpu.dma_semaphore, #tpu.memory_space<semaphore_mem>>) src(%dma_wait3A_21 : memref<100000x256xf32, #tpu.memory_space<hbm>>) dst(%arg6 : memref<80x256xf32, #tpu.memory_space<vmem>>)
        tpu.yield
      }) : () -> ()
      "tpu.region"() ({
        %run_scoped3A = tpu.sem_alloc : memref<!tpu.dma_semaphore, #tpu.memory_space<semaphore_mem>>
        %dma_start3A = arith.constant 0 : i32
        %dma_start3A_18 = tpu.memref_slice %arg4[%add3A_17, %dma_start3A] : memref<10000x256xf32, #tpu.memory_space<hbm>> -> memref<80x256xf32, #tpu.memory_space<hbm>>
        %dma_start3A_19 = arith.constant 0 : i32
        %dma_start3A_20 = tpu.memref_slice %arg4[%add3A_17, %dma_start3A_19] : memref<10000x256xf32, #tpu.memory_space<hbm>> -> memref<80x256xf32, #tpu.memory_space<hbm>>
        tpu.enqueue_dma source(%arg6 : memref<80x256xf32, #tpu.memory_space<vmem>>) target(%dma_start3A_20 : memref<80x256xf32, #tpu.memory_space<hbm>>) target_semaphore(%run_scoped3A : memref<!tpu.dma_semaphore, #tpu.memory_space<semaphore_mem>>)
        %dma_wait3A = arith.constant 0 : i32
        %dma_wait3A_21 = tpu.memref_slice %arg4[%add3A_17, %dma_wait3A] : memref<10000x256xf32, #tpu.memory_space<hbm>> -> memref<80x256xf32, #tpu.memory_space<hbm>>
        %dma_wait3A_22 = arith.constant 0 : i32
        %dma_wait3A_23 = tpu.memref_slice %arg4[%add3A_17, %dma_wait3A_22] : memref<10000x256xf32, #tpu.memory_space<hbm>> -> memref<80x256xf32, #tpu.memory_space<hbm>>
        tpu.wait_dma2 semaphore(%run_scoped3A : memref<!tpu.dma_semaphore, #tpu.memory_space<semaphore_mem>>) src(%arg6 : memref<80x256xf32, #tpu.memory_space<vmem>>) dst(%dma_wait3A_23 : memref<80x256xf32, #tpu.memory_space<hbm>>)
        tpu.yield
      }) : () -> ()
    }
    return
  }
}

#map = affine_map<(d0, d1) -> (0, 0)>
#map1 = affine_map<(d0, d1) -> (0)>
module attributes {stable_mosaic.version = 14 : i64} {
  func.func @_agg_pair_body(%arg0: i32, %arg1: i32, %arg2: memref<10000x128xf32, #tpu.memory_space<hbm>>, %arg3: memref<10000x128xf32, #tpu.memory_space<hbm>>, %arg4: memref<160000xi32, #tpu.memory_space<hbm>>, %arg5: memref<160000xi32, #tpu.memory_space<hbm>>, %arg6: memref<80x128xf32, #tpu.memory_space<hbm>>, %arg7: memref<10000x128xf32, #tpu.memory_space<hbm>>, %arg8: memref<10000x128xf32, #tpu.memory_space<hbm>>, %arg9: memref<80xi32, #tpu.memory_space<vmem>>, %arg10: memref<80xi32, #tpu.memory_space<vmem>>, %arg11: memref<80x128xf32, #tpu.memory_space<vmem>>, %arg12: memref<10000x128xf32, #tpu.memory_space<vmem_shared>>) attributes {dimension_semantics = [#tpu.dimension_semantics<core_parallel>, #tpu.dimension_semantics<subcore_parallel>], iteration_bounds = array<i64: 2, 16>, scalar_prefetch = 0 : i64, scratch_operands = 4 : i64, tpu.core_type = #tpu.core_type<sc_vector_subcore>, window_params = [{transform_indices = #map}, {transform_indices = #map}, {transform_indices = #map1}, {transform_indices = #map1}, {transform_indices = #map}, {transform_indices = #map}, {transform_indices = #map}]} {
    "tpu.region"() ({
      %run_scoped3A = tpu.sem_alloc : memref<!tpu.dma_semaphore, #tpu.memory_space<semaphore_mem>>
      tpu.enqueue_dma source(%arg6 : memref<80x128xf32, #tpu.memory_space<hbm>>) target(%arg11 : memref<80x128xf32, #tpu.memory_space<vmem>>) target_semaphore(%run_scoped3A : memref<!tpu.dma_semaphore, #tpu.memory_space<semaphore_mem>>)
      tpu.wait_dma2 semaphore(%run_scoped3A : memref<!tpu.dma_semaphore, #tpu.memory_space<semaphore_mem>>) src(%arg6 : memref<80x128xf32, #tpu.memory_space<hbm>>) dst(%arg11 : memref<80x128xf32, #tpu.memory_space<vmem>>)
      tpu.yield
    }) : () -> ()
    %mul3A = arith.constant 640 : i32
    %mul3A_0 = arith.muli %arg1, %mul3A : i32
    %eq3A = arith.constant 15 : i32
    %eq3A_1 = arith.cmpi eq, %arg1, %eq3A : i32
    %jit3A = arith.constant 5 : i32
    %jit3A_2 = arith.constant 8 : i32
    %select_n3A = arith.select %eq3A_1, %jit3A, %jit3A_2 : i32
    %while3A = arith.constant 0 : i32
    %while3A_3 = arith.constant 0 : i32
    %while3A_4 = arith.subi %select_n3A, %while3A_3 : i32
    %while3A_5 = arith.addi %while3A_3, %while3A_4 : i32
    %while3A_6 = arith.constant 1 : i32
    %while3A_7 = arith.divsi %while3A_4, %while3A_6 : i32
    %while3A_8 = arith.muli %while3A_7, %while3A_6 : i32
    %while3A_9 = arith.addi %while3A_3, %while3A_8 : i32
    %while3A_10 = arith.constant 1 : i32
    scf.for %while3A_31 = %while3A_3 to %while3A_9 step %while3A_10  : i32 {
      %mul3A_32 = arith.constant 80 : i32
      %mul3A_33 = arith.muli %mul3A_32, %while3A_31 : i32
      %add3A = arith.addi %mul3A_0, %mul3A_33 : i32
      "tpu.region"() ({
        %run_scoped3A = tpu.sem_alloc : memref<!tpu.dma_semaphore, #tpu.memory_space<semaphore_mem>>
        %dma_start3A = arith.constant 0 : i32
        %dma_start3A_34 = tpu.memref_slice %arg12[%add3A, %dma_start3A] : memref<10000x128xf32, #tpu.memory_space<vmem_shared>> -> memref<80x128xf32, #tpu.memory_space<vmem_shared>>
        %dma_start3A_35 = arith.constant 0 : i32
        %dma_start3A_36 = tpu.memref_slice %arg12[%add3A, %dma_start3A_35] : memref<10000x128xf32, #tpu.memory_space<vmem_shared>> -> memref<80x128xf32, #tpu.memory_space<vmem_shared>>
        tpu.enqueue_dma source(%arg11 : memref<80x128xf32, #tpu.memory_space<vmem>>) target(%dma_start3A_36 : memref<80x128xf32, #tpu.memory_space<vmem_shared>>) target_semaphore(%run_scoped3A : memref<!tpu.dma_semaphore, #tpu.memory_space<semaphore_mem>>)
        %dma_wait3A = arith.constant 0 : i32
        %dma_wait3A_37 = tpu.memref_slice %arg12[%add3A, %dma_wait3A] : memref<10000x128xf32, #tpu.memory_space<vmem_shared>> -> memref<80x128xf32, #tpu.memory_space<vmem_shared>>
        %dma_wait3A_38 = arith.constant 0 : i32
        %dma_wait3A_39 = tpu.memref_slice %arg12[%add3A, %dma_wait3A_38] : memref<10000x128xf32, #tpu.memory_space<vmem_shared>> -> memref<80x128xf32, #tpu.memory_space<vmem_shared>>
        tpu.wait_dma2 semaphore(%run_scoped3A : memref<!tpu.dma_semaphore, #tpu.memory_space<semaphore_mem>>) src(%arg11 : memref<80x128xf32, #tpu.memory_space<vmem>>) dst(%dma_wait3A_39 : memref<80x128xf32, #tpu.memory_space<vmem_shared>>)
        tpu.yield
      }) : () -> ()
    }
    %while3A_11 = arith.constant 1 : i32
    scf.for %while3A_31 = %while3A_9 to %while3A_5 step %while3A_11  : i32 {
      %mul3A_32 = arith.constant 80 : i32
      %mul3A_33 = arith.muli %mul3A_32, %while3A_31 : i32
      %add3A = arith.addi %mul3A_0, %mul3A_33 : i32
      "tpu.region"() ({
        %run_scoped3A = tpu.sem_alloc : memref<!tpu.dma_semaphore, #tpu.memory_space<semaphore_mem>>
        %dma_start3A = arith.constant 0 : i32
        %dma_start3A_34 = tpu.memref_slice %arg12[%add3A, %dma_start3A] : memref<10000x128xf32, #tpu.memory_space<vmem_shared>> -> memref<80x128xf32, #tpu.memory_space<vmem_shared>>
        %dma_start3A_35 = arith.constant 0 : i32
        %dma_start3A_36 = tpu.memref_slice %arg12[%add3A, %dma_start3A_35] : memref<10000x128xf32, #tpu.memory_space<vmem_shared>> -> memref<80x128xf32, #tpu.memory_space<vmem_shared>>
        tpu.enqueue_dma source(%arg11 : memref<80x128xf32, #tpu.memory_space<vmem>>) target(%dma_start3A_36 : memref<80x128xf32, #tpu.memory_space<vmem_shared>>) target_semaphore(%run_scoped3A : memref<!tpu.dma_semaphore, #tpu.memory_space<semaphore_mem>>)
        %dma_wait3A = arith.constant 0 : i32
        %dma_wait3A_37 = tpu.memref_slice %arg12[%add3A, %dma_wait3A] : memref<10000x128xf32, #tpu.memory_space<vmem_shared>> -> memref<80x128xf32, #tpu.memory_space<vmem_shared>>
        %dma_wait3A_38 = arith.constant 0 : i32
        %dma_wait3A_39 = tpu.memref_slice %arg12[%add3A, %dma_wait3A_38] : memref<10000x128xf32, #tpu.memory_space<vmem_shared>> -> memref<80x128xf32, #tpu.memory_space<vmem_shared>>
        tpu.wait_dma2 semaphore(%run_scoped3A : memref<!tpu.dma_semaphore, #tpu.memory_space<semaphore_mem>>) src(%arg11 : memref<80x128xf32, #tpu.memory_space<vmem>>) dst(%dma_wait3A_39 : memref<80x128xf32, #tpu.memory_space<vmem_shared>>)
        tpu.yield
      }) : () -> ()
    }
    %barrier3A = arith.constant 0 : index
    tpu.barrier barrier_id(%barrier3A)
    %eq3A_12 = arith.constant 0 : i32
    %eq3A_13 = arith.cmpi eq, %arg0, %eq3A_12 : i32
    %convert_element_type3A = arith.extui %eq3A_13 : i1 to i32
    %cond3A = arith.constant 0 : i32
    %cond3A_14 = arith.cmpi ne, %convert_element_type3A, %cond3A : i32
    scf.if %cond3A_14 {
      %scan3A = arith.constant 0 : i32
      %scan3A_31 = arith.constant 0 : i32
      %scan3A_32 = arith.constant 125 : i32
      %scan3A_33 = arith.addi %scan3A_31, %scan3A_32 : i32
      %scan3A_34 = arith.constant 1 : i32
      scf.for %scan3A_36 = %scan3A_31 to %scan3A_33 step %scan3A_34  : i32 {
        %mul3A_37 = arith.constant 10000 : i32
        %mul3A_38 = arith.muli %arg1, %mul3A_37 : i32
        %mul3A_39 = arith.constant 57 : i32
        %mul3A_40 = arith.muli %scan3A_36, %mul3A_39 : i32
        %jit3A_41 = arith.constant 125 : i32
        %eq3A_42 = arith.constant 0 : i32
        %eq3A_43 = arith.cmpi eq, %jit3A_41, %eq3A_42 : i32
        %jit3A_44 = arith.constant 1 : i32
        %select_n3A_45 = arith.select %eq3A_43, %jit3A_44, %jit3A_41 : i32
        %rem3A = arith.remsi %mul3A_40, %select_n3A_45 : i32
        %ne3A = arith.constant 0 : i32
        %ne3A_46 = arith.cmpi ne, %rem3A, %ne3A : i32
        %lt3A = arith.constant 0 : i32
        %lt3A_47 = arith.cmpi slt, %rem3A, %lt3A : i32
        %lt3A_48 = arith.constant 0 : i32
        %lt3A_49 = arith.cmpi slt, %select_n3A_45, %lt3A_48 : i32
        %ne3A_50 = arith.xori %lt3A_47, %lt3A_49 : i1
        %and3A = arith.andi %ne3A_50, %ne3A_46 : i1
        %add3A = arith.addi %rem3A, %select_n3A_45 : i32
        %select_n3A_51 = arith.select %and3A, %add3A, %rem3A : i32
        %mul3A_52 = arith.constant 80 : i32
        %mul3A_53 = arith.muli %mul3A_52, %select_n3A_51 : i32
        %add3A_54 = arith.addi %mul3A_38, %mul3A_53 : i32
        "tpu.region"() ({
          %run_scoped3A = tpu.sem_alloc : memref<!tpu.dma_semaphore, #tpu.memory_space<semaphore_mem>>
          %dma_start3A = tpu.memref_slice %arg4[%add3A_54] : memref<160000xi32, #tpu.memory_space<hbm>> -> memref<80xi32, #tpu.memory_space<hbm>>
          %dma_start3A_55 = tpu.memref_slice %arg4[%add3A_54] : memref<160000xi32, #tpu.memory_space<hbm>> -> memref<80xi32, #tpu.memory_space<hbm>>
          tpu.enqueue_dma source(%dma_start3A_55 : memref<80xi32, #tpu.memory_space<hbm>>) target(%arg9 : memref<80xi32, #tpu.memory_space<vmem>>) target_semaphore(%run_scoped3A : memref<!tpu.dma_semaphore, #tpu.memory_space<semaphore_mem>>)
          %dma_wait3A = tpu.memref_slice %arg4[%add3A_54] : memref<160000xi32, #tpu.memory_space<hbm>> -> memref<80xi32, #tpu.memory_space<hbm>>
          %dma_wait3A_56 = tpu.memref_slice %arg4[%add3A_54] : memref<160000xi32, #tpu.memory_space<hbm>> -> memref<80xi32, #tpu.memory_space<hbm>>
          tpu.wait_dma2 semaphore(%run_scoped3A : memref<!tpu.dma_semaphore, #tpu.memory_space<semaphore_mem>>) src(%dma_wait3A_56 : memref<80xi32, #tpu.memory_space<hbm>>) dst(%arg9 : memref<80xi32, #tpu.memory_space<vmem>>)
          tpu.yield
        }) : () -> ()
        "tpu.region"() ({
          %run_scoped3A = tpu.sem_alloc : memref<!tpu.dma_semaphore, #tpu.memory_space<semaphore_mem>>
          %dma_start3A = arith.constant 0 : i32
          %dma_start3A_55 = arith.constant 0 : i32
          %dma_start3A_56 = tpu.memref_slice %arg2[%dma_start3A, %dma_start3A_55] : memref<10000x128xf32, #tpu.memory_space<hbm>> -> memref<10000x128xf32, #tpu.memory_space<hbm>>
          tpu.enqueue_indirect_dma source(%dma_start3A_56 : memref<10000x128xf32, #tpu.memory_space<hbm>>) target(%arg11 : memref<80x128xf32, #tpu.memory_space<vmem>>) offsets(%arg9 : memref<80xi32, #tpu.memory_space<vmem>>) semaphore(%run_scoped3A : memref<!tpu.dma_semaphore, #tpu.memory_space<semaphore_mem>>)
          %dma_wait3A = arith.constant 0 : i32
          %dma_wait3A_57 = arith.constant 0 : i32
          %dma_wait3A_58 = tpu.memref_slice %arg2[%dma_wait3A, %dma_wait3A_57] : memref<10000x128xf32, #tpu.memory_space<hbm>> -> memref<10000x128xf32, #tpu.memory_space<hbm>>
          tpu.wait_indirect_dma semaphore(%run_scoped3A : memref<!tpu.dma_semaphore, #tpu.memory_space<semaphore_mem>>) src(%dma_wait3A_58 : memref<10000x128xf32, #tpu.memory_space<hbm>>) dst(%arg11 : memref<80x128xf32, #tpu.memory_space<vmem>>)
          tpu.yield
        }) : () -> ()
        "tpu.region"() ({
          %run_scoped3A = tpu.sem_alloc : memref<!tpu.dma_semaphore, #tpu.memory_space<semaphore_mem>>
          %dma_start3A = tpu.memref_slice %arg5[%add3A_54] : memref<160000xi32, #tpu.memory_space<hbm>> -> memref<80xi32, #tpu.memory_space<hbm>>
          %dma_start3A_55 = tpu.memref_slice %arg5[%add3A_54] : memref<160000xi32, #tpu.memory_space<hbm>> -> memref<80xi32, #tpu.memory_space<hbm>>
          tpu.enqueue_dma source(%dma_start3A_55 : memref<80xi32, #tpu.memory_space<hbm>>) target(%arg10 : memref<80xi32, #tpu.memory_space<vmem>>) target_semaphore(%run_scoped3A : memref<!tpu.dma_semaphore, #tpu.memory_space<semaphore_mem>>)
          %dma_wait3A = tpu.memref_slice %arg5[%add3A_54] : memref<160000xi32, #tpu.memory_space<hbm>> -> memref<80xi32, #tpu.memory_space<hbm>>
          %dma_wait3A_56 = tpu.memref_slice %arg5[%add3A_54] : memref<160000xi32, #tpu.memory_space<hbm>> -> memref<80xi32, #tpu.memory_space<hbm>>
          tpu.wait_dma2 semaphore(%run_scoped3A : memref<!tpu.dma_semaphore, #tpu.memory_space<semaphore_mem>>) src(%dma_wait3A_56 : memref<80xi32, #tpu.memory_space<hbm>>) dst(%arg10 : memref<80xi32, #tpu.memory_space<vmem>>)
          tpu.yield
        }) : () -> ()
        "tpu.region"() ({
          %run_scoped3A = tpu.sem_alloc : memref<!tpu.dma_semaphore, #tpu.memory_space<semaphore_mem>>
          %dma_start3A = arith.constant 0 : i32
          %dma_start3A_55 = arith.constant 0 : i32
          %dma_start3A_56 = tpu.memref_slice %arg12[%dma_start3A, %dma_start3A_55] : memref<10000x128xf32, #tpu.memory_space<vmem_shared>> -> memref<10000x128xf32, #tpu.memory_space<vmem_shared>>
          tpu.enqueue_indirect_dma source(%arg11 : memref<80x128xf32, #tpu.memory_space<vmem>>) target(%dma_start3A_56 : memref<10000x128xf32, #tpu.memory_space<vmem_shared>>) offsets(%arg10 : memref<80xi32, #tpu.memory_space<vmem>>) semaphore(%run_scoped3A : memref<!tpu.dma_semaphore, #tpu.memory_space<semaphore_mem>>) {add = true}
          %dma_wait3A = arith.constant 0 : i32
          %dma_wait3A_57 = arith.constant 0 : i32
          %dma_wait3A_58 = tpu.memref_slice %arg12[%dma_wait3A, %dma_wait3A_57] : memref<10000x128xf32, #tpu.memory_space<vmem_shared>> -> memref<10000x128xf32, #tpu.memory_space<vmem_shared>>
          tpu.wait_indirect_dma semaphore(%run_scoped3A : memref<!tpu.dma_semaphore, #tpu.memory_space<semaphore_mem>>) src(%arg11 : memref<80x128xf32, #tpu.memory_space<vmem>>) dst(%dma_wait3A_58 : memref<10000x128xf32, #tpu.memory_space<vmem_shared>>)
          tpu.yield
        }) : () -> ()
      }
      %scan3A_35 = arith.constant 125 : i32
    } else {
    }
    %eq3A_15 = arith.constant 1 : i32
    %eq3A_16 = arith.cmpi eq, %arg0, %eq3A_15 : i32
    %convert_element_type3A_17 = arith.extui %eq3A_16 : i1 to i32
    %cond3A_18 = arith.constant 0 : i32
    %cond3A_19 = arith.cmpi ne, %convert_element_type3A_17, %cond3A_18 : i32
    scf.if %cond3A_19 {
      %scan3A = arith.constant 0 : i32
      %scan3A_31 = arith.constant 0 : i32
      %scan3A_32 = arith.constant 125 : i32
      %scan3A_33 = arith.addi %scan3A_31, %scan3A_32 : i32
      %scan3A_34 = arith.constant 1 : i32
      scf.for %scan3A_36 = %scan3A_31 to %scan3A_33 step %scan3A_34  : i32 {
        %mul3A_37 = arith.constant 10000 : i32
        %mul3A_38 = arith.muli %arg1, %mul3A_37 : i32
        %mul3A_39 = arith.constant 57 : i32
        %mul3A_40 = arith.muli %scan3A_36, %mul3A_39 : i32
        %jit3A_41 = arith.constant 125 : i32
        %eq3A_42 = arith.constant 0 : i32
        %eq3A_43 = arith.cmpi eq, %jit3A_41, %eq3A_42 : i32
        %jit3A_44 = arith.constant 1 : i32
        %select_n3A_45 = arith.select %eq3A_43, %jit3A_44, %jit3A_41 : i32
        %rem3A = arith.remsi %mul3A_40, %select_n3A_45 : i32
        %ne3A = arith.constant 0 : i32
        %ne3A_46 = arith.cmpi ne, %rem3A, %ne3A : i32
        %lt3A = arith.constant 0 : i32
        %lt3A_47 = arith.cmpi slt, %rem3A, %lt3A : i32
        %lt3A_48 = arith.constant 0 : i32
        %lt3A_49 = arith.cmpi slt, %select_n3A_45, %lt3A_48 : i32
        %ne3A_50 = arith.xori %lt3A_47, %lt3A_49 : i1
        %and3A = arith.andi %ne3A_50, %ne3A_46 : i1
        %add3A = arith.addi %rem3A, %select_n3A_45 : i32
        %select_n3A_51 = arith.select %and3A, %add3A, %rem3A : i32
        %mul3A_52 = arith.constant 80 : i32
        %mul3A_53 = arith.muli %mul3A_52, %select_n3A_51 : i32
        %add3A_54 = arith.addi %mul3A_38, %mul3A_53 : i32
        "tpu.region"() ({
          %run_scoped3A = tpu.sem_alloc : memref<!tpu.dma_semaphore, #tpu.memory_space<semaphore_mem>>
          %dma_start3A = tpu.memref_slice %arg4[%add3A_54] : memref<160000xi32, #tpu.memory_space<hbm>> -> memref<80xi32, #tpu.memory_space<hbm>>
          %dma_start3A_55 = tpu.memref_slice %arg4[%add3A_54] : memref<160000xi32, #tpu.memory_space<hbm>> -> memref<80xi32, #tpu.memory_space<hbm>>
          tpu.enqueue_dma source(%dma_start3A_55 : memref<80xi32, #tpu.memory_space<hbm>>) target(%arg9 : memref<80xi32, #tpu.memory_space<vmem>>) target_semaphore(%run_scoped3A : memref<!tpu.dma_semaphore, #tpu.memory_space<semaphore_mem>>)
          %dma_wait3A = tpu.memref_slice %arg4[%add3A_54] : memref<160000xi32, #tpu.memory_space<hbm>> -> memref<80xi32, #tpu.memory_space<hbm>>
          %dma_wait3A_56 = tpu.memref_slice %arg4[%add3A_54] : memref<160000xi32, #tpu.memory_space<hbm>> -> memref<80xi32, #tpu.memory_space<hbm>>
          tpu.wait_dma2 semaphore(%run_scoped3A : memref<!tpu.dma_semaphore, #tpu.memory_space<semaphore_mem>>) src(%dma_wait3A_56 : memref<80xi32, #tpu.memory_space<hbm>>) dst(%arg9 : memref<80xi32, #tpu.memory_space<vmem>>)
          tpu.yield
        }) : () -> ()
        "tpu.region"() ({
          %run_scoped3A = tpu.sem_alloc : memref<!tpu.dma_semaphore, #tpu.memory_space<semaphore_mem>>
          %dma_start3A = arith.constant 0 : i32
          %dma_start3A_55 = arith.constant 0 : i32
          %dma_start3A_56 = tpu.memref_slice %arg3[%dma_start3A, %dma_start3A_55] : memref<10000x128xf32, #tpu.memory_space<hbm>> -> memref<10000x128xf32, #tpu.memory_space<hbm>>
          tpu.enqueue_indirect_dma source(%dma_start3A_56 : memref<10000x128xf32, #tpu.memory_space<hbm>>) target(%arg11 : memref<80x128xf32, #tpu.memory_space<vmem>>) offsets(%arg9 : memref<80xi32, #tpu.memory_space<vmem>>) semaphore(%run_scoped3A : memref<!tpu.dma_semaphore, #tpu.memory_space<semaphore_mem>>)
          %dma_wait3A = arith.constant 0 : i32
          %dma_wait3A_57 = arith.constant 0 : i32
          %dma_wait3A_58 = tpu.memref_slice %arg3[%dma_wait3A, %dma_wait3A_57] : memref<10000x128xf32, #tpu.memory_space<hbm>> -> memref<10000x128xf32, #tpu.memory_space<hbm>>
          tpu.wait_indirect_dma semaphore(%run_scoped3A : memref<!tpu.dma_semaphore, #tpu.memory_space<semaphore_mem>>) src(%dma_wait3A_58 : memref<10000x128xf32, #tpu.memory_space<hbm>>) dst(%arg11 : memref<80x128xf32, #tpu.memory_space<vmem>>)
          tpu.yield
        }) : () -> ()
        "tpu.region"() ({
          %run_scoped3A = tpu.sem_alloc : memref<!tpu.dma_semaphore, #tpu.memory_space<semaphore_mem>>
          %dma_start3A = tpu.memref_slice %arg5[%add3A_54] : memref<160000xi32, #tpu.memory_space<hbm>> -> memref<80xi32, #tpu.memory_space<hbm>>
          %dma_start3A_55 = tpu.memref_slice %arg5[%add3A_54] : memref<160000xi32, #tpu.memory_space<hbm>> -> memref<80xi32, #tpu.memory_space<hbm>>
          tpu.enqueue_dma source(%dma_start3A_55 : memref<80xi32, #tpu.memory_space<hbm>>) target(%arg10 : memref<80xi32, #tpu.memory_space<vmem>>) target_semaphore(%run_scoped3A : memref<!tpu.dma_semaphore, #tpu.memory_space<semaphore_mem>>)
          %dma_wait3A = tpu.memref_slice %arg5[%add3A_54] : memref<160000xi32, #tpu.memory_space<hbm>> -> memref<80xi32, #tpu.memory_space<hbm>>
          %dma_wait3A_56 = tpu.memref_slice %arg5[%add3A_54] : memref<160000xi32, #tpu.memory_space<hbm>> -> memref<80xi32, #tpu.memory_space<hbm>>
          tpu.wait_dma2 semaphore(%run_scoped3A : memref<!tpu.dma_semaphore, #tpu.memory_space<semaphore_mem>>) src(%dma_wait3A_56 : memref<80xi32, #tpu.memory_space<hbm>>) dst(%arg10 : memref<80xi32, #tpu.memory_space<vmem>>)
          tpu.yield
        }) : () -> ()
        "tpu.region"() ({
          %run_scoped3A = tpu.sem_alloc : memref<!tpu.dma_semaphore, #tpu.memory_space<semaphore_mem>>
          %dma_start3A = arith.constant 0 : i32
          %dma_start3A_55 = arith.constant 0 : i32
          %dma_start3A_56 = tpu.memref_slice %arg12[%dma_start3A, %dma_start3A_55] : memref<10000x128xf32, #tpu.memory_space<vmem_shared>> -> memref<10000x128xf32, #tpu.memory_space<vmem_shared>>
          tpu.enqueue_indirect_dma source(%arg11 : memref<80x128xf32, #tpu.memory_space<vmem>>) target(%dma_start3A_56 : memref<10000x128xf32, #tpu.memory_space<vmem_shared>>) offsets(%arg10 : memref<80xi32, #tpu.memory_space<vmem>>) semaphore(%run_scoped3A : memref<!tpu.dma_semaphore, #tpu.memory_space<semaphore_mem>>) {add = true}
          %dma_wait3A = arith.constant 0 : i32
          %dma_wait3A_57 = arith.constant 0 : i32
          %dma_wait3A_58 = tpu.memref_slice %arg12[%dma_wait3A, %dma_wait3A_57] : memref<10000x128xf32, #tpu.memory_space<vmem_shared>> -> memref<10000x128xf32, #tpu.memory_space<vmem_shared>>
          tpu.wait_indirect_dma semaphore(%run_scoped3A : memref<!tpu.dma_semaphore, #tpu.memory_space<semaphore_mem>>) src(%arg11 : memref<80x128xf32, #tpu.memory_space<vmem>>) dst(%dma_wait3A_58 : memref<10000x128xf32, #tpu.memory_space<vmem_shared>>)
          tpu.yield
        }) : () -> ()
      }
      %scan3A_35 = arith.constant 125 : i32
    } else {
    }
    %barrier3A_20 = arith.constant 0 : index
    tpu.barrier barrier_id(%barrier3A_20)
    %eq3A_21 = arith.constant 0 : i32
    %eq3A_22 = arith.cmpi eq, %arg0, %eq3A_21 : i32
    %convert_element_type3A_23 = arith.extui %eq3A_22 : i1 to i32
    %cond3A_24 = arith.constant 0 : i32
    %cond3A_25 = arith.cmpi ne, %convert_element_type3A_23, %cond3A_24 : i32
    scf.if %cond3A_25 {
      %while3A_31 = arith.constant 0 : i32
      %while3A_32 = arith.constant 0 : i32
      %while3A_33 = arith.subi %select_n3A, %while3A_32 : i32
      %while3A_34 = arith.addi %while3A_32, %while3A_33 : i32
      %while3A_35 = arith.constant 1 : i32
      %while3A_36 = arith.divsi %while3A_33, %while3A_35 : i32
      %while3A_37 = arith.muli %while3A_36, %while3A_35 : i32
      %while3A_38 = arith.addi %while3A_32, %while3A_37 : i32
      %while3A_39 = arith.constant 1 : i32
      scf.for %while3A_41 = %while3A_32 to %while3A_38 step %while3A_39  : i32 {
        %mul3A_42 = arith.constant 80 : i32
        %mul3A_43 = arith.muli %mul3A_42, %while3A_41 : i32
        %add3A = arith.addi %mul3A_0, %mul3A_43 : i32
        "tpu.region"() ({
          %run_scoped3A = tpu.sem_alloc : memref<!tpu.dma_semaphore, #tpu.memory_space<semaphore_mem>>
          %dma_start3A = arith.constant 0 : i32
          %dma_start3A_44 = tpu.memref_slice %arg12[%add3A, %dma_start3A] : memref<10000x128xf32, #tpu.memory_space<vmem_shared>> -> memref<80x128xf32, #tpu.memory_space<vmem_shared>>
          %dma_start3A_45 = arith.constant 0 : i32
          %dma_start3A_46 = tpu.memref_slice %arg12[%add3A, %dma_start3A_45] : memref<10000x128xf32, #tpu.memory_space<vmem_shared>> -> memref<80x128xf32, #tpu.memory_space<vmem_shared>>
          tpu.enqueue_dma source(%dma_start3A_46 : memref<80x128xf32, #tpu.memory_space<vmem_shared>>) target(%arg11 : memref<80x128xf32, #tpu.memory_space<vmem>>) target_semaphore(%run_scoped3A : memref<!tpu.dma_semaphore, #tpu.memory_space<semaphore_mem>>)
          %dma_wait3A = arith.constant 0 : i32
          %dma_wait3A_47 = tpu.memref_slice %arg12[%add3A, %dma_wait3A] : memref<10000x128xf32, #tpu.memory_space<vmem_shared>> -> memref<80x128xf32, #tpu.memory_space<vmem_shared>>
          %dma_wait3A_48 = arith.constant 0 : i32
          %dma_wait3A_49 = tpu.memref_slice %arg12[%add3A, %dma_wait3A_48] : memref<10000x128xf32, #tpu.memory_space<vmem_shared>> -> memref<80x128xf32, #tpu.memory_space<vmem_shared>>
          tpu.wait_dma2 semaphore(%run_scoped3A : memref<!tpu.dma_semaphore, #tpu.memory_space<semaphore_mem>>) src(%dma_wait3A_49 : memref<80x128xf32, #tpu.memory_space<vmem_shared>>) dst(%arg11 : memref<80x128xf32, #tpu.memory_space<vmem>>)
          tpu.yield
        }) : () -> ()
        "tpu.region"() ({
          %run_scoped3A = tpu.sem_alloc : memref<!tpu.dma_semaphore, #tpu.memory_space<semaphore_mem>>
          %dma_start3A = arith.constant 0 : i32
          %dma_start3A_44 = tpu.memref_slice %arg7[%add3A, %dma_start3A] : memref<10000x128xf32, #tpu.memory_space<hbm>> -> memref<80x128xf32, #tpu.memory_space<hbm>>
          %dma_start3A_45 = arith.constant 0 : i32
          %dma_start3A_46 = tpu.memref_slice %arg7[%add3A, %dma_start3A_45] : memref<10000x128xf32, #tpu.memory_space<hbm>> -> memref<80x128xf32, #tpu.memory_space<hbm>>
          tpu.enqueue_dma source(%arg11 : memref<80x128xf32, #tpu.memory_space<vmem>>) target(%dma_start3A_46 : memref<80x128xf32, #tpu.memory_space<hbm>>) target_semaphore(%run_scoped3A : memref<!tpu.dma_semaphore, #tpu.memory_space<semaphore_mem>>)
          %dma_wait3A = arith.constant 0 : i32
          %dma_wait3A_47 = tpu.memref_slice %arg7[%add3A, %dma_wait3A] : memref<10000x128xf32, #tpu.memory_space<hbm>> -> memref<80x128xf32, #tpu.memory_space<hbm>>
          %dma_wait3A_48 = arith.constant 0 : i32
          %dma_wait3A_49 = tpu.memref_slice %arg7[%add3A, %dma_wait3A_48] : memref<10000x128xf32, #tpu.memory_space<hbm>> -> memref<80x128xf32, #tpu.memory_space<hbm>>
          tpu.wait_dma2 semaphore(%run_scoped3A : memref<!tpu.dma_semaphore, #tpu.memory_space<semaphore_mem>>) src(%arg11 : memref<80x128xf32, #tpu.memory_space<vmem>>) dst(%dma_wait3A_49 : memref<80x128xf32, #tpu.memory_space<hbm>>)
          tpu.yield
        }) : () -> ()
      }
      %while3A_40 = arith.constant 1 : i32
      scf.for %while3A_41 = %while3A_38 to %while3A_34 step %while3A_40  : i32 {
        %mul3A_42 = arith.constant 80 : i32
        %mul3A_43 = arith.muli %mul3A_42, %while3A_41 : i32
        %add3A = arith.addi %mul3A_0, %mul3A_43 : i32
        "tpu.region"() ({
          %run_scoped3A = tpu.sem_alloc : memref<!tpu.dma_semaphore, #tpu.memory_space<semaphore_mem>>
          %dma_start3A = arith.constant 0 : i32
          %dma_start3A_44 = tpu.memref_slice %arg12[%add3A, %dma_start3A] : memref<10000x128xf32, #tpu.memory_space<vmem_shared>> -> memref<80x128xf32, #tpu.memory_space<vmem_shared>>
          %dma_start3A_45 = arith.constant 0 : i32
          %dma_start3A_46 = tpu.memref_slice %arg12[%add3A, %dma_start3A_45] : memref<10000x128xf32, #tpu.memory_space<vmem_shared>> -> memref<80x128xf32, #tpu.memory_space<vmem_shared>>
          tpu.enqueue_dma source(%dma_start3A_46 : memref<80x128xf32, #tpu.memory_space<vmem_shared>>) target(%arg11 : memref<80x128xf32, #tpu.memory_space<vmem>>) target_semaphore(%run_scoped3A : memref<!tpu.dma_semaphore, #tpu.memory_space<semaphore_mem>>)
          %dma_wait3A = arith.constant 0 : i32
          %dma_wait3A_47 = tpu.memref_slice %arg12[%add3A, %dma_wait3A] : memref<10000x128xf32, #tpu.memory_space<vmem_shared>> -> memref<80x128xf32, #tpu.memory_space<vmem_shared>>
          %dma_wait3A_48 = arith.constant 0 : i32
          %dma_wait3A_49 = tpu.memref_slice %arg12[%add3A, %dma_wait3A_48] : memref<10000x128xf32, #tpu.memory_space<vmem_shared>> -> memref<80x128xf32, #tpu.memory_space<vmem_shared>>
          tpu.wait_dma2 semaphore(%run_scoped3A : memref<!tpu.dma_semaphore, #tpu.memory_space<semaphore_mem>>) src(%dma_wait3A_49 : memref<80x128xf32, #tpu.memory_space<vmem_shared>>) dst(%arg11 : memref<80x128xf32, #tpu.memory_space<vmem>>)
          tpu.yield
        }) : () -> ()
        "tpu.region"() ({
          %run_scoped3A = tpu.sem_alloc : memref<!tpu.dma_semaphore, #tpu.memory_space<semaphore_mem>>
          %dma_start3A = arith.constant 0 : i32
          %dma_start3A_44 = tpu.memref_slice %arg7[%add3A, %dma_start3A] : memref<10000x128xf32, #tpu.memory_space<hbm>> -> memref<80x128xf32, #tpu.memory_space<hbm>>
          %dma_start3A_45 = arith.constant 0 : i32
          %dma_start3A_46 = tpu.memref_slice %arg7[%add3A, %dma_start3A_45] : memref<10000x128xf32, #tpu.memory_space<hbm>> -> memref<80x128xf32, #tpu.memory_space<hbm>>
          tpu.enqueue_dma source(%arg11 : memref<80x128xf32, #tpu.memory_space<vmem>>) target(%dma_start3A_46 : memref<80x128xf32, #tpu.memory_space<hbm>>) target_semaphore(%run_scoped3A : memref<!tpu.dma_semaphore, #tpu.memory_space<semaphore_mem>>)
          %dma_wait3A = arith.constant 0 : i32
          %dma_wait3A_47 = tpu.memref_slice %arg7[%add3A, %dma_wait3A] : memref<10000x128xf32, #tpu.memory_space<hbm>> -> memref<80x128xf32, #tpu.memory_space<hbm>>
          %dma_wait3A_48 = arith.constant 0 : i32
          %dma_wait3A_49 = tpu.memref_slice %arg7[%add3A, %dma_wait3A_48] : memref<10000x128xf32, #tpu.memory_space<hbm>> -> memref<80x128xf32, #tpu.memory_space<hbm>>
          tpu.wait_dma2 semaphore(%run_scoped3A : memref<!tpu.dma_semaphore, #tpu.memory_space<semaphore_mem>>) src(%arg11 : memref<80x128xf32, #tpu.memory_space<vmem>>) dst(%dma_wait3A_49 : memref<80x128xf32, #tpu.memory_space<hbm>>)
          tpu.yield
        }) : () -> ()
      }
    } else {
    }
    %eq3A_26 = arith.constant 1 : i32
    %eq3A_27 = arith.cmpi eq, %arg0, %eq3A_26 : i32
    %convert_element_type3A_28 = arith.extui %eq3A_27 : i1 to i32
    %cond3A_29 = arith.constant 0 : i32
    %cond3A_30 = arith.cmpi ne, %convert_element_type3A_28, %cond3A_29 : i32
    scf.if %cond3A_30 {
      %while3A_31 = arith.constant 0 : i32
      %while3A_32 = arith.constant 0 : i32
      %while3A_33 = arith.subi %select_n3A, %while3A_32 : i32
      %while3A_34 = arith.addi %while3A_32, %while3A_33 : i32
      %while3A_35 = arith.constant 1 : i32
      %while3A_36 = arith.divsi %while3A_33, %while3A_35 : i32
      %while3A_37 = arith.muli %while3A_36, %while3A_35 : i32
      %while3A_38 = arith.addi %while3A_32, %while3A_37 : i32
      %while3A_39 = arith.constant 1 : i32
      scf.for %while3A_41 = %while3A_32 to %while3A_38 step %while3A_39  : i32 {
        %mul3A_42 = arith.constant 80 : i32
        %mul3A_43 = arith.muli %mul3A_42, %while3A_41 : i32
        %add3A = arith.addi %mul3A_0, %mul3A_43 : i32
        "tpu.region"() ({
          %run_scoped3A = tpu.sem_alloc : memref<!tpu.dma_semaphore, #tpu.memory_space<semaphore_mem>>
          %dma_start3A = arith.constant 0 : i32
          %dma_start3A_44 = tpu.memref_slice %arg12[%add3A, %dma_start3A] : memref<10000x128xf32, #tpu.memory_space<vmem_shared>> -> memref<80x128xf32, #tpu.memory_space<vmem_shared>>
          %dma_start3A_45 = arith.constant 0 : i32
          %dma_start3A_46 = tpu.memref_slice %arg12[%add3A, %dma_start3A_45] : memref<10000x128xf32, #tpu.memory_space<vmem_shared>> -> memref<80x128xf32, #tpu.memory_space<vmem_shared>>
          tpu.enqueue_dma source(%dma_start3A_46 : memref<80x128xf32, #tpu.memory_space<vmem_shared>>) target(%arg11 : memref<80x128xf32, #tpu.memory_space<vmem>>) target_semaphore(%run_scoped3A : memref<!tpu.dma_semaphore, #tpu.memory_space<semaphore_mem>>)
          %dma_wait3A = arith.constant 0 : i32
          %dma_wait3A_47 = tpu.memref_slice %arg12[%add3A, %dma_wait3A] : memref<10000x128xf32, #tpu.memory_space<vmem_shared>> -> memref<80x128xf32, #tpu.memory_space<vmem_shared>>
          %dma_wait3A_48 = arith.constant 0 : i32
          %dma_wait3A_49 = tpu.memref_slice %arg12[%add3A, %dma_wait3A_48] : memref<10000x128xf32, #tpu.memory_space<vmem_shared>> -> memref<80x128xf32, #tpu.memory_space<vmem_shared>>
          tpu.wait_dma2 semaphore(%run_scoped3A : memref<!tpu.dma_semaphore, #tpu.memory_space<semaphore_mem>>) src(%dma_wait3A_49 : memref<80x128xf32, #tpu.memory_space<vmem_shared>>) dst(%arg11 : memref<80x128xf32, #tpu.memory_space<vmem>>)
          tpu.yield
        }) : () -> ()
        "tpu.region"() ({
          %run_scoped3A = tpu.sem_alloc : memref<!tpu.dma_semaphore, #tpu.memory_space<semaphore_mem>>
          %dma_start3A = arith.constant 0 : i32
          %dma_start3A_44 = tpu.memref_slice %arg8[%add3A, %dma_start3A] : memref<10000x128xf32, #tpu.memory_space<hbm>> -> memref<80x128xf32, #tpu.memory_space<hbm>>
          %dma_start3A_45 = arith.constant 0 : i32
          %dma_start3A_46 = tpu.memref_slice %arg8[%add3A, %dma_start3A_45] : memref<10000x128xf32, #tpu.memory_space<hbm>> -> memref<80x128xf32, #tpu.memory_space<hbm>>
          tpu.enqueue_dma source(%arg11 : memref<80x128xf32, #tpu.memory_space<vmem>>) target(%dma_start3A_46 : memref<80x128xf32, #tpu.memory_space<hbm>>) target_semaphore(%run_scoped3A : memref<!tpu.dma_semaphore, #tpu.memory_space<semaphore_mem>>)
          %dma_wait3A = arith.constant 0 : i32
          %dma_wait3A_47 = tpu.memref_slice %arg8[%add3A, %dma_wait3A] : memref<10000x128xf32, #tpu.memory_space<hbm>> -> memref<80x128xf32, #tpu.memory_space<hbm>>
          %dma_wait3A_48 = arith.constant 0 : i32
          %dma_wait3A_49 = tpu.memref_slice %arg8[%add3A, %dma_wait3A_48] : memref<10000x128xf32, #tpu.memory_space<hbm>> -> memref<80x128xf32, #tpu.memory_space<hbm>>
          tpu.wait_dma2 semaphore(%run_scoped3A : memref<!tpu.dma_semaphore, #tpu.memory_space<semaphore_mem>>) src(%arg11 : memref<80x128xf32, #tpu.memory_space<vmem>>) dst(%dma_wait3A_49 : memref<80x128xf32, #tpu.memory_space<hbm>>)
          tpu.yield
        }) : () -> ()
      }
      %while3A_40 = arith.constant 1 : i32
      scf.for %while3A_41 = %while3A_38 to %while3A_34 step %while3A_40  : i32 {
        %mul3A_42 = arith.constant 80 : i32
        %mul3A_43 = arith.muli %mul3A_42, %while3A_41 : i32
        %add3A = arith.addi %mul3A_0, %mul3A_43 : i32
        "tpu.region"() ({
          %run_scoped3A = tpu.sem_alloc : memref<!tpu.dma_semaphore, #tpu.memory_space<semaphore_mem>>
          %dma_start3A = arith.constant 0 : i32
          %dma_start3A_44 = tpu.memref_slice %arg12[%add3A, %dma_start3A] : memref<10000x128xf32, #tpu.memory_space<vmem_shared>> -> memref<80x128xf32, #tpu.memory_space<vmem_shared>>
          %dma_start3A_45 = arith.constant 0 : i32
          %dma_start3A_46 = tpu.memref_slice %arg12[%add3A, %dma_start3A_45] : memref<10000x128xf32, #tpu.memory_space<vmem_shared>> -> memref<80x128xf32, #tpu.memory_space<vmem_shared>>
          tpu.enqueue_dma source(%dma_start3A_46 : memref<80x128xf32, #tpu.memory_space<vmem_shared>>) target(%arg11 : memref<80x128xf32, #tpu.memory_space<vmem>>) target_semaphore(%run_scoped3A : memref<!tpu.dma_semaphore, #tpu.memory_space<semaphore_mem>>)
          %dma_wait3A = arith.constant 0 : i32
          %dma_wait3A_47 = tpu.memref_slice %arg12[%add3A, %dma_wait3A] : memref<10000x128xf32, #tpu.memory_space<vmem_shared>> -> memref<80x128xf32, #tpu.memory_space<vmem_shared>>
          %dma_wait3A_48 = arith.constant 0 : i32
          %dma_wait3A_49 = tpu.memref_slice %arg12[%add3A, %dma_wait3A_48] : memref<10000x128xf32, #tpu.memory_space<vmem_shared>> -> memref<80x128xf32, #tpu.memory_space<vmem_shared>>
          tpu.wait_dma2 semaphore(%run_scoped3A : memref<!tpu.dma_semaphore, #tpu.memory_space<semaphore_mem>>) src(%dma_wait3A_49 : memref<80x128xf32, #tpu.memory_space<vmem_shared>>) dst(%arg11 : memref<80x128xf32, #tpu.memory_space<vmem>>)
          tpu.yield
        }) : () -> ()
        "tpu.region"() ({
          %run_scoped3A = tpu.sem_alloc : memref<!tpu.dma_semaphore, #tpu.memory_space<semaphore_mem>>
          %dma_start3A = arith.constant 0 : i32
          %dma_start3A_44 = tpu.memref_slice %arg8[%add3A, %dma_start3A] : memref<10000x128xf32, #tpu.memory_space<hbm>> -> memref<80x128xf32, #tpu.memory_space<hbm>>
          %dma_start3A_45 = arith.constant 0 : i32
          %dma_start3A_46 = tpu.memref_slice %arg8[%add3A, %dma_start3A_45] : memref<10000x128xf32, #tpu.memory_space<hbm>> -> memref<80x128xf32, #tpu.memory_space<hbm>>
          tpu.enqueue_dma source(%arg11 : memref<80x128xf32, #tpu.memory_space<vmem>>) target(%dma_start3A_46 : memref<80x128xf32, #tpu.memory_space<hbm>>) target_semaphore(%run_scoped3A : memref<!tpu.dma_semaphore, #tpu.memory_space<semaphore_mem>>)
          %dma_wait3A = arith.constant 0 : i32
          %dma_wait3A_47 = tpu.memref_slice %arg8[%add3A, %dma_wait3A] : memref<10000x128xf32, #tpu.memory_space<hbm>> -> memref<80x128xf32, #tpu.memory_space<hbm>>
          %dma_wait3A_48 = arith.constant 0 : i32
          %dma_wait3A_49 = tpu.memref_slice %arg8[%add3A, %dma_wait3A_48] : memref<10000x128xf32, #tpu.memory_space<hbm>> -> memref<80x128xf32, #tpu.memory_space<hbm>>
          tpu.wait_dma2 semaphore(%run_scoped3A : memref<!tpu.dma_semaphore, #tpu.memory_space<semaphore_mem>>) src(%arg11 : memref<80x128xf32, #tpu.memory_space<vmem>>) dst(%dma_wait3A_49 : memref<80x128xf32, #tpu.memory_space<hbm>>)
          tpu.yield
        }) : () -> ()
      }
    } else {
    }
    return
  }
}

#map = affine_map<(d0, d1) -> (0, 0)>
#map1 = affine_map<(d0, d1) -> (0)>
module attributes {stable_mosaic.version = 14 : i64} {
  func.func @_agg_pair_body(%arg0: i32, %arg1: i32, %arg2: memref<10000x128xf32, #tpu.memory_space<hbm>>, %arg3: memref<10000x128xf32, #tpu.memory_space<hbm>>, %arg4: memref<160000xi32, #tpu.memory_space<hbm>>, %arg5: memref<160000xi32, #tpu.memory_space<hbm>>, %arg6: memref<80x128xf32, #tpu.memory_space<hbm>>, %arg7: memref<10000x128xf32, #tpu.memory_space<hbm>>, %arg8: memref<10000x128xf32, #tpu.memory_space<hbm>>, %arg9: memref<80xi32, #tpu.memory_space<vmem>>, %arg10: memref<80xi32, #tpu.memory_space<vmem>>, %arg11: memref<80x128xf32, #tpu.memory_space<vmem>>, %arg12: memref<10000x128xf32, #tpu.memory_space<vmem_shared>>) attributes {dimension_semantics = [#tpu.dimension_semantics<core_parallel>, #tpu.dimension_semantics<subcore_parallel>], iteration_bounds = array<i64: 2, 16>, scalar_prefetch = 0 : i64, scratch_operands = 4 : i64, tpu.core_type = #tpu.core_type<sc_vector_subcore>, window_params = [{transform_indices = #map}, {transform_indices = #map}, {transform_indices = #map1}, {transform_indices = #map1}, {transform_indices = #map}, {transform_indices = #map}, {transform_indices = #map}]} {
    "tpu.region"() ({
      %run_scoped3A = tpu.sem_alloc : memref<!tpu.dma_semaphore, #tpu.memory_space<semaphore_mem>>
      tpu.enqueue_dma source(%arg6 : memref<80x128xf32, #tpu.memory_space<hbm>>) target(%arg11 : memref<80x128xf32, #tpu.memory_space<vmem>>) target_semaphore(%run_scoped3A : memref<!tpu.dma_semaphore, #tpu.memory_space<semaphore_mem>>)
      tpu.wait_dma2 semaphore(%run_scoped3A : memref<!tpu.dma_semaphore, #tpu.memory_space<semaphore_mem>>) src(%arg6 : memref<80x128xf32, #tpu.memory_space<hbm>>) dst(%arg11 : memref<80x128xf32, #tpu.memory_space<vmem>>)
      tpu.yield
    }) : () -> ()
    %mul3A = arith.constant 640 : i32
    %mul3A_0 = arith.muli %arg1, %mul3A : i32
    %eq3A = arith.constant 15 : i32
    %eq3A_1 = arith.cmpi eq, %arg1, %eq3A : i32
    %jit3A = arith.constant 5 : i32
    %jit3A_2 = arith.constant 8 : i32
    %select_n3A = arith.select %eq3A_1, %jit3A, %jit3A_2 : i32
    %while3A = arith.constant 0 : i32
    %while3A_3 = arith.constant 0 : i32
    %while3A_4 = arith.subi %select_n3A, %while3A_3 : i32
    %while3A_5 = arith.addi %while3A_3, %while3A_4 : i32
    %while3A_6 = arith.constant 1 : i32
    %while3A_7 = arith.divsi %while3A_4, %while3A_6 : i32
    %while3A_8 = arith.muli %while3A_7, %while3A_6 : i32
    %while3A_9 = arith.addi %while3A_3, %while3A_8 : i32
    %while3A_10 = arith.constant 1 : i32
    scf.for %while3A_31 = %while3A_3 to %while3A_9 step %while3A_10  : i32 {
      %mul3A_32 = arith.constant 80 : i32
      %mul3A_33 = arith.muli %mul3A_32, %while3A_31 : i32
      %add3A = arith.addi %mul3A_0, %mul3A_33 : i32
      "tpu.region"() ({
        %run_scoped3A = tpu.sem_alloc : memref<!tpu.dma_semaphore, #tpu.memory_space<semaphore_mem>>
        %dma_start3A = arith.constant 0 : i32
        %dma_start3A_34 = tpu.memref_slice %arg12[%add3A, %dma_start3A] : memref<10000x128xf32, #tpu.memory_space<vmem_shared>> -> memref<80x128xf32, #tpu.memory_space<vmem_shared>>
        %dma_start3A_35 = arith.constant 0 : i32
        %dma_start3A_36 = tpu.memref_slice %arg12[%add3A, %dma_start3A_35] : memref<10000x128xf32, #tpu.memory_space<vmem_shared>> -> memref<80x128xf32, #tpu.memory_space<vmem_shared>>
        tpu.enqueue_dma source(%arg11 : memref<80x128xf32, #tpu.memory_space<vmem>>) target(%dma_start3A_36 : memref<80x128xf32, #tpu.memory_space<vmem_shared>>) target_semaphore(%run_scoped3A : memref<!tpu.dma_semaphore, #tpu.memory_space<semaphore_mem>>)
        %dma_wait3A = arith.constant 0 : i32
        %dma_wait3A_37 = tpu.memref_slice %arg12[%add3A, %dma_wait3A] : memref<10000x128xf32, #tpu.memory_space<vmem_shared>> -> memref<80x128xf32, #tpu.memory_space<vmem_shared>>
        %dma_wait3A_38 = arith.constant 0 : i32
        %dma_wait3A_39 = tpu.memref_slice %arg12[%add3A, %dma_wait3A_38] : memref<10000x128xf32, #tpu.memory_space<vmem_shared>> -> memref<80x128xf32, #tpu.memory_space<vmem_shared>>
        tpu.wait_dma2 semaphore(%run_scoped3A : memref<!tpu.dma_semaphore, #tpu.memory_space<semaphore_mem>>) src(%arg11 : memref<80x128xf32, #tpu.memory_space<vmem>>) dst(%dma_wait3A_39 : memref<80x128xf32, #tpu.memory_space<vmem_shared>>)
        tpu.yield
      }) : () -> ()
    }
    %while3A_11 = arith.constant 1 : i32
    scf.for %while3A_31 = %while3A_9 to %while3A_5 step %while3A_11  : i32 {
      %mul3A_32 = arith.constant 80 : i32
      %mul3A_33 = arith.muli %mul3A_32, %while3A_31 : i32
      %add3A = arith.addi %mul3A_0, %mul3A_33 : i32
      "tpu.region"() ({
        %run_scoped3A = tpu.sem_alloc : memref<!tpu.dma_semaphore, #tpu.memory_space<semaphore_mem>>
        %dma_start3A = arith.constant 0 : i32
        %dma_start3A_34 = tpu.memref_slice %arg12[%add3A, %dma_start3A] : memref<10000x128xf32, #tpu.memory_space<vmem_shared>> -> memref<80x128xf32, #tpu.memory_space<vmem_shared>>
        %dma_start3A_35 = arith.constant 0 : i32
        %dma_start3A_36 = tpu.memref_slice %arg12[%add3A, %dma_start3A_35] : memref<10000x128xf32, #tpu.memory_space<vmem_shared>> -> memref<80x128xf32, #tpu.memory_space<vmem_shared>>
        tpu.enqueue_dma source(%arg11 : memref<80x128xf32, #tpu.memory_space<vmem>>) target(%dma_start3A_36 : memref<80x128xf32, #tpu.memory_space<vmem_shared>>) target_semaphore(%run_scoped3A : memref<!tpu.dma_semaphore, #tpu.memory_space<semaphore_mem>>)
        %dma_wait3A = arith.constant 0 : i32
        %dma_wait3A_37 = tpu.memref_slice %arg12[%add3A, %dma_wait3A] : memref<10000x128xf32, #tpu.memory_space<vmem_shared>> -> memref<80x128xf32, #tpu.memory_space<vmem_shared>>
        %dma_wait3A_38 = arith.constant 0 : i32
        %dma_wait3A_39 = tpu.memref_slice %arg12[%add3A, %dma_wait3A_38] : memref<10000x128xf32, #tpu.memory_space<vmem_shared>> -> memref<80x128xf32, #tpu.memory_space<vmem_shared>>
        tpu.wait_dma2 semaphore(%run_scoped3A : memref<!tpu.dma_semaphore, #tpu.memory_space<semaphore_mem>>) src(%arg11 : memref<80x128xf32, #tpu.memory_space<vmem>>) dst(%dma_wait3A_39 : memref<80x128xf32, #tpu.memory_space<vmem_shared>>)
        tpu.yield
      }) : () -> ()
    }
    %barrier3A = arith.constant 0 : index
    tpu.barrier barrier_id(%barrier3A)
    %eq3A_12 = arith.constant 0 : i32
    %eq3A_13 = arith.cmpi eq, %arg0, %eq3A_12 : i32
    %convert_element_type3A = arith.extui %eq3A_13 : i1 to i32
    %cond3A = arith.constant 0 : i32
    %cond3A_14 = arith.cmpi ne, %convert_element_type3A, %cond3A : i32
    scf.if %cond3A_14 {
      %scan3A = arith.constant 0 : i32
      %scan3A_31 = arith.constant 0 : i32
      %scan3A_32 = arith.constant 125 : i32
      %scan3A_33 = arith.addi %scan3A_31, %scan3A_32 : i32
      %scan3A_34 = arith.constant 1 : i32
      scf.for %scan3A_36 = %scan3A_31 to %scan3A_33 step %scan3A_34  : i32 {
        %mul3A_37 = arith.constant 10000 : i32
        %mul3A_38 = arith.muli %arg1, %mul3A_37 : i32
        %mul3A_39 = arith.constant 57 : i32
        %mul3A_40 = arith.muli %scan3A_36, %mul3A_39 : i32
        %jit3A_41 = arith.constant 125 : i32
        %eq3A_42 = arith.constant 0 : i32
        %eq3A_43 = arith.cmpi eq, %jit3A_41, %eq3A_42 : i32
        %jit3A_44 = arith.constant 1 : i32
        %select_n3A_45 = arith.select %eq3A_43, %jit3A_44, %jit3A_41 : i32
        %rem3A = arith.remsi %mul3A_40, %select_n3A_45 : i32
        %ne3A = arith.constant 0 : i32
        %ne3A_46 = arith.cmpi ne, %rem3A, %ne3A : i32
        %lt3A = arith.constant 0 : i32
        %lt3A_47 = arith.cmpi slt, %rem3A, %lt3A : i32
        %lt3A_48 = arith.constant 0 : i32
        %lt3A_49 = arith.cmpi slt, %select_n3A_45, %lt3A_48 : i32
        %ne3A_50 = arith.xori %lt3A_47, %lt3A_49 : i1
        %and3A = arith.andi %ne3A_50, %ne3A_46 : i1
        %add3A = arith.addi %rem3A, %select_n3A_45 : i32
        %select_n3A_51 = arith.select %and3A, %add3A, %rem3A : i32
        %mul3A_52 = arith.constant 80 : i32
        %mul3A_53 = arith.muli %mul3A_52, %select_n3A_51 : i32
        %add3A_54 = arith.addi %mul3A_38, %mul3A_53 : i32
        "tpu.region"() ({
          %run_scoped3A = tpu.sem_alloc : memref<!tpu.dma_semaphore, #tpu.memory_space<semaphore_mem>>
          %dma_start3A = tpu.memref_slice %arg4[%add3A_54] : memref<160000xi32, #tpu.memory_space<hbm>> -> memref<80xi32, #tpu.memory_space<hbm>>
          %dma_start3A_55 = tpu.memref_slice %arg4[%add3A_54] : memref<160000xi32, #tpu.memory_space<hbm>> -> memref<80xi32, #tpu.memory_space<hbm>>
          tpu.enqueue_dma source(%dma_start3A_55 : memref<80xi32, #tpu.memory_space<hbm>>) target(%arg9 : memref<80xi32, #tpu.memory_space<vmem>>) target_semaphore(%run_scoped3A : memref<!tpu.dma_semaphore, #tpu.memory_space<semaphore_mem>>)
          %dma_wait3A = tpu.memref_slice %arg4[%add3A_54] : memref<160000xi32, #tpu.memory_space<hbm>> -> memref<80xi32, #tpu.memory_space<hbm>>
          %dma_wait3A_56 = tpu.memref_slice %arg4[%add3A_54] : memref<160000xi32, #tpu.memory_space<hbm>> -> memref<80xi32, #tpu.memory_space<hbm>>
          tpu.wait_dma2 semaphore(%run_scoped3A : memref<!tpu.dma_semaphore, #tpu.memory_space<semaphore_mem>>) src(%dma_wait3A_56 : memref<80xi32, #tpu.memory_space<hbm>>) dst(%arg9 : memref<80xi32, #tpu.memory_space<vmem>>)
          tpu.yield
        }) : () -> ()
        "tpu.region"() ({
          %run_scoped3A = tpu.sem_alloc : memref<!tpu.dma_semaphore, #tpu.memory_space<semaphore_mem>>
          %dma_start3A = arith.constant 0 : i32
          %dma_start3A_55 = arith.constant 0 : i32
          %dma_start3A_56 = tpu.memref_slice %arg2[%dma_start3A, %dma_start3A_55] : memref<10000x128xf32, #tpu.memory_space<hbm>> -> memref<10000x128xf32, #tpu.memory_space<hbm>>
          tpu.enqueue_indirect_dma source(%dma_start3A_56 : memref<10000x128xf32, #tpu.memory_space<hbm>>) target(%arg11 : memref<80x128xf32, #tpu.memory_space<vmem>>) offsets(%arg9 : memref<80xi32, #tpu.memory_space<vmem>>) semaphore(%run_scoped3A : memref<!tpu.dma_semaphore, #tpu.memory_space<semaphore_mem>>)
          %dma_wait3A = arith.constant 0 : i32
          %dma_wait3A_57 = arith.constant 0 : i32
          %dma_wait3A_58 = tpu.memref_slice %arg2[%dma_wait3A, %dma_wait3A_57] : memref<10000x128xf32, #tpu.memory_space<hbm>> -> memref<10000x128xf32, #tpu.memory_space<hbm>>
          tpu.wait_indirect_dma semaphore(%run_scoped3A : memref<!tpu.dma_semaphore, #tpu.memory_space<semaphore_mem>>) src(%dma_wait3A_58 : memref<10000x128xf32, #tpu.memory_space<hbm>>) dst(%arg11 : memref<80x128xf32, #tpu.memory_space<vmem>>)
          tpu.yield
        }) : () -> ()
        "tpu.region"() ({
          %run_scoped3A = tpu.sem_alloc : memref<!tpu.dma_semaphore, #tpu.memory_space<semaphore_mem>>
          %dma_start3A = tpu.memref_slice %arg5[%add3A_54] : memref<160000xi32, #tpu.memory_space<hbm>> -> memref<80xi32, #tpu.memory_space<hbm>>
          %dma_start3A_55 = tpu.memref_slice %arg5[%add3A_54] : memref<160000xi32, #tpu.memory_space<hbm>> -> memref<80xi32, #tpu.memory_space<hbm>>
          tpu.enqueue_dma source(%dma_start3A_55 : memref<80xi32, #tpu.memory_space<hbm>>) target(%arg10 : memref<80xi32, #tpu.memory_space<vmem>>) target_semaphore(%run_scoped3A : memref<!tpu.dma_semaphore, #tpu.memory_space<semaphore_mem>>)
          %dma_wait3A = tpu.memref_slice %arg5[%add3A_54] : memref<160000xi32, #tpu.memory_space<hbm>> -> memref<80xi32, #tpu.memory_space<hbm>>
          %dma_wait3A_56 = tpu.memref_slice %arg5[%add3A_54] : memref<160000xi32, #tpu.memory_space<hbm>> -> memref<80xi32, #tpu.memory_space<hbm>>
          tpu.wait_dma2 semaphore(%run_scoped3A : memref<!tpu.dma_semaphore, #tpu.memory_space<semaphore_mem>>) src(%dma_wait3A_56 : memref<80xi32, #tpu.memory_space<hbm>>) dst(%arg10 : memref<80xi32, #tpu.memory_space<vmem>>)
          tpu.yield
        }) : () -> ()
        "tpu.region"() ({
          %run_scoped3A = tpu.sem_alloc : memref<!tpu.dma_semaphore, #tpu.memory_space<semaphore_mem>>
          %dma_start3A = arith.constant 0 : i32
          %dma_start3A_55 = arith.constant 0 : i32
          %dma_start3A_56 = tpu.memref_slice %arg12[%dma_start3A, %dma_start3A_55] : memref<10000x128xf32, #tpu.memory_space<vmem_shared>> -> memref<10000x128xf32, #tpu.memory_space<vmem_shared>>
          tpu.enqueue_indirect_dma source(%arg11 : memref<80x128xf32, #tpu.memory_space<vmem>>) target(%dma_start3A_56 : memref<10000x128xf32, #tpu.memory_space<vmem_shared>>) offsets(%arg10 : memref<80xi32, #tpu.memory_space<vmem>>) semaphore(%run_scoped3A : memref<!tpu.dma_semaphore, #tpu.memory_space<semaphore_mem>>) {add = true}
          %dma_wait3A = arith.constant 0 : i32
          %dma_wait3A_57 = arith.constant 0 : i32
          %dma_wait3A_58 = tpu.memref_slice %arg12[%dma_wait3A, %dma_wait3A_57] : memref<10000x128xf32, #tpu.memory_space<vmem_shared>> -> memref<10000x128xf32, #tpu.memory_space<vmem_shared>>
          tpu.wait_indirect_dma semaphore(%run_scoped3A : memref<!tpu.dma_semaphore, #tpu.memory_space<semaphore_mem>>) src(%arg11 : memref<80x128xf32, #tpu.memory_space<vmem>>) dst(%dma_wait3A_58 : memref<10000x128xf32, #tpu.memory_space<vmem_shared>>)
          tpu.yield
        }) : () -> ()
      }
      %scan3A_35 = arith.constant 125 : i32
    } else {
    }
    %eq3A_15 = arith.constant 1 : i32
    %eq3A_16 = arith.cmpi eq, %arg0, %eq3A_15 : i32
    %convert_element_type3A_17 = arith.extui %eq3A_16 : i1 to i32
    %cond3A_18 = arith.constant 0 : i32
    %cond3A_19 = arith.cmpi ne, %convert_element_type3A_17, %cond3A_18 : i32
    scf.if %cond3A_19 {
      %scan3A = arith.constant 0 : i32
      %scan3A_31 = arith.constant 0 : i32
      %scan3A_32 = arith.constant 125 : i32
      %scan3A_33 = arith.addi %scan3A_31, %scan3A_32 : i32
      %scan3A_34 = arith.constant 1 : i32
      scf.for %scan3A_36 = %scan3A_31 to %scan3A_33 step %scan3A_34  : i32 {
        %mul3A_37 = arith.constant 10000 : i32
        %mul3A_38 = arith.muli %arg1, %mul3A_37 : i32
        %mul3A_39 = arith.constant 57 : i32
        %mul3A_40 = arith.muli %scan3A_36, %mul3A_39 : i32
        %jit3A_41 = arith.constant 125 : i32
        %eq3A_42 = arith.constant 0 : i32
        %eq3A_43 = arith.cmpi eq, %jit3A_41, %eq3A_42 : i32
        %jit3A_44 = arith.constant 1 : i32
        %select_n3A_45 = arith.select %eq3A_43, %jit3A_44, %jit3A_41 : i32
        %rem3A = arith.remsi %mul3A_40, %select_n3A_45 : i32
        %ne3A = arith.constant 0 : i32
        %ne3A_46 = arith.cmpi ne, %rem3A, %ne3A : i32
        %lt3A = arith.constant 0 : i32
        %lt3A_47 = arith.cmpi slt, %rem3A, %lt3A : i32
        %lt3A_48 = arith.constant 0 : i32
        %lt3A_49 = arith.cmpi slt, %select_n3A_45, %lt3A_48 : i32
        %ne3A_50 = arith.xori %lt3A_47, %lt3A_49 : i1
        %and3A = arith.andi %ne3A_50, %ne3A_46 : i1
        %add3A = arith.addi %rem3A, %select_n3A_45 : i32
        %select_n3A_51 = arith.select %and3A, %add3A, %rem3A : i32
        %mul3A_52 = arith.constant 80 : i32
        %mul3A_53 = arith.muli %mul3A_52, %select_n3A_51 : i32
        %add3A_54 = arith.addi %mul3A_38, %mul3A_53 : i32
        "tpu.region"() ({
          %run_scoped3A = tpu.sem_alloc : memref<!tpu.dma_semaphore, #tpu.memory_space<semaphore_mem>>
          %dma_start3A = tpu.memref_slice %arg4[%add3A_54] : memref<160000xi32, #tpu.memory_space<hbm>> -> memref<80xi32, #tpu.memory_space<hbm>>
          %dma_start3A_55 = tpu.memref_slice %arg4[%add3A_54] : memref<160000xi32, #tpu.memory_space<hbm>> -> memref<80xi32, #tpu.memory_space<hbm>>
          tpu.enqueue_dma source(%dma_start3A_55 : memref<80xi32, #tpu.memory_space<hbm>>) target(%arg9 : memref<80xi32, #tpu.memory_space<vmem>>) target_semaphore(%run_scoped3A : memref<!tpu.dma_semaphore, #tpu.memory_space<semaphore_mem>>)
          %dma_wait3A = tpu.memref_slice %arg4[%add3A_54] : memref<160000xi32, #tpu.memory_space<hbm>> -> memref<80xi32, #tpu.memory_space<hbm>>
          %dma_wait3A_56 = tpu.memref_slice %arg4[%add3A_54] : memref<160000xi32, #tpu.memory_space<hbm>> -> memref<80xi32, #tpu.memory_space<hbm>>
          tpu.wait_dma2 semaphore(%run_scoped3A : memref<!tpu.dma_semaphore, #tpu.memory_space<semaphore_mem>>) src(%dma_wait3A_56 : memref<80xi32, #tpu.memory_space<hbm>>) dst(%arg9 : memref<80xi32, #tpu.memory_space<vmem>>)
          tpu.yield
        }) : () -> ()
        "tpu.region"() ({
          %run_scoped3A = tpu.sem_alloc : memref<!tpu.dma_semaphore, #tpu.memory_space<semaphore_mem>>
          %dma_start3A = arith.constant 0 : i32
          %dma_start3A_55 = arith.constant 0 : i32
          %dma_start3A_56 = tpu.memref_slice %arg3[%dma_start3A, %dma_start3A_55] : memref<10000x128xf32, #tpu.memory_space<hbm>> -> memref<10000x128xf32, #tpu.memory_space<hbm>>
          tpu.enqueue_indirect_dma source(%dma_start3A_56 : memref<10000x128xf32, #tpu.memory_space<hbm>>) target(%arg11 : memref<80x128xf32, #tpu.memory_space<vmem>>) offsets(%arg9 : memref<80xi32, #tpu.memory_space<vmem>>) semaphore(%run_scoped3A : memref<!tpu.dma_semaphore, #tpu.memory_space<semaphore_mem>>)
          %dma_wait3A = arith.constant 0 : i32
          %dma_wait3A_57 = arith.constant 0 : i32
          %dma_wait3A_58 = tpu.memref_slice %arg3[%dma_wait3A, %dma_wait3A_57] : memref<10000x128xf32, #tpu.memory_space<hbm>> -> memref<10000x128xf32, #tpu.memory_space<hbm>>
          tpu.wait_indirect_dma semaphore(%run_scoped3A : memref<!tpu.dma_semaphore, #tpu.memory_space<semaphore_mem>>) src(%dma_wait3A_58 : memref<10000x128xf32, #tpu.memory_space<hbm>>) dst(%arg11 : memref<80x128xf32, #tpu.memory_space<vmem>>)
          tpu.yield
        }) : () -> ()
        "tpu.region"() ({
          %run_scoped3A = tpu.sem_alloc : memref<!tpu.dma_semaphore, #tpu.memory_space<semaphore_mem>>
          %dma_start3A = tpu.memref_slice %arg5[%add3A_54] : memref<160000xi32, #tpu.memory_space<hbm>> -> memref<80xi32, #tpu.memory_space<hbm>>
          %dma_start3A_55 = tpu.memref_slice %arg5[%add3A_54] : memref<160000xi32, #tpu.memory_space<hbm>> -> memref<80xi32, #tpu.memory_space<hbm>>
          tpu.enqueue_dma source(%dma_start3A_55 : memref<80xi32, #tpu.memory_space<hbm>>) target(%arg10 : memref<80xi32, #tpu.memory_space<vmem>>) target_semaphore(%run_scoped3A : memref<!tpu.dma_semaphore, #tpu.memory_space<semaphore_mem>>)
          %dma_wait3A = tpu.memref_slice %arg5[%add3A_54] : memref<160000xi32, #tpu.memory_space<hbm>> -> memref<80xi32, #tpu.memory_space<hbm>>
          %dma_wait3A_56 = tpu.memref_slice %arg5[%add3A_54] : memref<160000xi32, #tpu.memory_space<hbm>> -> memref<80xi32, #tpu.memory_space<hbm>>
          tpu.wait_dma2 semaphore(%run_scoped3A : memref<!tpu.dma_semaphore, #tpu.memory_space<semaphore_mem>>) src(%dma_wait3A_56 : memref<80xi32, #tpu.memory_space<hbm>>) dst(%arg10 : memref<80xi32, #tpu.memory_space<vmem>>)
          tpu.yield
        }) : () -> ()
        "tpu.region"() ({
          %run_scoped3A = tpu.sem_alloc : memref<!tpu.dma_semaphore, #tpu.memory_space<semaphore_mem>>
          %dma_start3A = arith.constant 0 : i32
          %dma_start3A_55 = arith.constant 0 : i32
          %dma_start3A_56 = tpu.memref_slice %arg12[%dma_start3A, %dma_start3A_55] : memref<10000x128xf32, #tpu.memory_space<vmem_shared>> -> memref<10000x128xf32, #tpu.memory_space<vmem_shared>>
          tpu.enqueue_indirect_dma source(%arg11 : memref<80x128xf32, #tpu.memory_space<vmem>>) target(%dma_start3A_56 : memref<10000x128xf32, #tpu.memory_space<vmem_shared>>) offsets(%arg10 : memref<80xi32, #tpu.memory_space<vmem>>) semaphore(%run_scoped3A : memref<!tpu.dma_semaphore, #tpu.memory_space<semaphore_mem>>) {add = true}
          %dma_wait3A = arith.constant 0 : i32
          %dma_wait3A_57 = arith.constant 0 : i32
          %dma_wait3A_58 = tpu.memref_slice %arg12[%dma_wait3A, %dma_wait3A_57] : memref<10000x128xf32, #tpu.memory_space<vmem_shared>> -> memref<10000x128xf32, #tpu.memory_space<vmem_shared>>
          tpu.wait_indirect_dma semaphore(%run_scoped3A : memref<!tpu.dma_semaphore, #tpu.memory_space<semaphore_mem>>) src(%arg11 : memref<80x128xf32, #tpu.memory_space<vmem>>) dst(%dma_wait3A_58 : memref<10000x128xf32, #tpu.memory_space<vmem_shared>>)
          tpu.yield
        }) : () -> ()
      }
      %scan3A_35 = arith.constant 125 : i32
    } else {
    }
    %barrier3A_20 = arith.constant 0 : index
    tpu.barrier barrier_id(%barrier3A_20)
    %eq3A_21 = arith.constant 0 : i32
    %eq3A_22 = arith.cmpi eq, %arg0, %eq3A_21 : i32
    %convert_element_type3A_23 = arith.extui %eq3A_22 : i1 to i32
    %cond3A_24 = arith.constant 0 : i32
    %cond3A_25 = arith.cmpi ne, %convert_element_type3A_23, %cond3A_24 : i32
    scf.if %cond3A_25 {
      %while3A_31 = arith.constant 0 : i32
      %while3A_32 = arith.constant 0 : i32
      %while3A_33 = arith.subi %select_n3A, %while3A_32 : i32
      %while3A_34 = arith.addi %while3A_32, %while3A_33 : i32
      %while3A_35 = arith.constant 1 : i32
      %while3A_36 = arith.divsi %while3A_33, %while3A_35 : i32
      %while3A_37 = arith.muli %while3A_36, %while3A_35 : i32
      %while3A_38 = arith.addi %while3A_32, %while3A_37 : i32
      %while3A_39 = arith.constant 1 : i32
      scf.for %while3A_41 = %while3A_32 to %while3A_38 step %while3A_39  : i32 {
        %mul3A_42 = arith.constant 80 : i32
        %mul3A_43 = arith.muli %mul3A_42, %while3A_41 : i32
        %add3A = arith.addi %mul3A_0, %mul3A_43 : i32
        "tpu.region"() ({
          %run_scoped3A = tpu.sem_alloc : memref<!tpu.dma_semaphore, #tpu.memory_space<semaphore_mem>>
          %dma_start3A = arith.constant 0 : i32
          %dma_start3A_44 = tpu.memref_slice %arg12[%add3A, %dma_start3A] : memref<10000x128xf32, #tpu.memory_space<vmem_shared>> -> memref<80x128xf32, #tpu.memory_space<vmem_shared>>
          %dma_start3A_45 = arith.constant 0 : i32
          %dma_start3A_46 = tpu.memref_slice %arg12[%add3A, %dma_start3A_45] : memref<10000x128xf32, #tpu.memory_space<vmem_shared>> -> memref<80x128xf32, #tpu.memory_space<vmem_shared>>
          tpu.enqueue_dma source(%dma_start3A_46 : memref<80x128xf32, #tpu.memory_space<vmem_shared>>) target(%arg11 : memref<80x128xf32, #tpu.memory_space<vmem>>) target_semaphore(%run_scoped3A : memref<!tpu.dma_semaphore, #tpu.memory_space<semaphore_mem>>)
          %dma_wait3A = arith.constant 0 : i32
          %dma_wait3A_47 = tpu.memref_slice %arg12[%add3A, %dma_wait3A] : memref<10000x128xf32, #tpu.memory_space<vmem_shared>> -> memref<80x128xf32, #tpu.memory_space<vmem_shared>>
          %dma_wait3A_48 = arith.constant 0 : i32
          %dma_wait3A_49 = tpu.memref_slice %arg12[%add3A, %dma_wait3A_48] : memref<10000x128xf32, #tpu.memory_space<vmem_shared>> -> memref<80x128xf32, #tpu.memory_space<vmem_shared>>
          tpu.wait_dma2 semaphore(%run_scoped3A : memref<!tpu.dma_semaphore, #tpu.memory_space<semaphore_mem>>) src(%dma_wait3A_49 : memref<80x128xf32, #tpu.memory_space<vmem_shared>>) dst(%arg11 : memref<80x128xf32, #tpu.memory_space<vmem>>)
          tpu.yield
        }) : () -> ()
        "tpu.region"() ({
          %run_scoped3A = tpu.sem_alloc : memref<!tpu.dma_semaphore, #tpu.memory_space<semaphore_mem>>
          %dma_start3A = arith.constant 0 : i32
          %dma_start3A_44 = tpu.memref_slice %arg7[%add3A, %dma_start3A] : memref<10000x128xf32, #tpu.memory_space<hbm>> -> memref<80x128xf32, #tpu.memory_space<hbm>>
          %dma_start3A_45 = arith.constant 0 : i32
          %dma_start3A_46 = tpu.memref_slice %arg7[%add3A, %dma_start3A_45] : memref<10000x128xf32, #tpu.memory_space<hbm>> -> memref<80x128xf32, #tpu.memory_space<hbm>>
          tpu.enqueue_dma source(%arg11 : memref<80x128xf32, #tpu.memory_space<vmem>>) target(%dma_start3A_46 : memref<80x128xf32, #tpu.memory_space<hbm>>) target_semaphore(%run_scoped3A : memref<!tpu.dma_semaphore, #tpu.memory_space<semaphore_mem>>)
          %dma_wait3A = arith.constant 0 : i32
          %dma_wait3A_47 = tpu.memref_slice %arg7[%add3A, %dma_wait3A] : memref<10000x128xf32, #tpu.memory_space<hbm>> -> memref<80x128xf32, #tpu.memory_space<hbm>>
          %dma_wait3A_48 = arith.constant 0 : i32
          %dma_wait3A_49 = tpu.memref_slice %arg7[%add3A, %dma_wait3A_48] : memref<10000x128xf32, #tpu.memory_space<hbm>> -> memref<80x128xf32, #tpu.memory_space<hbm>>
          tpu.wait_dma2 semaphore(%run_scoped3A : memref<!tpu.dma_semaphore, #tpu.memory_space<semaphore_mem>>) src(%arg11 : memref<80x128xf32, #tpu.memory_space<vmem>>) dst(%dma_wait3A_49 : memref<80x128xf32, #tpu.memory_space<hbm>>)
          tpu.yield
        }) : () -> ()
      }
      %while3A_40 = arith.constant 1 : i32
      scf.for %while3A_41 = %while3A_38 to %while3A_34 step %while3A_40  : i32 {
        %mul3A_42 = arith.constant 80 : i32
        %mul3A_43 = arith.muli %mul3A_42, %while3A_41 : i32
        %add3A = arith.addi %mul3A_0, %mul3A_43 : i32
        "tpu.region"() ({
          %run_scoped3A = tpu.sem_alloc : memref<!tpu.dma_semaphore, #tpu.memory_space<semaphore_mem>>
          %dma_start3A = arith.constant 0 : i32
          %dma_start3A_44 = tpu.memref_slice %arg12[%add3A, %dma_start3A] : memref<10000x128xf32, #tpu.memory_space<vmem_shared>> -> memref<80x128xf32, #tpu.memory_space<vmem_shared>>
          %dma_start3A_45 = arith.constant 0 : i32
          %dma_start3A_46 = tpu.memref_slice %arg12[%add3A, %dma_start3A_45] : memref<10000x128xf32, #tpu.memory_space<vmem_shared>> -> memref<80x128xf32, #tpu.memory_space<vmem_shared>>
          tpu.enqueue_dma source(%dma_start3A_46 : memref<80x128xf32, #tpu.memory_space<vmem_shared>>) target(%arg11 : memref<80x128xf32, #tpu.memory_space<vmem>>) target_semaphore(%run_scoped3A : memref<!tpu.dma_semaphore, #tpu.memory_space<semaphore_mem>>)
          %dma_wait3A = arith.constant 0 : i32
          %dma_wait3A_47 = tpu.memref_slice %arg12[%add3A, %dma_wait3A] : memref<10000x128xf32, #tpu.memory_space<vmem_shared>> -> memref<80x128xf32, #tpu.memory_space<vmem_shared>>
          %dma_wait3A_48 = arith.constant 0 : i32
          %dma_wait3A_49 = tpu.memref_slice %arg12[%add3A, %dma_wait3A_48] : memref<10000x128xf32, #tpu.memory_space<vmem_shared>> -> memref<80x128xf32, #tpu.memory_space<vmem_shared>>
          tpu.wait_dma2 semaphore(%run_scoped3A : memref<!tpu.dma_semaphore, #tpu.memory_space<semaphore_mem>>) src(%dma_wait3A_49 : memref<80x128xf32, #tpu.memory_space<vmem_shared>>) dst(%arg11 : memref<80x128xf32, #tpu.memory_space<vmem>>)
          tpu.yield
        }) : () -> ()
        "tpu.region"() ({
          %run_scoped3A = tpu.sem_alloc : memref<!tpu.dma_semaphore, #tpu.memory_space<semaphore_mem>>
          %dma_start3A = arith.constant 0 : i32
          %dma_start3A_44 = tpu.memref_slice %arg7[%add3A, %dma_start3A] : memref<10000x128xf32, #tpu.memory_space<hbm>> -> memref<80x128xf32, #tpu.memory_space<hbm>>
          %dma_start3A_45 = arith.constant 0 : i32
          %dma_start3A_46 = tpu.memref_slice %arg7[%add3A, %dma_start3A_45] : memref<10000x128xf32, #tpu.memory_space<hbm>> -> memref<80x128xf32, #tpu.memory_space<hbm>>
          tpu.enqueue_dma source(%arg11 : memref<80x128xf32, #tpu.memory_space<vmem>>) target(%dma_start3A_46 : memref<80x128xf32, #tpu.memory_space<hbm>>) target_semaphore(%run_scoped3A : memref<!tpu.dma_semaphore, #tpu.memory_space<semaphore_mem>>)
          %dma_wait3A = arith.constant 0 : i32
          %dma_wait3A_47 = tpu.memref_slice %arg7[%add3A, %dma_wait3A] : memref<10000x128xf32, #tpu.memory_space<hbm>> -> memref<80x128xf32, #tpu.memory_space<hbm>>
          %dma_wait3A_48 = arith.constant 0 : i32
          %dma_wait3A_49 = tpu.memref_slice %arg7[%add3A, %dma_wait3A_48] : memref<10000x128xf32, #tpu.memory_space<hbm>> -> memref<80x128xf32, #tpu.memory_space<hbm>>
          tpu.wait_dma2 semaphore(%run_scoped3A : memref<!tpu.dma_semaphore, #tpu.memory_space<semaphore_mem>>) src(%arg11 : memref<80x128xf32, #tpu.memory_space<vmem>>) dst(%dma_wait3A_49 : memref<80x128xf32, #tpu.memory_space<hbm>>)
          tpu.yield
        }) : () -> ()
      }
    } else {
    }
    %eq3A_26 = arith.constant 1 : i32
    %eq3A_27 = arith.cmpi eq, %arg0, %eq3A_26 : i32
    %convert_element_type3A_28 = arith.extui %eq3A_27 : i1 to i32
    %cond3A_29 = arith.constant 0 : i32
    %cond3A_30 = arith.cmpi ne, %convert_element_type3A_28, %cond3A_29 : i32
    scf.if %cond3A_30 {
      %while3A_31 = arith.constant 0 : i32
      %while3A_32 = arith.constant 0 : i32
      %while3A_33 = arith.subi %select_n3A, %while3A_32 : i32
      %while3A_34 = arith.addi %while3A_32, %while3A_33 : i32
      %while3A_35 = arith.constant 1 : i32
      %while3A_36 = arith.divsi %while3A_33, %while3A_35 : i32
      %while3A_37 = arith.muli %while3A_36, %while3A_35 : i32
      %while3A_38 = arith.addi %while3A_32, %while3A_37 : i32
      %while3A_39 = arith.constant 1 : i32
      scf.for %while3A_41 = %while3A_32 to %while3A_38 step %while3A_39  : i32 {
        %mul3A_42 = arith.constant 80 : i32
        %mul3A_43 = arith.muli %mul3A_42, %while3A_41 : i32
        %add3A = arith.addi %mul3A_0, %mul3A_43 : i32
        "tpu.region"() ({
          %run_scoped3A = tpu.sem_alloc : memref<!tpu.dma_semaphore, #tpu.memory_space<semaphore_mem>>
          %dma_start3A = arith.constant 0 : i32
          %dma_start3A_44 = tpu.memref_slice %arg12[%add3A, %dma_start3A] : memref<10000x128xf32, #tpu.memory_space<vmem_shared>> -> memref<80x128xf32, #tpu.memory_space<vmem_shared>>
          %dma_start3A_45 = arith.constant 0 : i32
          %dma_start3A_46 = tpu.memref_slice %arg12[%add3A, %dma_start3A_45] : memref<10000x128xf32, #tpu.memory_space<vmem_shared>> -> memref<80x128xf32, #tpu.memory_space<vmem_shared>>
          tpu.enqueue_dma source(%dma_start3A_46 : memref<80x128xf32, #tpu.memory_space<vmem_shared>>) target(%arg11 : memref<80x128xf32, #tpu.memory_space<vmem>>) target_semaphore(%run_scoped3A : memref<!tpu.dma_semaphore, #tpu.memory_space<semaphore_mem>>)
          %dma_wait3A = arith.constant 0 : i32
          %dma_wait3A_47 = tpu.memref_slice %arg12[%add3A, %dma_wait3A] : memref<10000x128xf32, #tpu.memory_space<vmem_shared>> -> memref<80x128xf32, #tpu.memory_space<vmem_shared>>
          %dma_wait3A_48 = arith.constant 0 : i32
          %dma_wait3A_49 = tpu.memref_slice %arg12[%add3A, %dma_wait3A_48] : memref<10000x128xf32, #tpu.memory_space<vmem_shared>> -> memref<80x128xf32, #tpu.memory_space<vmem_shared>>
          tpu.wait_dma2 semaphore(%run_scoped3A : memref<!tpu.dma_semaphore, #tpu.memory_space<semaphore_mem>>) src(%dma_wait3A_49 : memref<80x128xf32, #tpu.memory_space<vmem_shared>>) dst(%arg11 : memref<80x128xf32, #tpu.memory_space<vmem>>)
          tpu.yield
        }) : () -> ()
        "tpu.region"() ({
          %run_scoped3A = tpu.sem_alloc : memref<!tpu.dma_semaphore, #tpu.memory_space<semaphore_mem>>
          %dma_start3A = arith.constant 0 : i32
          %dma_start3A_44 = tpu.memref_slice %arg8[%add3A, %dma_start3A] : memref<10000x128xf32, #tpu.memory_space<hbm>> -> memref<80x128xf32, #tpu.memory_space<hbm>>
          %dma_start3A_45 = arith.constant 0 : i32
          %dma_start3A_46 = tpu.memref_slice %arg8[%add3A, %dma_start3A_45] : memref<10000x128xf32, #tpu.memory_space<hbm>> -> memref<80x128xf32, #tpu.memory_space<hbm>>
          tpu.enqueue_dma source(%arg11 : memref<80x128xf32, #tpu.memory_space<vmem>>) target(%dma_start3A_46 : memref<80x128xf32, #tpu.memory_space<hbm>>) target_semaphore(%run_scoped3A : memref<!tpu.dma_semaphore, #tpu.memory_space<semaphore_mem>>)
          %dma_wait3A = arith.constant 0 : i32
          %dma_wait3A_47 = tpu.memref_slice %arg8[%add3A, %dma_wait3A] : memref<10000x128xf32, #tpu.memory_space<hbm>> -> memref<80x128xf32, #tpu.memory_space<hbm>>
          %dma_wait3A_48 = arith.constant 0 : i32
          %dma_wait3A_49 = tpu.memref_slice %arg8[%add3A, %dma_wait3A_48] : memref<10000x128xf32, #tpu.memory_space<hbm>> -> memref<80x128xf32, #tpu.memory_space<hbm>>
          tpu.wait_dma2 semaphore(%run_scoped3A : memref<!tpu.dma_semaphore, #tpu.memory_space<semaphore_mem>>) src(%arg11 : memref<80x128xf32, #tpu.memory_space<vmem>>) dst(%dma_wait3A_49 : memref<80x128xf32, #tpu.memory_space<hbm>>)
          tpu.yield
        }) : () -> ()
      }
      %while3A_40 = arith.constant 1 : i32
      scf.for %while3A_41 = %while3A_38 to %while3A_34 step %while3A_40  : i32 {
        %mul3A_42 = arith.constant 80 : i32
        %mul3A_43 = arith.muli %mul3A_42, %while3A_41 : i32
        %add3A = arith.addi %mul3A_0, %mul3A_43 : i32
        "tpu.region"() ({
          %run_scoped3A = tpu.sem_alloc : memref<!tpu.dma_semaphore, #tpu.memory_space<semaphore_mem>>
          %dma_start3A = arith.constant 0 : i32
          %dma_start3A_44 = tpu.memref_slice %arg12[%add3A, %dma_start3A] : memref<10000x128xf32, #tpu.memory_space<vmem_shared>> -> memref<80x128xf32, #tpu.memory_space<vmem_shared>>
          %dma_start3A_45 = arith.constant 0 : i32
          %dma_start3A_46 = tpu.memref_slice %arg12[%add3A, %dma_start3A_45] : memref<10000x128xf32, #tpu.memory_space<vmem_shared>> -> memref<80x128xf32, #tpu.memory_space<vmem_shared>>
          tpu.enqueue_dma source(%dma_start3A_46 : memref<80x128xf32, #tpu.memory_space<vmem_shared>>) target(%arg11 : memref<80x128xf32, #tpu.memory_space<vmem>>) target_semaphore(%run_scoped3A : memref<!tpu.dma_semaphore, #tpu.memory_space<semaphore_mem>>)
          %dma_wait3A = arith.constant 0 : i32
          %dma_wait3A_47 = tpu.memref_slice %arg12[%add3A, %dma_wait3A] : memref<10000x128xf32, #tpu.memory_space<vmem_shared>> -> memref<80x128xf32, #tpu.memory_space<vmem_shared>>
          %dma_wait3A_48 = arith.constant 0 : i32
          %dma_wait3A_49 = tpu.memref_slice %arg12[%add3A, %dma_wait3A_48] : memref<10000x128xf32, #tpu.memory_space<vmem_shared>> -> memref<80x128xf32, #tpu.memory_space<vmem_shared>>
          tpu.wait_dma2 semaphore(%run_scoped3A : memref<!tpu.dma_semaphore, #tpu.memory_space<semaphore_mem>>) src(%dma_wait3A_49 : memref<80x128xf32, #tpu.memory_space<vmem_shared>>) dst(%arg11 : memref<80x128xf32, #tpu.memory_space<vmem>>)
          tpu.yield
        }) : () -> ()
        "tpu.region"() ({
          %run_scoped3A = tpu.sem_alloc : memref<!tpu.dma_semaphore, #tpu.memory_space<semaphore_mem>>
          %dma_start3A = arith.constant 0 : i32
          %dma_start3A_44 = tpu.memref_slice %arg8[%add3A, %dma_start3A] : memref<10000x128xf32, #tpu.memory_space<hbm>> -> memref<80x128xf32, #tpu.memory_space<hbm>>
          %dma_start3A_45 = arith.constant 0 : i32
          %dma_start3A_46 = tpu.memref_slice %arg8[%add3A, %dma_start3A_45] : memref<10000x128xf32, #tpu.memory_space<hbm>> -> memref<80x128xf32, #tpu.memory_space<hbm>>
          tpu.enqueue_dma source(%arg11 : memref<80x128xf32, #tpu.memory_space<vmem>>) target(%dma_start3A_46 : memref<80x128xf32, #tpu.memory_space<hbm>>) target_semaphore(%run_scoped3A : memref<!tpu.dma_semaphore, #tpu.memory_space<semaphore_mem>>)
          %dma_wait3A = arith.constant 0 : i32
          %dma_wait3A_47 = tpu.memref_slice %arg8[%add3A, %dma_wait3A] : memref<10000x128xf32, #tpu.memory_space<hbm>> -> memref<80x128xf32, #tpu.memory_space<hbm>>
          %dma_wait3A_48 = arith.constant 0 : i32
          %dma_wait3A_49 = tpu.memref_slice %arg8[%add3A, %dma_wait3A_48] : memref<10000x128xf32, #tpu.memory_space<hbm>> -> memref<80x128xf32, #tpu.memory_space<hbm>>
          tpu.wait_dma2 semaphore(%run_scoped3A : memref<!tpu.dma_semaphore, #tpu.memory_space<semaphore_mem>>) src(%arg11 : memref<80x128xf32, #tpu.memory_space<vmem>>) dst(%dma_wait3A_49 : memref<80x128xf32, #tpu.memory_space<hbm>>)
          tpu.yield
        }) : () -> ()
      }
    } else {
    }
    return
  }
}

#map = affine_map<(d0, d1) -> (0, 0)>
#map1 = affine_map<(d0, d1) -> (0)>
module attributes {stable_mosaic.version = 14 : i64} {
  func.func @_agg_pair_body(%arg0: i32, %arg1: i32, %arg2: memref<10000x128xf32, #tpu.memory_space<hbm>>, %arg3: memref<10000x128xf32, #tpu.memory_space<hbm>>, %arg4: memref<160000xi32, #tpu.memory_space<hbm>>, %arg5: memref<160000xi32, #tpu.memory_space<hbm>>, %arg6: memref<80x128xf32, #tpu.memory_space<hbm>>, %arg7: memref<10000x128xf32, #tpu.memory_space<hbm>>, %arg8: memref<10000x128xf32, #tpu.memory_space<hbm>>, %arg9: memref<80xi32, #tpu.memory_space<vmem>>, %arg10: memref<80xi32, #tpu.memory_space<vmem>>, %arg11: memref<80x128xf32, #tpu.memory_space<vmem>>, %arg12: memref<10000x128xf32, #tpu.memory_space<vmem_shared>>) attributes {dimension_semantics = [#tpu.dimension_semantics<core_parallel>, #tpu.dimension_semantics<subcore_parallel>], iteration_bounds = array<i64: 2, 16>, scalar_prefetch = 0 : i64, scratch_operands = 4 : i64, tpu.core_type = #tpu.core_type<sc_vector_subcore>, window_params = [{transform_indices = #map}, {transform_indices = #map}, {transform_indices = #map1}, {transform_indices = #map1}, {transform_indices = #map}, {transform_indices = #map}, {transform_indices = #map}]} {
    "tpu.region"() ({
      %run_scoped3A = tpu.sem_alloc : memref<!tpu.dma_semaphore, #tpu.memory_space<semaphore_mem>>
      tpu.enqueue_dma source(%arg6 : memref<80x128xf32, #tpu.memory_space<hbm>>) target(%arg11 : memref<80x128xf32, #tpu.memory_space<vmem>>) target_semaphore(%run_scoped3A : memref<!tpu.dma_semaphore, #tpu.memory_space<semaphore_mem>>)
      tpu.wait_dma2 semaphore(%run_scoped3A : memref<!tpu.dma_semaphore, #tpu.memory_space<semaphore_mem>>) src(%arg6 : memref<80x128xf32, #tpu.memory_space<hbm>>) dst(%arg11 : memref<80x128xf32, #tpu.memory_space<vmem>>)
      tpu.yield
    }) : () -> ()
    %mul3A = arith.constant 640 : i32
    %mul3A_0 = arith.muli %arg1, %mul3A : i32
    %eq3A = arith.constant 15 : i32
    %eq3A_1 = arith.cmpi eq, %arg1, %eq3A : i32
    %jit3A = arith.constant 5 : i32
    %jit3A_2 = arith.constant 8 : i32
    %select_n3A = arith.select %eq3A_1, %jit3A, %jit3A_2 : i32
    %while3A = arith.constant 0 : i32
    %while3A_3 = arith.constant 0 : i32
    %while3A_4 = arith.subi %select_n3A, %while3A_3 : i32
    %while3A_5 = arith.addi %while3A_3, %while3A_4 : i32
    %while3A_6 = arith.constant 1 : i32
    %while3A_7 = arith.divsi %while3A_4, %while3A_6 : i32
    %while3A_8 = arith.muli %while3A_7, %while3A_6 : i32
    %while3A_9 = arith.addi %while3A_3, %while3A_8 : i32
    %while3A_10 = arith.constant 1 : i32
    scf.for %while3A_31 = %while3A_3 to %while3A_9 step %while3A_10  : i32 {
      %mul3A_32 = arith.constant 80 : i32
      %mul3A_33 = arith.muli %mul3A_32, %while3A_31 : i32
      %add3A = arith.addi %mul3A_0, %mul3A_33 : i32
      "tpu.region"() ({
        %run_scoped3A = tpu.sem_alloc : memref<!tpu.dma_semaphore, #tpu.memory_space<semaphore_mem>>
        %dma_start3A = arith.constant 0 : i32
        %dma_start3A_34 = tpu.memref_slice %arg12[%add3A, %dma_start3A] : memref<10000x128xf32, #tpu.memory_space<vmem_shared>> -> memref<80x128xf32, #tpu.memory_space<vmem_shared>>
        %dma_start3A_35 = arith.constant 0 : i32
        %dma_start3A_36 = tpu.memref_slice %arg12[%add3A, %dma_start3A_35] : memref<10000x128xf32, #tpu.memory_space<vmem_shared>> -> memref<80x128xf32, #tpu.memory_space<vmem_shared>>
        tpu.enqueue_dma source(%arg11 : memref<80x128xf32, #tpu.memory_space<vmem>>) target(%dma_start3A_36 : memref<80x128xf32, #tpu.memory_space<vmem_shared>>) target_semaphore(%run_scoped3A : memref<!tpu.dma_semaphore, #tpu.memory_space<semaphore_mem>>)
        %dma_wait3A = arith.constant 0 : i32
        %dma_wait3A_37 = tpu.memref_slice %arg12[%add3A, %dma_wait3A] : memref<10000x128xf32, #tpu.memory_space<vmem_shared>> -> memref<80x128xf32, #tpu.memory_space<vmem_shared>>
        %dma_wait3A_38 = arith.constant 0 : i32
        %dma_wait3A_39 = tpu.memref_slice %arg12[%add3A, %dma_wait3A_38] : memref<10000x128xf32, #tpu.memory_space<vmem_shared>> -> memref<80x128xf32, #tpu.memory_space<vmem_shared>>
        tpu.wait_dma2 semaphore(%run_scoped3A : memref<!tpu.dma_semaphore, #tpu.memory_space<semaphore_mem>>) src(%arg11 : memref<80x128xf32, #tpu.memory_space<vmem>>) dst(%dma_wait3A_39 : memref<80x128xf32, #tpu.memory_space<vmem_shared>>)
        tpu.yield
      }) : () -> ()
    }
    %while3A_11 = arith.constant 1 : i32
    scf.for %while3A_31 = %while3A_9 to %while3A_5 step %while3A_11  : i32 {
      %mul3A_32 = arith.constant 80 : i32
      %mul3A_33 = arith.muli %mul3A_32, %while3A_31 : i32
      %add3A = arith.addi %mul3A_0, %mul3A_33 : i32
      "tpu.region"() ({
        %run_scoped3A = tpu.sem_alloc : memref<!tpu.dma_semaphore, #tpu.memory_space<semaphore_mem>>
        %dma_start3A = arith.constant 0 : i32
        %dma_start3A_34 = tpu.memref_slice %arg12[%add3A, %dma_start3A] : memref<10000x128xf32, #tpu.memory_space<vmem_shared>> -> memref<80x128xf32, #tpu.memory_space<vmem_shared>>
        %dma_start3A_35 = arith.constant 0 : i32
        %dma_start3A_36 = tpu.memref_slice %arg12[%add3A, %dma_start3A_35] : memref<10000x128xf32, #tpu.memory_space<vmem_shared>> -> memref<80x128xf32, #tpu.memory_space<vmem_shared>>
        tpu.enqueue_dma source(%arg11 : memref<80x128xf32, #tpu.memory_space<vmem>>) target(%dma_start3A_36 : memref<80x128xf32, #tpu.memory_space<vmem_shared>>) target_semaphore(%run_scoped3A : memref<!tpu.dma_semaphore, #tpu.memory_space<semaphore_mem>>)
        %dma_wait3A = arith.constant 0 : i32
        %dma_wait3A_37 = tpu.memref_slice %arg12[%add3A, %dma_wait3A] : memref<10000x128xf32, #tpu.memory_space<vmem_shared>> -> memref<80x128xf32, #tpu.memory_space<vmem_shared>>
        %dma_wait3A_38 = arith.constant 0 : i32
        %dma_wait3A_39 = tpu.memref_slice %arg12[%add3A, %dma_wait3A_38] : memref<10000x128xf32, #tpu.memory_space<vmem_shared>> -> memref<80x128xf32, #tpu.memory_space<vmem_shared>>
        tpu.wait_dma2 semaphore(%run_scoped3A : memref<!tpu.dma_semaphore, #tpu.memory_space<semaphore_mem>>) src(%arg11 : memref<80x128xf32, #tpu.memory_space<vmem>>) dst(%dma_wait3A_39 : memref<80x128xf32, #tpu.memory_space<vmem_shared>>)
        tpu.yield
      }) : () -> ()
    }
    %barrier3A = arith.constant 0 : index
    tpu.barrier barrier_id(%barrier3A)
    %eq3A_12 = arith.constant 0 : i32
    %eq3A_13 = arith.cmpi eq, %arg0, %eq3A_12 : i32
    %convert_element_type3A = arith.extui %eq3A_13 : i1 to i32
    %cond3A = arith.constant 0 : i32
    %cond3A_14 = arith.cmpi ne, %convert_element_type3A, %cond3A : i32
    scf.if %cond3A_14 {
      %scan3A = arith.constant 0 : i32
      %scan3A_31 = arith.constant 0 : i32
      %scan3A_32 = arith.constant 125 : i32
      %scan3A_33 = arith.addi %scan3A_31, %scan3A_32 : i32
      %scan3A_34 = arith.constant 1 : i32
      scf.for %scan3A_36 = %scan3A_31 to %scan3A_33 step %scan3A_34  : i32 {
        %mul3A_37 = arith.constant 10000 : i32
        %mul3A_38 = arith.muli %arg1, %mul3A_37 : i32
        %mul3A_39 = arith.constant 57 : i32
        %mul3A_40 = arith.muli %scan3A_36, %mul3A_39 : i32
        %jit3A_41 = arith.constant 125 : i32
        %eq3A_42 = arith.constant 0 : i32
        %eq3A_43 = arith.cmpi eq, %jit3A_41, %eq3A_42 : i32
        %jit3A_44 = arith.constant 1 : i32
        %select_n3A_45 = arith.select %eq3A_43, %jit3A_44, %jit3A_41 : i32
        %rem3A = arith.remsi %mul3A_40, %select_n3A_45 : i32
        %ne3A = arith.constant 0 : i32
        %ne3A_46 = arith.cmpi ne, %rem3A, %ne3A : i32
        %lt3A = arith.constant 0 : i32
        %lt3A_47 = arith.cmpi slt, %rem3A, %lt3A : i32
        %lt3A_48 = arith.constant 0 : i32
        %lt3A_49 = arith.cmpi slt, %select_n3A_45, %lt3A_48 : i32
        %ne3A_50 = arith.xori %lt3A_47, %lt3A_49 : i1
        %and3A = arith.andi %ne3A_50, %ne3A_46 : i1
        %add3A = arith.addi %rem3A, %select_n3A_45 : i32
        %select_n3A_51 = arith.select %and3A, %add3A, %rem3A : i32
        %mul3A_52 = arith.constant 80 : i32
        %mul3A_53 = arith.muli %mul3A_52, %select_n3A_51 : i32
        %add3A_54 = arith.addi %mul3A_38, %mul3A_53 : i32
        "tpu.region"() ({
          %run_scoped3A = tpu.sem_alloc : memref<!tpu.dma_semaphore, #tpu.memory_space<semaphore_mem>>
          %dma_start3A = tpu.memref_slice %arg4[%add3A_54] : memref<160000xi32, #tpu.memory_space<hbm>> -> memref<80xi32, #tpu.memory_space<hbm>>
          %dma_start3A_55 = tpu.memref_slice %arg4[%add3A_54] : memref<160000xi32, #tpu.memory_space<hbm>> -> memref<80xi32, #tpu.memory_space<hbm>>
          tpu.enqueue_dma source(%dma_start3A_55 : memref<80xi32, #tpu.memory_space<hbm>>) target(%arg9 : memref<80xi32, #tpu.memory_space<vmem>>) target_semaphore(%run_scoped3A : memref<!tpu.dma_semaphore, #tpu.memory_space<semaphore_mem>>)
          %dma_wait3A = tpu.memref_slice %arg4[%add3A_54] : memref<160000xi32, #tpu.memory_space<hbm>> -> memref<80xi32, #tpu.memory_space<hbm>>
          %dma_wait3A_56 = tpu.memref_slice %arg4[%add3A_54] : memref<160000xi32, #tpu.memory_space<hbm>> -> memref<80xi32, #tpu.memory_space<hbm>>
          tpu.wait_dma2 semaphore(%run_scoped3A : memref<!tpu.dma_semaphore, #tpu.memory_space<semaphore_mem>>) src(%dma_wait3A_56 : memref<80xi32, #tpu.memory_space<hbm>>) dst(%arg9 : memref<80xi32, #tpu.memory_space<vmem>>)
          tpu.yield
        }) : () -> ()
        "tpu.region"() ({
          %run_scoped3A = tpu.sem_alloc : memref<!tpu.dma_semaphore, #tpu.memory_space<semaphore_mem>>
          %dma_start3A = arith.constant 0 : i32
          %dma_start3A_55 = arith.constant 0 : i32
          %dma_start3A_56 = tpu.memref_slice %arg2[%dma_start3A, %dma_start3A_55] : memref<10000x128xf32, #tpu.memory_space<hbm>> -> memref<10000x128xf32, #tpu.memory_space<hbm>>
          tpu.enqueue_indirect_dma source(%dma_start3A_56 : memref<10000x128xf32, #tpu.memory_space<hbm>>) target(%arg11 : memref<80x128xf32, #tpu.memory_space<vmem>>) offsets(%arg9 : memref<80xi32, #tpu.memory_space<vmem>>) semaphore(%run_scoped3A : memref<!tpu.dma_semaphore, #tpu.memory_space<semaphore_mem>>)
          %dma_wait3A = arith.constant 0 : i32
          %dma_wait3A_57 = arith.constant 0 : i32
          %dma_wait3A_58 = tpu.memref_slice %arg2[%dma_wait3A, %dma_wait3A_57] : memref<10000x128xf32, #tpu.memory_space<hbm>> -> memref<10000x128xf32, #tpu.memory_space<hbm>>
          tpu.wait_indirect_dma semaphore(%run_scoped3A : memref<!tpu.dma_semaphore, #tpu.memory_space<semaphore_mem>>) src(%dma_wait3A_58 : memref<10000x128xf32, #tpu.memory_space<hbm>>) dst(%arg11 : memref<80x128xf32, #tpu.memory_space<vmem>>)
          tpu.yield
        }) : () -> ()
        "tpu.region"() ({
          %run_scoped3A = tpu.sem_alloc : memref<!tpu.dma_semaphore, #tpu.memory_space<semaphore_mem>>
          %dma_start3A = tpu.memref_slice %arg5[%add3A_54] : memref<160000xi32, #tpu.memory_space<hbm>> -> memref<80xi32, #tpu.memory_space<hbm>>
          %dma_start3A_55 = tpu.memref_slice %arg5[%add3A_54] : memref<160000xi32, #tpu.memory_space<hbm>> -> memref<80xi32, #tpu.memory_space<hbm>>
          tpu.enqueue_dma source(%dma_start3A_55 : memref<80xi32, #tpu.memory_space<hbm>>) target(%arg10 : memref<80xi32, #tpu.memory_space<vmem>>) target_semaphore(%run_scoped3A : memref<!tpu.dma_semaphore, #tpu.memory_space<semaphore_mem>>)
          %dma_wait3A = tpu.memref_slice %arg5[%add3A_54] : memref<160000xi32, #tpu.memory_space<hbm>> -> memref<80xi32, #tpu.memory_space<hbm>>
          %dma_wait3A_56 = tpu.memref_slice %arg5[%add3A_54] : memref<160000xi32, #tpu.memory_space<hbm>> -> memref<80xi32, #tpu.memory_space<hbm>>
          tpu.wait_dma2 semaphore(%run_scoped3A : memref<!tpu.dma_semaphore, #tpu.memory_space<semaphore_mem>>) src(%dma_wait3A_56 : memref<80xi32, #tpu.memory_space<hbm>>) dst(%arg10 : memref<80xi32, #tpu.memory_space<vmem>>)
          tpu.yield
        }) : () -> ()
        "tpu.region"() ({
          %run_scoped3A = tpu.sem_alloc : memref<!tpu.dma_semaphore, #tpu.memory_space<semaphore_mem>>
          %dma_start3A = arith.constant 0 : i32
          %dma_start3A_55 = arith.constant 0 : i32
          %dma_start3A_56 = tpu.memref_slice %arg12[%dma_start3A, %dma_start3A_55] : memref<10000x128xf32, #tpu.memory_space<vmem_shared>> -> memref<10000x128xf32, #tpu.memory_space<vmem_shared>>
          tpu.enqueue_indirect_dma source(%arg11 : memref<80x128xf32, #tpu.memory_space<vmem>>) target(%dma_start3A_56 : memref<10000x128xf32, #tpu.memory_space<vmem_shared>>) offsets(%arg10 : memref<80xi32, #tpu.memory_space<vmem>>) semaphore(%run_scoped3A : memref<!tpu.dma_semaphore, #tpu.memory_space<semaphore_mem>>) {add = true}
          %dma_wait3A = arith.constant 0 : i32
          %dma_wait3A_57 = arith.constant 0 : i32
          %dma_wait3A_58 = tpu.memref_slice %arg12[%dma_wait3A, %dma_wait3A_57] : memref<10000x128xf32, #tpu.memory_space<vmem_shared>> -> memref<10000x128xf32, #tpu.memory_space<vmem_shared>>
          tpu.wait_indirect_dma semaphore(%run_scoped3A : memref<!tpu.dma_semaphore, #tpu.memory_space<semaphore_mem>>) src(%arg11 : memref<80x128xf32, #tpu.memory_space<vmem>>) dst(%dma_wait3A_58 : memref<10000x128xf32, #tpu.memory_space<vmem_shared>>)
          tpu.yield
        }) : () -> ()
      }
      %scan3A_35 = arith.constant 125 : i32
    } else {
    }
    %eq3A_15 = arith.constant 1 : i32
    %eq3A_16 = arith.cmpi eq, %arg0, %eq3A_15 : i32
    %convert_element_type3A_17 = arith.extui %eq3A_16 : i1 to i32
    %cond3A_18 = arith.constant 0 : i32
    %cond3A_19 = arith.cmpi ne, %convert_element_type3A_17, %cond3A_18 : i32
    scf.if %cond3A_19 {
      %scan3A = arith.constant 0 : i32
      %scan3A_31 = arith.constant 0 : i32
      %scan3A_32 = arith.constant 125 : i32
      %scan3A_33 = arith.addi %scan3A_31, %scan3A_32 : i32
      %scan3A_34 = arith.constant 1 : i32
      scf.for %scan3A_36 = %scan3A_31 to %scan3A_33 step %scan3A_34  : i32 {
        %mul3A_37 = arith.constant 10000 : i32
        %mul3A_38 = arith.muli %arg1, %mul3A_37 : i32
        %mul3A_39 = arith.constant 57 : i32
        %mul3A_40 = arith.muli %scan3A_36, %mul3A_39 : i32
        %jit3A_41 = arith.constant 125 : i32
        %eq3A_42 = arith.constant 0 : i32
        %eq3A_43 = arith.cmpi eq, %jit3A_41, %eq3A_42 : i32
        %jit3A_44 = arith.constant 1 : i32
        %select_n3A_45 = arith.select %eq3A_43, %jit3A_44, %jit3A_41 : i32
        %rem3A = arith.remsi %mul3A_40, %select_n3A_45 : i32
        %ne3A = arith.constant 0 : i32
        %ne3A_46 = arith.cmpi ne, %rem3A, %ne3A : i32
        %lt3A = arith.constant 0 : i32
        %lt3A_47 = arith.cmpi slt, %rem3A, %lt3A : i32
        %lt3A_48 = arith.constant 0 : i32
        %lt3A_49 = arith.cmpi slt, %select_n3A_45, %lt3A_48 : i32
        %ne3A_50 = arith.xori %lt3A_47, %lt3A_49 : i1
        %and3A = arith.andi %ne3A_50, %ne3A_46 : i1
        %add3A = arith.addi %rem3A, %select_n3A_45 : i32
        %select_n3A_51 = arith.select %and3A, %add3A, %rem3A : i32
        %mul3A_52 = arith.constant 80 : i32
        %mul3A_53 = arith.muli %mul3A_52, %select_n3A_51 : i32
        %add3A_54 = arith.addi %mul3A_38, %mul3A_53 : i32
        "tpu.region"() ({
          %run_scoped3A = tpu.sem_alloc : memref<!tpu.dma_semaphore, #tpu.memory_space<semaphore_mem>>
          %dma_start3A = tpu.memref_slice %arg4[%add3A_54] : memref<160000xi32, #tpu.memory_space<hbm>> -> memref<80xi32, #tpu.memory_space<hbm>>
          %dma_start3A_55 = tpu.memref_slice %arg4[%add3A_54] : memref<160000xi32, #tpu.memory_space<hbm>> -> memref<80xi32, #tpu.memory_space<hbm>>
          tpu.enqueue_dma source(%dma_start3A_55 : memref<80xi32, #tpu.memory_space<hbm>>) target(%arg9 : memref<80xi32, #tpu.memory_space<vmem>>) target_semaphore(%run_scoped3A : memref<!tpu.dma_semaphore, #tpu.memory_space<semaphore_mem>>)
          %dma_wait3A = tpu.memref_slice %arg4[%add3A_54] : memref<160000xi32, #tpu.memory_space<hbm>> -> memref<80xi32, #tpu.memory_space<hbm>>
          %dma_wait3A_56 = tpu.memref_slice %arg4[%add3A_54] : memref<160000xi32, #tpu.memory_space<hbm>> -> memref<80xi32, #tpu.memory_space<hbm>>
          tpu.wait_dma2 semaphore(%run_scoped3A : memref<!tpu.dma_semaphore, #tpu.memory_space<semaphore_mem>>) src(%dma_wait3A_56 : memref<80xi32, #tpu.memory_space<hbm>>) dst(%arg9 : memref<80xi32, #tpu.memory_space<vmem>>)
          tpu.yield
        }) : () -> ()
        "tpu.region"() ({
          %run_scoped3A = tpu.sem_alloc : memref<!tpu.dma_semaphore, #tpu.memory_space<semaphore_mem>>
          %dma_start3A = arith.constant 0 : i32
          %dma_start3A_55 = arith.constant 0 : i32
          %dma_start3A_56 = tpu.memref_slice %arg3[%dma_start3A, %dma_start3A_55] : memref<10000x128xf32, #tpu.memory_space<hbm>> -> memref<10000x128xf32, #tpu.memory_space<hbm>>
          tpu.enqueue_indirect_dma source(%dma_start3A_56 : memref<10000x128xf32, #tpu.memory_space<hbm>>) target(%arg11 : memref<80x128xf32, #tpu.memory_space<vmem>>) offsets(%arg9 : memref<80xi32, #tpu.memory_space<vmem>>) semaphore(%run_scoped3A : memref<!tpu.dma_semaphore, #tpu.memory_space<semaphore_mem>>)
          %dma_wait3A = arith.constant 0 : i32
          %dma_wait3A_57 = arith.constant 0 : i32
          %dma_wait3A_58 = tpu.memref_slice %arg3[%dma_wait3A, %dma_wait3A_57] : memref<10000x128xf32, #tpu.memory_space<hbm>> -> memref<10000x128xf32, #tpu.memory_space<hbm>>
          tpu.wait_indirect_dma semaphore(%run_scoped3A : memref<!tpu.dma_semaphore, #tpu.memory_space<semaphore_mem>>) src(%dma_wait3A_58 : memref<10000x128xf32, #tpu.memory_space<hbm>>) dst(%arg11 : memref<80x128xf32, #tpu.memory_space<vmem>>)
          tpu.yield
        }) : () -> ()
        "tpu.region"() ({
          %run_scoped3A = tpu.sem_alloc : memref<!tpu.dma_semaphore, #tpu.memory_space<semaphore_mem>>
          %dma_start3A = tpu.memref_slice %arg5[%add3A_54] : memref<160000xi32, #tpu.memory_space<hbm>> -> memref<80xi32, #tpu.memory_space<hbm>>
          %dma_start3A_55 = tpu.memref_slice %arg5[%add3A_54] : memref<160000xi32, #tpu.memory_space<hbm>> -> memref<80xi32, #tpu.memory_space<hbm>>
          tpu.enqueue_dma source(%dma_start3A_55 : memref<80xi32, #tpu.memory_space<hbm>>) target(%arg10 : memref<80xi32, #tpu.memory_space<vmem>>) target_semaphore(%run_scoped3A : memref<!tpu.dma_semaphore, #tpu.memory_space<semaphore_mem>>)
          %dma_wait3A = tpu.memref_slice %arg5[%add3A_54] : memref<160000xi32, #tpu.memory_space<hbm>> -> memref<80xi32, #tpu.memory_space<hbm>>
          %dma_wait3A_56 = tpu.memref_slice %arg5[%add3A_54] : memref<160000xi32, #tpu.memory_space<hbm>> -> memref<80xi32, #tpu.memory_space<hbm>>
          tpu.wait_dma2 semaphore(%run_scoped3A : memref<!tpu.dma_semaphore, #tpu.memory_space<semaphore_mem>>) src(%dma_wait3A_56 : memref<80xi32, #tpu.memory_space<hbm>>) dst(%arg10 : memref<80xi32, #tpu.memory_space<vmem>>)
          tpu.yield
        }) : () -> ()
        "tpu.region"() ({
          %run_scoped3A = tpu.sem_alloc : memref<!tpu.dma_semaphore, #tpu.memory_space<semaphore_mem>>
          %dma_start3A = arith.constant 0 : i32
          %dma_start3A_55 = arith.constant 0 : i32
          %dma_start3A_56 = tpu.memref_slice %arg12[%dma_start3A, %dma_start3A_55] : memref<10000x128xf32, #tpu.memory_space<vmem_shared>> -> memref<10000x128xf32, #tpu.memory_space<vmem_shared>>
          tpu.enqueue_indirect_dma source(%arg11 : memref<80x128xf32, #tpu.memory_space<vmem>>) target(%dma_start3A_56 : memref<10000x128xf32, #tpu.memory_space<vmem_shared>>) offsets(%arg10 : memref<80xi32, #tpu.memory_space<vmem>>) semaphore(%run_scoped3A : memref<!tpu.dma_semaphore, #tpu.memory_space<semaphore_mem>>) {add = true}
          %dma_wait3A = arith.constant 0 : i32
          %dma_wait3A_57 = arith.constant 0 : i32
          %dma_wait3A_58 = tpu.memref_slice %arg12[%dma_wait3A, %dma_wait3A_57] : memref<10000x128xf32, #tpu.memory_space<vmem_shared>> -> memref<10000x128xf32, #tpu.memory_space<vmem_shared>>
          tpu.wait_indirect_dma semaphore(%run_scoped3A : memref<!tpu.dma_semaphore, #tpu.memory_space<semaphore_mem>>) src(%arg11 : memref<80x128xf32, #tpu.memory_space<vmem>>) dst(%dma_wait3A_58 : memref<10000x128xf32, #tpu.memory_space<vmem_shared>>)
          tpu.yield
        }) : () -> ()
      }
      %scan3A_35 = arith.constant 125 : i32
    } else {
    }
    %barrier3A_20 = arith.constant 0 : index
    tpu.barrier barrier_id(%barrier3A_20)
    %eq3A_21 = arith.constant 0 : i32
    %eq3A_22 = arith.cmpi eq, %arg0, %eq3A_21 : i32
    %convert_element_type3A_23 = arith.extui %eq3A_22 : i1 to i32
    %cond3A_24 = arith.constant 0 : i32
    %cond3A_25 = arith.cmpi ne, %convert_element_type3A_23, %cond3A_24 : i32
    scf.if %cond3A_25 {
      %while3A_31 = arith.constant 0 : i32
      %while3A_32 = arith.constant 0 : i32
      %while3A_33 = arith.subi %select_n3A, %while3A_32 : i32
      %while3A_34 = arith.addi %while3A_32, %while3A_33 : i32
      %while3A_35 = arith.constant 1 : i32
      %while3A_36 = arith.divsi %while3A_33, %while3A_35 : i32
      %while3A_37 = arith.muli %while3A_36, %while3A_35 : i32
      %while3A_38 = arith.addi %while3A_32, %while3A_37 : i32
      %while3A_39 = arith.constant 1 : i32
      scf.for %while3A_41 = %while3A_32 to %while3A_38 step %while3A_39  : i32 {
        %mul3A_42 = arith.constant 80 : i32
        %mul3A_43 = arith.muli %mul3A_42, %while3A_41 : i32
        %add3A = arith.addi %mul3A_0, %mul3A_43 : i32
        "tpu.region"() ({
          %run_scoped3A = tpu.sem_alloc : memref<!tpu.dma_semaphore, #tpu.memory_space<semaphore_mem>>
          %dma_start3A = arith.constant 0 : i32
          %dma_start3A_44 = tpu.memref_slice %arg12[%add3A, %dma_start3A] : memref<10000x128xf32, #tpu.memory_space<vmem_shared>> -> memref<80x128xf32, #tpu.memory_space<vmem_shared>>
          %dma_start3A_45 = arith.constant 0 : i32
          %dma_start3A_46 = tpu.memref_slice %arg12[%add3A, %dma_start3A_45] : memref<10000x128xf32, #tpu.memory_space<vmem_shared>> -> memref<80x128xf32, #tpu.memory_space<vmem_shared>>
          tpu.enqueue_dma source(%dma_start3A_46 : memref<80x128xf32, #tpu.memory_space<vmem_shared>>) target(%arg11 : memref<80x128xf32, #tpu.memory_space<vmem>>) target_semaphore(%run_scoped3A : memref<!tpu.dma_semaphore, #tpu.memory_space<semaphore_mem>>)
          %dma_wait3A = arith.constant 0 : i32
          %dma_wait3A_47 = tpu.memref_slice %arg12[%add3A, %dma_wait3A] : memref<10000x128xf32, #tpu.memory_space<vmem_shared>> -> memref<80x128xf32, #tpu.memory_space<vmem_shared>>
          %dma_wait3A_48 = arith.constant 0 : i32
          %dma_wait3A_49 = tpu.memref_slice %arg12[%add3A, %dma_wait3A_48] : memref<10000x128xf32, #tpu.memory_space<vmem_shared>> -> memref<80x128xf32, #tpu.memory_space<vmem_shared>>
          tpu.wait_dma2 semaphore(%run_scoped3A : memref<!tpu.dma_semaphore, #tpu.memory_space<semaphore_mem>>) src(%dma_wait3A_49 : memref<80x128xf32, #tpu.memory_space<vmem_shared>>) dst(%arg11 : memref<80x128xf32, #tpu.memory_space<vmem>>)
          tpu.yield
        }) : () -> ()
        "tpu.region"() ({
          %run_scoped3A = tpu.sem_alloc : memref<!tpu.dma_semaphore, #tpu.memory_space<semaphore_mem>>
          %dma_start3A = arith.constant 0 : i32
          %dma_start3A_44 = tpu.memref_slice %arg7[%add3A, %dma_start3A] : memref<10000x128xf32, #tpu.memory_space<hbm>> -> memref<80x128xf32, #tpu.memory_space<hbm>>
          %dma_start3A_45 = arith.constant 0 : i32
          %dma_start3A_46 = tpu.memref_slice %arg7[%add3A, %dma_start3A_45] : memref<10000x128xf32, #tpu.memory_space<hbm>> -> memref<80x128xf32, #tpu.memory_space<hbm>>
          tpu.enqueue_dma source(%arg11 : memref<80x128xf32, #tpu.memory_space<vmem>>) target(%dma_start3A_46 : memref<80x128xf32, #tpu.memory_space<hbm>>) target_semaphore(%run_scoped3A : memref<!tpu.dma_semaphore, #tpu.memory_space<semaphore_mem>>)
          %dma_wait3A = arith.constant 0 : i32
          %dma_wait3A_47 = tpu.memref_slice %arg7[%add3A, %dma_wait3A] : memref<10000x128xf32, #tpu.memory_space<hbm>> -> memref<80x128xf32, #tpu.memory_space<hbm>>
          %dma_wait3A_48 = arith.constant 0 : i32
          %dma_wait3A_49 = tpu.memref_slice %arg7[%add3A, %dma_wait3A_48] : memref<10000x128xf32, #tpu.memory_space<hbm>> -> memref<80x128xf32, #tpu.memory_space<hbm>>
          tpu.wait_dma2 semaphore(%run_scoped3A : memref<!tpu.dma_semaphore, #tpu.memory_space<semaphore_mem>>) src(%arg11 : memref<80x128xf32, #tpu.memory_space<vmem>>) dst(%dma_wait3A_49 : memref<80x128xf32, #tpu.memory_space<hbm>>)
          tpu.yield
        }) : () -> ()
      }
      %while3A_40 = arith.constant 1 : i32
      scf.for %while3A_41 = %while3A_38 to %while3A_34 step %while3A_40  : i32 {
        %mul3A_42 = arith.constant 80 : i32
        %mul3A_43 = arith.muli %mul3A_42, %while3A_41 : i32
        %add3A = arith.addi %mul3A_0, %mul3A_43 : i32
        "tpu.region"() ({
          %run_scoped3A = tpu.sem_alloc : memref<!tpu.dma_semaphore, #tpu.memory_space<semaphore_mem>>
          %dma_start3A = arith.constant 0 : i32
          %dma_start3A_44 = tpu.memref_slice %arg12[%add3A, %dma_start3A] : memref<10000x128xf32, #tpu.memory_space<vmem_shared>> -> memref<80x128xf32, #tpu.memory_space<vmem_shared>>
          %dma_start3A_45 = arith.constant 0 : i32
          %dma_start3A_46 = tpu.memref_slice %arg12[%add3A, %dma_start3A_45] : memref<10000x128xf32, #tpu.memory_space<vmem_shared>> -> memref<80x128xf32, #tpu.memory_space<vmem_shared>>
          tpu.enqueue_dma source(%dma_start3A_46 : memref<80x128xf32, #tpu.memory_space<vmem_shared>>) target(%arg11 : memref<80x128xf32, #tpu.memory_space<vmem>>) target_semaphore(%run_scoped3A : memref<!tpu.dma_semaphore, #tpu.memory_space<semaphore_mem>>)
          %dma_wait3A = arith.constant 0 : i32
          %dma_wait3A_47 = tpu.memref_slice %arg12[%add3A, %dma_wait3A] : memref<10000x128xf32, #tpu.memory_space<vmem_shared>> -> memref<80x128xf32, #tpu.memory_space<vmem_shared>>
          %dma_wait3A_48 = arith.constant 0 : i32
          %dma_wait3A_49 = tpu.memref_slice %arg12[%add3A, %dma_wait3A_48] : memref<10000x128xf32, #tpu.memory_space<vmem_shared>> -> memref<80x128xf32, #tpu.memory_space<vmem_shared>>
          tpu.wait_dma2 semaphore(%run_scoped3A : memref<!tpu.dma_semaphore, #tpu.memory_space<semaphore_mem>>) src(%dma_wait3A_49 : memref<80x128xf32, #tpu.memory_space<vmem_shared>>) dst(%arg11 : memref<80x128xf32, #tpu.memory_space<vmem>>)
          tpu.yield
        }) : () -> ()
        "tpu.region"() ({
          %run_scoped3A = tpu.sem_alloc : memref<!tpu.dma_semaphore, #tpu.memory_space<semaphore_mem>>
          %dma_start3A = arith.constant 0 : i32
          %dma_start3A_44 = tpu.memref_slice %arg7[%add3A, %dma_start3A] : memref<10000x128xf32, #tpu.memory_space<hbm>> -> memref<80x128xf32, #tpu.memory_space<hbm>>
          %dma_start3A_45 = arith.constant 0 : i32
          %dma_start3A_46 = tpu.memref_slice %arg7[%add3A, %dma_start3A_45] : memref<10000x128xf32, #tpu.memory_space<hbm>> -> memref<80x128xf32, #tpu.memory_space<hbm>>
          tpu.enqueue_dma source(%arg11 : memref<80x128xf32, #tpu.memory_space<vmem>>) target(%dma_start3A_46 : memref<80x128xf32, #tpu.memory_space<hbm>>) target_semaphore(%run_scoped3A : memref<!tpu.dma_semaphore, #tpu.memory_space<semaphore_mem>>)
          %dma_wait3A = arith.constant 0 : i32
          %dma_wait3A_47 = tpu.memref_slice %arg7[%add3A, %dma_wait3A] : memref<10000x128xf32, #tpu.memory_space<hbm>> -> memref<80x128xf32, #tpu.memory_space<hbm>>
          %dma_wait3A_48 = arith.constant 0 : i32
          %dma_wait3A_49 = tpu.memref_slice %arg7[%add3A, %dma_wait3A_48] : memref<10000x128xf32, #tpu.memory_space<hbm>> -> memref<80x128xf32, #tpu.memory_space<hbm>>
          tpu.wait_dma2 semaphore(%run_scoped3A : memref<!tpu.dma_semaphore, #tpu.memory_space<semaphore_mem>>) src(%arg11 : memref<80x128xf32, #tpu.memory_space<vmem>>) dst(%dma_wait3A_49 : memref<80x128xf32, #tpu.memory_space<hbm>>)
          tpu.yield
        }) : () -> ()
      }
    } else {
    }
    %eq3A_26 = arith.constant 1 : i32
    %eq3A_27 = arith.cmpi eq, %arg0, %eq3A_26 : i32
    %convert_element_type3A_28 = arith.extui %eq3A_27 : i1 to i32
    %cond3A_29 = arith.constant 0 : i32
    %cond3A_30 = arith.cmpi ne, %convert_element_type3A_28, %cond3A_29 : i32
    scf.if %cond3A_30 {
      %while3A_31 = arith.constant 0 : i32
      %while3A_32 = arith.constant 0 : i32
      %while3A_33 = arith.subi %select_n3A, %while3A_32 : i32
      %while3A_34 = arith.addi %while3A_32, %while3A_33 : i32
      %while3A_35 = arith.constant 1 : i32
      %while3A_36 = arith.divsi %while3A_33, %while3A_35 : i32
      %while3A_37 = arith.muli %while3A_36, %while3A_35 : i32
      %while3A_38 = arith.addi %while3A_32, %while3A_37 : i32
      %while3A_39 = arith.constant 1 : i32
      scf.for %while3A_41 = %while3A_32 to %while3A_38 step %while3A_39  : i32 {
        %mul3A_42 = arith.constant 80 : i32
        %mul3A_43 = arith.muli %mul3A_42, %while3A_41 : i32
        %add3A = arith.addi %mul3A_0, %mul3A_43 : i32
        "tpu.region"() ({
          %run_scoped3A = tpu.sem_alloc : memref<!tpu.dma_semaphore, #tpu.memory_space<semaphore_mem>>
          %dma_start3A = arith.constant 0 : i32
          %dma_start3A_44 = tpu.memref_slice %arg12[%add3A, %dma_start3A] : memref<10000x128xf32, #tpu.memory_space<vmem_shared>> -> memref<80x128xf32, #tpu.memory_space<vmem_shared>>
          %dma_start3A_45 = arith.constant 0 : i32
          %dma_start3A_46 = tpu.memref_slice %arg12[%add3A, %dma_start3A_45] : memref<10000x128xf32, #tpu.memory_space<vmem_shared>> -> memref<80x128xf32, #tpu.memory_space<vmem_shared>>
          tpu.enqueue_dma source(%dma_start3A_46 : memref<80x128xf32, #tpu.memory_space<vmem_shared>>) target(%arg11 : memref<80x128xf32, #tpu.memory_space<vmem>>) target_semaphore(%run_scoped3A : memref<!tpu.dma_semaphore, #tpu.memory_space<semaphore_mem>>)
          %dma_wait3A = arith.constant 0 : i32
          %dma_wait3A_47 = tpu.memref_slice %arg12[%add3A, %dma_wait3A] : memref<10000x128xf32, #tpu.memory_space<vmem_shared>> -> memref<80x128xf32, #tpu.memory_space<vmem_shared>>
          %dma_wait3A_48 = arith.constant 0 : i32
          %dma_wait3A_49 = tpu.memref_slice %arg12[%add3A, %dma_wait3A_48] : memref<10000x128xf32, #tpu.memory_space<vmem_shared>> -> memref<80x128xf32, #tpu.memory_space<vmem_shared>>
          tpu.wait_dma2 semaphore(%run_scoped3A : memref<!tpu.dma_semaphore, #tpu.memory_space<semaphore_mem>>) src(%dma_wait3A_49 : memref<80x128xf32, #tpu.memory_space<vmem_shared>>) dst(%arg11 : memref<80x128xf32, #tpu.memory_space<vmem>>)
          tpu.yield
        }) : () -> ()
        "tpu.region"() ({
          %run_scoped3A = tpu.sem_alloc : memref<!tpu.dma_semaphore, #tpu.memory_space<semaphore_mem>>
          %dma_start3A = arith.constant 0 : i32
          %dma_start3A_44 = tpu.memref_slice %arg8[%add3A, %dma_start3A] : memref<10000x128xf32, #tpu.memory_space<hbm>> -> memref<80x128xf32, #tpu.memory_space<hbm>>
          %dma_start3A_45 = arith.constant 0 : i32
          %dma_start3A_46 = tpu.memref_slice %arg8[%add3A, %dma_start3A_45] : memref<10000x128xf32, #tpu.memory_space<hbm>> -> memref<80x128xf32, #tpu.memory_space<hbm>>
          tpu.enqueue_dma source(%arg11 : memref<80x128xf32, #tpu.memory_space<vmem>>) target(%dma_start3A_46 : memref<80x128xf32, #tpu.memory_space<hbm>>) target_semaphore(%run_scoped3A : memref<!tpu.dma_semaphore, #tpu.memory_space<semaphore_mem>>)
          %dma_wait3A = arith.constant 0 : i32
          %dma_wait3A_47 = tpu.memref_slice %arg8[%add3A, %dma_wait3A] : memref<10000x128xf32, #tpu.memory_space<hbm>> -> memref<80x128xf32, #tpu.memory_space<hbm>>
          %dma_wait3A_48 = arith.constant 0 : i32
          %dma_wait3A_49 = tpu.memref_slice %arg8[%add3A, %dma_wait3A_48] : memref<10000x128xf32, #tpu.memory_space<hbm>> -> memref<80x128xf32, #tpu.memory_space<hbm>>
          tpu.wait_dma2 semaphore(%run_scoped3A : memref<!tpu.dma_semaphore, #tpu.memory_space<semaphore_mem>>) src(%arg11 : memref<80x128xf32, #tpu.memory_space<vmem>>) dst(%dma_wait3A_49 : memref<80x128xf32, #tpu.memory_space<hbm>>)
          tpu.yield
        }) : () -> ()
      }
      %while3A_40 = arith.constant 1 : i32
      scf.for %while3A_41 = %while3A_38 to %while3A_34 step %while3A_40  : i32 {
        %mul3A_42 = arith.constant 80 : i32
        %mul3A_43 = arith.muli %mul3A_42, %while3A_41 : i32
        %add3A = arith.addi %mul3A_0, %mul3A_43 : i32
        "tpu.region"() ({
          %run_scoped3A = tpu.sem_alloc : memref<!tpu.dma_semaphore, #tpu.memory_space<semaphore_mem>>
          %dma_start3A = arith.constant 0 : i32
          %dma_start3A_44 = tpu.memref_slice %arg12[%add3A, %dma_start3A] : memref<10000x128xf32, #tpu.memory_space<vmem_shared>> -> memref<80x128xf32, #tpu.memory_space<vmem_shared>>
          %dma_start3A_45 = arith.constant 0 : i32
          %dma_start3A_46 = tpu.memref_slice %arg12[%add3A, %dma_start3A_45] : memref<10000x128xf32, #tpu.memory_space<vmem_shared>> -> memref<80x128xf32, #tpu.memory_space<vmem_shared>>
          tpu.enqueue_dma source(%dma_start3A_46 : memref<80x128xf32, #tpu.memory_space<vmem_shared>>) target(%arg11 : memref<80x128xf32, #tpu.memory_space<vmem>>) target_semaphore(%run_scoped3A : memref<!tpu.dma_semaphore, #tpu.memory_space<semaphore_mem>>)
          %dma_wait3A = arith.constant 0 : i32
          %dma_wait3A_47 = tpu.memref_slice %arg12[%add3A, %dma_wait3A] : memref<10000x128xf32, #tpu.memory_space<vmem_shared>> -> memref<80x128xf32, #tpu.memory_space<vmem_shared>>
          %dma_wait3A_48 = arith.constant 0 : i32
          %dma_wait3A_49 = tpu.memref_slice %arg12[%add3A, %dma_wait3A_48] : memref<10000x128xf32, #tpu.memory_space<vmem_shared>> -> memref<80x128xf32, #tpu.memory_space<vmem_shared>>
          tpu.wait_dma2 semaphore(%run_scoped3A : memref<!tpu.dma_semaphore, #tpu.memory_space<semaphore_mem>>) src(%dma_wait3A_49 : memref<80x128xf32, #tpu.memory_space<vmem_shared>>) dst(%arg11 : memref<80x128xf32, #tpu.memory_space<vmem>>)
          tpu.yield
        }) : () -> ()
        "tpu.region"() ({
          %run_scoped3A = tpu.sem_alloc : memref<!tpu.dma_semaphore, #tpu.memory_space<semaphore_mem>>
          %dma_start3A = arith.constant 0 : i32
          %dma_start3A_44 = tpu.memref_slice %arg8[%add3A, %dma_start3A] : memref<10000x128xf32, #tpu.memory_space<hbm>> -> memref<80x128xf32, #tpu.memory_space<hbm>>
          %dma_start3A_45 = arith.constant 0 : i32
          %dma_start3A_46 = tpu.memref_slice %arg8[%add3A, %dma_start3A_45] : memref<10000x128xf32, #tpu.memory_space<hbm>> -> memref<80x128xf32, #tpu.memory_space<hbm>>
          tpu.enqueue_dma source(%arg11 : memref<80x128xf32, #tpu.memory_space<vmem>>) target(%dma_start3A_46 : memref<80x128xf32, #tpu.memory_space<hbm>>) target_semaphore(%run_scoped3A : memref<!tpu.dma_semaphore, #tpu.memory_space<semaphore_mem>>)
          %dma_wait3A = arith.constant 0 : i32
          %dma_wait3A_47 = tpu.memref_slice %arg8[%add3A, %dma_wait3A] : memref<10000x128xf32, #tpu.memory_space<hbm>> -> memref<80x128xf32, #tpu.memory_space<hbm>>
          %dma_wait3A_48 = arith.constant 0 : i32
          %dma_wait3A_49 = tpu.memref_slice %arg8[%add3A, %dma_wait3A_48] : memref<10000x128xf32, #tpu.memory_space<hbm>> -> memref<80x128xf32, #tpu.memory_space<hbm>>
          tpu.wait_dma2 semaphore(%run_scoped3A : memref<!tpu.dma_semaphore, #tpu.memory_space<semaphore_mem>>) src(%arg11 : memref<80x128xf32, #tpu.memory_space<vmem>>) dst(%dma_wait3A_49 : memref<80x128xf32, #tpu.memory_space<hbm>>)
          tpu.yield
        }) : () -> ()
      }
    } else {
    }
    return
  }
}

#map = affine_map<(d0, d1) -> (0, 0)>
#map1 = affine_map<(d0, d1) -> (0)>
module attributes {stable_mosaic.version = 14 : i64} {
  func.func @_agg_pair_body(%arg0: i32, %arg1: i32, %arg2: memref<10000x128xf32, #tpu.memory_space<hbm>>, %arg3: memref<10000x128xf32, #tpu.memory_space<hbm>>, %arg4: memref<160000xi32, #tpu.memory_space<hbm>>, %arg5: memref<160000xi32, #tpu.memory_space<hbm>>, %arg6: memref<80x128xf32, #tpu.memory_space<hbm>>, %arg7: memref<10000x128xf32, #tpu.memory_space<hbm>>, %arg8: memref<10000x128xf32, #tpu.memory_space<hbm>>, %arg9: memref<80xi32, #tpu.memory_space<vmem>>, %arg10: memref<80xi32, #tpu.memory_space<vmem>>, %arg11: memref<80x128xf32, #tpu.memory_space<vmem>>, %arg12: memref<10000x128xf32, #tpu.memory_space<vmem_shared>>) attributes {dimension_semantics = [#tpu.dimension_semantics<core_parallel>, #tpu.dimension_semantics<subcore_parallel>], iteration_bounds = array<i64: 2, 16>, scalar_prefetch = 0 : i64, scratch_operands = 4 : i64, tpu.core_type = #tpu.core_type<sc_vector_subcore>, window_params = [{transform_indices = #map}, {transform_indices = #map}, {transform_indices = #map1}, {transform_indices = #map1}, {transform_indices = #map}, {transform_indices = #map}, {transform_indices = #map}]} {
    "tpu.region"() ({
      %run_scoped3A = tpu.sem_alloc : memref<!tpu.dma_semaphore, #tpu.memory_space<semaphore_mem>>
      tpu.enqueue_dma source(%arg6 : memref<80x128xf32, #tpu.memory_space<hbm>>) target(%arg11 : memref<80x128xf32, #tpu.memory_space<vmem>>) target_semaphore(%run_scoped3A : memref<!tpu.dma_semaphore, #tpu.memory_space<semaphore_mem>>)
      tpu.wait_dma2 semaphore(%run_scoped3A : memref<!tpu.dma_semaphore, #tpu.memory_space<semaphore_mem>>) src(%arg6 : memref<80x128xf32, #tpu.memory_space<hbm>>) dst(%arg11 : memref<80x128xf32, #tpu.memory_space<vmem>>)
      tpu.yield
    }) : () -> ()
    %mul3A = arith.constant 640 : i32
    %mul3A_0 = arith.muli %arg1, %mul3A : i32
    %eq3A = arith.constant 15 : i32
    %eq3A_1 = arith.cmpi eq, %arg1, %eq3A : i32
    %jit3A = arith.constant 5 : i32
    %jit3A_2 = arith.constant 8 : i32
    %select_n3A = arith.select %eq3A_1, %jit3A, %jit3A_2 : i32
    %while3A = arith.constant 0 : i32
    %while3A_3 = arith.constant 0 : i32
    %while3A_4 = arith.subi %select_n3A, %while3A_3 : i32
    %while3A_5 = arith.addi %while3A_3, %while3A_4 : i32
    %while3A_6 = arith.constant 1 : i32
    %while3A_7 = arith.divsi %while3A_4, %while3A_6 : i32
    %while3A_8 = arith.muli %while3A_7, %while3A_6 : i32
    %while3A_9 = arith.addi %while3A_3, %while3A_8 : i32
    %while3A_10 = arith.constant 1 : i32
    scf.for %while3A_31 = %while3A_3 to %while3A_9 step %while3A_10  : i32 {
      %mul3A_32 = arith.constant 80 : i32
      %mul3A_33 = arith.muli %mul3A_32, %while3A_31 : i32
      %add3A = arith.addi %mul3A_0, %mul3A_33 : i32
      "tpu.region"() ({
        %run_scoped3A = tpu.sem_alloc : memref<!tpu.dma_semaphore, #tpu.memory_space<semaphore_mem>>
        %dma_start3A = arith.constant 0 : i32
        %dma_start3A_34 = tpu.memref_slice %arg12[%add3A, %dma_start3A] : memref<10000x128xf32, #tpu.memory_space<vmem_shared>> -> memref<80x128xf32, #tpu.memory_space<vmem_shared>>
        %dma_start3A_35 = arith.constant 0 : i32
        %dma_start3A_36 = tpu.memref_slice %arg12[%add3A, %dma_start3A_35] : memref<10000x128xf32, #tpu.memory_space<vmem_shared>> -> memref<80x128xf32, #tpu.memory_space<vmem_shared>>
        tpu.enqueue_dma source(%arg11 : memref<80x128xf32, #tpu.memory_space<vmem>>) target(%dma_start3A_36 : memref<80x128xf32, #tpu.memory_space<vmem_shared>>) target_semaphore(%run_scoped3A : memref<!tpu.dma_semaphore, #tpu.memory_space<semaphore_mem>>)
        %dma_wait3A = arith.constant 0 : i32
        %dma_wait3A_37 = tpu.memref_slice %arg12[%add3A, %dma_wait3A] : memref<10000x128xf32, #tpu.memory_space<vmem_shared>> -> memref<80x128xf32, #tpu.memory_space<vmem_shared>>
        %dma_wait3A_38 = arith.constant 0 : i32
        %dma_wait3A_39 = tpu.memref_slice %arg12[%add3A, %dma_wait3A_38] : memref<10000x128xf32, #tpu.memory_space<vmem_shared>> -> memref<80x128xf32, #tpu.memory_space<vmem_shared>>
        tpu.wait_dma2 semaphore(%run_scoped3A : memref<!tpu.dma_semaphore, #tpu.memory_space<semaphore_mem>>) src(%arg11 : memref<80x128xf32, #tpu.memory_space<vmem>>) dst(%dma_wait3A_39 : memref<80x128xf32, #tpu.memory_space<vmem_shared>>)
        tpu.yield
      }) : () -> ()
    }
    %while3A_11 = arith.constant 1 : i32
    scf.for %while3A_31 = %while3A_9 to %while3A_5 step %while3A_11  : i32 {
      %mul3A_32 = arith.constant 80 : i32
      %mul3A_33 = arith.muli %mul3A_32, %while3A_31 : i32
      %add3A = arith.addi %mul3A_0, %mul3A_33 : i32
      "tpu.region"() ({
        %run_scoped3A = tpu.sem_alloc : memref<!tpu.dma_semaphore, #tpu.memory_space<semaphore_mem>>
        %dma_start3A = arith.constant 0 : i32
        %dma_start3A_34 = tpu.memref_slice %arg12[%add3A, %dma_start3A] : memref<10000x128xf32, #tpu.memory_space<vmem_shared>> -> memref<80x128xf32, #tpu.memory_space<vmem_shared>>
        %dma_start3A_35 = arith.constant 0 : i32
        %dma_start3A_36 = tpu.memref_slice %arg12[%add3A, %dma_start3A_35] : memref<10000x128xf32, #tpu.memory_space<vmem_shared>> -> memref<80x128xf32, #tpu.memory_space<vmem_shared>>
        tpu.enqueue_dma source(%arg11 : memref<80x128xf32, #tpu.memory_space<vmem>>) target(%dma_start3A_36 : memref<80x128xf32, #tpu.memory_space<vmem_shared>>) target_semaphore(%run_scoped3A : memref<!tpu.dma_semaphore, #tpu.memory_space<semaphore_mem>>)
        %dma_wait3A = arith.constant 0 : i32
        %dma_wait3A_37 = tpu.memref_slice %arg12[%add3A, %dma_wait3A] : memref<10000x128xf32, #tpu.memory_space<vmem_shared>> -> memref<80x128xf32, #tpu.memory_space<vmem_shared>>
        %dma_wait3A_38 = arith.constant 0 : i32
        %dma_wait3A_39 = tpu.memref_slice %arg12[%add3A, %dma_wait3A_38] : memref<10000x128xf32, #tpu.memory_space<vmem_shared>> -> memref<80x128xf32, #tpu.memory_space<vmem_shared>>
        tpu.wait_dma2 semaphore(%run_scoped3A : memref<!tpu.dma_semaphore, #tpu.memory_space<semaphore_mem>>) src(%arg11 : memref<80x128xf32, #tpu.memory_space<vmem>>) dst(%dma_wait3A_39 : memref<80x128xf32, #tpu.memory_space<vmem_shared>>)
        tpu.yield
      }) : () -> ()
    }
    %barrier3A = arith.constant 0 : index
    tpu.barrier barrier_id(%barrier3A)
    %eq3A_12 = arith.constant 0 : i32
    %eq3A_13 = arith.cmpi eq, %arg0, %eq3A_12 : i32
    %convert_element_type3A = arith.extui %eq3A_13 : i1 to i32
    %cond3A = arith.constant 0 : i32
    %cond3A_14 = arith.cmpi ne, %convert_element_type3A, %cond3A : i32
    scf.if %cond3A_14 {
      %scan3A = arith.constant 0 : i32
      %scan3A_31 = arith.constant 0 : i32
      %scan3A_32 = arith.constant 125 : i32
      %scan3A_33 = arith.addi %scan3A_31, %scan3A_32 : i32
      %scan3A_34 = arith.constant 1 : i32
      scf.for %scan3A_36 = %scan3A_31 to %scan3A_33 step %scan3A_34  : i32 {
        %mul3A_37 = arith.constant 10000 : i32
        %mul3A_38 = arith.muli %arg1, %mul3A_37 : i32
        %mul3A_39 = arith.constant 57 : i32
        %mul3A_40 = arith.muli %scan3A_36, %mul3A_39 : i32
        %jit3A_41 = arith.constant 125 : i32
        %eq3A_42 = arith.constant 0 : i32
        %eq3A_43 = arith.cmpi eq, %jit3A_41, %eq3A_42 : i32
        %jit3A_44 = arith.constant 1 : i32
        %select_n3A_45 = arith.select %eq3A_43, %jit3A_44, %jit3A_41 : i32
        %rem3A = arith.remsi %mul3A_40, %select_n3A_45 : i32
        %ne3A = arith.constant 0 : i32
        %ne3A_46 = arith.cmpi ne, %rem3A, %ne3A : i32
        %lt3A = arith.constant 0 : i32
        %lt3A_47 = arith.cmpi slt, %rem3A, %lt3A : i32
        %lt3A_48 = arith.constant 0 : i32
        %lt3A_49 = arith.cmpi slt, %select_n3A_45, %lt3A_48 : i32
        %ne3A_50 = arith.xori %lt3A_47, %lt3A_49 : i1
        %and3A = arith.andi %ne3A_50, %ne3A_46 : i1
        %add3A = arith.addi %rem3A, %select_n3A_45 : i32
        %select_n3A_51 = arith.select %and3A, %add3A, %rem3A : i32
        %mul3A_52 = arith.constant 80 : i32
        %mul3A_53 = arith.muli %mul3A_52, %select_n3A_51 : i32
        %add3A_54 = arith.addi %mul3A_38, %mul3A_53 : i32
        "tpu.region"() ({
          %run_scoped3A = tpu.sem_alloc : memref<!tpu.dma_semaphore, #tpu.memory_space<semaphore_mem>>
          %dma_start3A = tpu.memref_slice %arg4[%add3A_54] : memref<160000xi32, #tpu.memory_space<hbm>> -> memref<80xi32, #tpu.memory_space<hbm>>
          %dma_start3A_55 = tpu.memref_slice %arg4[%add3A_54] : memref<160000xi32, #tpu.memory_space<hbm>> -> memref<80xi32, #tpu.memory_space<hbm>>
          tpu.enqueue_dma source(%dma_start3A_55 : memref<80xi32, #tpu.memory_space<hbm>>) target(%arg9 : memref<80xi32, #tpu.memory_space<vmem>>) target_semaphore(%run_scoped3A : memref<!tpu.dma_semaphore, #tpu.memory_space<semaphore_mem>>)
          %dma_wait3A = tpu.memref_slice %arg4[%add3A_54] : memref<160000xi32, #tpu.memory_space<hbm>> -> memref<80xi32, #tpu.memory_space<hbm>>
          %dma_wait3A_56 = tpu.memref_slice %arg4[%add3A_54] : memref<160000xi32, #tpu.memory_space<hbm>> -> memref<80xi32, #tpu.memory_space<hbm>>
          tpu.wait_dma2 semaphore(%run_scoped3A : memref<!tpu.dma_semaphore, #tpu.memory_space<semaphore_mem>>) src(%dma_wait3A_56 : memref<80xi32, #tpu.memory_space<hbm>>) dst(%arg9 : memref<80xi32, #tpu.memory_space<vmem>>)
          tpu.yield
        }) : () -> ()
        "tpu.region"() ({
          %run_scoped3A = tpu.sem_alloc : memref<!tpu.dma_semaphore, #tpu.memory_space<semaphore_mem>>
          %dma_start3A = arith.constant 0 : i32
          %dma_start3A_55 = arith.constant 0 : i32
          %dma_start3A_56 = tpu.memref_slice %arg2[%dma_start3A, %dma_start3A_55] : memref<10000x128xf32, #tpu.memory_space<hbm>> -> memref<10000x128xf32, #tpu.memory_space<hbm>>
          tpu.enqueue_indirect_dma source(%dma_start3A_56 : memref<10000x128xf32, #tpu.memory_space<hbm>>) target(%arg11 : memref<80x128xf32, #tpu.memory_space<vmem>>) offsets(%arg9 : memref<80xi32, #tpu.memory_space<vmem>>) semaphore(%run_scoped3A : memref<!tpu.dma_semaphore, #tpu.memory_space<semaphore_mem>>)
          %dma_wait3A = arith.constant 0 : i32
          %dma_wait3A_57 = arith.constant 0 : i32
          %dma_wait3A_58 = tpu.memref_slice %arg2[%dma_wait3A, %dma_wait3A_57] : memref<10000x128xf32, #tpu.memory_space<hbm>> -> memref<10000x128xf32, #tpu.memory_space<hbm>>
          tpu.wait_indirect_dma semaphore(%run_scoped3A : memref<!tpu.dma_semaphore, #tpu.memory_space<semaphore_mem>>) src(%dma_wait3A_58 : memref<10000x128xf32, #tpu.memory_space<hbm>>) dst(%arg11 : memref<80x128xf32, #tpu.memory_space<vmem>>)
          tpu.yield
        }) : () -> ()
        "tpu.region"() ({
          %run_scoped3A = tpu.sem_alloc : memref<!tpu.dma_semaphore, #tpu.memory_space<semaphore_mem>>
          %dma_start3A = tpu.memref_slice %arg5[%add3A_54] : memref<160000xi32, #tpu.memory_space<hbm>> -> memref<80xi32, #tpu.memory_space<hbm>>
          %dma_start3A_55 = tpu.memref_slice %arg5[%add3A_54] : memref<160000xi32, #tpu.memory_space<hbm>> -> memref<80xi32, #tpu.memory_space<hbm>>
          tpu.enqueue_dma source(%dma_start3A_55 : memref<80xi32, #tpu.memory_space<hbm>>) target(%arg10 : memref<80xi32, #tpu.memory_space<vmem>>) target_semaphore(%run_scoped3A : memref<!tpu.dma_semaphore, #tpu.memory_space<semaphore_mem>>)
          %dma_wait3A = tpu.memref_slice %arg5[%add3A_54] : memref<160000xi32, #tpu.memory_space<hbm>> -> memref<80xi32, #tpu.memory_space<hbm>>
          %dma_wait3A_56 = tpu.memref_slice %arg5[%add3A_54] : memref<160000xi32, #tpu.memory_space<hbm>> -> memref<80xi32, #tpu.memory_space<hbm>>
          tpu.wait_dma2 semaphore(%run_scoped3A : memref<!tpu.dma_semaphore, #tpu.memory_space<semaphore_mem>>) src(%dma_wait3A_56 : memref<80xi32, #tpu.memory_space<hbm>>) dst(%arg10 : memref<80xi32, #tpu.memory_space<vmem>>)
          tpu.yield
        }) : () -> ()
        "tpu.region"() ({
          %run_scoped3A = tpu.sem_alloc : memref<!tpu.dma_semaphore, #tpu.memory_space<semaphore_mem>>
          %dma_start3A = arith.constant 0 : i32
          %dma_start3A_55 = arith.constant 0 : i32
          %dma_start3A_56 = tpu.memref_slice %arg12[%dma_start3A, %dma_start3A_55] : memref<10000x128xf32, #tpu.memory_space<vmem_shared>> -> memref<10000x128xf32, #tpu.memory_space<vmem_shared>>
          tpu.enqueue_indirect_dma source(%arg11 : memref<80x128xf32, #tpu.memory_space<vmem>>) target(%dma_start3A_56 : memref<10000x128xf32, #tpu.memory_space<vmem_shared>>) offsets(%arg10 : memref<80xi32, #tpu.memory_space<vmem>>) semaphore(%run_scoped3A : memref<!tpu.dma_semaphore, #tpu.memory_space<semaphore_mem>>) {add = true}
          %dma_wait3A = arith.constant 0 : i32
          %dma_wait3A_57 = arith.constant 0 : i32
          %dma_wait3A_58 = tpu.memref_slice %arg12[%dma_wait3A, %dma_wait3A_57] : memref<10000x128xf32, #tpu.memory_space<vmem_shared>> -> memref<10000x128xf32, #tpu.memory_space<vmem_shared>>
          tpu.wait_indirect_dma semaphore(%run_scoped3A : memref<!tpu.dma_semaphore, #tpu.memory_space<semaphore_mem>>) src(%arg11 : memref<80x128xf32, #tpu.memory_space<vmem>>) dst(%dma_wait3A_58 : memref<10000x128xf32, #tpu.memory_space<vmem_shared>>)
          tpu.yield
        }) : () -> ()
      }
      %scan3A_35 = arith.constant 125 : i32
    } else {
    }
    %eq3A_15 = arith.constant 1 : i32
    %eq3A_16 = arith.cmpi eq, %arg0, %eq3A_15 : i32
    %convert_element_type3A_17 = arith.extui %eq3A_16 : i1 to i32
    %cond3A_18 = arith.constant 0 : i32
    %cond3A_19 = arith.cmpi ne, %convert_element_type3A_17, %cond3A_18 : i32
    scf.if %cond3A_19 {
      %scan3A = arith.constant 0 : i32
      %scan3A_31 = arith.constant 0 : i32
      %scan3A_32 = arith.constant 125 : i32
      %scan3A_33 = arith.addi %scan3A_31, %scan3A_32 : i32
      %scan3A_34 = arith.constant 1 : i32
      scf.for %scan3A_36 = %scan3A_31 to %scan3A_33 step %scan3A_34  : i32 {
        %mul3A_37 = arith.constant 10000 : i32
        %mul3A_38 = arith.muli %arg1, %mul3A_37 : i32
        %mul3A_39 = arith.constant 57 : i32
        %mul3A_40 = arith.muli %scan3A_36, %mul3A_39 : i32
        %jit3A_41 = arith.constant 125 : i32
        %eq3A_42 = arith.constant 0 : i32
        %eq3A_43 = arith.cmpi eq, %jit3A_41, %eq3A_42 : i32
        %jit3A_44 = arith.constant 1 : i32
        %select_n3A_45 = arith.select %eq3A_43, %jit3A_44, %jit3A_41 : i32
        %rem3A = arith.remsi %mul3A_40, %select_n3A_45 : i32
        %ne3A = arith.constant 0 : i32
        %ne3A_46 = arith.cmpi ne, %rem3A, %ne3A : i32
        %lt3A = arith.constant 0 : i32
        %lt3A_47 = arith.cmpi slt, %rem3A, %lt3A : i32
        %lt3A_48 = arith.constant 0 : i32
        %lt3A_49 = arith.cmpi slt, %select_n3A_45, %lt3A_48 : i32
        %ne3A_50 = arith.xori %lt3A_47, %lt3A_49 : i1
        %and3A = arith.andi %ne3A_50, %ne3A_46 : i1
        %add3A = arith.addi %rem3A, %select_n3A_45 : i32
        %select_n3A_51 = arith.select %and3A, %add3A, %rem3A : i32
        %mul3A_52 = arith.constant 80 : i32
        %mul3A_53 = arith.muli %mul3A_52, %select_n3A_51 : i32
        %add3A_54 = arith.addi %mul3A_38, %mul3A_53 : i32
        "tpu.region"() ({
          %run_scoped3A = tpu.sem_alloc : memref<!tpu.dma_semaphore, #tpu.memory_space<semaphore_mem>>
          %dma_start3A = tpu.memref_slice %arg4[%add3A_54] : memref<160000xi32, #tpu.memory_space<hbm>> -> memref<80xi32, #tpu.memory_space<hbm>>
          %dma_start3A_55 = tpu.memref_slice %arg4[%add3A_54] : memref<160000xi32, #tpu.memory_space<hbm>> -> memref<80xi32, #tpu.memory_space<hbm>>
          tpu.enqueue_dma source(%dma_start3A_55 : memref<80xi32, #tpu.memory_space<hbm>>) target(%arg9 : memref<80xi32, #tpu.memory_space<vmem>>) target_semaphore(%run_scoped3A : memref<!tpu.dma_semaphore, #tpu.memory_space<semaphore_mem>>)
          %dma_wait3A = tpu.memref_slice %arg4[%add3A_54] : memref<160000xi32, #tpu.memory_space<hbm>> -> memref<80xi32, #tpu.memory_space<hbm>>
          %dma_wait3A_56 = tpu.memref_slice %arg4[%add3A_54] : memref<160000xi32, #tpu.memory_space<hbm>> -> memref<80xi32, #tpu.memory_space<hbm>>
          tpu.wait_dma2 semaphore(%run_scoped3A : memref<!tpu.dma_semaphore, #tpu.memory_space<semaphore_mem>>) src(%dma_wait3A_56 : memref<80xi32, #tpu.memory_space<hbm>>) dst(%arg9 : memref<80xi32, #tpu.memory_space<vmem>>)
          tpu.yield
        }) : () -> ()
        "tpu.region"() ({
          %run_scoped3A = tpu.sem_alloc : memref<!tpu.dma_semaphore, #tpu.memory_space<semaphore_mem>>
          %dma_start3A = arith.constant 0 : i32
          %dma_start3A_55 = arith.constant 0 : i32
          %dma_start3A_56 = tpu.memref_slice %arg3[%dma_start3A, %dma_start3A_55] : memref<10000x128xf32, #tpu.memory_space<hbm>> -> memref<10000x128xf32, #tpu.memory_space<hbm>>
          tpu.enqueue_indirect_dma source(%dma_start3A_56 : memref<10000x128xf32, #tpu.memory_space<hbm>>) target(%arg11 : memref<80x128xf32, #tpu.memory_space<vmem>>) offsets(%arg9 : memref<80xi32, #tpu.memory_space<vmem>>) semaphore(%run_scoped3A : memref<!tpu.dma_semaphore, #tpu.memory_space<semaphore_mem>>)
          %dma_wait3A = arith.constant 0 : i32
          %dma_wait3A_57 = arith.constant 0 : i32
          %dma_wait3A_58 = tpu.memref_slice %arg3[%dma_wait3A, %dma_wait3A_57] : memref<10000x128xf32, #tpu.memory_space<hbm>> -> memref<10000x128xf32, #tpu.memory_space<hbm>>
          tpu.wait_indirect_dma semaphore(%run_scoped3A : memref<!tpu.dma_semaphore, #tpu.memory_space<semaphore_mem>>) src(%dma_wait3A_58 : memref<10000x128xf32, #tpu.memory_space<hbm>>) dst(%arg11 : memref<80x128xf32, #tpu.memory_space<vmem>>)
          tpu.yield
        }) : () -> ()
        "tpu.region"() ({
          %run_scoped3A = tpu.sem_alloc : memref<!tpu.dma_semaphore, #tpu.memory_space<semaphore_mem>>
          %dma_start3A = tpu.memref_slice %arg5[%add3A_54] : memref<160000xi32, #tpu.memory_space<hbm>> -> memref<80xi32, #tpu.memory_space<hbm>>
          %dma_start3A_55 = tpu.memref_slice %arg5[%add3A_54] : memref<160000xi32, #tpu.memory_space<hbm>> -> memref<80xi32, #tpu.memory_space<hbm>>
          tpu.enqueue_dma source(%dma_start3A_55 : memref<80xi32, #tpu.memory_space<hbm>>) target(%arg10 : memref<80xi32, #tpu.memory_space<vmem>>) target_semaphore(%run_scoped3A : memref<!tpu.dma_semaphore, #tpu.memory_space<semaphore_mem>>)
          %dma_wait3A = tpu.memref_slice %arg5[%add3A_54] : memref<160000xi32, #tpu.memory_space<hbm>> -> memref<80xi32, #tpu.memory_space<hbm>>
          %dma_wait3A_56 = tpu.memref_slice %arg5[%add3A_54] : memref<160000xi32, #tpu.memory_space<hbm>> -> memref<80xi32, #tpu.memory_space<hbm>>
          tpu.wait_dma2 semaphore(%run_scoped3A : memref<!tpu.dma_semaphore, #tpu.memory_space<semaphore_mem>>) src(%dma_wait3A_56 : memref<80xi32, #tpu.memory_space<hbm>>) dst(%arg10 : memref<80xi32, #tpu.memory_space<vmem>>)
          tpu.yield
        }) : () -> ()
        "tpu.region"() ({
          %run_scoped3A = tpu.sem_alloc : memref<!tpu.dma_semaphore, #tpu.memory_space<semaphore_mem>>
          %dma_start3A = arith.constant 0 : i32
          %dma_start3A_55 = arith.constant 0 : i32
          %dma_start3A_56 = tpu.memref_slice %arg12[%dma_start3A, %dma_start3A_55] : memref<10000x128xf32, #tpu.memory_space<vmem_shared>> -> memref<10000x128xf32, #tpu.memory_space<vmem_shared>>
          tpu.enqueue_indirect_dma source(%arg11 : memref<80x128xf32, #tpu.memory_space<vmem>>) target(%dma_start3A_56 : memref<10000x128xf32, #tpu.memory_space<vmem_shared>>) offsets(%arg10 : memref<80xi32, #tpu.memory_space<vmem>>) semaphore(%run_scoped3A : memref<!tpu.dma_semaphore, #tpu.memory_space<semaphore_mem>>) {add = true}
          %dma_wait3A = arith.constant 0 : i32
          %dma_wait3A_57 = arith.constant 0 : i32
          %dma_wait3A_58 = tpu.memref_slice %arg12[%dma_wait3A, %dma_wait3A_57] : memref<10000x128xf32, #tpu.memory_space<vmem_shared>> -> memref<10000x128xf32, #tpu.memory_space<vmem_shared>>
          tpu.wait_indirect_dma semaphore(%run_scoped3A : memref<!tpu.dma_semaphore, #tpu.memory_space<semaphore_mem>>) src(%arg11 : memref<80x128xf32, #tpu.memory_space<vmem>>) dst(%dma_wait3A_58 : memref<10000x128xf32, #tpu.memory_space<vmem_shared>>)
          tpu.yield
        }) : () -> ()
      }
      %scan3A_35 = arith.constant 125 : i32
    } else {
    }
    %barrier3A_20 = arith.constant 0 : index
    tpu.barrier barrier_id(%barrier3A_20)
    %eq3A_21 = arith.constant 0 : i32
    %eq3A_22 = arith.cmpi eq, %arg0, %eq3A_21 : i32
    %convert_element_type3A_23 = arith.extui %eq3A_22 : i1 to i32
    %cond3A_24 = arith.constant 0 : i32
    %cond3A_25 = arith.cmpi ne, %convert_element_type3A_23, %cond3A_24 : i32
    scf.if %cond3A_25 {
      %while3A_31 = arith.constant 0 : i32
      %while3A_32 = arith.constant 0 : i32
      %while3A_33 = arith.subi %select_n3A, %while3A_32 : i32
      %while3A_34 = arith.addi %while3A_32, %while3A_33 : i32
      %while3A_35 = arith.constant 1 : i32
      %while3A_36 = arith.divsi %while3A_33, %while3A_35 : i32
      %while3A_37 = arith.muli %while3A_36, %while3A_35 : i32
      %while3A_38 = arith.addi %while3A_32, %while3A_37 : i32
      %while3A_39 = arith.constant 1 : i32
      scf.for %while3A_41 = %while3A_32 to %while3A_38 step %while3A_39  : i32 {
        %mul3A_42 = arith.constant 80 : i32
        %mul3A_43 = arith.muli %mul3A_42, %while3A_41 : i32
        %add3A = arith.addi %mul3A_0, %mul3A_43 : i32
        "tpu.region"() ({
          %run_scoped3A = tpu.sem_alloc : memref<!tpu.dma_semaphore, #tpu.memory_space<semaphore_mem>>
          %dma_start3A = arith.constant 0 : i32
          %dma_start3A_44 = tpu.memref_slice %arg12[%add3A, %dma_start3A] : memref<10000x128xf32, #tpu.memory_space<vmem_shared>> -> memref<80x128xf32, #tpu.memory_space<vmem_shared>>
          %dma_start3A_45 = arith.constant 0 : i32
          %dma_start3A_46 = tpu.memref_slice %arg12[%add3A, %dma_start3A_45] : memref<10000x128xf32, #tpu.memory_space<vmem_shared>> -> memref<80x128xf32, #tpu.memory_space<vmem_shared>>
          tpu.enqueue_dma source(%dma_start3A_46 : memref<80x128xf32, #tpu.memory_space<vmem_shared>>) target(%arg11 : memref<80x128xf32, #tpu.memory_space<vmem>>) target_semaphore(%run_scoped3A : memref<!tpu.dma_semaphore, #tpu.memory_space<semaphore_mem>>)
          %dma_wait3A = arith.constant 0 : i32
          %dma_wait3A_47 = tpu.memref_slice %arg12[%add3A, %dma_wait3A] : memref<10000x128xf32, #tpu.memory_space<vmem_shared>> -> memref<80x128xf32, #tpu.memory_space<vmem_shared>>
          %dma_wait3A_48 = arith.constant 0 : i32
          %dma_wait3A_49 = tpu.memref_slice %arg12[%add3A, %dma_wait3A_48] : memref<10000x128xf32, #tpu.memory_space<vmem_shared>> -> memref<80x128xf32, #tpu.memory_space<vmem_shared>>
          tpu.wait_dma2 semaphore(%run_scoped3A : memref<!tpu.dma_semaphore, #tpu.memory_space<semaphore_mem>>) src(%dma_wait3A_49 : memref<80x128xf32, #tpu.memory_space<vmem_shared>>) dst(%arg11 : memref<80x128xf32, #tpu.memory_space<vmem>>)
          tpu.yield
        }) : () -> ()
        "tpu.region"() ({
          %run_scoped3A = tpu.sem_alloc : memref<!tpu.dma_semaphore, #tpu.memory_space<semaphore_mem>>
          %dma_start3A = arith.constant 0 : i32
          %dma_start3A_44 = tpu.memref_slice %arg7[%add3A, %dma_start3A] : memref<10000x128xf32, #tpu.memory_space<hbm>> -> memref<80x128xf32, #tpu.memory_space<hbm>>
          %dma_start3A_45 = arith.constant 0 : i32
          %dma_start3A_46 = tpu.memref_slice %arg7[%add3A, %dma_start3A_45] : memref<10000x128xf32, #tpu.memory_space<hbm>> -> memref<80x128xf32, #tpu.memory_space<hbm>>
          tpu.enqueue_dma source(%arg11 : memref<80x128xf32, #tpu.memory_space<vmem>>) target(%dma_start3A_46 : memref<80x128xf32, #tpu.memory_space<hbm>>) target_semaphore(%run_scoped3A : memref<!tpu.dma_semaphore, #tpu.memory_space<semaphore_mem>>)
          %dma_wait3A = arith.constant 0 : i32
          %dma_wait3A_47 = tpu.memref_slice %arg7[%add3A, %dma_wait3A] : memref<10000x128xf32, #tpu.memory_space<hbm>> -> memref<80x128xf32, #tpu.memory_space<hbm>>
          %dma_wait3A_48 = arith.constant 0 : i32
          %dma_wait3A_49 = tpu.memref_slice %arg7[%add3A, %dma_wait3A_48] : memref<10000x128xf32, #tpu.memory_space<hbm>> -> memref<80x128xf32, #tpu.memory_space<hbm>>
          tpu.wait_dma2 semaphore(%run_scoped3A : memref<!tpu.dma_semaphore, #tpu.memory_space<semaphore_mem>>) src(%arg11 : memref<80x128xf32, #tpu.memory_space<vmem>>) dst(%dma_wait3A_49 : memref<80x128xf32, #tpu.memory_space<hbm>>)
          tpu.yield
        }) : () -> ()
      }
      %while3A_40 = arith.constant 1 : i32
      scf.for %while3A_41 = %while3A_38 to %while3A_34 step %while3A_40  : i32 {
        %mul3A_42 = arith.constant 80 : i32
        %mul3A_43 = arith.muli %mul3A_42, %while3A_41 : i32
        %add3A = arith.addi %mul3A_0, %mul3A_43 : i32
        "tpu.region"() ({
          %run_scoped3A = tpu.sem_alloc : memref<!tpu.dma_semaphore, #tpu.memory_space<semaphore_mem>>
          %dma_start3A = arith.constant 0 : i32
          %dma_start3A_44 = tpu.memref_slice %arg12[%add3A, %dma_start3A] : memref<10000x128xf32, #tpu.memory_space<vmem_shared>> -> memref<80x128xf32, #tpu.memory_space<vmem_shared>>
          %dma_start3A_45 = arith.constant 0 : i32
          %dma_start3A_46 = tpu.memref_slice %arg12[%add3A, %dma_start3A_45] : memref<10000x128xf32, #tpu.memory_space<vmem_shared>> -> memref<80x128xf32, #tpu.memory_space<vmem_shared>>
          tpu.enqueue_dma source(%dma_start3A_46 : memref<80x128xf32, #tpu.memory_space<vmem_shared>>) target(%arg11 : memref<80x128xf32, #tpu.memory_space<vmem>>) target_semaphore(%run_scoped3A : memref<!tpu.dma_semaphore, #tpu.memory_space<semaphore_mem>>)
          %dma_wait3A = arith.constant 0 : i32
          %dma_wait3A_47 = tpu.memref_slice %arg12[%add3A, %dma_wait3A] : memref<10000x128xf32, #tpu.memory_space<vmem_shared>> -> memref<80x128xf32, #tpu.memory_space<vmem_shared>>
          %dma_wait3A_48 = arith.constant 0 : i32
          %dma_wait3A_49 = tpu.memref_slice %arg12[%add3A, %dma_wait3A_48] : memref<10000x128xf32, #tpu.memory_space<vmem_shared>> -> memref<80x128xf32, #tpu.memory_space<vmem_shared>>
          tpu.wait_dma2 semaphore(%run_scoped3A : memref<!tpu.dma_semaphore, #tpu.memory_space<semaphore_mem>>) src(%dma_wait3A_49 : memref<80x128xf32, #tpu.memory_space<vmem_shared>>) dst(%arg11 : memref<80x128xf32, #tpu.memory_space<vmem>>)
          tpu.yield
        }) : () -> ()
        "tpu.region"() ({
          %run_scoped3A = tpu.sem_alloc : memref<!tpu.dma_semaphore, #tpu.memory_space<semaphore_mem>>
          %dma_start3A = arith.constant 0 : i32
          %dma_start3A_44 = tpu.memref_slice %arg7[%add3A, %dma_start3A] : memref<10000x128xf32, #tpu.memory_space<hbm>> -> memref<80x128xf32, #tpu.memory_space<hbm>>
          %dma_start3A_45 = arith.constant 0 : i32
          %dma_start3A_46 = tpu.memref_slice %arg7[%add3A, %dma_start3A_45] : memref<10000x128xf32, #tpu.memory_space<hbm>> -> memref<80x128xf32, #tpu.memory_space<hbm>>
          tpu.enqueue_dma source(%arg11 : memref<80x128xf32, #tpu.memory_space<vmem>>) target(%dma_start3A_46 : memref<80x128xf32, #tpu.memory_space<hbm>>) target_semaphore(%run_scoped3A : memref<!tpu.dma_semaphore, #tpu.memory_space<semaphore_mem>>)
          %dma_wait3A = arith.constant 0 : i32
          %dma_wait3A_47 = tpu.memref_slice %arg7[%add3A, %dma_wait3A] : memref<10000x128xf32, #tpu.memory_space<hbm>> -> memref<80x128xf32, #tpu.memory_space<hbm>>
          %dma_wait3A_48 = arith.constant 0 : i32
          %dma_wait3A_49 = tpu.memref_slice %arg7[%add3A, %dma_wait3A_48] : memref<10000x128xf32, #tpu.memory_space<hbm>> -> memref<80x128xf32, #tpu.memory_space<hbm>>
          tpu.wait_dma2 semaphore(%run_scoped3A : memref<!tpu.dma_semaphore, #tpu.memory_space<semaphore_mem>>) src(%arg11 : memref<80x128xf32, #tpu.memory_space<vmem>>) dst(%dma_wait3A_49 : memref<80x128xf32, #tpu.memory_space<hbm>>)
          tpu.yield
        }) : () -> ()
      }
    } else {
    }
    %eq3A_26 = arith.constant 1 : i32
    %eq3A_27 = arith.cmpi eq, %arg0, %eq3A_26 : i32
    %convert_element_type3A_28 = arith.extui %eq3A_27 : i1 to i32
    %cond3A_29 = arith.constant 0 : i32
    %cond3A_30 = arith.cmpi ne, %convert_element_type3A_28, %cond3A_29 : i32
    scf.if %cond3A_30 {
      %while3A_31 = arith.constant 0 : i32
      %while3A_32 = arith.constant 0 : i32
      %while3A_33 = arith.subi %select_n3A, %while3A_32 : i32
      %while3A_34 = arith.addi %while3A_32, %while3A_33 : i32
      %while3A_35 = arith.constant 1 : i32
      %while3A_36 = arith.divsi %while3A_33, %while3A_35 : i32
      %while3A_37 = arith.muli %while3A_36, %while3A_35 : i32
      %while3A_38 = arith.addi %while3A_32, %while3A_37 : i32
      %while3A_39 = arith.constant 1 : i32
      scf.for %while3A_41 = %while3A_32 to %while3A_38 step %while3A_39  : i32 {
        %mul3A_42 = arith.constant 80 : i32
        %mul3A_43 = arith.muli %mul3A_42, %while3A_41 : i32
        %add3A = arith.addi %mul3A_0, %mul3A_43 : i32
        "tpu.region"() ({
          %run_scoped3A = tpu.sem_alloc : memref<!tpu.dma_semaphore, #tpu.memory_space<semaphore_mem>>
          %dma_start3A = arith.constant 0 : i32
          %dma_start3A_44 = tpu.memref_slice %arg12[%add3A, %dma_start3A] : memref<10000x128xf32, #tpu.memory_space<vmem_shared>> -> memref<80x128xf32, #tpu.memory_space<vmem_shared>>
          %dma_start3A_45 = arith.constant 0 : i32
          %dma_start3A_46 = tpu.memref_slice %arg12[%add3A, %dma_start3A_45] : memref<10000x128xf32, #tpu.memory_space<vmem_shared>> -> memref<80x128xf32, #tpu.memory_space<vmem_shared>>
          tpu.enqueue_dma source(%dma_start3A_46 : memref<80x128xf32, #tpu.memory_space<vmem_shared>>) target(%arg11 : memref<80x128xf32, #tpu.memory_space<vmem>>) target_semaphore(%run_scoped3A : memref<!tpu.dma_semaphore, #tpu.memory_space<semaphore_mem>>)
          %dma_wait3A = arith.constant 0 : i32
          %dma_wait3A_47 = tpu.memref_slice %arg12[%add3A, %dma_wait3A] : memref<10000x128xf32, #tpu.memory_space<vmem_shared>> -> memref<80x128xf32, #tpu.memory_space<vmem_shared>>
          %dma_wait3A_48 = arith.constant 0 : i32
          %dma_wait3A_49 = tpu.memref_slice %arg12[%add3A, %dma_wait3A_48] : memref<10000x128xf32, #tpu.memory_space<vmem_shared>> -> memref<80x128xf32, #tpu.memory_space<vmem_shared>>
          tpu.wait_dma2 semaphore(%run_scoped3A : memref<!tpu.dma_semaphore, #tpu.memory_space<semaphore_mem>>) src(%dma_wait3A_49 : memref<80x128xf32, #tpu.memory_space<vmem_shared>>) dst(%arg11 : memref<80x128xf32, #tpu.memory_space<vmem>>)
          tpu.yield
        }) : () -> ()
        "tpu.region"() ({
          %run_scoped3A = tpu.sem_alloc : memref<!tpu.dma_semaphore, #tpu.memory_space<semaphore_mem>>
          %dma_start3A = arith.constant 0 : i32
          %dma_start3A_44 = tpu.memref_slice %arg8[%add3A, %dma_start3A] : memref<10000x128xf32, #tpu.memory_space<hbm>> -> memref<80x128xf32, #tpu.memory_space<hbm>>
          %dma_start3A_45 = arith.constant 0 : i32
          %dma_start3A_46 = tpu.memref_slice %arg8[%add3A, %dma_start3A_45] : memref<10000x128xf32, #tpu.memory_space<hbm>> -> memref<80x128xf32, #tpu.memory_space<hbm>>
          tpu.enqueue_dma source(%arg11 : memref<80x128xf32, #tpu.memory_space<vmem>>) target(%dma_start3A_46 : memref<80x128xf32, #tpu.memory_space<hbm>>) target_semaphore(%run_scoped3A : memref<!tpu.dma_semaphore, #tpu.memory_space<semaphore_mem>>)
          %dma_wait3A = arith.constant 0 : i32
          %dma_wait3A_47 = tpu.memref_slice %arg8[%add3A, %dma_wait3A] : memref<10000x128xf32, #tpu.memory_space<hbm>> -> memref<80x128xf32, #tpu.memory_space<hbm>>
          %dma_wait3A_48 = arith.constant 0 : i32
          %dma_wait3A_49 = tpu.memref_slice %arg8[%add3A, %dma_wait3A_48] : memref<10000x128xf32, #tpu.memory_space<hbm>> -> memref<80x128xf32, #tpu.memory_space<hbm>>
          tpu.wait_dma2 semaphore(%run_scoped3A : memref<!tpu.dma_semaphore, #tpu.memory_space<semaphore_mem>>) src(%arg11 : memref<80x128xf32, #tpu.memory_space<vmem>>) dst(%dma_wait3A_49 : memref<80x128xf32, #tpu.memory_space<hbm>>)
          tpu.yield
        }) : () -> ()
      }
      %while3A_40 = arith.constant 1 : i32
      scf.for %while3A_41 = %while3A_38 to %while3A_34 step %while3A_40  : i32 {
        %mul3A_42 = arith.constant 80 : i32
        %mul3A_43 = arith.muli %mul3A_42, %while3A_41 : i32
        %add3A = arith.addi %mul3A_0, %mul3A_43 : i32
        "tpu.region"() ({
          %run_scoped3A = tpu.sem_alloc : memref<!tpu.dma_semaphore, #tpu.memory_space<semaphore_mem>>
          %dma_start3A = arith.constant 0 : i32
          %dma_start3A_44 = tpu.memref_slice %arg12[%add3A, %dma_start3A] : memref<10000x128xf32, #tpu.memory_space<vmem_shared>> -> memref<80x128xf32, #tpu.memory_space<vmem_shared>>
          %dma_start3A_45 = arith.constant 0 : i32
          %dma_start3A_46 = tpu.memref_slice %arg12[%add3A, %dma_start3A_45] : memref<10000x128xf32, #tpu.memory_space<vmem_shared>> -> memref<80x128xf32, #tpu.memory_space<vmem_shared>>
          tpu.enqueue_dma source(%dma_start3A_46 : memref<80x128xf32, #tpu.memory_space<vmem_shared>>) target(%arg11 : memref<80x128xf32, #tpu.memory_space<vmem>>) target_semaphore(%run_scoped3A : memref<!tpu.dma_semaphore, #tpu.memory_space<semaphore_mem>>)
          %dma_wait3A = arith.constant 0 : i32
          %dma_wait3A_47 = tpu.memref_slice %arg12[%add3A, %dma_wait3A] : memref<10000x128xf32, #tpu.memory_space<vmem_shared>> -> memref<80x128xf32, #tpu.memory_space<vmem_shared>>
          %dma_wait3A_48 = arith.constant 0 : i32
          %dma_wait3A_49 = tpu.memref_slice %arg12[%add3A, %dma_wait3A_48] : memref<10000x128xf32, #tpu.memory_space<vmem_shared>> -> memref<80x128xf32, #tpu.memory_space<vmem_shared>>
          tpu.wait_dma2 semaphore(%run_scoped3A : memref<!tpu.dma_semaphore, #tpu.memory_space<semaphore_mem>>) src(%dma_wait3A_49 : memref<80x128xf32, #tpu.memory_space<vmem_shared>>) dst(%arg11 : memref<80x128xf32, #tpu.memory_space<vmem>>)
          tpu.yield
        }) : () -> ()
        "tpu.region"() ({
          %run_scoped3A = tpu.sem_alloc : memref<!tpu.dma_semaphore, #tpu.memory_space<semaphore_mem>>
          %dma_start3A = arith.constant 0 : i32
          %dma_start3A_44 = tpu.memref_slice %arg8[%add3A, %dma_start3A] : memref<10000x128xf32, #tpu.memory_space<hbm>> -> memref<80x128xf32, #tpu.memory_space<hbm>>
          %dma_start3A_45 = arith.constant 0 : i32
          %dma_start3A_46 = tpu.memref_slice %arg8[%add3A, %dma_start3A_45] : memref<10000x128xf32, #tpu.memory_space<hbm>> -> memref<80x128xf32, #tpu.memory_space<hbm>>
          tpu.enqueue_dma source(%arg11 : memref<80x128xf32, #tpu.memory_space<vmem>>) target(%dma_start3A_46 : memref<80x128xf32, #tpu.memory_space<hbm>>) target_semaphore(%run_scoped3A : memref<!tpu.dma_semaphore, #tpu.memory_space<semaphore_mem>>)
          %dma_wait3A = arith.constant 0 : i32
          %dma_wait3A_47 = tpu.memref_slice %arg8[%add3A, %dma_wait3A] : memref<10000x128xf32, #tpu.memory_space<hbm>> -> memref<80x128xf32, #tpu.memory_space<hbm>>
          %dma_wait3A_48 = arith.constant 0 : i32
          %dma_wait3A_49 = tpu.memref_slice %arg8[%add3A, %dma_wait3A_48] : memref<10000x128xf32, #tpu.memory_space<hbm>> -> memref<80x128xf32, #tpu.memory_space<hbm>>
          tpu.wait_dma2 semaphore(%run_scoped3A : memref<!tpu.dma_semaphore, #tpu.memory_space<semaphore_mem>>) src(%arg11 : memref<80x128xf32, #tpu.memory_space<vmem>>) dst(%dma_wait3A_49 : memref<80x128xf32, #tpu.memory_space<hbm>>)
          tpu.yield
        }) : () -> ()
      }
    } else {
    }
    return
  }
}

module attributes {stable_mosaic.version = 14 : i64} {
  func.func @_layer1_tc(%arg0: i32, %arg1: i32, %arg2: memref<1000x128xf32, #tpu.memory_space<vmem>>, %arg3: memref<1000x128xf32, #tpu.memory_space<vmem>>, %arg4: memref<1000x128xf32, #tpu.memory_space<vmem>>, %arg5: memref<1000x256xf32, #tpu.memory_space<vmem>>, %arg6: memref<256x128xf32, #tpu.memory_space<vmem>>, %arg7: memref<256x128xf32, #tpu.memory_space<vmem>>, %arg8: memref<1x1x128xf32, #tpu.memory_space<vmem>>, %arg9: memref<1x1000x128xf32, #tpu.memory_space<vmem>>) attributes {dimension_semantics = [#tpu.dimension_semantics<arbitrary>, #tpu.dimension_semantics<arbitrary>], iteration_bounds = array<i64: 10, 4>, scalar_prefetch = 0 : i64, scratch_operands = 0 : i64, tpu.core_type = #tpu.core_type<tc>, window_params = [{transform_indices = @transform_0, window_bounds = array<i64: 1000, 128>}, {transform_indices = @transform_1, window_bounds = array<i64: 1000, 128>}, {transform_indices = @transform_2, window_bounds = array<i64: 1000, 128>}, {transform_indices = @transform_3, window_bounds = array<i64: 1000, 256>}, {transform_indices = @transform_4, window_bounds = array<i64: 256, 128>}, {transform_indices = @transform_5, window_bounds = array<i64: 256, 128>}, {transform_indices = @transform_6, window_bounds = array<i64: 1, 1, 128>}, {transform_indices = @transform_7, window_bounds = array<i64: 1, 1000, 128>}]} {
    %get3A = arith.constant 0 : index
    %get3A_0 = arith.constant 0 : index
    %get3A_1 = vector.load %arg4[%get3A, %get3A_0] : memref<1000x128xf32, #tpu.memory_space<vmem>>, vector<1000x128xf32>
    %slice3A = vector.extract_strided_slice %get3A_1 {offsets = [0, 0], sizes = [1000, 1], strides = [1, 1]} : vector<1000x128xf32> to vector<1000x1xf32>
    %max3A = arith.constant 1.000000e+00 : f32
    %max3A_2 = vector.broadcast %max3A : f32 to vector<1000x1xf32>
    %max3A_3 = arith.maximumf %slice3A, %max3A_2 : vector<1000x1xf32>
    %div3A = arith.constant 1.000000e+00 : f32
    %div3A_4 = vector.broadcast %div3A : f32 to vector<1000x1xf32>
    %div3A_5 = arith.divf %div3A_4, %max3A_3 : vector<1000x1xf32>
    %get3A_6 = arith.constant 0 : index
    %get3A_7 = arith.constant 0 : index
    %get3A_8 = vector.load %arg6[%get3A_6, %get3A_7] : memref<256x128xf32, #tpu.memory_space<vmem>>, vector<256x128xf32>
    %get3A_9 = arith.constant 0 : index
    %get3A_10 = arith.constant 0 : index
    %get3A_11 = vector.load %arg2[%get3A_9, %get3A_10] : memref<1000x128xf32, #tpu.memory_space<vmem>>, vector<1000x128xf32>
    %mul3A = vector.broadcast %div3A_5 : vector<1000x1xf32> to vector<1000x128xf32>
    %mul3A_12 = arith.mulf %get3A_11, %mul3A : vector<1000x128xf32>
    %slice3A_13 = vector.extract_strided_slice %get3A_8 {offsets = [0, 0], sizes = [128, 128], strides = [1, 1]} : vector<256x128xf32> to vector<128x128xf32>
    %dot_general3A = arith.constant dense<0.000000e+00> : vector<1000x128xf32>
    %dot_general3A_14 = tpu.matmul %mul3A_12, %slice3A_13, %dot_general3A {dimension_numbers = #tpu.dot_dimension_numbers<[1], [0], [0], [1], [0, 0, 1, 1], [], []>, transpose_lhs_hint = false} : vector<1000x128xf32>, vector<128x128xf32>, vector<1000x128xf32> -> vector<1000x128xf32>
    %get3A_15 = arith.constant 0 : index
    %get3A_16 = arith.constant 0 : index
    %get3A_17 = vector.load %arg3[%get3A_15, %get3A_16] : memref<1000x128xf32, #tpu.memory_space<vmem>>, vector<1000x128xf32>
    %mul3A_18 = vector.broadcast %div3A_5 : vector<1000x1xf32> to vector<1000x128xf32>
    %mul3A_19 = arith.mulf %get3A_17, %mul3A_18 : vector<1000x128xf32>
    %slice3A_20 = vector.extract_strided_slice %get3A_8 {offsets = [128, 0], sizes = [128, 128], strides = [1, 1]} : vector<256x128xf32> to vector<128x128xf32>
    %dot_general3A_21 = arith.constant dense<0.000000e+00> : vector<1000x128xf32>
    %dot_general3A_22 = tpu.matmul %mul3A_19, %slice3A_20, %dot_general3A_21 {dimension_numbers = #tpu.dot_dimension_numbers<[1], [0], [0], [1], [0, 0, 1, 1], [], []>, transpose_lhs_hint = false} : vector<1000x128xf32>, vector<128x128xf32>, vector<1000x128xf32> -> vector<1000x128xf32>
    %add3A = arith.addf %dot_general3A_14, %dot_general3A_22 : vector<1000x128xf32>
    %get3A_23 = arith.constant 0 : index
    %get3A_24 = arith.constant 0 : index
    %get3A_25 = vector.load %arg5[%get3A_23, %get3A_24] : memref<1000x256xf32, #tpu.memory_space<vmem>>, vector<1000x256xf32>
    %get3A_26 = arith.constant 0 : index
    %get3A_27 = arith.constant 0 : index
    %get3A_28 = vector.load %arg7[%get3A_26, %get3A_27] : memref<256x128xf32, #tpu.memory_space<vmem>>, vector<256x128xf32>
    %dot_general3A_29 = arith.constant dense<0.000000e+00> : vector<1000x128xf32>
    %dot_general3A_30 = tpu.matmul %get3A_25, %get3A_28, %dot_general3A_29 {dimension_numbers = #tpu.dot_dimension_numbers<[1], [0], [0], [1], [0, 0, 1, 1], [], []>, transpose_lhs_hint = false} : vector<1000x256xf32>, vector<256x128xf32>, vector<1000x128xf32> -> vector<1000x128xf32>
    %add3A_31 = arith.addf %add3A, %dot_general3A_30 : vector<1000x128xf32>
    %get3A_32 = arith.constant 0 : index
    %get3A_33 = arith.constant 0 : index
    %get3A_34 = arith.constant 0 : index
    %get3A_35 = vector.load %arg8[%get3A_32, %get3A_33, %get3A_34] : memref<1x1x128xf32, #tpu.memory_space<vmem>>, vector<1x1x128xf32>
    %squeeze3A = vector.shape_cast %get3A_35 : vector<1x1x128xf32> to vector<1x128xf32>
    %add3A_36 = vector.broadcast %squeeze3A : vector<1x128xf32> to vector<1000x128xf32>
    %add3A_37 = arith.addf %add3A_31, %add3A_36 : vector<1000x128xf32>
    %max3A_38 = arith.constant 0.000000e+00 : f32
    %max3A_39 = vector.broadcast %max3A_38 : f32 to vector<1000x128xf32>
    %max3A_40 = arith.maximumf %add3A_37, %max3A_39 : vector<1000x128xf32>
    %broadcast_in_dim3A = vector.shape_cast %max3A_40 : vector<1000x128xf32> to vector<1x1000x128xf32>
    %swap3A = arith.constant 0 : index
    %swap3A_41 = arith.constant 0 : index
    %swap3A_42 = arith.constant 0 : index
    %swap3A_43 = vector.load %arg9[%swap3A, %swap3A_41, %swap3A_42] : memref<1x1000x128xf32, #tpu.memory_space<vmem>>, vector<1x1000x128xf32>
    tpu.vector_store %arg9[%swap3A, %swap3A_41, %swap3A_42], %broadcast_in_dim3A {strides = array<i32>} : memref<1x1000x128xf32, #tpu.memory_space<vmem>>, vector<1x1000x128xf32>,
    return
  }
  func.func @transform_0(%arg0: i32, %arg1: i32) -> (i32, i32) {
    %c0_i32 = arith.constant 0 : i32
    %c0_i32_0 = arith.constant 0 : i32
    return %arg0, %c0_i32 : i32, i32
  }
  func.func @transform_1(%arg0: i32, %arg1: i32) -> (i32, i32) {
    %c0_i32 = arith.constant 0 : i32
    %c0_i32_0 = arith.constant 0 : i32
    return %arg0, %c0_i32 : i32, i32
  }
  func.func @transform_2(%arg0: i32, %arg1: i32) -> (i32, i32) {
    %c0_i32 = arith.constant 0 : i32
    %c0_i32_0 = arith.constant 0 : i32
    return %arg0, %c0_i32 : i32, i32
  }
  func.func @transform_3(%arg0: i32, %arg1: i32) -> (i32, i32) {
    %c0_i32 = arith.constant 0 : i32
    %c0_i32_0 = arith.constant 0 : i32
    return %arg0, %c0_i32 : i32, i32
  }
  func.func @transform_4(%arg0: i32, %arg1: i32) -> (i32, i32) {
    %c0_i32 = arith.constant 0 : i32
    %c0_i32_0 = arith.constant 0 : i32
    return %c0_i32, %arg1 : i32, i32
  }
  func.func @transform_5(%arg0: i32, %arg1: i32) -> (i32, i32) {
    %c0_i32 = arith.constant 0 : i32
    %c0_i32_0 = arith.constant 0 : i32
    return %c0_i32, %arg1 : i32, i32
  }
  func.func @transform_6(%arg0: i32, %arg1: i32) -> (i32, i32, i32) {
    %c0_i32 = arith.constant 0 : i32
    %c0_i32_0 = arith.constant 0 : i32
    %c0_i32_1 = arith.constant 0 : i32
    return %arg1, %c0_i32, %c0_i32_0 : i32, i32, i32
  }
  func.func @transform_7(%arg0: i32, %arg1: i32) -> (i32, i32, i32) {
    %c0_i32 = arith.constant 0 : i32
    %c0_i32_0 = arith.constant 0 : i32
    return %arg1, %arg0, %c0_i32 : i32, i32, i32
  }
}

module attributes {stable_mosaic.version = 14 : i64} {
  func.func @_layer2_tc(%arg0: i32, %arg1: i32, %arg2: memref<1000x128xf32, #tpu.memory_space<vmem>>, %arg3: memref<1000x128xf32, #tpu.memory_space<vmem>>, %arg4: memref<1000x128xf32, #tpu.memory_space<vmem>>, %arg5: memref<1000x128xf32, #tpu.memory_space<vmem>>, %arg6: memref<1000x128xf32, #tpu.memory_space<vmem>>, %arg7: memref<4x1000x128xf32, #tpu.memory_space<vmem>>, %arg8: memref<512x128xf32, #tpu.memory_space<vmem>>, %arg9: memref<512x128xf32, #tpu.memory_space<vmem>>, %arg10: memref<1x1x128xf32, #tpu.memory_space<vmem>>, %arg11: memref<1x1000x128xf32, #tpu.memory_space<vmem>>) attributes {dimension_semantics = [#tpu.dimension_semantics<arbitrary>, #tpu.dimension_semantics<arbitrary>], iteration_bounds = array<i64: 10, 4>, scalar_prefetch = 0 : i64, scratch_operands = 0 : i64, tpu.core_type = #tpu.core_type<tc>, window_params = [{transform_indices = @transform_0, window_bounds = array<i64: 1000, 128>}, {transform_indices = @transform_1, window_bounds = array<i64: 1000, 128>}, {transform_indices = @transform_2, window_bounds = array<i64: 1000, 128>}, {transform_indices = @transform_3, window_bounds = array<i64: 1000, 128>}, {transform_indices = @transform_4, window_bounds = array<i64: 1000, 128>}, {transform_indices = @transform_5, window_bounds = array<i64: 4, 1000, 128>}, {transform_indices = @transform_6, window_bounds = array<i64: 512, 128>}, {transform_indices = @transform_7, window_bounds = array<i64: 512, 128>}, {transform_indices = @transform_8, window_bounds = array<i64: 1, 1, 128>}, {transform_indices = @transform_9, window_bounds = array<i64: 1, 1000, 128>}]} {
    %get3A = arith.constant 0 : index
    %get3A_0 = arith.constant 0 : index
    %get3A_1 = vector.load %arg6[%get3A, %get3A_0] : memref<1000x128xf32, #tpu.memory_space<vmem>>, vector<1000x128xf32>
    %slice3A = vector.extract_strided_slice %get3A_1 {offsets = [0, 0], sizes = [1000, 1], strides = [1, 1]} : vector<1000x128xf32> to vector<1000x1xf32>
    %max3A = arith.constant 1.000000e+00 : f32
    %max3A_2 = vector.broadcast %max3A : f32 to vector<1000x1xf32>
    %max3A_3 = arith.maximumf %slice3A, %max3A_2 : vector<1000x1xf32>
    %div3A = arith.constant 1.000000e+00 : f32
    %div3A_4 = vector.broadcast %div3A : f32 to vector<1000x1xf32>
    %div3A_5 = arith.divf %div3A_4, %max3A_3 : vector<1000x1xf32>
    %get3A_6 = arith.constant 0 : index
    %get3A_7 = arith.constant 0 : index
    %get3A_8 = vector.load %arg8[%get3A_6, %get3A_7] : memref<512x128xf32, #tpu.memory_space<vmem>>, vector<512x128xf32>
    %get3A_9 = arith.constant 0 : index
    %get3A_10 = arith.constant 0 : index
    %get3A_11 = vector.load %arg9[%get3A_9, %get3A_10] : memref<512x128xf32, #tpu.memory_space<vmem>>, vector<512x128xf32>
    %get3A_12 = arith.constant 0 : index
    %get3A_13 = arith.constant 0 : index
    %get3A_14 = arith.constant 0 : index
    %get3A_15 = vector.load %arg7[%get3A_12, %get3A_13, %get3A_14] : memref<4x1000x128xf32, #tpu.memory_space<vmem>>, vector<4x1000x128xf32>
    %get3A_16 = arith.constant 0 : index
    %get3A_17 = arith.constant 0 : index
    %get3A_18 = vector.load %arg2[%get3A_16, %get3A_17] : memref<1000x128xf32, #tpu.memory_space<vmem>>, vector<1000x128xf32>
    %mul3A = vector.broadcast %div3A_5 : vector<1000x1xf32> to vector<1000x128xf32>
    %mul3A_19 = arith.mulf %get3A_18, %mul3A : vector<1000x128xf32>
    %slice3A_20 = vector.extract_strided_slice %get3A_8 {offsets = [0, 0], sizes = [128, 128], strides = [1, 1]} : vector<512x128xf32> to vector<128x128xf32>
    %dot_general3A = arith.constant dense<0.000000e+00> : vector<1000x128xf32>
    %dot_general3A_21 = tpu.matmul %mul3A_19, %slice3A_20, %dot_general3A {dimension_numbers = #tpu.dot_dimension_numbers<[1], [0], [0], [1], [0, 0, 1, 1], [], []>, transpose_lhs_hint = false} : vector<1000x128xf32>, vector<128x128xf32>, vector<1000x128xf32> -> vector<1000x128xf32>
    %get3A_22 = arith.constant 0 : index
    %get3A_23 = arith.constant 0 : index
    %get3A_24 = vector.load %arg3[%get3A_22, %get3A_23] : memref<1000x128xf32, #tpu.memory_space<vmem>>, vector<1000x128xf32>
    %mul3A_25 = vector.broadcast %div3A_5 : vector<1000x1xf32> to vector<1000x128xf32>
    %mul3A_26 = arith.mulf %get3A_24, %mul3A_25 : vector<1000x128xf32>
    %slice3A_27 = vector.extract_strided_slice %get3A_8 {offsets = [128, 0], sizes = [128, 128], strides = [1, 1]} : vector<512x128xf32> to vector<128x128xf32>
    %dot_general3A_28 = arith.constant dense<0.000000e+00> : vector<1000x128xf32>
    %dot_general3A_29 = tpu.matmul %mul3A_26, %slice3A_27, %dot_general3A_28 {dimension_numbers = #tpu.dot_dimension_numbers<[1], [0], [0], [1], [0, 0, 1, 1], [], []>, transpose_lhs_hint = false} : vector<1000x128xf32>, vector<128x128xf32>, vector<1000x128xf32> -> vector<1000x128xf32>
    %add3A = arith.addf %dot_general3A_21, %dot_general3A_29 : vector<1000x128xf32>
    %get3A_30 = arith.constant 0 : index
    %get3A_31 = arith.constant 0 : index
    %get3A_32 = vector.load %arg4[%get3A_30, %get3A_31] : memref<1000x128xf32, #tpu.memory_space<vmem>>, vector<1000x128xf32>
    %mul3A_33 = vector.broadcast %div3A_5 : vector<1000x1xf32> to vector<1000x128xf32>
    %mul3A_34 = arith.mulf %get3A_32, %mul3A_33 : vector<1000x128xf32>
    %slice3A_35 = vector.extract_strided_slice %get3A_8 {offsets = [256, 0], sizes = [128, 128], strides = [1, 1]} : vector<512x128xf32> to vector<128x128xf32>
    %dot_general3A_36 = arith.constant dense<0.000000e+00> : vector<1000x128xf32>
    %dot_general3A_37 = tpu.matmul %mul3A_34, %slice3A_35, %dot_general3A_36 {dimension_numbers = #tpu.dot_dimension_numbers<[1], [0], [0], [1], [0, 0, 1, 1], [], []>, transpose_lhs_hint = false} : vector<1000x128xf32>, vector<128x128xf32>, vector<1000x128xf32> -> vector<1000x128xf32>
    %add3A_38 = arith.addf %add3A, %dot_general3A_37 : vector<1000x128xf32>
    %get3A_39 = arith.constant 0 : index
    %get3A_40 = arith.constant 0 : index
    %get3A_41 = vector.load %arg5[%get3A_39, %get3A_40] : memref<1000x128xf32, #tpu.memory_space<vmem>>, vector<1000x128xf32>
    %mul3A_42 = vector.broadcast %div3A_5 : vector<1000x1xf32> to vector<1000x128xf32>
    %mul3A_43 = arith.mulf %get3A_41, %mul3A_42 : vector<1000x128xf32>
    %slice3A_44 = vector.extract_strided_slice %get3A_8 {offsets = [384, 0], sizes = [128, 128], strides = [1, 1]} : vector<512x128xf32> to vector<128x128xf32>
    %dot_general3A_45 = arith.constant dense<0.000000e+00> : vector<1000x128xf32>
    %dot_general3A_46 = tpu.matmul %mul3A_43, %slice3A_44, %dot_general3A_45 {dimension_numbers = #tpu.dot_dimension_numbers<[1], [0], [0], [1], [0, 0, 1, 1], [], []>, transpose_lhs_hint = false} : vector<1000x128xf32>, vector<128x128xf32>, vector<1000x128xf32> -> vector<1000x128xf32>
    %add3A_47 = arith.addf %add3A_38, %dot_general3A_46 : vector<1000x128xf32>
    %slice3A_48 = vector.extract_strided_slice %get3A_15 {offsets = [0, 0, 0], sizes = [1, 1000, 128], strides = [1, 1, 1]} : vector<4x1000x128xf32> to vector<1x1000x128xf32>
    %squeeze3A = vector.shape_cast %slice3A_48 : vector<1x1000x128xf32> to vector<1000x128xf32>
    %slice3A_49 = vector.extract_strided_slice %get3A_11 {offsets = [0, 0], sizes = [128, 128], strides = [1, 1]} : vector<512x128xf32> to vector<128x128xf32>
    %dot_general3A_50 = arith.constant dense<0.000000e+00> : vector<1000x128xf32>
    %dot_general3A_51 = tpu.matmul %squeeze3A, %slice3A_49, %dot_general3A_50 {dimension_numbers = #tpu.dot_dimension_numbers<[1], [0], [0], [1], [0, 0, 1, 1], [], []>, transpose_lhs_hint = false} : vector<1000x128xf32>, vector<128x128xf32>, vector<1000x128xf32> -> vector<1000x128xf32>
    %add3A_52 = arith.addf %add3A_47, %dot_general3A_51 : vector<1000x128xf32>
    %slice3A_53 = vector.extract_strided_slice %get3A_15 {offsets = [1, 0, 0], sizes = [1, 1000, 128], strides = [1, 1, 1]} : vector<4x1000x128xf32> to vector<1x1000x128xf32>
    %squeeze3A_54 = vector.shape_cast %slice3A_53 : vector<1x1000x128xf32> to vector<1000x128xf32>
    %slice3A_55 = vector.extract_strided_slice %get3A_11 {offsets = [128, 0], sizes = [128, 128], strides = [1, 1]} : vector<512x128xf32> to vector<128x128xf32>
    %dot_general3A_56 = arith.constant dense<0.000000e+00> : vector<1000x128xf32>
    %dot_general3A_57 = tpu.matmul %squeeze3A_54, %slice3A_55, %dot_general3A_56 {dimension_numbers = #tpu.dot_dimension_numbers<[1], [0], [0], [1], [0, 0, 1, 1], [], []>, transpose_lhs_hint = false} : vector<1000x128xf32>, vector<128x128xf32>, vector<1000x128xf32> -> vector<1000x128xf32>
    %add3A_58 = arith.addf %add3A_52, %dot_general3A_57 : vector<1000x128xf32>
    %slice3A_59 = vector.extract_strided_slice %get3A_15 {offsets = [2, 0, 0], sizes = [1, 1000, 128], strides = [1, 1, 1]} : vector<4x1000x128xf32> to vector<1x1000x128xf32>
    %squeeze3A_60 = vector.shape_cast %slice3A_59 : vector<1x1000x128xf32> to vector<1000x128xf32>
    %slice3A_61 = vector.extract_strided_slice %get3A_11 {offsets = [256, 0], sizes = [128, 128], strides = [1, 1]} : vector<512x128xf32> to vector<128x128xf32>
    %dot_general3A_62 = arith.constant dense<0.000000e+00> : vector<1000x128xf32>
    %dot_general3A_63 = tpu.matmul %squeeze3A_60, %slice3A_61, %dot_general3A_62 {dimension_numbers = #tpu.dot_dimension_numbers<[1], [0], [0], [1], [0, 0, 1, 1], [], []>, transpose_lhs_hint = false} : vector<1000x128xf32>, vector<128x128xf32>, vector<1000x128xf32> -> vector<1000x128xf32>
    %add3A_64 = arith.addf %add3A_58, %dot_general3A_63 : vector<1000x128xf32>
    %slice3A_65 = vector.extract_strided_slice %get3A_15 {offsets = [3, 0, 0], sizes = [1, 1000, 128], strides = [1, 1, 1]} : vector<4x1000x128xf32> to vector<1x1000x128xf32>
    %squeeze3A_66 = vector.shape_cast %slice3A_65 : vector<1x1000x128xf32> to vector<1000x128xf32>
    %slice3A_67 = vector.extract_strided_slice %get3A_11 {offsets = [384, 0], sizes = [128, 128], strides = [1, 1]} : vector<512x128xf32> to vector<128x128xf32>
    %dot_general3A_68 = arith.constant dense<0.000000e+00> : vector<1000x128xf32>
    %dot_general3A_69 = tpu.matmul %squeeze3A_66, %slice3A_67, %dot_general3A_68 {dimension_numbers = #tpu.dot_dimension_numbers<[1], [0], [0], [1], [0, 0, 1, 1], [], []>, transpose_lhs_hint = false} : vector<1000x128xf32>, vector<128x128xf32>, vector<1000x128xf32> -> vector<1000x128xf32>
    %add3A_70 = arith.addf %add3A_64, %dot_general3A_69 : vector<1000x128xf32>
    %get3A_71 = arith.constant 0 : index
    %get3A_72 = arith.constant 0 : index
    %get3A_73 = arith.constant 0 : index
    %get3A_74 = vector.load %arg10[%get3A_71, %get3A_72, %get3A_73] : memref<1x1x128xf32, #tpu.memory_space<vmem>>, vector<1x1x128xf32>
    %squeeze3A_75 = vector.shape_cast %get3A_74 : vector<1x1x128xf32> to vector<1x128xf32>
    %add3A_76 = vector.broadcast %squeeze3A_75 : vector<1x128xf32> to vector<1000x128xf32>
    %add3A_77 = arith.addf %add3A_70, %add3A_76 : vector<1000x128xf32>
    %max3A_78 = arith.constant 0.000000e+00 : f32
    %max3A_79 = vector.broadcast %max3A_78 : f32 to vector<1000x128xf32>
    %max3A_80 = arith.maximumf %add3A_77, %max3A_79 : vector<1000x128xf32>
    %broadcast_in_dim3A = vector.shape_cast %max3A_80 : vector<1000x128xf32> to vector<1x1000x128xf32>
    %swap3A = arith.constant 0 : index
    %swap3A_81 = arith.constant 0 : index
    %swap3A_82 = arith.constant 0 : index
    %swap3A_83 = vector.load %arg11[%swap3A, %swap3A_81, %swap3A_82] : memref<1x1000x128xf32, #tpu.memory_space<vmem>>, vector<1x1000x128xf32>
    tpu.vector_store %arg11[%swap3A, %swap3A_81, %swap3A_82], %broadcast_in_dim3A {strides = array<i32>} : memref<1x1000x128xf32, #tpu.memory_space<vmem>>, vector<1x1000x128xf32>,
    return
  }
  func.func @transform_0(%arg0: i32, %arg1: i32) -> (i32, i32) {
    %c0_i32 = arith.constant 0 : i32
    %c0_i32_0 = arith.constant 0 : i32
    return %arg0, %c0_i32 : i32, i32
  }
  func.func @transform_1(%arg0: i32, %arg1: i32) -> (i32, i32) {
    %c0_i32 = arith.constant 0 : i32
    %c0_i32_0 = arith.constant 0 : i32
    return %arg0, %c0_i32 : i32, i32
  }
  func.func @transform_2(%arg0: i32, %arg1: i32) -> (i32, i32) {
    %c0_i32 = arith.constant 0 : i32
    %c0_i32_0 = arith.constant 0 : i32
    return %arg0, %c0_i32 : i32, i32
  }
  func.func @transform_3(%arg0: i32, %arg1: i32) -> (i32, i32) {
    %c0_i32 = arith.constant 0 : i32
    %c0_i32_0 = arith.constant 0 : i32
    return %arg0, %c0_i32 : i32, i32
  }
  func.func @transform_4(%arg0: i32, %arg1: i32) -> (i32, i32) {
    %c0_i32 = arith.constant 0 : i32
    %c0_i32_0 = arith.constant 0 : i32
    return %arg0, %c0_i32 : i32, i32
  }
  func.func @transform_5(%arg0: i32, %arg1: i32) -> (i32, i32, i32) {
    %c0_i32 = arith.constant 0 : i32
    %c0_i32_0 = arith.constant 0 : i32
    %c0_i32_1 = arith.constant 0 : i32
    return %c0_i32, %arg0, %c0_i32_0 : i32, i32, i32
  }
  func.func @transform_6(%arg0: i32, %arg1: i32) -> (i32, i32) {
    %c0_i32 = arith.constant 0 : i32
    %c0_i32_0 = arith.constant 0 : i32
    return %c0_i32, %arg1 : i32, i32
  }
  func.func @transform_7(%arg0: i32, %arg1: i32) -> (i32, i32) {
    %c0_i32 = arith.constant 0 : i32
    %c0_i32_0 = arith.constant 0 : i32
    return %c0_i32, %arg1 : i32, i32
  }
  func.func @transform_8(%arg0: i32, %arg1: i32) -> (i32, i32, i32) {
    %c0_i32 = arith.constant 0 : i32
    %c0_i32_0 = arith.constant 0 : i32
    %c0_i32_1 = arith.constant 0 : i32
    return %arg1, %c0_i32, %c0_i32_0 : i32, i32, i32
  }
  func.func @transform_9(%arg0: i32, %arg1: i32) -> (i32, i32, i32) {
    %c0_i32 = arith.constant 0 : i32
    %c0_i32_0 = arith.constant 0 : i32
    return %arg1, %arg0, %c0_i32 : i32, i32, i32
  }
}

module attributes {stable_mosaic.version = 14 : i64} {
  func.func @_pool_tc(%arg0: i32, %arg1: memref<1x1x1000xi32, #tpu.memory_space<vmem>>, %arg2: memref<4x1000x128xf32, #tpu.memory_space<vmem>>, %arg3: memref<4x128x128xf32, #tpu.memory_space<vmem>>, %arg4: memref<8x128xf32, #tpu.memory_space<vmem>>) attributes {dimension_semantics = [#tpu.dimension_semantics<arbitrary>], iteration_bounds = array<i64: 10>, scalar_prefetch = 0 : i64, scratch_operands = 0 : i64, tpu.core_type = #tpu.core_type<tc>, window_params = [{transform_indices = @transform_0, window_bounds = array<i64: 1, 1, 1000>}, {transform_indices = @transform_1, window_bounds = array<i64: 4, 1000, 128>}, {pipeline_mode = #tpu.pipeline_mode<synchronous>, transform_indices = @transform_2, window_bounds = array<i64: 4, 128, 128>}, {pipeline_mode = #tpu.pipeline_mode<synchronous>, transform_indices = @transform_3, window_bounds = array<i64: 8, 128>}]} {
    %get3A = arith.constant 0 : index
    %get3A_0 = arith.constant 0 : index
    %get3A_1 = arith.constant 0 : index
    %get3A_2 = vector.load %arg1[%get3A, %get3A_0, %get3A_1] : memref<1x1x1000xi32, #tpu.memory_space<vmem>>, vector<1x1x1000xi32>
    %squeeze3A = vector.shape_cast %get3A_2 : vector<1x1x1000xi32> to vector<1x1000xi32>
    %iota3A = tpu.iota {dimensions = array<i32: 0>} : vector<128x1000xi32>
    %eq3A = vector.broadcast %squeeze3A : vector<1x1000xi32> to vector<128x1000xi32>
    %eq3A_3 = arith.cmpi eq, %eq3A, %iota3A : vector<128x1000xi32>
    %convert_element_type3A = arith.extui %eq3A_3 : vector<128x1000xi1> to vector<128x1000xi32>
    %convert_element_type3A_4 = arith.sitofp %convert_element_type3A : vector<128x1000xi32> to vector<128x1000xf32>
    %get3A_5 = arith.constant 0 : index
    %get3A_6 = arith.constant 0 : index
    %get3A_7 = arith.constant 0 : index
    %get3A_8 = vector.load %arg2[%get3A_5, %get3A_6, %get3A_7] : memref<4x1000x128xf32, #tpu.memory_space<vmem>>, vector<4x1000x128xf32>
    %eq3A_9 = arith.constant 0 : i32
    %eq3A_10 = arith.cmpi eq, %arg0, %eq3A_9 : i32
    %convert_element_type3A_11 = arith.extui %eq3A_10 : i1 to i32
    %cond3A = arith.constant 0 : i32
    %cond3A_12 = arith.cmpi ne, %convert_element_type3A_11, %cond3A : i32
    scf.if %cond3A_12 {
      %broadcast_in_dim3A_82 = arith.constant 0.000000e+00 : f32
      %broadcast_in_dim3A_83 = vector.broadcast %broadcast_in_dim3A_82 : f32 to vector<4x128x128xf32>
      %swap3A_84 = arith.constant 0 : index
      %swap3A_85 = arith.constant 0 : index
      %swap3A_86 = arith.constant 0 : index
      %swap3A_87 = vector.load %arg3[%swap3A_84, %swap3A_85, %swap3A_86] : memref<4x128x128xf32, #tpu.memory_space<vmem>>, vector<4x128x128xf32>
      tpu.vector_store %arg3[%swap3A_84, %swap3A_85, %swap3A_86], %broadcast_in_dim3A_83 {strides = array<i32>} : memref<4x128x128xf32, #tpu.memory_space<vmem>>, vector<4x128x128xf32>,
      %broadcast_in_dim3A_88 = arith.constant 0.000000e+00 : f32
      %broadcast_in_dim3A_89 = vector.broadcast %broadcast_in_dim3A_88 : f32 to vector<8x128xf32>
      %swap3A_90 = arith.constant 0 : index
      %swap3A_91 = arith.constant 0 : index
      %swap3A_92 = vector.load %arg4[%swap3A_90, %swap3A_91] : memref<8x128xf32, #tpu.memory_space<vmem>>, vector<8x128xf32>
      tpu.vector_store %arg4[%swap3A_90, %swap3A_91], %broadcast_in_dim3A_89 {strides = array<i32>} : memref<8x128xf32, #tpu.memory_space<vmem>>, vector<8x128xf32>,
    } else {
    }
    %get3A_13 = arith.constant 0 : index
    %get3A_14 = arith.constant 0 : index
    %get3A_15 = arith.constant 0 : index
    %get3A_16 = vector.load %arg3[%get3A_13, %get3A_14, %get3A_15] : memref<4x128x128xf32, #tpu.memory_space<vmem>>, vector<1x128x128xf32>
    %get3A_17 = vector.shape_cast %get3A_16 : vector<1x128x128xf32> to vector<128x128xf32>
    %slice3A = vector.extract_strided_slice %get3A_8 {offsets = [0, 0, 0], sizes = [1, 1000, 128], strides = [1, 1, 1]} : vector<4x1000x128xf32> to vector<1x1000x128xf32>
    %squeeze3A_18 = vector.shape_cast %slice3A : vector<1x1000x128xf32> to vector<1000x128xf32>
    %dot_general3A = arith.constant dense<0.000000e+00> : vector<128x128xf32>
    %dot_general3A_19 = tpu.matmul %convert_element_type3A_4, %squeeze3A_18, %dot_general3A {dimension_numbers = #tpu.dot_dimension_numbers<[1], [0], [0], [1], [0, 0, 1, 1], [], []>, transpose_lhs_hint = false} : vector<128x1000xf32>, vector<1000x128xf32>, vector<128x128xf32> -> vector<128x128xf32>
    %add3A = arith.addf %get3A_17, %dot_general3A_19 : vector<128x128xf32>
    %swap3A = arith.constant 0 : index
    %swap3A_20 = arith.constant 0 : index
    %swap3A_21 = arith.constant 0 : index
    %swap3A_22 = vector.load %arg3[%swap3A, %swap3A_20, %swap3A_21] : memref<4x128x128xf32, #tpu.memory_space<vmem>>, vector<1x128x128xf32>
    %swap3A_23 = vector.shape_cast %swap3A_22 : vector<1x128x128xf32> to vector<128x128xf32>
    %swap3A_24 = vector.shape_cast %add3A : vector<128x128xf32> to vector<1x128x128xf32>
    tpu.vector_store %arg3[%swap3A, %swap3A_20, %swap3A_21], %swap3A_24 {strides = array<i32>} : memref<4x128x128xf32, #tpu.memory_space<vmem>>, vector<1x128x128xf32>,
    %get3A_25 = arith.constant 1 : index
    %get3A_26 = arith.constant 0 : index
    %get3A_27 = arith.constant 0 : index
    %get3A_28 = vector.load %arg3[%get3A_25, %get3A_26, %get3A_27] : memref<4x128x128xf32, #tpu.memory_space<vmem>>, vector<1x128x128xf32>
    %get3A_29 = vector.shape_cast %get3A_28 : vector<1x128x128xf32> to vector<128x128xf32>
    %slice3A_30 = vector.extract_strided_slice %get3A_8 {offsets = [1, 0, 0], sizes = [1, 1000, 128], strides = [1, 1, 1]} : vector<4x1000x128xf32> to vector<1x1000x128xf32>
    %squeeze3A_31 = vector.shape_cast %slice3A_30 : vector<1x1000x128xf32> to vector<1000x128xf32>
    %dot_general3A_32 = arith.constant dense<0.000000e+00> : vector<128x128xf32>
    %dot_general3A_33 = tpu.matmul %convert_element_type3A_4, %squeeze3A_31, %dot_general3A_32 {dimension_numbers = #tpu.dot_dimension_numbers<[1], [0], [0], [1], [0, 0, 1, 1], [], []>, transpose_lhs_hint = false} : vector<128x1000xf32>, vector<1000x128xf32>, vector<128x128xf32> -> vector<128x128xf32>
    %add3A_34 = arith.addf %get3A_29, %dot_general3A_33 : vector<128x128xf32>
    %swap3A_35 = arith.constant 1 : index
    %swap3A_36 = arith.constant 0 : index
    %swap3A_37 = arith.constant 0 : index
    %swap3A_38 = vector.load %arg3[%swap3A_35, %swap3A_36, %swap3A_37] : memref<4x128x128xf32, #tpu.memory_space<vmem>>, vector<1x128x128xf32>
    %swap3A_39 = vector.shape_cast %swap3A_38 : vector<1x128x128xf32> to vector<128x128xf32>
    %swap3A_40 = vector.shape_cast %add3A_34 : vector<128x128xf32> to vector<1x128x128xf32>
    tpu.vector_store %arg3[%swap3A_35, %swap3A_36, %swap3A_37], %swap3A_40 {strides = array<i32>} : memref<4x128x128xf32, #tpu.memory_space<vmem>>, vector<1x128x128xf32>,
    %get3A_41 = arith.constant 2 : index
    %get3A_42 = arith.constant 0 : index
    %get3A_43 = arith.constant 0 : index
    %get3A_44 = vector.load %arg3[%get3A_41, %get3A_42, %get3A_43] : memref<4x128x128xf32, #tpu.memory_space<vmem>>, vector<1x128x128xf32>
    %get3A_45 = vector.shape_cast %get3A_44 : vector<1x128x128xf32> to vector<128x128xf32>
    %slice3A_46 = vector.extract_strided_slice %get3A_8 {offsets = [2, 0, 0], sizes = [1, 1000, 128], strides = [1, 1, 1]} : vector<4x1000x128xf32> to vector<1x1000x128xf32>
    %squeeze3A_47 = vector.shape_cast %slice3A_46 : vector<1x1000x128xf32> to vector<1000x128xf32>
    %dot_general3A_48 = arith.constant dense<0.000000e+00> : vector<128x128xf32>
    %dot_general3A_49 = tpu.matmul %convert_element_type3A_4, %squeeze3A_47, %dot_general3A_48 {dimension_numbers = #tpu.dot_dimension_numbers<[1], [0], [0], [1], [0, 0, 1, 1], [], []>, transpose_lhs_hint = false} : vector<128x1000xf32>, vector<1000x128xf32>, vector<128x128xf32> -> vector<128x128xf32>
    %add3A_50 = arith.addf %get3A_45, %dot_general3A_49 : vector<128x128xf32>
    %swap3A_51 = arith.constant 2 : index
    %swap3A_52 = arith.constant 0 : index
    %swap3A_53 = arith.constant 0 : index
    %swap3A_54 = vector.load %arg3[%swap3A_51, %swap3A_52, %swap3A_53] : memref<4x128x128xf32, #tpu.memory_space<vmem>>, vector<1x128x128xf32>
    %swap3A_55 = vector.shape_cast %swap3A_54 : vector<1x128x128xf32> to vector<128x128xf32>
    %swap3A_56 = vector.shape_cast %add3A_50 : vector<128x128xf32> to vector<1x128x128xf32>
    tpu.vector_store %arg3[%swap3A_51, %swap3A_52, %swap3A_53], %swap3A_56 {strides = array<i32>} : memref<4x128x128xf32, #tpu.memory_space<vmem>>, vector<1x128x128xf32>,
    %get3A_57 = arith.constant 3 : index
    %get3A_58 = arith.constant 0 : index
    %get3A_59 = arith.constant 0 : index
    %get3A_60 = vector.load %arg3[%get3A_57, %get3A_58, %get3A_59] : memref<4x128x128xf32, #tpu.memory_space<vmem>>, vector<1x128x128xf32>
    %get3A_61 = vector.shape_cast %get3A_60 : vector<1x128x128xf32> to vector<128x128xf32>
    %slice3A_62 = vector.extract_strided_slice %get3A_8 {offsets = [3, 0, 0], sizes = [1, 1000, 128], strides = [1, 1, 1]} : vector<4x1000x128xf32> to vector<1x1000x128xf32>
    %squeeze3A_63 = vector.shape_cast %slice3A_62 : vector<1x1000x128xf32> to vector<1000x128xf32>
    %dot_general3A_64 = arith.constant dense<0.000000e+00> : vector<128x128xf32>
    %dot_general3A_65 = tpu.matmul %convert_element_type3A_4, %squeeze3A_63, %dot_general3A_64 {dimension_numbers = #tpu.dot_dimension_numbers<[1], [0], [0], [1], [0, 0, 1, 1], [], []>, transpose_lhs_hint = false} : vector<128x1000xf32>, vector<1000x128xf32>, vector<128x128xf32> -> vector<128x128xf32>
    %add3A_66 = arith.addf %get3A_61, %dot_general3A_65 : vector<128x128xf32>
    %swap3A_67 = arith.constant 3 : index
    %swap3A_68 = arith.constant 0 : index
    %swap3A_69 = arith.constant 0 : index
    %swap3A_70 = vector.load %arg3[%swap3A_67, %swap3A_68, %swap3A_69] : memref<4x128x128xf32, #tpu.memory_space<vmem>>, vector<1x128x128xf32>
    %swap3A_71 = vector.shape_cast %swap3A_70 : vector<1x128x128xf32> to vector<128x128xf32>
    %swap3A_72 = vector.shape_cast %add3A_66 : vector<128x128xf32> to vector<1x128x128xf32>
    tpu.vector_store %arg3[%swap3A_67, %swap3A_68, %swap3A_69], %swap3A_72 {strides = array<i32>} : memref<4x128x128xf32, #tpu.memory_space<vmem>>, vector<1x128x128xf32>,
    %get3A_73 = arith.constant 0 : index
    %get3A_74 = arith.constant 0 : index
    %get3A_75 = vector.load %arg4[%get3A_73, %get3A_74] : memref<8x128xf32, #tpu.memory_space<vmem>>, vector<8x128xf32>
    %reduce_sum3A = arith.constant dense<0.000000e+00> : vector<128xf32>
    %reduce_sum3A_76 = vector.multi_reduction <add>, %convert_element_type3A_4, %reduce_sum3A [1] : vector<128x1000xf32> to vector<128xf32>
    %broadcast_in_dim3A = vector.shape_cast %reduce_sum3A_76 : vector<128xf32> to vector<1x128xf32>
    %add3A_77 = vector.broadcast %broadcast_in_dim3A : vector<1x128xf32> to vector<8x128xf32>
    %add3A_78 = arith.addf %get3A_75, %add3A_77 : vector<8x128xf32>
    %swap3A_79 = arith.constant 0 : index
    %swap3A_80 = arith.constant 0 : index
    %swap3A_81 = vector.load %arg4[%swap3A_79, %swap3A_80] : memref<8x128xf32, #tpu.memory_space<vmem>>, vector<8x128xf32>
    tpu.vector_store %arg4[%swap3A_79, %swap3A_80], %add3A_78 {strides = array<i32>} : memref<8x128xf32, #tpu.memory_space<vmem>>, vector<8x128xf32>,
    return
  }
  func.func @transform_0(%arg0: i32) -> (i32, i32, i32) {
    %c0_i32 = arith.constant 0 : i32
    %c0_i32_0 = arith.constant 0 : i32
    %c0_i32_1 = arith.constant 0 : i32
    return %arg0, %c0_i32, %c0_i32_0 : i32, i32, i32
  }
  func.func @transform_1(%arg0: i32) -> (i32, i32, i32) {
    %c0_i32 = arith.constant 0 : i32
    %c0_i32_0 = arith.constant 0 : i32
    %c0_i32_1 = arith.constant 0 : i32
    return %c0_i32, %arg0, %c0_i32_0 : i32, i32, i32
  }
  func.func @transform_2(%arg0: i32) -> (i32, i32, i32) {
    %c0_i32 = arith.constant 0 : i32
    %c0_i32_0 = arith.constant 0 : i32
    %c0_i32_1 = arith.constant 0 : i32
    %c0_i32_2 = arith.constant 0 : i32
    return %c0_i32, %c0_i32_0, %c0_i32_1 : i32, i32, i32
  }
  func.func @transform_3(%arg0: i32) -> (i32, i32) {
    %c0_i32 = arith.constant 0 : i32
    %c0_i32_0 = arith.constant 0 : i32
    %c0_i32_1 = arith.constant 0 : i32
    return %c0_i32, %c0_i32_0 : i32, i32
  }
}

module attributes {stable_mosaic.version = 14 : i64} {
  func.func @_final_tc(%arg0: memref<4x128x128xf32, #tpu.memory_space<vmem>>, %arg1: memref<8x128xf32, #tpu.memory_space<vmem>>, %arg2: memref<512x128xf32, #tpu.memory_space<vmem>>, %arg3: memref<8x128xf32, #tpu.memory_space<vmem>>, %arg4: memref<128x128xf32, #tpu.memory_space<vmem>>) attributes {dimension_semantics = [], scalar_prefetch = 0 : i64, scratch_operands = 0 : i64, tpu.core_type = #tpu.core_type<tc>} {
    %get3A = arith.constant 0 : index
    %get3A_0 = arith.constant 0 : index
    %get3A_1 = vector.load %arg1[%get3A, %get3A_0] : memref<8x128xf32, #tpu.memory_space<vmem>>, vector<8x128xf32>
    %slice3A = vector.extract_strided_slice %get3A_1 {offsets = [0, 0], sizes = [1, 128], strides = [1, 1]} : vector<8x128xf32> to vector<1x128xf32>
    %reshape3A = vector.shape_cast %slice3A : vector<1x128xf32> to vector<128x1xf32>
    %max3A = arith.constant 1.000000e+00 : f32
    %max3A_2 = vector.broadcast %max3A : f32 to vector<128x1xf32>
    %max3A_3 = arith.maximumf %reshape3A, %max3A_2 : vector<128x1xf32>
    %div3A = arith.constant 1.000000e+00 : f32
    %div3A_4 = vector.broadcast %div3A : f32 to vector<128x1xf32>
    %div3A_5 = arith.divf %div3A_4, %max3A_3 : vector<128x1xf32>
    %get3A_6 = arith.constant 0 : index
    %get3A_7 = arith.constant 0 : index
    %get3A_8 = vector.load %arg2[%get3A_6, %get3A_7] : memref<512x128xf32, #tpu.memory_space<vmem>>, vector<512x128xf32>
    %get3A_9 = arith.constant 0 : index
    %get3A_10 = arith.constant 0 : index
    %get3A_11 = arith.constant 0 : index
    %get3A_12 = vector.load %arg0[%get3A_9, %get3A_10, %get3A_11] : memref<4x128x128xf32, #tpu.memory_space<vmem>>, vector<4x128x128xf32>
    %slice3A_13 = vector.extract_strided_slice %get3A_12 {offsets = [0, 0, 0], sizes = [1, 128, 128], strides = [1, 1, 1]} : vector<4x128x128xf32> to vector<1x128x128xf32>
    %squeeze3A = vector.shape_cast %slice3A_13 : vector<1x128x128xf32> to vector<128x128xf32>
    %mul3A = vector.broadcast %div3A_5 : vector<128x1xf32> to vector<128x128xf32>
    %mul3A_14 = arith.mulf %squeeze3A, %mul3A : vector<128x128xf32>
    %slice3A_15 = vector.extract_strided_slice %get3A_8 {offsets = [0, 0], sizes = [128, 128], strides = [1, 1]} : vector<512x128xf32> to vector<128x128xf32>
    %dot_general3A = arith.constant dense<0.000000e+00> : vector<128x128xf32>
    %dot_general3A_16 = tpu.matmul %mul3A_14, %slice3A_15, %dot_general3A {dimension_numbers = #tpu.dot_dimension_numbers<[1], [0], [0], [1], [0, 0, 1, 1], [], []>, transpose_lhs_hint = false} : vector<128x128xf32>, vector<128x128xf32>, vector<128x128xf32> -> vector<128x128xf32>
    %slice3A_17 = vector.extract_strided_slice %get3A_12 {offsets = [1, 0, 0], sizes = [1, 128, 128], strides = [1, 1, 1]} : vector<4x128x128xf32> to vector<1x128x128xf32>
    %squeeze3A_18 = vector.shape_cast %slice3A_17 : vector<1x128x128xf32> to vector<128x128xf32>
    %mul3A_19 = vector.broadcast %div3A_5 : vector<128x1xf32> to vector<128x128xf32>
    %mul3A_20 = arith.mulf %squeeze3A_18, %mul3A_19 : vector<128x128xf32>
    %slice3A_21 = vector.extract_strided_slice %get3A_8 {offsets = [128, 0], sizes = [128, 128], strides = [1, 1]} : vector<512x128xf32> to vector<128x128xf32>
    %dot_general3A_22 = arith.constant dense<0.000000e+00> : vector<128x128xf32>
    %dot_general3A_23 = tpu.matmul %mul3A_20, %slice3A_21, %dot_general3A_22 {dimension_numbers = #tpu.dot_dimension_numbers<[1], [0], [0], [1], [0, 0, 1, 1], [], []>, transpose_lhs_hint = false} : vector<128x128xf32>, vector<128x128xf32>, vector<128x128xf32> -> vector<128x128xf32>
    %add3A = arith.addf %dot_general3A_16, %dot_general3A_23 : vector<128x128xf32>
    %slice3A_24 = vector.extract_strided_slice %get3A_12 {offsets = [2, 0, 0], sizes = [1, 128, 128], strides = [1, 1, 1]} : vector<4x128x128xf32> to vector<1x128x128xf32>
    %squeeze3A_25 = vector.shape_cast %slice3A_24 : vector<1x128x128xf32> to vector<128x128xf32>
    %mul3A_26 = vector.broadcast %div3A_5 : vector<128x1xf32> to vector<128x128xf32>
    %mul3A_27 = arith.mulf %squeeze3A_25, %mul3A_26 : vector<128x128xf32>
    %slice3A_28 = vector.extract_strided_slice %get3A_8 {offsets = [256, 0], sizes = [128, 128], strides = [1, 1]} : vector<512x128xf32> to vector<128x128xf32>
    %dot_general3A_29 = arith.constant dense<0.000000e+00> : vector<128x128xf32>
    %dot_general3A_30 = tpu.matmul %mul3A_27, %slice3A_28, %dot_general3A_29 {dimension_numbers = #tpu.dot_dimension_numbers<[1], [0], [0], [1], [0, 0, 1, 1], [], []>, transpose_lhs_hint = false} : vector<128x128xf32>, vector<128x128xf32>, vector<128x128xf32> -> vector<128x128xf32>
    %add3A_31 = arith.addf %add3A, %dot_general3A_30 : vector<128x128xf32>
    %slice3A_32 = vector.extract_strided_slice %get3A_12 {offsets = [3, 0, 0], sizes = [1, 128, 128], strides = [1, 1, 1]} : vector<4x128x128xf32> to vector<1x128x128xf32>
    %squeeze3A_33 = vector.shape_cast %slice3A_32 : vector<1x128x128xf32> to vector<128x128xf32>
    %mul3A_34 = vector.broadcast %div3A_5 : vector<128x1xf32> to vector<128x128xf32>
    %mul3A_35 = arith.mulf %squeeze3A_33, %mul3A_34 : vector<128x128xf32>
    %slice3A_36 = vector.extract_strided_slice %get3A_8 {offsets = [384, 0], sizes = [128, 128], strides = [1, 1]} : vector<512x128xf32> to vector<128x128xf32>
    %dot_general3A_37 = arith.constant dense<0.000000e+00> : vector<128x128xf32>
    %dot_general3A_38 = tpu.matmul %mul3A_35, %slice3A_36, %dot_general3A_37 {dimension_numbers = #tpu.dot_dimension_numbers<[1], [0], [0], [1], [0, 0, 1, 1], [], []>, transpose_lhs_hint = false} : vector<128x128xf32>, vector<128x128xf32>, vector<128x128xf32> -> vector<128x128xf32>
    %add3A_39 = arith.addf %add3A_31, %dot_general3A_38 : vector<128x128xf32>
    %get3A_40 = arith.constant 0 : index
    %get3A_41 = arith.constant 0 : index
    %get3A_42 = vector.load %arg3[%get3A_40, %get3A_41] : memref<8x128xf32, #tpu.memory_space<vmem>>, vector<8x128xf32>
    %slice3A_43 = vector.extract_strided_slice %get3A_42 {offsets = [0, 0], sizes = [1, 128], strides = [1, 1]} : vector<8x128xf32> to vector<1x128xf32>
    %add3A_44 = vector.broadcast %slice3A_43 : vector<1x128xf32> to vector<128x128xf32>
    %add3A_45 = arith.addf %add3A_39, %add3A_44 : vector<128x128xf32>
    %swap3A = arith.constant 0 : index
    %swap3A_46 = arith.constant 0 : index
    %swap3A_47 = vector.load %arg4[%swap3A, %swap3A_46] : memref<128x128xf32, #tpu.memory_space<vmem>>, vector<128x128xf32>
    tpu.vector_store %arg4[%swap3A, %swap3A_46], %add3A_45 {strides = array<i32>} : memref<128x128xf32, #tpu.memory_space<vmem>>, vector<128x128xf32>,
    return
  }
}

</mosaic_0001>

<sc_bundles>
// kernel: gather_offload_async_start.1
scs
__scs_entry_jumppad:
0x0: {  	(pc) =	sbr.rel $0x88, $3  }
0x1: {  	(tag) =	ssettag $0x0;
	lr =	simm.s32 $0x1  }
0x2: {  	[smem:$0x3F95] =	sst lr;
	_ =	strace $0xD0000000  }
0x3: {  	_ = 	snop  }
0x4: {  	_ = 	snop  }
0x5: {  	_ = 	snop  }
0x6: {  	_ = 	snop  }
0x7: {  	_ = 	snop  }
__scs_overlays_trampoline_lowered:
0x8: {  	[smem:$0x3FA4] =	sst s0  }
0x9: {  	[smem:$0x3FA5] =	sst s1  }
0xa: {  	[smem:$0x3FA6] =	sst s2  }
0xb: {  	[smem:$0x3FA7] =	sst s3  }
0xc: {  	[smem:$0x3FA8] =	sst s4  }
0xd: {  	[smem:$0x3FA9] =	sst s5  }
0xe: {  	[smem:$0x3FAA] =	sst s6  }
0xf: {  	[smem:$0x3FAB] =	sst s7  }
0x10: {  	[smem:$0x3FAC] =	sst s8  }
0x11: {  	[smem:$0x3FAD] =	sst s9;
	s0 =	simm.s32 @!p0 $0x0  }
0x12: {  	s1 =	sld [smem:$0x3F93];
	s0 =	simm.s32 @p0 $0x1  }
0x13: {  	[smem:$0x3FAE] =	sst s0;
	s0 =	simm.s32 @!p1 $0x0  }
0x14: {  	s2 =	sld [smem:$0x3F92];
	s0 =	simm.s32 @p1 $0x1  }
0x15: {  	[smem:$0x3FAF] =	sst s0;
	s0 =	simm.s32 @!p2 $0x0  }
0x16: {  	s3 =	sld [smem:$0x3FDB];
	s0 =	simm.s32 @p2 $0x1  }
0x17: {  	s4 =	simm.s32 $0x1BF5;
	[smem:$0x3FB1] =	sst s0  }
0x18: {  	s0 =	sld [smem:$0x3F94];
	_ =	swait.ge [sflag:s4], $0x0  }
0x19: {  	s7 =	sld [smem:$0x3F95]  }
0x1a: {  	s8 =	sadd.s32 $0xFFFFE003, lr  }
0x1b: {  	s9 =	sadd.s32 $0xFFFFFEF7, lr;
	s5 =	simm.s32 $0xFFFFFFFF;
	p2 =	slt.u32 s8, $0xFFFFF086  }
0x1c: {  	p1 =	slt.u32 s9, $0xF7A;
	s5 =	simm.s32 @!p2 $0x0  }
0x1d: {  	s5 =	simm.s32 @p1 $0x1;
	p0 =	seq.s32 s7, s2  }
0x1e: {  	s7 =	smul.u32 @!p0 $0xF7A, s2;
	p2 =	seq.s32 @!p0 s5, $0x0  }
0x1f: {  	s9 =	smul.u32 $0xF7A, s1;
	s8 =	simm.s32 @!p0 $0x1BF5;
	p2 =	por !p2, p0  }
0x20: {  	[sflag:s8] =	ssyncset.s32 @!p0 $0xFFFFF086;
	s6 =	sadd.s32 @!p0 s3, s7;
	s7 =	simm.s32 @!p0 $0x108  }
0x21: {  	s3 =	sadd.s32 s3, s9;
	s6 =	sadd.s32 @!p0 $0x88, s6;
	s7 =	simm.s32 @p2 $0x1082  }
0x22: {  	[simem:s7], [sflag:s8] =	dma.local @!p0 [hbm:s6], $0xF7A  }
0x23: {  	s9 =	sor.u32 $0xD0000000, s2;
	s6 =	simm.s32 $0x108;
	_ =	swait.ge @!p0 [sflag:s8], $0x0  }
0x24: {  	s3 =	sadd.s32 $0x88, s3;
	s6 =	simm.s32 @!p1 $0x1082;
	[sflag:s4] =	ssyncset.s32 $0xFFFFF086  }
0x25: {  	[simem:s6], [sflag:s4] =	dma.local [hbm:s3], $0xF7A  }
0x26: {  	[smem:$0x3F95] =	sst s1;
	(tag) =	ssettag s2;
	_ =	strace s9  }
0x27: {  	s1 =	sld [smem:$0x3FA5]  }
0x28: {  	s2 =	sld [smem:$0x3FA6]  }
0x29: {  	s4 =	sld [smem:$0x3FA8]  }
0x2a: {  	p0 =	seq.s32 s5, $0x0;
	s5 =	sld [smem:$0x3FA9]  }
0x2b: {  	s6 =	sld [smem:$0x3FAA]  }
0x2c: {  	s7 =	sld [smem:$0x3FAB]  }
0x2d: {  	s3 =	simm.s32 $0x108;
	s8 =	sld [smem:$0x3FAC]  }
0x2e: {  	s3 =	simm.s32 @!p0 $0x1082;
	s9 =	sld [smem:$0x3FAD]  }
0x2f: {  	lr =	sadd.s32 s0, s3;
	s0 =	sld [smem:$0x3FA4]  }
0x30: {  	s3 =	sld [smem:$0x3FA7]  }
0x31: {  	[smem:$0x3FB0] =	sst s10  }
0x32: {  	s10 =	sld [smem:$0x3FAE];
	_ =	sdelay $0x3  }
0x33: {  	p0 =	seq.s32 s10, $0x1;
	s10 =	sld [smem:$0x3FB0];
	_ =	sdelay $0x3  }
0x34: {  	[smem:$0x3FB0] =	sst s10  }
0x35: {  	s10 =	sld [smem:$0x3FAF];
	_ =	sdelay $0x3  }
0x36: {  	p1 =	seq.s32 s10, $0x1;
	s10 =	sld [smem:$0x3FB0];
	_ =	sdelay $0x3  }
0x37: {  	[smem:$0x3FB0] =	sst s10  }
0x38: {  	s10 =	sld [smem:$0x3FB1]  }
0x39: {  	_ = 	snop;
	(pc) =	sbr.ind lr, $3  }
0x3a: {  	_ = 	snop  }
0x3b: {  	_ = 	snop  }
0x3c: {  	p2 =	seq.s32 s10, $0x1;
	s10 =	sld [smem:$0x3FB0]  }
0x3d: {  	_ =	shalt  }
0x3e: {  	_ =	shalt  }
0x3f: {  	_ =	shalt  }
0x40: {  	_ =	shalt  }
0x41: {  	_ =	shalt  }
0x42: {  	_ =	shalt  }
0x43: {  	_ =	shalt  }
0x44: {  	_ =	shalt  }
0x45: {  	_ =	shalt  }
0x46: {  	_ =	shalt  }
0x47: {  	_ =	shalt  }
0x48: {  	_ =	shalt  }
0x49: {  	_ =	shalt  }
0x4a: {  	_ =	shalt  }
0x4b: {  	_ =	shalt  }
0x4c: {  	_ =	shalt  }
0x4d: {  	_ =	shalt  }
0x4e: {  	_ =	shalt  }
0x4f: {  	_ =	shalt  }
0x50: {  	_ =	shalt  }
0x51: {  	_ =	shalt  }
0x52: {  	_ =	shalt  }
0x53: {  	_ =	shalt  }
0x54: {  	_ =	shalt  }
0x55: {  	_ =	shalt  }
0x56: {  	_ =	shalt  }
0x57: {  	_ =	shalt  }
0x58: {  	_ =	shalt  }
0x59: {  	_ =	shalt  }
0x5a: {  	_ =	shalt  }
0x5b: {  	_ =	shalt  }
0x5c: {  	_ =	shalt  }
0x5d: {  	_ =	shalt  }
0x5e: {  	_ =	shalt  }
0x5f: {  	_ =	shalt  }
0x60: {  	_ =	shalt  }
0x61: {  	_ =	shalt  }
0x62: {  	_ =	shalt  }
0x63: {  	_ =	shalt  }
0x64: {  	_ =	shalt  }
0x65: {  	_ =	shalt  }
0x66: {  	_ =	shalt  }
0x67: {  	_ =	shalt  }
0x68: {  	_ =	shalt  }
0x69: {  	_ =	shalt  }
0x6a: {  	_ =	shalt  }
0x6b: {  	_ =	shalt  }
0x6c: {  	_ =	shalt  }
0x6d: {  	_ =	shalt  }
0x6e: {  	_ =	shalt  }
0x6f: {  	_ =	shalt  }
0x70: {  	_ =	shalt  }
0x71: {  	_ =	shalt  }
0x72: {  	_ =	shalt  }
0x73: {  	_ =	shalt  }
0x74: {  	_ =	shalt  }
0x75: {  	_ =	shalt  }
0x76: {  	_ =	shalt  }
0x77: {  	_ =	shalt  }
0x78: {  	_ =	shalt  }
0x79: {  	_ =	shalt  }
0x7a: {  	_ =	shalt  }
0x7b: {  	_ =	shalt  }
0x7c: {  	_ =	shalt  }
0x7d: {  	_ =	shalt  }
0x7e: {  	_ =	shalt  }
0x7f: {  	_ =	shalt  }
0x80: {  	_ =	shalt  }
0x81: {  	_ =	shalt  }
0x82: {  	_ =	shalt  }
0x83: {  	_ =	shalt  }
0x84: {  	_ =	shalt  }
0x85: {  	_ =	shalt  }
0x86: {  	_ =	shalt  }
0x87: {  	_ =	shalt  }
.Lfunc_end0:
.L_simem_size_0:
called_computation.1_lowered:
.L_overlay_start_0:
0x88: {  	s2 =	sld [smem:$0x3FD9]  }
0x89: {  	s3 =	sld [smem:$0x3FFE];
	_ =	sdelay $0x1  }
0x8a: {  	s1 =	srdreg.scid  }
0x8b: {  	s0 =	sand.u32 $0x1, s1  }
0x8c: {  	s17 =	sshll.u32 s0, $0xA;
	s2 =	sadd.s32 s3, s2  }
0x8d: {  	s2 =	sadd.s32 s2, s17  }
0x8e: {  	[smem:$0x3FBC] =	sst s2  }
0x8f: {  	_ = 	snop  }
0x90: {  	(tm) =	ssettm $0x1  }
0x91: {  	s18 =	sld [smem:$0x3FFB];
	_ =	sdelay $0x3  }
0x92: {  	_ =	strace s18  }
0x93: {  	s2 =	sld [smem:$0x3FFC];
	_ =	sdelay $0x3  }
0x94: {  	_ =	strace s2  }
0x95: {  	s2 =	sld [smem:$0x3FFD];
	_ =	sdelay $0x3  }
0x96: {  	_ =	strace s2  }
0x97: {  	_ =	strace $0x8FFFFFFF  }
0x98: {  	s19 =	sld [smem:$0x3FDB];
	_ =	sdelay $0x1  }
0x99: {  	s20 =	simm.s32 $_scs_section_size  }
0x9a: {  	s4 =	simm.s32 $_size__tile_overlayer_lowered;
	s5 =	simm.s32 $_tile_overlayer_lowered  }
0x9b: {  	s6 =	simm.s32 $0x1BFF;
	s21 =	sshll.u32 s5, $0x1;
	s3 =	sadd.s32 s20, s19  }
0x9c: {  	s22 =	simm.s32 $0x0;
	s4 =	sshll.u32 s4, $0x1;
	s5 =	sadd.s32 s21, s3  }
0x9d: {  	[timem:s22], [sflag:s6] =	dma.local [hbm:s5], s4  }
0x9e: {  	_ =	swait.ge [sflag:s6], s4  }
0x9f: {  	s4 =	ssub.s32 $0x0, s4;
	[sflag:s6] =	ssyncset.done $0x0  }
0xa0: {  	[sflag:s6] =	ssyncadd.s32 s4;
	_ =	sdelay $0x1  }
0xa1: {  	s23 =	simm.s32 $0x1B8B  }
0xa2: {  	_ =	swait.ge [sflag:s23], $0x1  }
0xa3: {  	[sflag:s23] =	ssyncset.done $0x0  }
0xa4: {  	[sflag:s23] =	ssyncadd.s32 $0xFFFFFFFF  }
0xa5: {  	s4 =	sld [smem:$0x0]  }
0xa6: {  	s5 =	sand.u32 $0xFFFFFFFE, s1  }
0xa7: {  	p0 =	sne.s32 s1, s5  }
0xa8: {  	s5 =	sshll.u32 @p0 s5, $0xE  }
0xa9: {  	s5 =	sadd.s32 @p0 $0x11B8D, s5;
	s6 =	sshll.u32 @p0 s4, $0x11  }
0xaa: {  	s5 =	sor.u32 @p0 s6, s5  }
0xab: {  	[sflag:s5] =	ssyncadd.remote.s32 @p0 $0x1;
	_ =	sdelay $0x1  }
0xac: {  	s5 =	simm.s32 @p0 $0x1B8D  }
0xad: {  	_ =	swait.eq @p0 [sflag:s5], $0x1  }
0xae: {  	[sflag:s5] =	ssyncadd.s32 @p0 $0xFFFFFFFF  }
0xaf: {  	s6 =	sshll.u32 @!p0 s1, $0xE  }
0xb0: {  	s6 =	sor.u32 @!p0 $0x4000, s6;
	s5 =	simm.s32 @!p0 $0x1B8D  }
0xb1: {  	s4 =	sshll.u32 @!p0 s4, $0x11;
	s6 =	sadd.s32 @!p0 $0x11B8D, s6;
	_ =	swait.eq @!p0 [sflag:s5], $0x1  }
0xb2: {  	s4 =	sor.u32 @!p0 s4, s6;
	[sflag:s5] =	ssyncadd.s32 @!p0 $0xFFFFFFFF  }
0xb3: {  	s25 =	simm.s32 $0x1B8E;
	s24 =	sld [smem:$0x3FFE];
	[sflag:s4] =	ssyncadd.remote.s32 @!p0 $0x1  }
0xb4: {  	s26 =	simm.s32 $execute0_lowered;
	[smem:$0x3FD2] =	sst s25  }
0xb5: {  	s5 =	sshll.u32 s26, $0x1;
	_ =	strace $0x8000004F;
	[dreg:$0x1] =	wrdreg $0xFFFFFFFF  }
0xb6: {  	s28 =	simm.s32 $_size_execute0_lowered;
	s3 =	sadd.s32 s3, s5;
	[dreg:$0x0] =	wrdreg $0x0  }
0xb7: {  	s5 =	sshll.u32 s28, $0x1;
	[dreg:$0x2] =	wrdreg s3  }
0xb8: {  	[dreg:$0x3] =	wrdreg s5  }
0xb9: {  	[dreg:$0x4] =	wrdreg $0xC0  }
0xba: {  	_ =	task [dreg:s22], $0x5FFFF  }
0xbb: {  	[dreg:$0x1] =	wrdreg $0xFFFFFFFF  }
0xbc: {  	[dreg:$0x0] =	wrdreg $0x60  }
0xbd: {  	[dreg:$0x2] =	wrdreg s24  }
0xbe: {  	[dreg:$0x3] =	wrdreg $0xA  }
0xbf: {  	_ =	task.clear_ibuf [dreg:s22], $0x4FFFF;
	_ =	strace $0x9000004F  }
0xc0: {  	s29 =	simm.s32 $0xA;
	_ =	strace $0x80000051  }
0xc1: {  	_ =	swait.ge [sflag:s29], $0x1  }
0xc2: {  	[sflag:s29] =	ssyncadd.s32 $0xFFFFFFFF  }
0xc3: {  	_ =	strace $0x90000051  }
0xc4: {  	_ =	sfence  }
0xc5: {  	s30 =	sld [smem:$0x0];
	_ =	sdelay $0x2  }
0xc6: {  	s31 =	sshll.u32 s1, $0xD;
	s1 =	sshrl.u32 s1, $0x2  }
0xc7: {  	s4 =	sand.u32 $0x4000, s31;
	s1 =	sadd.s32 s1, s30  }
0xc8: {  	s0 =	sor.u32 s4, s0;
	s1 =	sshll.u32 s1, $0x11  }
0xc9: {  	s0 =	sor.u32 s1, s0  }
0xca: {  	s0 =	sadd.s32 $0x8F2B, s0  }
0xcb: {  	[sflag:s0] =	ssyncadd.remote.s32 $0x1  }
0xcc: {  	_ =	sfence.sel $0xFFFF  }
0xcd: {  	[dreg:$0x0] =	wrdreg $0xFFFFFFFF;
	(pc) =	sbr.abs _section_cstart, $3  }
0xce: {  	[dreg:$0x1] =	wrdreg $0xFFFFFFFF  }
0xcf: {  	_ =	task.clear_ibuf [dreg:s22], $0x2FFFF;
	_ =	strace $0x9FFFFFFF  }
0xd0: {  	(tm) =	ssettm $0x7FFFFFFF  }
0xd1: {  	_ =	shalt  }
tec
execute0_lowered:
.L_overlay_start_1:
0x0: {  	(tag) =	ssettag $0x1  }
0x1: {  	s8 =	rddreg [dreg:$0x0]  }
0x2: {  	s0 =	rddreg [dreg:$0x1];
	_ =	strace $0x80000050;
	s1 =	stileid.u32  }
0x3: {  	s3 =	srdreg.scid;
	s4 =	simm.s32 $0x1;
	s7 =	simm.s32 $0x1  }
0x4: {  	s9 =	simm.s32 $0x1;
	s10 =	simm.s32 $0x3;
	s13 =	simm.s32 $0x0  }
0x5: {  	s12 =	simm.s32 $0x0;
	s5 =	sand.u32 $0x1, s3;
	s6 =	sshll.u32 s1, $0x1  }
0x6: {  	s2 =	sadd.s32 $0x2400, s8;
	s3 =	sadd.s32 $0xC400, s8;
	s5 =	sor.u32 s6, s5  }
.Ltmp0:
0x7: {  	[sflag:s4] =	ssyncpa.u1 $0x0;
	p0 =	slt.u32 s5, $0x9;
	(pc) =	sbr.rel .LBB2_1-.Ltmp0, $4  }
0x8: {  	s6 =	simm.s32 $0x2;
	s7 =	simm.s32 @!p0 $0x0;
	p0 =	sne.s32 s5, $0x8  }
0x9: {  	[sflag:s6] =	ssyncpa.u1 $0x0;
	s5 =	smul.u32 $0xFA0, s5;
	s9 =	simm.s32 @!p0 $0x0  }
0xa: {  	s8 =	sadd.s32 $0x16400, s8;
	[sflag:s10] =	ssyncpa.u1 $0x0;
	s7 =	sadd.s32 s9, s7  }
0xb: {  	vm0 =	vmmov $0xffff;
	s10 =	simm.s32 $0x0;
	s11 =	smov.u32 s5;
	s9 =	sadd.s32 $0x1, s7  }
.LBB2_4:
0xc: {  	v2 =	vnsel vm1, $0x0, v2  }
0xd: {  	vm1 =	vgt.s32 v0, $0x0;
	v2 =	vmin.u32 v2, $0x270FF  }
0xe: {  	v0 =	vnsel vm1, $0x0, v0  }
0xf: {  	v0 =	vmin.u32 v0, $0x270FF  }
0x10: {  	[tilespmem:s18], [sflag:$0x1] =	stream.indirect_vreg.gather [hbm4b:s2+s10], $0x1, v1, vm0, $0x4038;
	[tilespmem:$0x3E80] =	vst v63  }
0x11: {  	(ifvalue) =	ssetifvalue $0x7FFFFFFF  }
0x12: {  	[tilespmem:s15], [sflag:$0x1] =	stream.indirect_vreg.gather [hbm4b:s2+s10], $0x1, v2, vm0, $0x4038;
	[tilespmem:$0x3E80] =	vst v63  }
0x13: {  	s29 =	sadd.s32 $0x10, s15;
	(ifvalue) =	ssetifvalue $0x7FFFFFFF  }
0x14: {  	[tilespmem:s29], [sflag:$0x1] =	stream.indirect_vreg.gather [hbm4b:s2+s10], $0x1, v0, vm0, $0x4038;
	[tilespmem:$0x3E80] =	vst v63  }
0x15: {  	_ =	swait.ge [sflag:s4], $0xFA0  }
0x16: {  	s30 =	sshrl.u32 s13, $0x3;
	[sflag:s4] =	ssyncset.done $0x0  }
0x17: {  	s31 =	sand.u32 $0x7, s13;
	s15 =	sadd.s32 s8, s30;
	[sflag:s4] =	ssyncadd.s32 $0xFFFFF060  }
0x18: {  	[hbm4b:s15+s31] =	stream.linear.scatter [tilespmem:s14], [sflag:$0x3], $0xFA0, $0x38;
	[tilespmem:$0x3E80] =	vst v63  }
.LBB2_5:
0x19: {  	s15 =	sadd.s32 $0x1F400, s11  }
0x1a: {  	p1 =	sgt.s32 s15, $0x270FF  }
0x1b: {  	s15 =	smov.u32 @p1 s5;
	p1 =	sne.s32 s12, s9  }
.Ltmp1:
0x1c: {  	p0 =	slt.u32 s12, $0x2;
	(pc) =	sbr.rel @!p1 .LBB2_6-.Ltmp1, $4  }
0x1d: {  	s14 =	simm.s32 @!p0 $0x3  }
0x1e: {  	_ =	swait.ge @!p0 [sflag:s14], $0xFA0  }
0x1f: {  	s16 =	sadd.s32 $0x1, s12;
	s13 =	smov.u32 s11;
	[sflag:s14] =	ssyncset.done @!p0 $0x0  }
0x20: {  	s12 =	smov.u32 s16;
	s11 =	smov.u32 s15;
	[sflag:s14] =	ssyncadd.s32 @!p0 $0xFFFFF060  }
.LBB2_1:
0x21: {  	p0 =	sge.u32 s12, s7  }
0x22: {  	s14 =	sxor.u32 @!p0 $0x1, s12  }
0x23: {  	s14 =	smul.u32 @!p0 $0x3E80, s14  }
0x24: {  	s31 =	sadd.s32 $0xFFFFFFFF, s12;
	s15 =	sshrl.u32 @!p0 s11, $0x3  }
0x25: {  	s16 =	sand.u32 @!p0 $0x7, s11;
	s15 =	sadd.s32 @!p0 s3, s15;
	s14 =	sshra.s32 @!p0 s14, $0x2  }
0x26: {  	[tilespmem:s14], [sflag:$0x2] =	stream.linear.gather @!p0 [hbm4b:s15+s16], $0xFA0, $0x38;
	[tilespmem:$0x3E80] =	vst v63  }
0x27: {  	p0 =	sge.u32 s31, s7  }
.Ltmp2:
0x28: {  	_ = 	snop;
	(pc) =	sbr.rel @p0 .LBB2_5-.Ltmp2, $1  }
0x29: {  	_ =	sdelay $0x3  }
0x2a: {  	s14 =	sand.u32 $0x1, s12  }
0x2b: {  	_ =	swait.ge [sflag:s6], $0xFA0;
	p0 =	seq.s32 s14, $0x1;
	s14 =	simm.s32 $0xFA0  }
0x2c: {  	[sflag:s6] =	ssyncset.done $0x0;
	s14 =	simm.s32 @!p0 $0x0  }
0x2d: {  	[sflag:s6] =	ssyncadd.s32 $0xFFFFF060;
	(ifvalue) =	ssetifvalue $0x7FFFFFFF;
	v0 =	vld.msk [tilespmem:s14+$0x0 ss:$0x1], $0xffff;
	_ =	sdelay $0x4  }
0x2e: {  	s15 =	sadd.s32 $0x10, s14;
	vm1 =	vgt.s32 v0, $0x0  }
0x2f: {  	v2 =	vld.msk [tilespmem:s15+$0x0 ss:$0x1], $0xffff;
	v1 =	vnsel vm1, $0x0, v0  }
0x30: {  	v1 =	vmin.u32 v1, $0x270FF;
	_ =	sdelay $0x2  }
0x31: {  	s17 =	simm.s32 $0x20;
	s14 =	sadd.s32 $0x1F40, s14;
	s16 =	sadd.s32 $0x10, s15  }
0x32: {  	s15 =	sadd.s32 $0x10, s14;
	s18 =	smov.u32 s14;
	v0 =	vld.msk [tilespmem:s16+$0x0 ss:$0x1], $0xffff;
	vm1 =	vgt.s32 v2, $0x0;
	(ifvalue) =	ssetifvalue $0x7FFFFFFF  }
.LBB2_3:
0x33: {  	[tilespmem:s18], [sflag:$0x1] =	stream.indirect_vreg.gather [hbm4b:s2+s10], $0x1, v1, vm0, $0x4038;
	[tilespmem:$0x3E80] =	vst v63  }
0x34: {  	s17 =	sadd.s32 $0x10, s17  }
0x35: {  	v2 =	vnsel vm1, $0x0, v2;
	p0 =	slt.u32 s17, $0xF90  }
.Ltmp3:
0x36: {  	s18 =	smov.u32 s15;
	v1 =	vmin.u32 v2, $0x270FF;
	(pc) =	sbr.rel @p0 .LBB2_3-.Ltmp3, $3  }
0x37: {  	_ =	sdelay $0x1  }
0x38: {  	s16 =	sadd.s32 $0x10, s16  }
0x39: {  	vm1 =	vgt.s32 v0, $0x0;
	s15 =	sadd.s32 $0x10, s15;
	v2 =	vmov v0;
	(ifvalue) =	ssetifvalue $0x7FFFFFFF;
	v0 =	vld.msk [tilespmem:s16+$0x0 ss:$0x1], $0xffff  }
.Ltmp4:
0x3a: {  	_ = 	snop;
	(pc) =	sbr.rel .LBB2_4-.Ltmp4, $1  }
0x3b: {  	_ =	sdelay $0x3  }
.LBB2_6:
0x3c: {  	_ =	sfence.sel $0x180000  }
0x3d: {  	s2 =	simm.s32 $0x2;
	[bflag:$0x0] =	sbarrier.arrive $0xFFFF  }
0x3e: {  	s30 =	simm.s32 $0x3;
	[sflag:s2] =	ssyncpa.u1 $0x1  }
0x3f: {  	s31 =	simm.s32 $0x1;
	[sflag:s30] =	ssyncpa.u1 $0x1  }
0x40: {  	[sflag:s31] =	ssyncpa.u1 $0x1  }
0x41: {  	p0 =	sne.s32 s1, $0x0;
	_ =	strace $0x90000050  }
0x42: {  	s0 =	sadd.s32 @!p0 $0x100000, s0;
	[bflag:$0x2] =	sbarrier.arrive $0xFFFF  }
0x43: {  	[sflag:s0] =	ssyncadd.tile.s32 @!p0 $0x1;
	_ =	shalt  }
.Lfunc_end2:
_tile_overlayer_lowered:
.L_overlay_start_2:
0x44: {  	(tag) =	ssettag $0x2  }
0x45: {  	s0 =	rddreg [dreg:$0x0];
	s2 =	stileid.u32  }
0x46: {  	s1 =	rddreg [dreg:$0x1];
	p0 =	sne.s32 s2, $0x0  }
0x47: {  	s3 =	rddreg [dreg:$0x2];
	[bflag:$0x3] =	sbarrier.arrive $0xFFFF;
	s2 =	simm.s32 @!p0 $0x1C01  }
0x48: {  	[timem:s3], [sflag:s2] =	dma.local @!p0 [hbm:s0], s1  }
0x49: {  	s0 =	simm.s32 @!p0 $0x1  }
0x4a: {  	_ =	swait.ge @!p0 [sflag:s0], s1  }
0x4b: {  	s1 =	ssub.s32 @!p0 $0x0, s1;
	[sflag:s0] =	ssyncset.done @!p0 $0x0  }
0x4c: {  	[sflag:s0] =	ssyncadd.s32 @!p0 s1  }
0x4d: {  	[bflag:$0x3] =	sbarrier.arrive $0xFFFF  }
0x4e: {  	_ =	shalt  }

// kernel: gather_offload_async_start.2
scs
__scs_entry_jumppad:
0x0: {  	(pc) =	sbr.rel $0x88, $3  }
0x1: {  	(tag) =	ssettag $0x0;
	lr =	simm.s32 $0x1  }
0x2: {  	[smem:$0x3F95] =	sst lr;
	_ =	strace $0xD0000000  }
0x3: {  	_ = 	snop  }
0x4: {  	_ = 	snop  }
0x5: {  	_ = 	snop  }
0x6: {  	_ = 	snop  }
0x7: {  	_ = 	snop  }
__scs_overlays_trampoline_lowered:
0x8: {  	[smem:$0x3FA4] =	sst s0  }
0x9: {  	[smem:$0x3FA5] =	sst s1  }
0xa: {  	[smem:$0x3FA6] =	sst s2  }
0xb: {  	[smem:$0x3FA7] =	sst s3  }
0xc: {  	[smem:$0x3FA8] =	sst s4  }
0xd: {  	[smem:$0x3FA9] =	sst s5  }
0xe: {  	[smem:$0x3FAA] =	sst s6  }
0xf: {  	[smem:$0x3FAB] =	sst s7  }
0x10: {  	[smem:$0x3FAC] =	sst s8  }
0x11: {  	[smem:$0x3FAD] =	sst s9;
	s0 =	simm.s32 @!p0 $0x0  }
0x12: {  	s1 =	sld [smem:$0x3F93];
	s0 =	simm.s32 @p0 $0x1  }
0x13: {  	[smem:$0x3FAE] =	sst s0;
	s0 =	simm.s32 @!p1 $0x0  }
0x14: {  	s2 =	sld [smem:$0x3F92];
	s0 =	simm.s32 @p1 $0x1  }
0x15: {  	[smem:$0x3FAF] =	sst s0;
	s0 =	simm.s32 @!p2 $0x0  }
0x16: {  	s3 =	sld [smem:$0x3FDB];
	s0 =	simm.s32 @p2 $0x1  }
0x17: {  	s4 =	simm.s32 $0x1BF5;
	[smem:$0x3FB1] =	sst s0  }
0x18: {  	s0 =	sld [smem:$0x3F94];
	_ =	swait.ge [sflag:s4], $0x0  }
0x19: {  	s7 =	sld [smem:$0x3F95]  }
0x1a: {  	s8 =	sadd.s32 $0xFFFFE003, lr  }
0x1b: {  	s9 =	sadd.s32 $0xFFFFFEF7, lr;
	s5 =	simm.s32 $0xFFFFFFFF;
	p2 =	slt.u32 s8, $0xFFFFF086  }
0x1c: {  	p1 =	slt.u32 s9, $0xF7A;
	s5 =	simm.s32 @!p2 $0x0  }
0x1d: {  	s5 =	simm.s32 @p1 $0x1;
	p0 =	seq.s32 s7, s2  }
0x1e: {  	s7 =	smul.u32 @!p0 $0xF7A, s2;
	p2 =	seq.s32 @!p0 s5, $0x0  }
0x1f: {  	s9 =	smul.u32 $0xF7A, s1;
	s8 =	simm.s32 @!p0 $0x1BF5;
	p2 =	por !p2, p0  }
0x20: {  	[sflag:s8] =	ssyncset.s32 @!p0 $0xFFFFF086;
	s6 =	sadd.s32 @!p0 s3, s7;
	s7 =	simm.s32 @!p0 $0x108  }
0x21: {  	s3 =	sadd.s32 s3, s9;
	s6 =	sadd.s32 @!p0 $0x88, s6;
	s7 =	simm.s32 @p2 $0x1082  }
0x22: {  	[simem:s7], [sflag:s8] =	dma.local @!p0 [hbm:s6], $0xF7A  }
0x23: {  	s9 =	sor.u32 $0xD0000000, s2;
	s6 =	simm.s32 $0x108;
	_ =	swait.ge @!p0 [sflag:s8], $0x0  }
0x24: {  	s3 =	sadd.s32 $0x88, s3;
	s6 =	simm.s32 @!p1 $0x1082;
	[sflag:s4] =	ssyncset.s32 $0xFFFFF086  }
0x25: {  	[simem:s6], [sflag:s4] =	dma.local [hbm:s3], $0xF7A  }
0x26: {  	[smem:$0x3F95] =	sst s1;
	(tag) =	ssettag s2;
	_ =	strace s9  }
0x27: {  	s1 =	sld [smem:$0x3FA5]  }
0x28: {  	s2 =	sld [smem:$0x3FA6]  }
0x29: {  	s4 =	sld [smem:$0x3FA8]  }
0x2a: {  	p0 =	seq.s32 s5, $0x0;
	s5 =	sld [smem:$0x3FA9]  }
0x2b: {  	s6 =	sld [smem:$0x3FAA]  }
0x2c: {  	s7 =	sld [smem:$0x3FAB]  }
0x2d: {  	s3 =	simm.s32 $0x108;
	s8 =	sld [smem:$0x3FAC]  }
0x2e: {  	s3 =	simm.s32 @!p0 $0x1082;
	s9 =	sld [smem:$0x3FAD]  }
0x2f: {  	lr =	sadd.s32 s0, s3;
	s0 =	sld [smem:$0x3FA4]  }
0x30: {  	s3 =	sld [smem:$0x3FA7]  }
0x31: {  	[smem:$0x3FB0] =	sst s10  }
0x32: {  	s10 =	sld [smem:$0x3FAE];
	_ =	sdelay $0x3  }
0x33: {  	p0 =	seq.s32 s10, $0x1;
	s10 =	sld [smem:$0x3FB0];
	_ =	sdelay $0x3  }
0x34: {  	[smem:$0x3FB0] =	sst s10  }
0x35: {  	s10 =	sld [smem:$0x3FAF];
	_ =	sdelay $0x3  }
0x36: {  	p1 =	seq.s32 s10, $0x1;
	s10 =	sld [smem:$0x3FB0];
	_ =	sdelay $0x3  }
0x37: {  	[smem:$0x3FB0] =	sst s10  }
0x38: {  	s10 =	sld [smem:$0x3FB1]  }
0x39: {  	_ = 	snop;
	(pc) =	sbr.ind lr, $3  }
0x3a: {  	_ = 	snop  }
0x3b: {  	_ = 	snop  }
0x3c: {  	p2 =	seq.s32 s10, $0x1;
	s10 =	sld [smem:$0x3FB0]  }
0x3d: {  	_ =	shalt  }
0x3e: {  	_ =	shalt  }
0x3f: {  	_ =	shalt  }
0x40: {  	_ =	shalt  }
0x41: {  	_ =	shalt  }
0x42: {  	_ =	shalt  }
0x43: {  	_ =	shalt  }
0x44: {  	_ =	shalt  }
0x45: {  	_ =	shalt  }
0x46: {  	_ =	shalt  }
0x47: {  	_ =	shalt  }
0x48: {  	_ =	shalt  }
0x49: {  	_ =	shalt  }
0x4a: {  	_ =	shalt  }
0x4b: {  	_ =	shalt  }
0x4c: {  	_ =	shalt  }
0x4d: {  	_ =	shalt  }
0x4e: {  	_ =	shalt  }
0x4f: {  	_ =	shalt  }
0x50: {  	_ =	shalt  }
0x51: {  	_ =	shalt  }
0x52: {  	_ =	shalt  }
0x53: {  	_ =	shalt  }
0x54: {  	_ =	shalt  }
0x55: {  	_ =	shalt  }
0x56: {  	_ =	shalt  }
0x57: {  	_ =	shalt  }
0x58: {  	_ =	shalt  }
0x59: {  	_ =	shalt  }
0x5a: {  	_ =	shalt  }
0x5b: {  	_ =	shalt  }
0x5c: {  	_ =	shalt  }
0x5d: {  	_ =	shalt  }
0x5e: {  	_ =	shalt  }
0x5f: {  	_ =	shalt  }
0x60: {  	_ =	shalt  }
0x61: {  	_ =	shalt  }
0x62: {  	_ =	shalt  }
0x63: {  	_ =	shalt  }
0x64: {  	_ =	shalt  }
0x65: {  	_ =	shalt  }
0x66: {  	_ =	shalt  }
0x67: {  	_ =	shalt  }
0x68: {  	_ =	shalt  }
0x69: {  	_ =	shalt  }
0x6a: {  	_ =	shalt  }
0x6b: {  	_ =	shalt  }
0x6c: {  	_ =	shalt  }
0x6d: {  	_ =	shalt  }
0x6e: {  	_ =	shalt  }
0x6f: {  	_ =	shalt  }
0x70: {  	_ =	shalt  }
0x71: {  	_ =	shalt  }
0x72: {  	_ =	shalt  }
0x73: {  	_ =	shalt  }
0x74: {  	_ =	shalt  }
0x75: {  	_ =	shalt  }
0x76: {  	_ =	shalt  }
0x77: {  	_ =	shalt  }
0x78: {  	_ =	shalt  }
0x79: {  	_ =	shalt  }
0x7a: {  	_ =	shalt  }
0x7b: {  	_ =	shalt  }
0x7c: {  	_ =	shalt  }
0x7d: {  	_ =	shalt  }
0x7e: {  	_ =	shalt  }
0x7f: {  	_ =	shalt  }
0x80: {  	_ =	shalt  }
0x81: {  	_ =	shalt  }
0x82: {  	_ =	shalt  }
0x83: {  	_ =	shalt  }
0x84: {  	_ =	shalt  }
0x85: {  	_ =	shalt  }
0x86: {  	_ =	shalt  }
0x87: {  	_ =	shalt  }
.Lfunc_end0:
.L_simem_size_0:
called_computation.2_lowered:
.L_overlay_start_0:
0x88: {  	s2 =	sld [smem:$0x3FD9]  }
0x89: {  	s3 =	sld [smem:$0x3FFE];
	_ =	sdelay $0x1  }
0x8a: {  	s1 =	srdreg.scid  }
0x8b: {  	s0 =	sand.u32 $0x1, s1  }
0x8c: {  	s16 =	sshll.u32 s0, $0xA;
	s2 =	sadd.s32 s3, s2  }
0x8d: {  	s2 =	sadd.s32 s2, s16  }
0x8e: {  	[smem:$0x3FBC] =	sst s2  }
0x8f: {  	_ = 	snop  }
0x90: {  	(tm) =	ssettm $0x1  }
0x91: {  	s17 =	sld [smem:$0x3FFB];
	_ =	sdelay $0x3  }
0x92: {  	_ =	strace s17  }
0x93: {  	s2 =	sld [smem:$0x3FFC];
	_ =	sdelay $0x3  }
0x94: {  	_ =	strace s2  }
0x95: {  	s2 =	sld [smem:$0x3FFD];
	_ =	sdelay $0x3  }
0x96: {  	_ =	strace s2  }
0x97: {  	_ =	strace $0x8FFFFFFF  }
0x98: {  	s18 =	sld [smem:$0x3FDB];
	_ =	sdelay $0x1  }
0x99: {  	s19 =	simm.s32 $_scs_section_size  }
0x9a: {  	s4 =	simm.s32 $_size__tile_overlayer_lowered;
	s5 =	simm.s32 $_tile_overlayer_lowered  }
0x9b: {  	s22 =	simm.s32 $0x1BFF;
	s21 =	sshll.u32 s5, $0x1;
	s2 =	sadd.s32 s19, s18  }
0x9c: {  	s6 =	simm.s32 $0x0;
	s20 =	sshll.u32 s4, $0x1;
	s4 =	sadd.s32 s21, s2  }
0x9d: {  	[timem:s6], [sflag:s22] =	dma.local [hbm:s4], s20  }
0x9e: {  	_ =	swait.ge [sflag:s22], s20  }
0x9f: {  	s3 =	ssub.s32 $0x0, s20;
	[sflag:s22] =	ssyncset.done $0x0  }
0xa0: {  	[sflag:s22] =	ssyncadd.s32 s3;
	_ =	sdelay $0x1  }
0xa1: {  	s23 =	simm.s32 $0x1B8B  }
0xa2: {  	_ =	swait.ge [sflag:s23], $0x1  }
0xa3: {  	[sflag:s23] =	ssyncset.done $0x0  }
0xa4: {  	s25 =	simm.s32 $0x1B8E;
	s24 =	sld [smem:$0x3FFE];
	[sflag:s23] =	ssyncadd.s32 $0xFFFFFFFF  }
0xa5: {  	s26 =	simm.s32 $execute0_lowered;
	[smem:$0x3FD2] =	sst s25  }
0xa6: {  	s4 =	sshll.u32 s26, $0x1;
	_ =	strace $0x8000004C;
	[dreg:$0x1] =	wrdreg $0xFFFFFFFF  }
0xa7: {  	s28 =	simm.s32 $_size_execute0_lowered;
	s2 =	sadd.s32 s2, s4;
	[dreg:$0x0] =	wrdreg $0x0  }
0xa8: {  	s4 =	sshll.u32 s28, $0x1;
	[dreg:$0x2] =	wrdreg s2  }
0xa9: {  	[dreg:$0x3] =	wrdreg s4  }
0xaa: {  	[dreg:$0x4] =	wrdreg $0xC0  }
0xab: {  	_ =	task [dreg:s6], $0x5FFFF  }
0xac: {  	[dreg:$0x1] =	wrdreg $0xFFFFFFFF  }
0xad: {  	[dreg:$0x0] =	wrdreg $0x60  }
0xae: {  	[dreg:$0x2] =	wrdreg s24  }
0xaf: {  	[dreg:$0x3] =	wrdreg $0xB  }
0xb0: {  	_ =	task.clear_ibuf [dreg:s6], $0x4FFFF;
	_ =	strace $0x9000004C  }
0xb1: {  	s29 =	simm.s32 $0xB;
	_ =	strace $0x8000004E  }
0xb2: {  	_ =	swait.ge [sflag:s29], $0x1  }
0xb3: {  	[sflag:s29] =	ssyncadd.s32 $0xFFFFFFFF  }
0xb4: {  	_ =	strace $0x9000004E  }
0xb5: {  	_ =	sfence  }
0xb6: {  	s30 =	sld [smem:$0x0];
	_ =	sdelay $0x2  }
0xb7: {  	s31 =	sshll.u32 s1, $0xD;
	s1 =	sshrl.u32 s1, $0x2  }
0xb8: {  	s3 =	sand.u32 $0x4000, s31;
	s1 =	sadd.s32 s1, s30  }
0xb9: {  	s0 =	sor.u32 s3, s0;
	s1 =	sshll.u32 s1, $0x11  }
0xba: {  	s0 =	sor.u32 s1, s0  }
0xbb: {  	s0 =	sadd.s32 $0x8F2B, s0  }
0xbc: {  	[sflag:s0] =	ssyncadd.remote.s32 $0x1  }
0xbd: {  	_ =	sfence.sel $0xFFFF  }
0xbe: {  	[dreg:$0x0] =	wrdreg $0xFFFFFFFF;
	(pc) =	sbr.abs _section_cstart, $3  }
0xbf: {  	[dreg:$0x1] =	wrdreg $0xFFFFFFFF  }
0xc0: {  	_ =	task.clear_ibuf [dreg:s6], $0x2FFFF;
	_ =	strace $0x9FFFFFFF  }
0xc1: {  	(tm) =	ssettm $0x7FFFFFFF  }
tec
execute0_lowered:
.L_overlay_start_1:
0x0: {  	(tag) =	ssettag $0x1  }
0x1: {  	s8 =	rddreg [dreg:$0x0]  }
0x2: {  	s0 =	rddreg [dreg:$0x1];
	_ =	strace $0x8000004D;
	s1 =	stileid.u32  }
0x3: {  	s3 =	srdreg.scid;
	s4 =	simm.s32 $0x1;
	s7 =	simm.s32 $0x1  }
0x4: {  	s9 =	simm.s32 $0x1;
	s10 =	simm.s32 $0x3;
	s13 =	simm.s32 $0x0  }
0x5: {  	s12 =	simm.s32 $0x0;
	s5 =	sand.u32 $0x1, s3;
	s6 =	sshll.u32 s1, $0x1  }
0x6: {  	s2 =	sadd.s32 $0x7400, s8;
	s3 =	sadd.s32 $0xC400, s8;
	s5 =	sor.u32 s6, s5  }
.Ltmp0:
0x7: {  	[sflag:s4] =	ssyncpa.u1 $0x0;
	p0 =	slt.u32 s5, $0x9;
	(pc) =	sbr.rel .LBB2_1-.Ltmp0, $4  }
0x8: {  	s6 =	simm.s32 $0x2;
	s7 =	simm.s32 @!p0 $0x0;
	p0 =	sne.s32 s5, $0x8  }
0x9: {  	[sflag:s6] =	ssyncpa.u1 $0x0;
	s5 =	smul.u32 $0xFA0, s5;
	s9 =	simm.s32 @!p0 $0x0  }
0xa: {  	s8 =	sadd.s32 $0x11400, s8;
	[sflag:s10] =	ssyncpa.u1 $0x0;
	s7 =	sadd.s32 s9, s7  }
0xb: {  	vm0 =	vmmov $0xffff;
	s10 =	simm.s32 $0x0;
	s11 =	smov.u32 s5;
	s9 =	sadd.s32 $0x1, s7  }
.LBB2_4:
0xc: {  	v2 =	vnsel vm1, $0x0, v2  }
0xd: {  	vm1 =	vgt.s32 v0, $0x0;
	v2 =	vmin.u32 v2, $0x270FF  }
0xe: {  	v0 =	vnsel vm1, $0x0, v0  }
0xf: {  	v0 =	vmin.u32 v0, $0x270FF  }
0x10: {  	[tilespmem:s18], [sflag:$0x1] =	stream.indirect_vreg.gather [hbm4b:s2+s10], $0x1, v1, vm0, $0x4038;
	[tilespmem:$0x3E80] =	vst v63  }
0x11: {  	(ifvalue) =	ssetifvalue $0x7FFFFFFF  }
0x12: {  	[tilespmem:s15], [sflag:$0x1] =	stream.indirect_vreg.gather [hbm4b:s2+s10], $0x1, v2, vm0, $0x4038;
	[tilespmem:$0x3E80] =	vst v63  }
0x13: {  	s29 =	sadd.s32 $0x10, s15;
	(ifvalue) =	ssetifvalue $0x7FFFFFFF  }
0x14: {  	[tilespmem:s29], [sflag:$0x1] =	stream.indirect_vreg.gather [hbm4b:s2+s10], $0x1, v0, vm0, $0x4038;
	[tilespmem:$0x3E80] =	vst v63  }
0x15: {  	_ =	swait.ge [sflag:s4], $0xFA0  }
0x16: {  	s30 =	sshrl.u32 s13, $0x3;
	[sflag:s4] =	ssyncset.done $0x0  }
0x17: {  	s31 =	sand.u32 $0x7, s13;
	s15 =	sadd.s32 s8, s30;
	[sflag:s4] =	ssyncadd.s32 $0xFFFFF060  }
0x18: {  	[hbm4b:s15+s31] =	stream.linear.scatter [tilespmem:s14], [sflag:$0x3], $0xFA0, $0x38;
	[tilespmem:$0x3E80] =	vst v63  }
.LBB2_5:
0x19: {  	s15 =	sadd.s32 $0x1F400, s11  }
0x1a: {  	p1 =	sgt.s32 s15, $0x270FF  }
0x1b: {  	s15 =	smov.u32 @p1 s5;
	p1 =	sne.s32 s12, s9  }
.Ltmp1:
0x1c: {  	p0 =	slt.u32 s12, $0x2;
	(pc) =	sbr.rel @!p1 .LBB2_6-.Ltmp1, $4  }
0x1d: {  	s14 =	simm.s32 @!p0 $0x3  }
0x1e: {  	_ =	swait.ge @!p0 [sflag:s14], $0xFA0  }
0x1f: {  	s16 =	sadd.s32 $0x1, s12;
	s13 =	smov.u32 s11;
	[sflag:s14] =	ssyncset.done @!p0 $0x0  }
0x20: {  	s12 =	smov.u32 s16;
	s11 =	smov.u32 s15;
	[sflag:s14] =	ssyncadd.s32 @!p0 $0xFFFFF060  }
.LBB2_1:
0x21: {  	p0 =	sge.u32 s12, s7  }
0x22: {  	s14 =	sxor.u32 @!p0 $0x1, s12  }
0x23: {  	s14 =	smul.u32 @!p0 $0x3E80, s14  }
0x24: {  	s31 =	sadd.s32 $0xFFFFFFFF, s12;
	s15 =	sshrl.u32 @!p0 s11, $0x3  }
0x25: {  	s16 =	sand.u32 @!p0 $0x7, s11;
	s15 =	sadd.s32 @!p0 s3, s15;
	s14 =	sshra.s32 @!p0 s14, $0x2  }
0x26: {  	[tilespmem:s14], [sflag:$0x2] =	stream.linear.gather @!p0 [hbm4b:s15+s16], $0xFA0, $0x38;
	[tilespmem:$0x3E80] =	vst v63  }
0x27: {  	p0 =	sge.u32 s31, s7  }
.Ltmp2:
0x28: {  	_ = 	snop;
	(pc) =	sbr.rel @p0 .LBB2_5-.Ltmp2, $1  }
0x29: {  	_ =	sdelay $0x3  }
0x2a: {  	s14 =	sand.u32 $0x1, s12  }
0x2b: {  	_ =	swait.ge [sflag:s6], $0xFA0;
	p0 =	seq.s32 s14, $0x1;
	s14 =	simm.s32 $0xFA0  }
0x2c: {  	[sflag:s6] =	ssyncset.done $0x0;
	s14 =	simm.s32 @!p0 $0x0  }
0x2d: {  	[sflag:s6] =	ssyncadd.s32 $0xFFFFF060;
	(ifvalue) =	ssetifvalue $0x7FFFFFFF;
	v0 =	vld.msk [tilespmem:s14+$0x0 ss:$0x1], $0xffff;
	_ =	sdelay $0x4  }
0x2e: {  	s15 =	sadd.s32 $0x10, s14;
	vm1 =	vgt.s32 v0, $0x0  }
0x2f: {  	v2 =	vld.msk [tilespmem:s15+$0x0 ss:$0x1], $0xffff;
	v1 =	vnsel vm1, $0x0, v0  }
0x30: {  	v1 =	vmin.u32 v1, $0x270FF;
	_ =	sdelay $0x2  }
0x31: {  	s17 =	simm.s32 $0x20;
	s14 =	sadd.s32 $0x1F40, s14;
	s16 =	sadd.s32 $0x10, s15  }
0x32: {  	s15 =	sadd.s32 $0x10, s14;
	s18 =	smov.u32 s14;
	v0 =	vld.msk [tilespmem:s16+$0x0 ss:$0x1], $0xffff;
	vm1 =	vgt.s32 v2, $0x0;
	(ifvalue) =	ssetifvalue $0x7FFFFFFF  }
.LBB2_3:
0x33: {  	[tilespmem:s18], [sflag:$0x1] =	stream.indirect_vreg.gather [hbm4b:s2+s10], $0x1, v1, vm0, $0x4038;
	[tilespmem:$0x3E80] =	vst v63  }
0x34: {  	s17 =	sadd.s32 $0x10, s17  }
0x35: {  	v2 =	vnsel vm1, $0x0, v2;
	p0 =	slt.u32 s17, $0xF90  }
.Ltmp3:
0x36: {  	s18 =	smov.u32 s15;
	v1 =	vmin.u32 v2, $0x270FF;
	(pc) =	sbr.rel @p0 .LBB2_3-.Ltmp3, $3  }
0x37: {  	_ =	sdelay $0x1  }
0x38: {  	s16 =	sadd.s32 $0x10, s16  }
0x39: {  	vm1 =	vgt.s32 v0, $0x0;
	s15 =	sadd.s32 $0x10, s15;
	v2 =	vmov v0;
	(ifvalue) =	ssetifvalue $0x7FFFFFFF;
	v0 =	vld.msk [tilespmem:s16+$0x0 ss:$0x1], $0xffff  }
.Ltmp4:
0x3a: {  	_ = 	snop;
	(pc) =	sbr.rel .LBB2_4-.Ltmp4, $1  }
0x3b: {  	_ =	sdelay $0x3  }
.LBB2_6:
0x3c: {  	_ =	sfence.sel $0x180000  }
0x3d: {  	s2 =	simm.s32 $0x2;
	[bflag:$0x0] =	sbarrier.arrive $0xFFFF  }
0x3e: {  	s30 =	simm.s32 $0x3;
	[sflag:s2] =	ssyncpa.u1 $0x1  }
0x3f: {  	s31 =	simm.s32 $0x1;
	[sflag:s30] =	ssyncpa.u1 $0x1  }
0x40: {  	[sflag:s31] =	ssyncpa.u1 $0x1  }
0x41: {  	p0 =	sne.s32 s1, $0x0;
	_ =	strace $0x9000004D  }
0x42: {  	s0 =	sadd.s32 @!p0 $0x100000, s0;
	[bflag:$0x2] =	sbarrier.arrive $0xFFFF  }
0x43: {  	[sflag:s0] =	ssyncadd.tile.s32 @!p0 $0x1;
	_ =	shalt  }
.Lfunc_end2:
_tile_overlayer_lowered:
.L_overlay_start_2:
0x44: {  	(tag) =	ssettag $0x2  }
0x45: {  	s0 =	rddreg [dreg:$0x0];
	s2 =	stileid.u32  }
0x46: {  	s1 =	rddreg [dreg:$0x1];
	p0 =	sne.s32 s2, $0x0  }
0x47: {  	s3 =	rddreg [dreg:$0x2];
	[bflag:$0x3] =	sbarrier.arrive $0xFFFF;
	s2 =	simm.s32 @!p0 $0x1C01  }
0x48: {  	[timem:s3], [sflag:s2] =	dma.local @!p0 [hbm:s0], s1  }
0x49: {  	s0 =	simm.s32 @!p0 $0x1  }
0x4a: {  	_ =	swait.ge @!p0 [sflag:s0], s1  }
0x4b: {  	s1 =	ssub.s32 @!p0 $0x0, s1;
	[sflag:s0] =	ssyncset.done @!p0 $0x0  }
0x4c: {  	[sflag:s0] =	ssyncadd.s32 @!p0 s1  }
0x4d: {  	[bflag:$0x3] =	sbarrier.arrive $0xFFFF  }
0x4e: {  	_ =	shalt  }

// kernel: gather_offload_async_start.3
scs
__scs_entry_jumppad:
0x0: {  	(pc) =	sbr.rel $0x88, $3  }
0x1: {  	(tag) =	ssettag $0x0;
	lr =	simm.s32 $0x1  }
0x2: {  	[smem:$0x3F95] =	sst lr;
	_ =	strace $0xD0000000  }
0x3: {  	_ = 	snop  }
0x4: {  	_ = 	snop  }
0x5: {  	_ = 	snop  }
0x6: {  	_ = 	snop  }
0x7: {  	_ = 	snop  }
__scs_overlays_trampoline_lowered:
0x8: {  	[smem:$0x3FA4] =	sst s0  }
0x9: {  	[smem:$0x3FA5] =	sst s1  }
0xa: {  	[smem:$0x3FA6] =	sst s2  }
0xb: {  	[smem:$0x3FA7] =	sst s3  }
0xc: {  	[smem:$0x3FA8] =	sst s4  }
0xd: {  	[smem:$0x3FA9] =	sst s5  }
0xe: {  	[smem:$0x3FAA] =	sst s6  }
0xf: {  	[smem:$0x3FAB] =	sst s7  }
0x10: {  	[smem:$0x3FAC] =	sst s8  }
0x11: {  	[smem:$0x3FAD] =	sst s9;
	s0 =	simm.s32 @!p0 $0x0  }
0x12: {  	s1 =	sld [smem:$0x3F93];
	s0 =	simm.s32 @p0 $0x1  }
0x13: {  	[smem:$0x3FAE] =	sst s0;
	s0 =	simm.s32 @!p1 $0x0  }
0x14: {  	s2 =	sld [smem:$0x3F92];
	s0 =	simm.s32 @p1 $0x1  }
0x15: {  	[smem:$0x3FAF] =	sst s0;
	s0 =	simm.s32 @!p2 $0x0  }
0x16: {  	s3 =	sld [smem:$0x3FDB];
	s0 =	simm.s32 @p2 $0x1  }
0x17: {  	s4 =	simm.s32 $0x1BF5;
	[smem:$0x3FB1] =	sst s0  }
0x18: {  	s0 =	sld [smem:$0x3F94];
	_ =	swait.ge [sflag:s4], $0x0  }
0x19: {  	s7 =	sld [smem:$0x3F95]  }
0x1a: {  	s8 =	sadd.s32 $0xFFFFE003, lr  }
0x1b: {  	s9 =	sadd.s32 $0xFFFFFEF7, lr;
	s5 =	simm.s32 $0xFFFFFFFF;
	p2 =	slt.u32 s8, $0xFFFFF086  }
0x1c: {  	p1 =	slt.u32 s9, $0xF7A;
	s5 =	simm.s32 @!p2 $0x0  }
0x1d: {  	s5 =	simm.s32 @p1 $0x1;
	p0 =	seq.s32 s7, s2  }
0x1e: {  	s7 =	smul.u32 @!p0 $0xF7A, s2;
	p2 =	seq.s32 @!p0 s5, $0x0  }
0x1f: {  	s9 =	smul.u32 $0xF7A, s1;
	s8 =	simm.s32 @!p0 $0x1BF5;
	p2 =	por !p2, p0  }
0x20: {  	[sflag:s8] =	ssyncset.s32 @!p0 $0xFFFFF086;
	s6 =	sadd.s32 @!p0 s3, s7;
	s7 =	simm.s32 @!p0 $0x108  }
0x21: {  	s3 =	sadd.s32 s3, s9;
	s6 =	sadd.s32 @!p0 $0x88, s6;
	s7 =	simm.s32 @p2 $0x1082  }
0x22: {  	[simem:s7], [sflag:s8] =	dma.local @!p0 [hbm:s6], $0xF7A  }
0x23: {  	s9 =	sor.u32 $0xD0000000, s2;
	s6 =	simm.s32 $0x108;
	_ =	swait.ge @!p0 [sflag:s8], $0x0  }
0x24: {  	s3 =	sadd.s32 $0x88, s3;
	s6 =	simm.s32 @!p1 $0x1082;
	[sflag:s4] =	ssyncset.s32 $0xFFFFF086  }
0x25: {  	[simem:s6], [sflag:s4] =	dma.local [hbm:s3], $0xF7A  }
0x26: {  	[smem:$0x3F95] =	sst s1;
	(tag) =	ssettag s2;
	_ =	strace s9  }
0x27: {  	s1 =	sld [smem:$0x3FA5]  }
0x28: {  	s2 =	sld [smem:$0x3FA6]  }
0x29: {  	s4 =	sld [smem:$0x3FA8]  }
0x2a: {  	p0 =	seq.s32 s5, $0x0;
	s5 =	sld [smem:$0x3FA9]  }
0x2b: {  	s6 =	sld [smem:$0x3FAA]  }
0x2c: {  	s7 =	sld [smem:$0x3FAB]  }
0x2d: {  	s3 =	simm.s32 $0x108;
	s8 =	sld [smem:$0x3FAC]  }
0x2e: {  	s3 =	simm.s32 @!p0 $0x1082;
	s9 =	sld [smem:$0x3FAD]  }
0x2f: {  	lr =	sadd.s32 s0, s3;
	s0 =	sld [smem:$0x3FA4]  }
0x30: {  	s3 =	sld [smem:$0x3FA7]  }
0x31: {  	[smem:$0x3FB0] =	sst s10  }
0x32: {  	s10 =	sld [smem:$0x3FAE];
	_ =	sdelay $0x3  }
0x33: {  	p0 =	seq.s32 s10, $0x1;
	s10 =	sld [smem:$0x3FB0];
	_ =	sdelay $0x3  }
0x34: {  	[smem:$0x3FB0] =	sst s10  }
0x35: {  	s10 =	sld [smem:$0x3FAF];
	_ =	sdelay $0x3  }
0x36: {  	p1 =	seq.s32 s10, $0x1;
	s10 =	sld [smem:$0x3FB0];
	_ =	sdelay $0x3  }
0x37: {  	[smem:$0x3FB0] =	sst s10  }
0x38: {  	s10 =	sld [smem:$0x3FB1]  }
0x39: {  	_ = 	snop;
	(pc) =	sbr.ind lr, $3  }
0x3a: {  	_ = 	snop  }
0x3b: {  	_ = 	snop  }
0x3c: {  	p2 =	seq.s32 s10, $0x1;
	s10 =	sld [smem:$0x3FB0]  }
0x3d: {  	_ =	shalt  }
0x3e: {  	_ =	shalt  }
0x3f: {  	_ =	shalt  }
0x40: {  	_ =	shalt  }
0x41: {  	_ =	shalt  }
0x42: {  	_ =	shalt  }
0x43: {  	_ =	shalt  }
0x44: {  	_ =	shalt  }
0x45: {  	_ =	shalt  }
0x46: {  	_ =	shalt  }
0x47: {  	_ =	shalt  }
0x48: {  	_ =	shalt  }
0x49: {  	_ =	shalt  }
0x4a: {  	_ =	shalt  }
0x4b: {  	_ =	shalt  }
0x4c: {  	_ =	shalt  }
0x4d: {  	_ =	shalt  }
0x4e: {  	_ =	shalt  }
0x4f: {  	_ =	shalt  }
0x50: {  	_ =	shalt  }
0x51: {  	_ =	shalt  }
0x52: {  	_ =	shalt  }
0x53: {  	_ =	shalt  }
0x54: {  	_ =	shalt  }
0x55: {  	_ =	shalt  }
0x56: {  	_ =	shalt  }
0x57: {  	_ =	shalt  }
0x58: {  	_ =	shalt  }
0x59: {  	_ =	shalt  }
0x5a: {  	_ =	shalt  }
0x5b: {  	_ =	shalt  }
0x5c: {  	_ =	shalt  }
0x5d: {  	_ =	shalt  }
0x5e: {  	_ =	shalt  }
0x5f: {  	_ =	shalt  }
0x60: {  	_ =	shalt  }
0x61: {  	_ =	shalt  }
0x62: {  	_ =	shalt  }
0x63: {  	_ =	shalt  }
0x64: {  	_ =	shalt  }
0x65: {  	_ =	shalt  }
0x66: {  	_ =	shalt  }
0x67: {  	_ =	shalt  }
0x68: {  	_ =	shalt  }
0x69: {  	_ =	shalt  }
0x6a: {  	_ =	shalt  }
0x6b: {  	_ =	shalt  }
0x6c: {  	_ =	shalt  }
0x6d: {  	_ =	shalt  }
0x6e: {  	_ =	shalt  }
0x6f: {  	_ =	shalt  }
0x70: {  	_ =	shalt  }
0x71: {  	_ =	shalt  }
0x72: {  	_ =	shalt  }
0x73: {  	_ =	shalt  }
0x74: {  	_ =	shalt  }
0x75: {  	_ =	shalt  }
0x76: {  	_ =	shalt  }
0x77: {  	_ =	shalt  }
0x78: {  	_ =	shalt  }
0x79: {  	_ =	shalt  }
0x7a: {  	_ =	shalt  }
0x7b: {  	_ =	shalt  }
0x7c: {  	_ =	shalt  }
0x7d: {  	_ =	shalt  }
0x7e: {  	_ =	shalt  }
0x7f: {  	_ =	shalt  }
0x80: {  	_ =	shalt  }
0x81: {  	_ =	shalt  }
0x82: {  	_ =	shalt  }
0x83: {  	_ =	shalt  }
0x84: {  	_ =	shalt  }
0x85: {  	_ =	shalt  }
0x86: {  	_ =	shalt  }
0x87: {  	_ =	shalt  }
.Lfunc_end0:
.L_simem_size_0:
called_computation.3_lowered:
.L_overlay_start_0:
0x88: {  	s2 =	sld [smem:$0x3FD9]  }
0x89: {  	s3 =	sld [smem:$0x3FFE];
	_ =	sdelay $0x1  }
0x8a: {  	s1 =	srdreg.scid  }
0x8b: {  	s0 =	sand.u32 $0x1, s1  }
0x8c: {  	s16 =	sshll.u32 s0, $0xA;
	s2 =	sadd.s32 s3, s2  }
0x8d: {  	s2 =	sadd.s32 s2, s16  }
0x8e: {  	[smem:$0x3FBC] =	sst s2  }
0x8f: {  	_ = 	snop  }
0x90: {  	(tm) =	ssettm $0x1  }
0x91: {  	s17 =	sld [smem:$0x3FFB];
	_ =	sdelay $0x3  }
0x92: {  	_ =	strace s17  }
0x93: {  	s2 =	sld [smem:$0x3FFC];
	_ =	sdelay $0x3  }
0x94: {  	_ =	strace s2  }
0x95: {  	s2 =	sld [smem:$0x3FFD];
	_ =	sdelay $0x3  }
0x96: {  	_ =	strace s2  }
0x97: {  	_ =	strace $0x8FFFFFFF  }
0x98: {  	s18 =	sld [smem:$0x3FDB];
	_ =	sdelay $0x1  }
0x99: {  	s19 =	simm.s32 $_scs_section_size  }
0x9a: {  	s4 =	simm.s32 $_size__tile_overlayer_lowered;
	s5 =	simm.s32 $_tile_overlayer_lowered  }
0x9b: {  	s22 =	simm.s32 $0x1BFF;
	s21 =	sshll.u32 s5, $0x1;
	s2 =	sadd.s32 s19, s18  }
0x9c: {  	s6 =	simm.s32 $0x0;
	s20 =	sshll.u32 s4, $0x1;
	s4 =	sadd.s32 s21, s2  }
0x9d: {  	[timem:s6], [sflag:s22] =	dma.local [hbm:s4], s20  }
0x9e: {  	_ =	swait.ge [sflag:s22], s20  }
0x9f: {  	s3 =	ssub.s32 $0x0, s20;
	[sflag:s22] =	ssyncset.done $0x0  }
0xa0: {  	[sflag:s22] =	ssyncadd.s32 s3;
	_ =	sdelay $0x1  }
0xa1: {  	s23 =	simm.s32 $0x1B8B  }
0xa2: {  	_ =	swait.ge [sflag:s23], $0x1  }
0xa3: {  	[sflag:s23] =	ssyncset.done $0x0  }
0xa4: {  	s25 =	simm.s32 $0x1B8E;
	s24 =	sld [smem:$0x3FFE];
	[sflag:s23] =	ssyncadd.s32 $0xFFFFFFFF  }
0xa5: {  	s26 =	simm.s32 $execute0_lowered;
	[smem:$0x3FD2] =	sst s25  }
0xa6: {  	s4 =	sshll.u32 s26, $0x1;
	_ =	strace $0x80000049;
	[dreg:$0x1] =	wrdreg $0xFFFFFFFF  }
0xa7: {  	s28 =	simm.s32 $_size_execute0_lowered;
	s2 =	sadd.s32 s2, s4;
	[dreg:$0x0] =	wrdreg $0x0  }
0xa8: {  	s4 =	sshll.u32 s28, $0x1;
	[dreg:$0x2] =	wrdreg s2  }
0xa9: {  	[dreg:$0x3] =	wrdreg s4  }
0xaa: {  	[dreg:$0x4] =	wrdreg $0xC0  }
0xab: {  	_ =	task [dreg:s6], $0x5FFFF  }
0xac: {  	[dreg:$0x1] =	wrdreg $0xFFFFFFFF  }
0xad: {  	[dreg:$0x0] =	wrdreg $0x60  }
0xae: {  	[dreg:$0x2] =	wrdreg s24  }
0xaf: {  	[dreg:$0x3] =	wrdreg $0x9  }
0xb0: {  	_ =	task.clear_ibuf [dreg:s6], $0x4FFFF;
	_ =	strace $0x90000049  }
0xb1: {  	s29 =	simm.s32 $0x9;
	_ =	strace $0x8000004B  }
0xb2: {  	_ =	swait.ge [sflag:s29], $0x1  }
0xb3: {  	[sflag:s29] =	ssyncadd.s32 $0xFFFFFFFF  }
0xb4: {  	_ =	strace $0x9000004B  }
0xb5: {  	_ =	sfence  }
0xb6: {  	s30 =	sld [smem:$0x0];
	_ =	sdelay $0x2  }
0xb7: {  	s31 =	sshll.u32 s1, $0xD;
	s1 =	sshrl.u32 s1, $0x2  }
0xb8: {  	s3 =	sand.u32 $0x4000, s31;
	s1 =	sadd.s32 s1, s30  }
0xb9: {  	s0 =	sor.u32 s3, s0;
	s1 =	sshll.u32 s1, $0x11  }
0xba: {  	s0 =	sor.u32 s1, s0  }
0xbb: {  	s0 =	sadd.s32 $0x8F2B, s0  }
0xbc: {  	[sflag:s0] =	ssyncadd.remote.s32 $0x1  }
0xbd: {  	_ =	sfence.sel $0xFFFF  }
0xbe: {  	[dreg:$0x0] =	wrdreg $0xFFFFFFFF;
	(pc) =	sbr.abs _section_cstart, $3  }
0xbf: {  	[dreg:$0x1] =	wrdreg $0xFFFFFFFF  }
0xc0: {  	_ =	task.clear_ibuf [dreg:s6], $0x2FFFF;
	_ =	strace $0x9FFFFFFF  }
0xc1: {  	(tm) =	ssettm $0x7FFFFFFF  }
tec
execute0_lowered:
.L_overlay_start_1:
0x0: {  	(tag) =	ssettag $0x1  }
0x1: {  	s8 =	rddreg [dreg:$0x0]  }
0x2: {  	s0 =	rddreg [dreg:$0x1];
	_ =	strace $0x8000004A;
	s1 =	stileid.u32  }
0x3: {  	s3 =	srdreg.scid;
	s4 =	simm.s32 $0x1;
	s7 =	simm.s32 $0x1  }
0x4: {  	s9 =	simm.s32 $0x1;
	s10 =	simm.s32 $0x3;
	s13 =	simm.s32 $0x0  }
0x5: {  	s12 =	simm.s32 $0x0;
	s5 =	sand.u32 $0x1, s3;
	s6 =	sshll.u32 s1, $0x1  }
0x6: {  	s2 =	sadd.s32 $0x1B400, s8;
	s3 =	sadd.s32 $0x11400, s8;
	s5 =	sor.u32 s6, s5  }
.Ltmp0:
0x7: {  	[sflag:s4] =	ssyncpa.u1 $0x0;
	p0 =	slt.u32 s5, $0x9;
	(pc) =	sbr.rel .LBB2_1-.Ltmp0, $4  }
0x8: {  	s6 =	simm.s32 $0x2;
	s7 =	simm.s32 @!p0 $0x0;
	p0 =	sne.s32 s5, $0x8  }
0x9: {  	[sflag:s6] =	ssyncpa.u1 $0x0;
	s5 =	smul.u32 $0xFA0, s5;
	s9 =	simm.s32 @!p0 $0x0  }
0xa: {  	s8 =	sadd.s32 $0x16400, s8;
	[sflag:s10] =	ssyncpa.u1 $0x0;
	s7 =	sadd.s32 s9, s7  }
0xb: {  	vm0 =	vmmov $0xffff;
	s10 =	simm.s32 $0x0;
	s11 =	smov.u32 s5;
	s9 =	sadd.s32 $0x1, s7  }
.LBB2_4:
0xc: {  	v5 =	vshrl.u32 v1, $0xB;
	v6 =	vshll.u32 v1, $0x7  }
0xd: {  	vm1 =	veq.s32 v1, $0x80000000;
	v58 =	vand.u32 $0x7F, v5;
	v59 =	vand.u32 $0x3FF80, v6  }
0xe: {  	v1 =	vsel vm1, $0xFFFFFFFF, v58;
	v5 =	vsel vm1, $0xFFFFFF80, v59  }
0xf: {  	v3 =	vor.u32 v4, v3;
	v60 =	vand.u32 $0xFFFFFC00, v5;
	v61 =	vand.u32 $0xFFFFFC00, v1  }
0x10: {  	v2 =	vor.u32 v2, v3;
	v63 =	vand.u32 $0x380, v5;
	v62 =	vadd.s32 v61, v60  }
0x11: {  	v1 =	vand.u32 $0x7F, v1;
	v3 =	vor.u32 v63, v62  }
0x12: {  	v1 =	vor.u32 v1, v3  }
0x13: {  	[tilespmem:s17], [sflag:$0x1] =	stream.indirect_vreg.gather [hbm4b:s2+s10], $0x1, v0, vm0, $0x4038;
	[tilespmem:$0x3E80] =	vst v63  }
0x14: {  	(ifvalue) =	ssetifvalue $0x7FFFFFFF  }
0x15: {  	[tilespmem:s15], [sflag:$0x1] =	stream.indirect_vreg.gather [hbm4b:s2+s10], $0x1, v2, vm0, $0x4038;
	[tilespmem:$0x3E80] =	vst v63  }
0x16: {  	s29 =	sadd.s32 $0x10, s15;
	(ifvalue) =	ssetifvalue $0x7FFFFFFF  }
0x17: {  	[tilespmem:s29], [sflag:$0x1] =	stream.indirect_vreg.gather [hbm4b:s2+s10], $0x1, v1, vm0, $0x4038;
	[tilespmem:$0x3E80] =	vst v63  }
0x18: {  	_ =	swait.ge [sflag:s4], $0xFA0  }
0x19: {  	s30 =	sshrl.u32 s13, $0x3;
	[sflag:s4] =	ssyncset.done $0x0  }
0x1a: {  	s31 =	sand.u32 $0x7, s13;
	s15 =	sadd.s32 s8, s30;
	[sflag:s4] =	ssyncadd.s32 $0xFFFFF060  }
0x1b: {  	[hbm4b:s15+s31] =	stream.linear.scatter [tilespmem:s14], [sflag:$0x3], $0xFA0, $0x38;
	[tilespmem:$0x3E80] =	vst v63  }
.LBB2_5:
0x1c: {  	s15 =	sadd.s32 $0x1F400, s11  }
0x1d: {  	p1 =	sgt.s32 s15, $0x270FF  }
0x1e: {  	s15 =	smov.u32 @p1 s5;
	p1 =	sne.s32 s12, s9  }
.Ltmp1:
0x1f: {  	p0 =	slt.u32 s12, $0x2;
	(pc) =	sbr.rel @!p1 .LBB2_6-.Ltmp1, $4  }
0x20: {  	s14 =	simm.s32 @!p0 $0x3  }
0x21: {  	_ =	swait.ge @!p0 [sflag:s14], $0xFA0  }
0x22: {  	s16 =	sadd.s32 $0x1, s12;
	s13 =	smov.u32 s11;
	[sflag:s14] =	ssyncset.done @!p0 $0x0  }
0x23: {  	s12 =	smov.u32 s16;
	s11 =	smov.u32 s15;
	[sflag:s14] =	ssyncadd.s32 @!p0 $0xFFFFF060  }
.LBB2_1:
0x24: {  	p0 =	sge.u32 s12, s7  }
0x25: {  	s14 =	sxor.u32 @!p0 $0x1, s12  }
0x26: {  	s14 =	smul.u32 @!p0 $0x3E80, s14  }
0x27: {  	s31 =	sadd.s32 $0xFFFFFFFF, s12;
	s15 =	sshrl.u32 @!p0 s11, $0x3  }
0x28: {  	s16 =	sand.u32 @!p0 $0x7, s11;
	s15 =	sadd.s32 @!p0 s3, s15;
	s14 =	sshra.s32 @!p0 s14, $0x2  }
0x29: {  	[tilespmem:s14], [sflag:$0x2] =	stream.linear.gather @!p0 [hbm4b:s15+s16], $0xFA0, $0x38;
	[tilespmem:$0x3E80] =	vst v63  }
0x2a: {  	p0 =	sge.u32 s31, s7  }
.Ltmp2:
0x2b: {  	_ = 	snop;
	(pc) =	sbr.rel @p0 .LBB2_5-.Ltmp2, $1  }
0x2c: {  	_ =	sdelay $0x3  }
0x2d: {  	s14 =	sand.u32 $0x1, s12  }
0x2e: {  	_ =	swait.ge [sflag:s6], $0xFA0;
	p0 =	seq.s32 s14, $0x1;
	s14 =	simm.s32 $0xFA0  }
0x2f: {  	[sflag:s6] =	ssyncset.done $0x0;
	s14 =	simm.s32 @!p0 $0x0  }
0x30: {  	[sflag:s6] =	ssyncadd.s32 $0xFFFFF060;
	(ifvalue) =	ssetifvalue $0x7FFFFFFF;
	v0 =	vld.msk [tilespmem:s14+$0x0 ss:$0x1], $0xffff;
	_ =	sdelay $0x4  }
0x31: {  	s15 =	sadd.s32 $0x10, s14;
	v2 =	vshrl.u32 v0, $0xB;
	v3 =	vshll.u32 v0, $0x7  }
0x32: {  	v1 =	vld.msk [tilespmem:s15+$0x0 ss:$0x1], $0xffff;
	vm1 =	veq.s32 v0, $0x80000000;
	v0 =	vand.u32 $0x7F, v2;
	v2 =	vand.u32 $0x3FF80, v3  }
0x33: {  	v0 =	vsel vm1, $0xFFFFFFFF, v0;
	v2 =	vsel vm1, $0xFFFFFF80, v2  }
0x34: {  	v3 =	vand.u32 $0xFFFFFC00, v2;
	v4 =	vand.u32 $0xFFFFFC00, v0  }
0x35: {  	v2 =	vand.u32 $0x380, v2;
	v3 =	vadd.s32 v4, v3  }
0x36: {  	v0 =	vand.u32 $0x7F, v0;
	v2 =	vor.u32 v2, v3  }
0x37: {  	v5 =	vshll.u32 v1, $0x7;
	v4 =	vshrl.u32 v1, $0xB;
	v0 =	vor.u32 v0, v2  }
0x38: {  	vm1 =	veq.s32 v1, $0x80000000;
	v1 =	vand.u32 $0x7F, v4;
	v4 =	vand.u32 $0x3FF80, v5  }
0x39: {  	s14 =	sadd.s32 $0x1F40, s14;
	s15 =	sadd.s32 $0x10, s15;
	v3 =	vsel vm1, $0xFFFFFFFF, v1;
	v4 =	vsel vm1, $0xFFFFFF80, v4  }
0x3a: {  	s16 =	simm.s32 $0x20;
	s17 =	smov.u32 s14;
	v1 =	vld.msk [tilespmem:s15+$0x0 ss:$0x1], $0xffff;
	v5 =	vand.u32 $0xFFFFFC00, v4;
	v6 =	vand.u32 $0xFFFFFC00, v3  }
0x3b: {  	s18 =	sadd.s32 $0x10, s15;
	(ifvalue) =	ssetifvalue $0x7FFFFFFF;
	s15 =	sadd.s32 $0x10, s14;
	v2 =	vand.u32 $0x7F, v3;
	v4 =	vand.u32 $0x380, v4;
	v3 =	vadd.s32 v6, v5  }
.LBB2_3:
0x3c: {  	[tilespmem:s17], [sflag:$0x1] =	stream.indirect_vreg.gather [hbm4b:s2+s10], $0x1, v0, vm0, $0x4038;
	[tilespmem:$0x3E80] =	vst v63  }
0x3d: {  	s16 =	sadd.s32 $0x10, s16  }
0x3e: {  	v3 =	vor.u32 v4, v3;
	p0 =	slt.u32 s16, $0xF90  }
.Ltmp3:
0x3f: {  	v4 =	vshrl.u32 v1, $0xB;
	v5 =	vshll.u32 v1, $0x7;
	s17 =	smov.u32 s15;
	v0 =	vor.u32 v2, v3;
	v2 =	vmovc v1;
	v1 =	vld.msk [tilespmem:s18+$0x0 ss:$0x1], $0xffff;
	(pc) =	sbr.rel @p0 .LBB2_3-.Ltmp3, $4  }
0x40: {  	v3 =	vand.u32 $0x3FF80, v5;
	vm1 =	veq.s32 v2, $0x80000000;
	v2 =	vand.u32 $0x7F, v4  }
0x41: {  	v4 =	vsel vm1, $0xFFFFFFFF, v2;
	v5 =	vsel vm1, $0xFFFFFF80, v3  }
0x42: {  	v2 =	vand.u32 $0x7F, v4;
	v3 =	vand.u32 $0xFFFFFC00, v5;
	v4 =	vand.u32 $0xFFFFFC00, v4  }
0x43: {  	s15 =	sadd.s32 $0x10, s15;
	s18 =	sadd.s32 $0x10, s18;
	v3 =	vadd.s32 v4, v3;
	v4 =	vand.u32 $0x380, v5;
	(ifvalue) =	ssetifvalue $0x7FFFFFFF  }
.Ltmp4:
0x44: {  	_ = 	snop;
	(pc) =	sbr.rel .LBB2_4-.Ltmp4, $1  }
0x45: {  	_ =	sdelay $0x3  }
.LBB2_6:
0x46: {  	_ =	sfence.sel $0x180000  }
0x47: {  	s2 =	simm.s32 $0x2;
	[bflag:$0x0] =	sbarrier.arrive $0xFFFF  }
0x48: {  	s30 =	simm.s32 $0x3;
	[sflag:s2] =	ssyncpa.u1 $0x1  }
0x49: {  	s31 =	simm.s32 $0x1;
	[sflag:s30] =	ssyncpa.u1 $0x1  }
0x4a: {  	[sflag:s31] =	ssyncpa.u1 $0x1  }
0x4b: {  	p0 =	sne.s32 s1, $0x0;
	_ =	strace $0x9000004A  }
0x4c: {  	s0 =	sadd.s32 @!p0 $0x100000, s0;
	[bflag:$0x2] =	sbarrier.arrive $0xFFFF  }
0x4d: {  	[sflag:s0] =	ssyncadd.tile.s32 @!p0 $0x1;
	_ =	shalt  }
.Lfunc_end2:
_tile_overlayer_lowered:
.L_overlay_start_2:
0x4e: {  	(tag) =	ssettag $0x2  }
0x4f: {  	s0 =	rddreg [dreg:$0x0];
	s2 =	stileid.u32  }
0x50: {  	s1 =	rddreg [dreg:$0x1];
	p0 =	sne.s32 s2, $0x0  }
0x51: {  	s3 =	rddreg [dreg:$0x2];
	[bflag:$0x3] =	sbarrier.arrive $0xFFFF;
	s2 =	simm.s32 @!p0 $0x1C01  }
0x52: {  	[timem:s3], [sflag:s2] =	dma.local @!p0 [hbm:s0], s1  }
0x53: {  	s0 =	simm.s32 @!p0 $0x1  }
0x54: {  	_ =	swait.ge @!p0 [sflag:s0], s1  }
0x55: {  	s1 =	ssub.s32 @!p0 $0x0, s1;
	[sflag:s0] =	ssyncset.done @!p0 $0x0  }
0x56: {  	[sflag:s0] =	ssyncadd.s32 @!p0 s1  }
0x57: {  	[bflag:$0x3] =	sbarrier.arrive $0xFFFF  }
0x58: {  	_ =	shalt  }

// kernel: gather_offload_async_start
scs
__scs_entry_jumppad:
0x0: {  	(pc) =	sbr.rel $0x88, $3  }
0x1: {  	(tag) =	ssettag $0x0;
	lr =	simm.s32 $0x1  }
0x2: {  	[smem:$0x3F95] =	sst lr;
	_ =	strace $0xD0000000  }
0x3: {  	_ = 	snop  }
0x4: {  	_ = 	snop  }
0x5: {  	_ = 	snop  }
0x6: {  	_ = 	snop  }
0x7: {  	_ = 	snop  }
__scs_overlays_trampoline_lowered:
0x8: {  	[smem:$0x3FA4] =	sst s0  }
0x9: {  	[smem:$0x3FA5] =	sst s1  }
0xa: {  	[smem:$0x3FA6] =	sst s2  }
0xb: {  	[smem:$0x3FA7] =	sst s3  }
0xc: {  	[smem:$0x3FA8] =	sst s4  }
0xd: {  	[smem:$0x3FA9] =	sst s5  }
0xe: {  	[smem:$0x3FAA] =	sst s6  }
0xf: {  	[smem:$0x3FAB] =	sst s7  }
0x10: {  	[smem:$0x3FAC] =	sst s8  }
0x11: {  	[smem:$0x3FAD] =	sst s9;
	s0 =	simm.s32 @!p0 $0x0  }
0x12: {  	s1 =	sld [smem:$0x3F93];
	s0 =	simm.s32 @p0 $0x1  }
0x13: {  	[smem:$0x3FAE] =	sst s0;
	s0 =	simm.s32 @!p1 $0x0  }
0x14: {  	s2 =	sld [smem:$0x3F92];
	s0 =	simm.s32 @p1 $0x1  }
0x15: {  	[smem:$0x3FAF] =	sst s0;
	s0 =	simm.s32 @!p2 $0x0  }
0x16: {  	s3 =	sld [smem:$0x3FDB];
	s0 =	simm.s32 @p2 $0x1  }
0x17: {  	s4 =	simm.s32 $0x1BF5;
	[smem:$0x3FB1] =	sst s0  }
0x18: {  	s0 =	sld [smem:$0x3F94];
	_ =	swait.ge [sflag:s4], $0x0  }
0x19: {  	s7 =	sld [smem:$0x3F95]  }
0x1a: {  	s8 =	sadd.s32 $0xFFFFE003, lr  }
0x1b: {  	s9 =	sadd.s32 $0xFFFFFEF7, lr;
	s5 =	simm.s32 $0xFFFFFFFF;
	p2 =	slt.u32 s8, $0xFFFFF086  }
0x1c: {  	p1 =	slt.u32 s9, $0xF7A;
	s5 =	simm.s32 @!p2 $0x0  }
0x1d: {  	s5 =	simm.s32 @p1 $0x1;
	p0 =	seq.s32 s7, s2  }
0x1e: {  	s7 =	smul.u32 @!p0 $0xF7A, s2;
	p2 =	seq.s32 @!p0 s5, $0x0  }
0x1f: {  	s9 =	smul.u32 $0xF7A, s1;
	s8 =	simm.s32 @!p0 $0x1BF5;
	p2 =	por !p2, p0  }
0x20: {  	[sflag:s8] =	ssyncset.s32 @!p0 $0xFFFFF086;
	s6 =	sadd.s32 @!p0 s3, s7;
	s7 =	simm.s32 @!p0 $0x108  }
0x21: {  	s3 =	sadd.s32 s3, s9;
	s6 =	sadd.s32 @!p0 $0x88, s6;
	s7 =	simm.s32 @p2 $0x1082  }
0x22: {  	[simem:s7], [sflag:s8] =	dma.local @!p0 [hbm:s6], $0xF7A  }
0x23: {  	s9 =	sor.u32 $0xD0000000, s2;
	s6 =	simm.s32 $0x108;
	_ =	swait.ge @!p0 [sflag:s8], $0x0  }
0x24: {  	s3 =	sadd.s32 $0x88, s3;
	s6 =	simm.s32 @!p1 $0x1082;
	[sflag:s4] =	ssyncset.s32 $0xFFFFF086  }
0x25: {  	[simem:s6], [sflag:s4] =	dma.local [hbm:s3], $0xF7A  }
0x26: {  	[smem:$0x3F95] =	sst s1;
	(tag) =	ssettag s2;
	_ =	strace s9  }
0x27: {  	s1 =	sld [smem:$0x3FA5]  }
0x28: {  	s2 =	sld [smem:$0x3FA6]  }
0x29: {  	s4 =	sld [smem:$0x3FA8]  }
0x2a: {  	p0 =	seq.s32 s5, $0x0;
	s5 =	sld [smem:$0x3FA9]  }
0x2b: {  	s6 =	sld [smem:$0x3FAA]  }
0x2c: {  	s7 =	sld [smem:$0x3FAB]  }
0x2d: {  	s3 =	simm.s32 $0x108;
	s8 =	sld [smem:$0x3FAC]  }
0x2e: {  	s3 =	simm.s32 @!p0 $0x1082;
	s9 =	sld [smem:$0x3FAD]  }
0x2f: {  	lr =	sadd.s32 s0, s3;
	s0 =	sld [smem:$0x3FA4]  }
0x30: {  	s3 =	sld [smem:$0x3FA7]  }
0x31: {  	[smem:$0x3FB0] =	sst s10  }
0x32: {  	s10 =	sld [smem:$0x3FAE];
	_ =	sdelay $0x3  }
0x33: {  	p0 =	seq.s32 s10, $0x1;
	s10 =	sld [smem:$0x3FB0];
	_ =	sdelay $0x3  }
0x34: {  	[smem:$0x3FB0] =	sst s10  }
0x35: {  	s10 =	sld [smem:$0x3FAF];
	_ =	sdelay $0x3  }
0x36: {  	p1 =	seq.s32 s10, $0x1;
	s10 =	sld [smem:$0x3FB0];
	_ =	sdelay $0x3  }
0x37: {  	[smem:$0x3FB0] =	sst s10  }
0x38: {  	s10 =	sld [smem:$0x3FB1]  }
0x39: {  	_ = 	snop;
	(pc) =	sbr.ind lr, $3  }
0x3a: {  	_ = 	snop  }
0x3b: {  	_ = 	snop  }
0x3c: {  	p2 =	seq.s32 s10, $0x1;
	s10 =	sld [smem:$0x3FB0]  }
0x3d: {  	_ =	shalt  }
0x3e: {  	_ =	shalt  }
0x3f: {  	_ =	shalt  }
0x40: {  	_ =	shalt  }
0x41: {  	_ =	shalt  }
0x42: {  	_ =	shalt  }
0x43: {  	_ =	shalt  }
0x44: {  	_ =	shalt  }
0x45: {  	_ =	shalt  }
0x46: {  	_ =	shalt  }
0x47: {  	_ =	shalt  }
0x48: {  	_ =	shalt  }
0x49: {  	_ =	shalt  }
0x4a: {  	_ =	shalt  }
0x4b: {  	_ =	shalt  }
0x4c: {  	_ =	shalt  }
0x4d: {  	_ =	shalt  }
0x4e: {  	_ =	shalt  }
0x4f: {  	_ =	shalt  }
0x50: {  	_ =	shalt  }
0x51: {  	_ =	shalt  }
0x52: {  	_ =	shalt  }
0x53: {  	_ =	shalt  }
0x54: {  	_ =	shalt  }
0x55: {  	_ =	shalt  }
0x56: {  	_ =	shalt  }
0x57: {  	_ =	shalt  }
0x58: {  	_ =	shalt  }
0x59: {  	_ =	shalt  }
0x5a: {  	_ =	shalt  }
0x5b: {  	_ =	shalt  }
0x5c: {  	_ =	shalt  }
0x5d: {  	_ =	shalt  }
0x5e: {  	_ =	shalt  }
0x5f: {  	_ =	shalt  }
0x60: {  	_ =	shalt  }
0x61: {  	_ =	shalt  }
0x62: {  	_ =	shalt  }
0x63: {  	_ =	shalt  }
0x64: {  	_ =	shalt  }
0x65: {  	_ =	shalt  }
0x66: {  	_ =	shalt  }
0x67: {  	_ =	shalt  }
0x68: {  	_ =	shalt  }
0x69: {  	_ =	shalt  }
0x6a: {  	_ =	shalt  }
0x6b: {  	_ =	shalt  }
0x6c: {  	_ =	shalt  }
0x6d: {  	_ =	shalt  }
0x6e: {  	_ =	shalt  }
0x6f: {  	_ =	shalt  }
0x70: {  	_ =	shalt  }
0x71: {  	_ =	shalt  }
0x72: {  	_ =	shalt  }
0x73: {  	_ =	shalt  }
0x74: {  	_ =	shalt  }
0x75: {  	_ =	shalt  }
0x76: {  	_ =	shalt  }
0x77: {  	_ =	shalt  }
0x78: {  	_ =	shalt  }
0x79: {  	_ =	shalt  }
0x7a: {  	_ =	shalt  }
0x7b: {  	_ =	shalt  }
0x7c: {  	_ =	shalt  }
0x7d: {  	_ =	shalt  }
0x7e: {  	_ =	shalt  }
0x7f: {  	_ =	shalt  }
0x80: {  	_ =	shalt  }
0x81: {  	_ =	shalt  }
0x82: {  	_ =	shalt  }
0x83: {  	_ =	shalt  }
0x84: {  	_ =	shalt  }
0x85: {  	_ =	shalt  }
0x86: {  	_ =	shalt  }
0x87: {  	_ =	shalt  }
.Lfunc_end0:
.L_simem_size_0:
called_computation_lowered:
.L_overlay_start_0:
0x88: {  	s2 =	sld [smem:$0x3FD9]  }
0x89: {  	s3 =	sld [smem:$0x3FFE];
	_ =	sdelay $0x1  }
0x8a: {  	s1 =	srdreg.scid  }
0x8b: {  	s0 =	sand.u32 $0x1, s1  }
0x8c: {  	s16 =	sshll.u32 s0, $0xA;
	s2 =	sadd.s32 s3, s2  }
0x8d: {  	s2 =	sadd.s32 s2, s16  }
0x8e: {  	[smem:$0x3FBC] =	sst s2  }
0x8f: {  	_ = 	snop  }
0x90: {  	(tm) =	ssettm $0x1  }
0x91: {  	s17 =	sld [smem:$0x3FFB];
	_ =	sdelay $0x3  }
0x92: {  	_ =	strace s17  }
0x93: {  	s2 =	sld [smem:$0x3FFC];
	_ =	sdelay $0x3  }
0x94: {  	_ =	strace s2  }
0x95: {  	s2 =	sld [smem:$0x3FFD];
	_ =	sdelay $0x3  }
0x96: {  	_ =	strace s2  }
0x97: {  	_ =	strace $0x8FFFFFFF  }
0x98: {  	s18 =	sld [smem:$0x3FDB];
	_ =	sdelay $0x1  }
0x99: {  	s19 =	simm.s32 $_scs_section_size  }
0x9a: {  	s4 =	simm.s32 $_size__tile_overlayer_lowered;
	s5 =	simm.s32 $_tile_overlayer_lowered  }
0x9b: {  	s22 =	simm.s32 $0x1BFF;
	s21 =	sshll.u32 s5, $0x1;
	s2 =	sadd.s32 s19, s18  }
0x9c: {  	s6 =	simm.s32 $0x0;
	s20 =	sshll.u32 s4, $0x1;
	s4 =	sadd.s32 s21, s2  }
0x9d: {  	[timem:s6], [sflag:s22] =	dma.local [hbm:s4], s20  }
0x9e: {  	_ =	swait.ge [sflag:s22], s20  }
0x9f: {  	s3 =	ssub.s32 $0x0, s20;
	[sflag:s22] =	ssyncset.done $0x0  }
0xa0: {  	[sflag:s22] =	ssyncadd.s32 s3;
	_ =	sdelay $0x1  }
0xa1: {  	s23 =	simm.s32 $0x1B8B  }
0xa2: {  	_ =	swait.ge [sflag:s23], $0x1  }
0xa3: {  	[sflag:s23] =	ssyncset.done $0x0  }
0xa4: {  	s25 =	simm.s32 $0x1B8E;
	s24 =	sld [smem:$0x3FFE];
	[sflag:s23] =	ssyncadd.s32 $0xFFFFFFFF  }
0xa5: {  	s26 =	simm.s32 $execute0_lowered;
	[smem:$0x3FD2] =	sst s25  }
0xa6: {  	s4 =	sshll.u32 s26, $0x1;
	_ =	strace $0x80000046;
	[dreg:$0x1] =	wrdreg $0xFFFFFFFF  }
0xa7: {  	s28 =	simm.s32 $_size_execute0_lowered;
	s2 =	sadd.s32 s2, s4;
	[dreg:$0x0] =	wrdreg $0x0  }
0xa8: {  	s4 =	sshll.u32 s28, $0x1;
	[dreg:$0x2] =	wrdreg s2  }
0xa9: {  	[dreg:$0x3] =	wrdreg s4  }
0xaa: {  	[dreg:$0x4] =	wrdreg $0xC0  }
0xab: {  	_ =	task [dreg:s6], $0x5FFFF  }
0xac: {  	[dreg:$0x1] =	wrdreg $0xFFFFFFFF  }
0xad: {  	[dreg:$0x0] =	wrdreg $0x60  }
0xae: {  	[dreg:$0x2] =	wrdreg s24  }
0xaf: {  	[dreg:$0x3] =	wrdreg $0x9  }
0xb0: {  	_ =	task.clear_ibuf [dreg:s6], $0x4FFFF;
	_ =	strace $0x90000046  }
0xb1: {  	s29 =	simm.s32 $0x9;
	_ =	strace $0x80000048  }
0xb2: {  	_ =	swait.ge [sflag:s29], $0x1  }
0xb3: {  	[sflag:s29] =	ssyncadd.s32 $0xFFFFFFFF  }
0xb4: {  	_ =	strace $0x90000048  }
0xb5: {  	_ =	sfence  }
0xb6: {  	s30 =	sld [smem:$0x0];
	_ =	sdelay $0x2  }
0xb7: {  	s31 =	sshll.u32 s1, $0xD;
	s1 =	sshrl.u32 s1, $0x2  }
0xb8: {  	s3 =	sand.u32 $0x4000, s31;
	s1 =	sadd.s32 s1, s30  }
0xb9: {  	s0 =	sor.u32 s3, s0;
	s1 =	sshll.u32 s1, $0x11  }
0xba: {  	s0 =	sor.u32 s1, s0  }
0xbb: {  	s0 =	sadd.s32 $0x8F2B, s0  }
0xbc: {  	[sflag:s0] =	ssyncadd.remote.s32 $0x1  }
0xbd: {  	_ =	sfence.sel $0xFFFF  }
0xbe: {  	[dreg:$0x0] =	wrdreg $0xFFFFFFFF;
	(pc) =	sbr.abs _section_cstart, $3  }
0xbf: {  	[dreg:$0x1] =	wrdreg $0xFFFFFFFF  }
0xc0: {  	_ =	task.clear_ibuf [dreg:s6], $0x2FFFF;
	_ =	strace $0x9FFFFFFF  }
0xc1: {  	(tm) =	ssettm $0x7FFFFFFF  }
tec
execute0_lowered:
.L_overlay_start_1:
0x0: {  	(tag) =	ssettag $0x1  }
0x1: {  	s8 =	rddreg [dreg:$0x0]  }
0x2: {  	s0 =	rddreg [dreg:$0x1];
	_ =	strace $0x80000047;
	s1 =	stileid.u32  }
0x3: {  	s3 =	srdreg.scid;
	s4 =	simm.s32 $0x1;
	s7 =	simm.s32 $0x1  }
0x4: {  	s9 =	simm.s32 $0x1;
	s10 =	simm.s32 $0x3;
	s13 =	simm.s32 $0x0  }
0x5: {  	s12 =	simm.s32 $0x0;
	s5 =	sand.u32 $0x1, s3;
	s6 =	sshll.u32 s1, $0x1  }
0x6: {  	s2 =	sadd.s32 $0x7400, s8;
	s3 =	sadd.s32 $0x11400, s8;
	s5 =	sor.u32 s6, s5  }
.Ltmp0:
0x7: {  	[sflag:s4] =	ssyncpa.u1 $0x0;
	p0 =	slt.u32 s5, $0x9;
	(pc) =	sbr.rel .LBB2_1-.Ltmp0, $4  }
0x8: {  	s6 =	simm.s32 $0x2;
	s7 =	simm.s32 @!p0 $0x0;
	p0 =	sne.s32 s5, $0x8  }
0x9: {  	[sflag:s6] =	ssyncpa.u1 $0x0;
	s5 =	smul.u32 $0xFA0, s5;
	s9 =	simm.s32 @!p0 $0x0  }
0xa: {  	s8 =	sadd.s32 $0x16400, s8;
	[sflag:s10] =	ssyncpa.u1 $0x0;
	s7 =	sadd.s32 s9, s7  }
0xb: {  	vm0 =	vmmov $0xffff;
	s10 =	simm.s32 $0x0;
	s11 =	smov.u32 s5;
	s9 =	sadd.s32 $0x1, s7  }
.LBB2_4:
0xc: {  	v2 =	vnsel vm1, $0x0, v2  }
0xd: {  	vm1 =	vgt.s32 v0, $0x0;
	v2 =	vmin.u32 v2, $0x270FF  }
0xe: {  	v0 =	vnsel vm1, $0x0, v0  }
0xf: {  	v0 =	vmin.u32 v0, $0x270FF  }
0x10: {  	[tilespmem:s18], [sflag:$0x1] =	stream.indirect_vreg.gather [hbm4b:s2+s10], $0x1, v1, vm0, $0x4038;
	[tilespmem:$0x3E80] =	vst v63  }
0x11: {  	(ifvalue) =	ssetifvalue $0x7FFFFFFF  }
0x12: {  	[tilespmem:s15], [sflag:$0x1] =	stream.indirect_vreg.gather [hbm4b:s2+s10], $0x1, v2, vm0, $0x4038;
	[tilespmem:$0x3E80] =	vst v63  }
0x13: {  	s29 =	sadd.s32 $0x10, s15;
	(ifvalue) =	ssetifvalue $0x7FFFFFFF  }
0x14: {  	[tilespmem:s29], [sflag:$0x1] =	stream.indirect_vreg.gather [hbm4b:s2+s10], $0x1, v0, vm0, $0x4038;
	[tilespmem:$0x3E80] =	vst v63  }
0x15: {  	_ =	swait.ge [sflag:s4], $0xFA0  }
0x16: {  	s30 =	sshrl.u32 s13, $0x3;
	[sflag:s4] =	ssyncset.done $0x0  }
0x17: {  	s31 =	sand.u32 $0x7, s13;
	s15 =	sadd.s32 s8, s30;
	[sflag:s4] =	ssyncadd.s32 $0xFFFFF060  }
0x18: {  	[hbm4b:s15+s31] =	stream.linear.scatter [tilespmem:s14], [sflag:$0x3], $0xFA0, $0x38;
	[tilespmem:$0x3E80] =	vst v63  }
.LBB2_5:
0x19: {  	s15 =	sadd.s32 $0x1F400, s11  }
0x1a: {  	p1 =	sgt.s32 s15, $0x270FF  }
0x1b: {  	s15 =	smov.u32 @p1 s5;
	p1 =	sne.s32 s12, s9  }
.Ltmp1:
0x1c: {  	p0 =	slt.u32 s12, $0x2;
	(pc) =	sbr.rel @!p1 .LBB2_6-.Ltmp1, $4  }
0x1d: {  	s14 =	simm.s32 @!p0 $0x3  }
0x1e: {  	_ =	swait.ge @!p0 [sflag:s14], $0xFA0  }
0x1f: {  	s16 =	sadd.s32 $0x1, s12;
	s13 =	smov.u32 s11;
	[sflag:s14] =	ssyncset.done @!p0 $0x0  }
0x20: {  	s12 =	smov.u32 s16;
	s11 =	smov.u32 s15;
	[sflag:s14] =	ssyncadd.s32 @!p0 $0xFFFFF060  }
.LBB2_1:
0x21: {  	p0 =	sge.u32 s12, s7  }
0x22: {  	s14 =	sxor.u32 @!p0 $0x1, s12  }
0x23: {  	s14 =	smul.u32 @!p0 $0x3E80, s14  }
0x24: {  	s31 =	sadd.s32 $0xFFFFFFFF, s12;
	s15 =	sshrl.u32 @!p0 s11, $0x3  }
0x25: {  	s16 =	sand.u32 @!p0 $0x7, s11;
	s15 =	sadd.s32 @!p0 s3, s15;
	s14 =	sshra.s32 @!p0 s14, $0x2  }
0x26: {  	[tilespmem:s14], [sflag:$0x2] =	stream.linear.gather @!p0 [hbm4b:s15+s16], $0xFA0, $0x38;
	[tilespmem:$0x3E80] =	vst v63  }
0x27: {  	p0 =	sge.u32 s31, s7  }
.Ltmp2:
0x28: {  	_ = 	snop;
	(pc) =	sbr.rel @p0 .LBB2_5-.Ltmp2, $1  }
0x29: {  	_ =	sdelay $0x3  }
0x2a: {  	s14 =	sand.u32 $0x1, s12  }
0x2b: {  	_ =	swait.ge [sflag:s6], $0xFA0;
	p0 =	seq.s32 s14, $0x1;
	s14 =	simm.s32 $0xFA0  }
0x2c: {  	[sflag:s6] =	ssyncset.done $0x0;
	s14 =	simm.s32 @!p0 $0x0  }
0x2d: {  	[sflag:s6] =	ssyncadd.s32 $0xFFFFF060;
	(ifvalue) =	ssetifvalue $0x7FFFFFFF;
	v0 =	vld.msk [tilespmem:s14+$0x0 ss:$0x1], $0xffff;
	_ =	sdelay $0x4  }
0x2e: {  	s15 =	sadd.s32 $0x10, s14;
	vm1 =	vgt.s32 v0, $0x0  }
0x2f: {  	v2 =	vld.msk [tilespmem:s15+$0x0 ss:$0x1], $0xffff;
	v1 =	vnsel vm1, $0x0, v0  }
0x30: {  	v1 =	vmin.u32 v1, $0x270FF;
	_ =	sdelay $0x2  }
0x31: {  	s17 =	simm.s32 $0x20;
	s14 =	sadd.s32 $0x1F40, s14;
	s16 =	sadd.s32 $0x10, s15  }
0x32: {  	s15 =	sadd.s32 $0x10, s14;
	s18 =	smov.u32 s14;
	v0 =	vld.msk [tilespmem:s16+$0x0 ss:$0x1], $0xffff;
	vm1 =	vgt.s32 v2, $0x0;
	(ifvalue) =	ssetifvalue $0x7FFFFFFF  }
.LBB2_3:
0x33: {  	[tilespmem:s18], [sflag:$0x1] =	stream.indirect_vreg.gather [hbm4b:s2+s10], $0x1, v1, vm0, $0x4038;
	[tilespmem:$0x3E80] =	vst v63  }
0x34: {  	s17 =	sadd.s32 $0x10, s17  }
0x35: {  	v2 =	vnsel vm1, $0x0, v2;
	p0 =	slt.u32 s17, $0xF90  }
.Ltmp3:
0x36: {  	s18 =	smov.u32 s15;
	v1 =	vmin.u32 v2, $0x270FF;
	(pc) =	sbr.rel @p0 .LBB2_3-.Ltmp3, $3  }
0x37: {  	_ =	sdelay $0x1  }
0x38: {  	s16 =	sadd.s32 $0x10, s16  }
0x39: {  	vm1 =	vgt.s32 v0, $0x0;
	s15 =	sadd.s32 $0x10, s15;
	v2 =	vmov v0;
	(ifvalue) =	ssetifvalue $0x7FFFFFFF;
	v0 =	vld.msk [tilespmem:s16+$0x0 ss:$0x1], $0xffff  }
.Ltmp4:
0x3a: {  	_ = 	snop;
	(pc) =	sbr.rel .LBB2_4-.Ltmp4, $1  }
0x3b: {  	_ =	sdelay $0x3  }
.LBB2_6:
0x3c: {  	_ =	sfence.sel $0x180000  }
0x3d: {  	s2 =	simm.s32 $0x2;
	[bflag:$0x0] =	sbarrier.arrive $0xFFFF  }
0x3e: {  	s30 =	simm.s32 $0x3;
	[sflag:s2] =	ssyncpa.u1 $0x1  }
0x3f: {  	s31 =	simm.s32 $0x1;
	[sflag:s30] =	ssyncpa.u1 $0x1  }
0x40: {  	[sflag:s31] =	ssyncpa.u1 $0x1  }
0x41: {  	p0 =	sne.s32 s1, $0x0;
	_ =	strace $0x90000047  }
0x42: {  	s0 =	sadd.s32 @!p0 $0x100000, s0;
	[bflag:$0x2] =	sbarrier.arrive $0xFFFF  }
0x43: {  	[sflag:s0] =	ssyncadd.tile.s32 @!p0 $0x1;
	_ =	shalt  }
.Lfunc_end2:
_tile_overlayer_lowered:
.L_overlay_start_2:
0x44: {  	(tag) =	ssettag $0x2  }
0x45: {  	s0 =	rddreg [dreg:$0x0];
	s2 =	stileid.u32  }
0x46: {  	s1 =	rddreg [dreg:$0x1];
	p0 =	sne.s32 s2, $0x0  }
0x47: {  	s3 =	rddreg [dreg:$0x2];
	[bflag:$0x3] =	sbarrier.arrive $0xFFFF;
	s2 =	simm.s32 @!p0 $0x1C01  }
0x48: {  	[timem:s3], [sflag:s2] =	dma.local @!p0 [hbm:s0], s1  }
0x49: {  	s0 =	simm.s32 @!p0 $0x1  }
0x4a: {  	_ =	swait.ge @!p0 [sflag:s0], s1  }
0x4b: {  	s1 =	ssub.s32 @!p0 $0x0, s1;
	[sflag:s0] =	ssyncset.done @!p0 $0x0  }
0x4c: {  	[sflag:s0] =	ssyncadd.s32 @!p0 s1  }
0x4d: {  	[bflag:$0x3] =	sbarrier.arrive $0xFFFF  }
0x4e: {  	_ =	shalt  }

// kernel: kernel.11.cloned.1.call-start
scs
__scs_entry_jumppad:
0x0: {  	(pc) =	sbr.rel $0x88, $3  }
0x1: {  	(tag) =	ssettag $0x0;
	lr =	simm.s32 $0x1  }
0x2: {  	[smem:$0x3F95] =	sst lr;
	_ =	strace $0xD0000000  }
0x3: {  	_ = 	snop  }
0x4: {  	_ = 	snop  }
0x5: {  	_ = 	snop  }
0x6: {  	_ = 	snop  }
0x7: {  	_ = 	snop  }
__scs_overlays_trampoline_lowered:
0x8: {  	[smem:$0x3FA4] =	sst s0  }
0x9: {  	[smem:$0x3FA5] =	sst s1  }
0xa: {  	[smem:$0x3FA6] =	sst s2  }
0xb: {  	[smem:$0x3FA7] =	sst s3  }
0xc: {  	[smem:$0x3FA8] =	sst s4  }
0xd: {  	[smem:$0x3FA9] =	sst s5  }
0xe: {  	[smem:$0x3FAA] =	sst s6  }
0xf: {  	[smem:$0x3FAB] =	sst s7  }
0x10: {  	[smem:$0x3FAC] =	sst s8  }
0x11: {  	[smem:$0x3FAD] =	sst s9;
	s0 =	simm.s32 @!p0 $0x0  }
0x12: {  	s1 =	sld [smem:$0x3F93];
	s0 =	simm.s32 @p0 $0x1  }
0x13: {  	[smem:$0x3FAE] =	sst s0;
	s0 =	simm.s32 @!p1 $0x0  }
0x14: {  	s2 =	sld [smem:$0x3F92];
	s0 =	simm.s32 @p1 $0x1  }
0x15: {  	[smem:$0x3FAF] =	sst s0;
	s0 =	simm.s32 @!p2 $0x0  }
0x16: {  	s3 =	sld [smem:$0x3FDB];
	s0 =	simm.s32 @p2 $0x1  }
0x17: {  	s4 =	simm.s32 $0x1BF5;
	[smem:$0x3FB1] =	sst s0  }
0x18: {  	s0 =	sld [smem:$0x3F94];
	_ =	swait.ge [sflag:s4], $0x0  }
0x19: {  	s7 =	sld [smem:$0x3F95]  }
0x1a: {  	s8 =	sadd.s32 $0xFFFFE003, lr  }
0x1b: {  	s9 =	sadd.s32 $0xFFFFFEF7, lr;
	s5 =	simm.s32 $0xFFFFFFFF;
	p2 =	slt.u32 s8, $0xFFFFF086  }
0x1c: {  	p1 =	slt.u32 s9, $0xF7A;
	s5 =	simm.s32 @!p2 $0x0  }
0x1d: {  	s5 =	simm.s32 @p1 $0x1;
	p0 =	seq.s32 s7, s2  }
0x1e: {  	s7 =	smul.u32 @!p0 $0xF7A, s2;
	p2 =	seq.s32 @!p0 s5, $0x0  }
0x1f: {  	s9 =	smul.u32 $0xF7A, s1;
	s8 =	simm.s32 @!p0 $0x1BF5;
	p2 =	por !p2, p0  }
0x20: {  	[sflag:s8] =	ssyncset.s32 @!p0 $0xFFFFF086;
	s6 =	sadd.s32 @!p0 s3, s7;
	s7 =	simm.s32 @!p0 $0x108  }
0x21: {  	s3 =	sadd.s32 s3, s9;
	s6 =	sadd.s32 @!p0 $0x88, s6;
	s7 =	simm.s32 @p2 $0x1082  }
0x22: {  	[simem:s7], [sflag:s8] =	dma.local @!p0 [hbm:s6], $0xF7A  }
0x23: {  	s9 =	sor.u32 $0xD0000000, s2;
	s6 =	simm.s32 $0x108;
	_ =	swait.ge @!p0 [sflag:s8], $0x0  }
0x24: {  	s3 =	sadd.s32 $0x88, s3;
	s6 =	simm.s32 @!p1 $0x1082;
	[sflag:s4] =	ssyncset.s32 $0xFFFFF086  }
0x25: {  	[simem:s6], [sflag:s4] =	dma.local [hbm:s3], $0xF7A  }
0x26: {  	[smem:$0x3F95] =	sst s1;
	(tag) =	ssettag s2;
	_ =	strace s9  }
0x27: {  	s1 =	sld [smem:$0x3FA5]  }
0x28: {  	s2 =	sld [smem:$0x3FA6]  }
0x29: {  	s4 =	sld [smem:$0x3FA8]  }
0x2a: {  	p0 =	seq.s32 s5, $0x0;
	s5 =	sld [smem:$0x3FA9]  }
0x2b: {  	s6 =	sld [smem:$0x3FAA]  }
0x2c: {  	s7 =	sld [smem:$0x3FAB]  }
0x2d: {  	s3 =	simm.s32 $0x108;
	s8 =	sld [smem:$0x3FAC]  }
0x2e: {  	s3 =	simm.s32 @!p0 $0x1082;
	s9 =	sld [smem:$0x3FAD]  }
0x2f: {  	lr =	sadd.s32 s0, s3;
	s0 =	sld [smem:$0x3FA4]  }
0x30: {  	s3 =	sld [smem:$0x3FA7]  }
0x31: {  	[smem:$0x3FB0] =	sst s10  }
0x32: {  	s10 =	sld [smem:$0x3FAE];
	_ =	sdelay $0x3  }
0x33: {  	p0 =	seq.s32 s10, $0x1;
	s10 =	sld [smem:$0x3FB0];
	_ =	sdelay $0x3  }
0x34: {  	[smem:$0x3FB0] =	sst s10  }
0x35: {  	s10 =	sld [smem:$0x3FAF];
	_ =	sdelay $0x3  }
0x36: {  	p1 =	seq.s32 s10, $0x1;
	s10 =	sld [smem:$0x3FB0];
	_ =	sdelay $0x3  }
0x37: {  	[smem:$0x3FB0] =	sst s10  }
0x38: {  	s10 =	sld [smem:$0x3FB1]  }
0x39: {  	_ = 	snop;
	(pc) =	sbr.ind lr, $3  }
0x3a: {  	_ = 	snop  }
0x3b: {  	_ = 	snop  }
0x3c: {  	p2 =	seq.s32 s10, $0x1;
	s10 =	sld [smem:$0x3FB0]  }
0x3d: {  	_ =	shalt  }
0x3e: {  	_ =	shalt  }
0x3f: {  	_ =	shalt  }
0x40: {  	_ =	shalt  }
0x41: {  	_ =	shalt  }
0x42: {  	_ =	shalt  }
0x43: {  	_ =	shalt  }
0x44: {  	_ =	shalt  }
0x45: {  	_ =	shalt  }
0x46: {  	_ =	shalt  }
0x47: {  	_ =	shalt  }
0x48: {  	_ =	shalt  }
0x49: {  	_ =	shalt  }
0x4a: {  	_ =	shalt  }
0x4b: {  	_ =	shalt  }
0x4c: {  	_ =	shalt  }
0x4d: {  	_ =	shalt  }
0x4e: {  	_ =	shalt  }
0x4f: {  	_ =	shalt  }
0x50: {  	_ =	shalt  }
0x51: {  	_ =	shalt  }
0x52: {  	_ =	shalt  }
0x53: {  	_ =	shalt  }
0x54: {  	_ =	shalt  }
0x55: {  	_ =	shalt  }
0x56: {  	_ =	shalt  }
0x57: {  	_ =	shalt  }
0x58: {  	_ =	shalt  }
0x59: {  	_ =	shalt  }
0x5a: {  	_ =	shalt  }
0x5b: {  	_ =	shalt  }
0x5c: {  	_ =	shalt  }
0x5d: {  	_ =	shalt  }
0x5e: {  	_ =	shalt  }
0x5f: {  	_ =	shalt  }
0x60: {  	_ =	shalt  }
0x61: {  	_ =	shalt  }
0x62: {  	_ =	shalt  }
0x63: {  	_ =	shalt  }
0x64: {  	_ =	shalt  }
0x65: {  	_ =	shalt  }
0x66: {  	_ =	shalt  }
0x67: {  	_ =	shalt  }
0x68: {  	_ =	shalt  }
0x69: {  	_ =	shalt  }
0x6a: {  	_ =	shalt  }
0x6b: {  	_ =	shalt  }
0x6c: {  	_ =	shalt  }
0x6d: {  	_ =	shalt  }
0x6e: {  	_ =	shalt  }
0x6f: {  	_ =	shalt  }
0x70: {  	_ =	shalt  }
0x71: {  	_ =	shalt  }
0x72: {  	_ =	shalt  }
0x73: {  	_ =	shalt  }
0x74: {  	_ =	shalt  }
0x75: {  	_ =	shalt  }
0x76: {  	_ =	shalt  }
0x77: {  	_ =	shalt  }
0x78: {  	_ =	shalt  }
0x79: {  	_ =	shalt  }
0x7a: {  	_ =	shalt  }
0x7b: {  	_ =	shalt  }
0x7c: {  	_ =	shalt  }
0x7d: {  	_ =	shalt  }
0x7e: {  	_ =	shalt  }
0x7f: {  	_ =	shalt  }
0x80: {  	_ =	shalt  }
0x81: {  	_ =	shalt  }
0x82: {  	_ =	shalt  }
0x83: {  	_ =	shalt  }
0x84: {  	_ =	shalt  }
0x85: {  	_ =	shalt  }
0x86: {  	_ =	shalt  }
0x87: {  	_ =	shalt  }
.Lfunc_end0:
.L_simem_size_0:
called_computation.4_lowered:
.L_overlay_start_0:
0x88: {  	s2 =	sld [smem:$0x3FD9]  }
0x89: {  	s3 =	sld [smem:$0x3FFE];
	_ =	sdelay $0x1  }
0x8a: {  	s1 =	srdreg.scid  }
0x8b: {  	s0 =	sand.u32 $0x1, s1  }
0x8c: {  	s17 =	sshll.u32 s0, $0xA;
	s2 =	sadd.s32 s3, s2  }
0x8d: {  	s2 =	sadd.s32 s2, s17  }
0x8e: {  	[smem:$0x3FBC] =	sst s2  }
0x8f: {  	_ = 	snop  }
0x90: {  	s18 =	sld [smem:$0x3FC9]  }
0x91: {  	s4 =	sld [smem:$0x3FC6];
	(tm) =	ssettm $0x1  }
0x92: {  	s19 =	sld [smem:$0x3FFB];
	_ =	sdelay $0x3  }
0x93: {  	_ =	strace s19  }
0x94: {  	s2 =	sld [smem:$0x3FFC];
	_ =	sdelay $0x3  }
0x95: {  	_ =	strace s2  }
0x96: {  	s2 =	sld [smem:$0x3FFD];
	_ =	sdelay $0x3  }
0x97: {  	_ =	strace s2  }
0x98: {  	_ =	strace $0x8FFFFFFF  }
0x99: {  	s20 =	sld [smem:$0x3FDB];
	_ =	sdelay $0x1  }
0x9a: {  	s5 =	simm.s32 $_scs_section_size  }
0x9b: {  	s6 =	simm.s32 $_size__tile_overlayer_lowered;
	s7 =	simm.s32 $_tile_overlayer_lowered  }
0x9c: {  	s8 =	simm.s32 $0x1BFF;
	s21 =	sshll.u32 s7, $0x1;
	s5 =	sadd.s32 s5, s20  }
0x9d: {  	s22 =	simm.s32 $0x0;
	s6 =	sshll.u32 s6, $0x1;
	s7 =	sadd.s32 s21, s5  }
0x9e: {  	[timem:s22], [sflag:s8] =	dma.local [hbm:s7], s6  }
0x9f: {  	_ =	swait.ge [sflag:s8], s6  }
0xa0: {  	s6 =	ssub.s32 $0x0, s6;
	[sflag:s8] =	ssyncset.done $0x0  }
0xa1: {  	[sflag:s8] =	ssyncadd.s32 s6;
	_ =	sdelay $0x1  }
0xa2: {  	s23 =	simm.s32 $0x1B8B  }
0xa3: {  	_ =	swait.ge [sflag:s23], $0x1  }
0xa4: {  	[sflag:s23] =	ssyncset.done $0x0  }
0xa5: {  	[sflag:s23] =	ssyncadd.s32 $0xFFFFFFFF  }
0xa6: {  	s6 =	sld [smem:$0x0]  }
0xa7: {  	s7 =	sand.u32 $0xFFFFFFFE, s1  }
0xa8: {  	p0 =	sne.s32 s1, s7  }
0xa9: {  	s7 =	sshll.u32 @p0 s7, $0xE  }
0xaa: {  	s7 =	sadd.s32 @p0 $0x11B8D, s7;
	s8 =	sshll.u32 @p0 s6, $0x11  }
0xab: {  	s7 =	sor.u32 @p0 s8, s7  }
0xac: {  	[sflag:s7] =	ssyncadd.remote.s32 @p0 $0x1;
	_ =	sdelay $0x1  }
0xad: {  	s7 =	simm.s32 @p0 $0x1B8D  }
0xae: {  	_ =	swait.eq @p0 [sflag:s7], $0x1  }
0xaf: {  	[sflag:s7] =	ssyncadd.s32 @p0 $0xFFFFFFFF  }
0xb0: {  	s8 =	sshll.u32 @!p0 s1, $0xE  }
0xb1: {  	s8 =	sor.u32 @!p0 $0x4000, s8;
	s7 =	simm.s32 @!p0 $0x1B8D  }
0xb2: {  	s6 =	sshll.u32 @!p0 s6, $0x11;
	s8 =	sadd.s32 @!p0 $0x11B8D, s8;
	_ =	swait.eq @!p0 [sflag:s7], $0x1  }
0xb3: {  	s6 =	sor.u32 @!p0 s6, s8;
	[sflag:s7] =	ssyncadd.s32 @!p0 $0xFFFFFFFF  }
0xb4: {  	s25 =	simm.s32 $0x1B8E;
	s24 =	sld [smem:$0x3FFE];
	[sflag:s6] =	ssyncadd.remote.s32 @!p0 $0x1  }
0xb5: {  	s26 =	simm.s32 $execute0_lowered;
	[smem:$0x3FD2] =	sst s25  }
0xb6: {  	s7 =	sshll.u32 s26, $0x1;
	_ =	strace $0x80000052;
	[dreg:$0x1] =	wrdreg $0xFFFFFFFF  }
0xb7: {  	s28 =	simm.s32 $_size_execute0_lowered;
	s5 =	sadd.s32 s5, s7;
	[dreg:$0x0] =	wrdreg $0x0  }
0xb8: {  	s7 =	sshll.u32 s28, $0x1;
	[dreg:$0x2] =	wrdreg s5  }
0xb9: {  	[dreg:$0x3] =	wrdreg s7  }
0xba: {  	[dreg:$0x4] =	wrdreg $0xC0  }
0xbb: {  	_ =	task [dreg:s22], $0x5FFFF  }
0xbc: {  	[dreg:$0x1] =	wrdreg $0xFFFFFFFF  }
0xbd: {  	[dreg:$0x0] =	wrdreg $0x60  }
0xbe: {  	[dreg:$0x2] =	wrdreg s18  }
0xbf: {  	[dreg:$0x3] =	wrdreg s4  }
0xc0: {  	[dreg:$0x4] =	wrdreg s24  }
0xc1: {  	[dreg:$0x5] =	wrdreg $0x9  }
0xc2: {  	_ =	task.clear_ibuf [dreg:s22], $0x6FFFF;
	_ =	strace $0x90000052  }
0xc3: {  	s29 =	simm.s32 $0x9;
	_ =	strace $0x80000054  }
0xc4: {  	_ =	swait.ge [sflag:s29], $0x1  }
0xc5: {  	[sflag:s29] =	ssyncadd.s32 $0xFFFFFFFF  }
0xc6: {  	_ =	strace $0x90000054  }
0xc7: {  	_ =	sfence  }
0xc8: {  	s30 =	sld [smem:$0x0];
	_ =	sdelay $0x2  }
0xc9: {  	s31 =	sshll.u32 s1, $0xD;
	s1 =	sshrl.u32 s1, $0x2  }
0xca: {  	s4 =	sand.u32 $0x4000, s31;
	s1 =	sadd.s32 s1, s30  }
0xcb: {  	s0 =	sor.u32 s4, s0;
	s1 =	sshll.u32 s1, $0x11  }
0xcc: {  	s0 =	sor.u32 s1, s0  }
0xcd: {  	s0 =	sadd.s32 $0x8F2B, s0  }
0xce: {  	[sflag:s0] =	ssyncadd.remote.s32 $0x1  }
0xcf: {  	_ =	sfence.sel $0xFFFF  }
0xd0: {  	[dreg:$0x0] =	wrdreg $0xFFFFFFFF;
	(pc) =	sbr.abs _section_cstart, $3  }
0xd1: {  	[dreg:$0x1] =	wrdreg $0xFFFFFFFF  }
0xd2: {  	_ =	task.clear_ibuf [dreg:s22], $0x2FFFF;
	_ =	strace $0x9FFFFFFF  }
0xd3: {  	(tm) =	ssettm $0x7FFFFFFF  }
tec
execute0_lowered:
.L_overlay_start_1:
0x0: {  	(tag) =	ssettag $0x1  }
0x1: {  	s6 =	rddreg [dreg:$0x0]  }
0x2: {  	s1 =	rddreg [dreg:$0x1]  }
0x3: {  	s4 =	rddreg [dreg:$0x2]  }
0x4: {  	s3 =	srdreg.scid;
	s0 =	rddreg [dreg:$0x3];
	s2 =	simm.s32 $0x0  }
0x5: {  	s12 =	simm.s32 $0x2080;
	s13 =	simm.s32 $0x2880;
	s14 =	simm.s32 $0x3080  }
0x6: {  	s15 =	simm.s32 $0x3880;
	s16 =	simm.s32 $0x4080;
	s5 =	sand.u32 $0x1, s3  }
0x7: {  	s17 =	simm.s32 $0x4880;
	[smem:$0x7FF] =	sst s2;
	s7 =	smul.u32 $0x28000, s5  }
0x8: {  	s18 =	simm.s32 $0x0;
	s3 =	stileid.u32;
	s8 =	smul.u32 $0x1400, s5  }
0x9: {  	_ =	strace $0x80000053;
	s29 =	ssub.s32 $0x2, s5;
	s9 =	smul.u32 $0x140, s3  }
0xa: {  	s5 =	sshll.u32 s5, $0x4;
	s11 =	smul.u32 $0x2800, s3;
	s10 =	sshrl.u32 s29, $0x1  }
0xb: {  	s30 =	sor.u32 s3, s5;
	s7 =	sadd.s32 s7, s4;
	s4 =	ssub.s32 s29, s10  }
0xc: {  	s31 =	sadd.s32 s9, s8;
	p0 =	seq.s32 s30, $0x1F;
	s9 =	simm.s32 $0x880  }
0xd: {  	v2 =	vlaneseq.u32;
	s10 =	simm.s32 $0x1080;
	s4 =	smax.u32 s4, $0x1;
	s7 =	sadd.s32 s11, s7  }
0xe: {  	vm0 =	vmmov $0xffff;
	v1 =	vshrl.u32 v2, $0x3;
	s8 =	sshrl.u32 s31, $0x3;
	s11 =	simm.s32 $0x1880;
	s5 =	sadd.s32 $0x1B400, s7  }
0xf: {  	v0 =	vand.u32 $0x7, v2;
	v2 =	vor.u32 $0x8, v2;
	v1 =	vmul.u32 $0x8, v1;
	s6 =	sadd.s32 s8, s6;
	s7 =	simm.s32 $0x1;
	s8 =	simm.s32 $0x80  }
.LBB2_1:
0x10: {  	s19 =	smov.u32 s6;
	s20 =	smov.u32 s5;
	s21 =	simm.s32 $0x0  }
.LBB2_2:
0x11: {  	[tilespmem:s2], [sflag:$0x1] =	stream.linear.gather [hbm4b:s19+s2], $0x50, $0x38;
	[tilespmem:$0x5080] =	vst v63  }
0x12: {  	_ =	swait.ge [sflag:s7], $0x50  }
0x13: {  	[sflag:s7] =	ssyncset.done $0x0  }
0x14: {  	[sflag:s7] =	ssyncadd.s32 $0xFFFFFFB0  }
0x15: {  	v3 =	vld [tilespmem:$0x0];
	_ =	sdelay $0x4  }
0x16: {  	v4 =	vshll.u32 v3, $0x1  }
0x17: {  	v3 =	vand.u32 $0x7, v3;
	v4 =	vand.u32 $0xFFFFFFF0, v4  }
0x18: {  	v3 =	vor.u32 v3, v4  }
0x19: {  	v4 =	vperm.xlane v3, v0;
	_ =	sdelay $0x1  }
0x1a: {  	v3 =	vperm.xlane v3, v2;
	v4 =	vadd.s32 v1, v4;
	_ =	sdelay $0x1  }
0x1b: {  	v3 =	vadd.s32 v1, v3;
	_ =	sdelay $0x2  }
0x1c: {  	[tilespmem:s8], [sflag:$0x1] =	stream.indirect_vreg.gather [hbm4b:s1+s2], $0x80, v4, vm0, $0xb8;
	[tilespmem:$0x5080] =	vst v63  }
0x1d: {  	_ = 	snop  }
0x1e: {  	[tilespmem:s9], [sflag:$0x1] =	stream.indirect_vreg.gather [hbm4b:s1+s2], $0x80, v3, vm0, $0xb8;
	[tilespmem:$0x5080] =	vst v63  }
0x1f: {  	v3 =	vld [tilespmem:$0x10];
	_ =	sdelay $0x4  }
0x20: {  	v60 =	vshll.u32 v3, $0x1  }
0x21: {  	v3 =	vand.u32 $0x7, v3;
	v4 =	vand.u32 $0xFFFFFFF0, v60  }
0x22: {  	v3 =	vor.u32 v3, v4  }
0x23: {  	v4 =	vperm.xlane v3, v0;
	_ =	sdelay $0x1  }
0x24: {  	v3 =	vperm.xlane v3, v2;
	v4 =	vadd.s32 v1, v4;
	_ =	sdelay $0x1  }
0x25: {  	v3 =	vadd.s32 v1, v3;
	_ =	sdelay $0x2  }
0x26: {  	[tilespmem:s10], [sflag:$0x1] =	stream.indirect_vreg.gather [hbm4b:s1+s2], $0x80, v4, vm0, $0xb8;
	[tilespmem:$0x5080] =	vst v63  }
0x27: {  	_ = 	snop  }
0x28: {  	[tilespmem:s11], [sflag:$0x1] =	stream.indirect_vreg.gather [hbm4b:s1+s2], $0x80, v3, vm0, $0xb8;
	[tilespmem:$0x5080] =	vst v63  }
0x29: {  	v3 =	vld [tilespmem:$0x20];
	_ =	sdelay $0x4  }
0x2a: {  	v61 =	vshll.u32 v3, $0x1  }
0x2b: {  	v3 =	vand.u32 $0x7, v3;
	v4 =	vand.u32 $0xFFFFFFF0, v61  }
0x2c: {  	v3 =	vor.u32 v3, v4  }
0x2d: {  	v4 =	vperm.xlane v3, v0;
	_ =	sdelay $0x1  }
0x2e: {  	v3 =	vperm.xlane v3, v2;
	v4 =	vadd.s32 v1, v4;
	_ =	sdelay $0x1  }
0x2f: {  	v3 =	vadd.s32 v1, v3;
	_ =	sdelay $0x2  }
0x30: {  	[tilespmem:s12], [sflag:$0x1] =	stream.indirect_vreg.gather [hbm4b:s1+s2], $0x80, v4, vm0, $0xb8;
	[tilespmem:$0x5080] =	vst v63  }
0x31: {  	_ = 	snop  }
0x32: {  	[tilespmem:s13], [sflag:$0x1] =	stream.indirect_vreg.gather [hbm4b:s1+s2], $0x80, v3, vm0, $0xb8;
	[tilespmem:$0x5080] =	vst v63  }
0x33: {  	v3 =	vld [tilespmem:$0x30];
	_ =	sdelay $0x4  }
0x34: {  	v62 =	vshll.u32 v3, $0x1  }
0x35: {  	v3 =	vand.u32 $0x7, v3;
	v4 =	vand.u32 $0xFFFFFFF0, v62  }
0x36: {  	v3 =	vor.u32 v3, v4  }
0x37: {  	v4 =	vperm.xlane v3, v0;
	_ =	sdelay $0x1  }
0x38: {  	v3 =	vperm.xlane v3, v2;
	v4 =	vadd.s32 v1, v4;
	_ =	sdelay $0x1  }
0x39: {  	v3 =	vadd.s32 v1, v3;
	_ =	sdelay $0x2  }
0x3a: {  	[tilespmem:s14], [sflag:$0x1] =	stream.indirect_vreg.gather [hbm4b:s1+s2], $0x80, v4, vm0, $0xb8;
	[tilespmem:$0x5080] =	vst v63  }
0x3b: {  	_ = 	snop  }
0x3c: {  	[tilespmem:s15], [sflag:$0x1] =	stream.indirect_vreg.gather [hbm4b:s1+s2], $0x80, v3, vm0, $0xb8;
	[tilespmem:$0x5080] =	vst v63  }
0x3d: {  	v3 =	vld [tilespmem:$0x40];
	_ =	sdelay $0x4  }
0x3e: {  	v63 =	vshll.u32 v3, $0x1  }
0x3f: {  	v3 =	vand.u32 $0x7, v3;
	v4 =	vand.u32 $0xFFFFFFF0, v63  }
0x40: {  	v3 =	vor.u32 v3, v4  }
0x41: {  	v4 =	vperm.xlane v3, v0;
	_ =	sdelay $0x1  }
0x42: {  	v3 =	vperm.xlane v3, v2;
	v4 =	vadd.s32 v1, v4;
	_ =	sdelay $0x1  }
0x43: {  	v3 =	vadd.s32 v1, v3;
	_ =	sdelay $0x2  }
0x44: {  	[tilespmem:s16], [sflag:$0x1] =	stream.indirect_vreg.gather [hbm4b:s1+s2], $0x80, v4, vm0, $0xb8;
	[tilespmem:$0x5080] =	vst v63  }
0x45: {  	_ = 	snop  }
0x46: {  	[tilespmem:s17], [sflag:$0x1] =	stream.indirect_vreg.gather [hbm4b:s1+s2], $0x80, v3, vm0, $0xb8;
	[tilespmem:$0x5080] =	vst v63  }
0x47: {  	p1 =	slt.u32 @!p0 s21, $0x3;
	_ =	swait.ge [sflag:s7], $0x5000  }
0x48: {  	p1 =	por p0, !p1;
	[sflag:s7] =	ssyncset.done $0x0  }
.Ltmp0:
0x49: {  	[sflag:s7] =	ssyncadd.s32 $0xFFFFB000;
	(pc) =	sbr.rel @!p1 .LBB2_2-.Ltmp0, $4  }
0x4a: {  	[hbm4b:s20+s2] =	stream.linear.scatter [tilespmem:s8], [sflag:$0x1], $0x5000, $0x38;
	[tilespmem:$0x5080] =	vst v63  }
0x4b: {  	_ =	swait.ge [sflag:s7], $0x5000  }
0x4c: {  	s21 =	sadd.s32 $0x1, s21;
	[sflag:s7] =	ssyncset.done $0x0  }
0x4d: {  	s19 =	sadd.s32 $0xA, s19;
	s20 =	sadd.s32 $0xA00, s20;
	[sflag:s7] =	ssyncadd.s32 $0xFFFFB000  }
0x4e: {  	s18 =	sadd.s32 $0x1, s18  }
0x4f: {  	p1 =	sne.s32 s18, s4  }
.Ltmp1:
0x50: {  	_ = 	snop;
	(pc) =	sbr.rel @p1 .LBB2_1-.Ltmp1, $1  }
0x51: {  	_ =	sdelay $0x3  }
0x52: {  	_ =	sfence.sel $0x180000  }
0x53: {  	[bflag:$0x0] =	sbarrier.arrive $0xFFFF  }
0x54: {  	p0 =	sne.s32 s3, $0x0;
	_ =	strace $0x90000053  }
0x55: {  	s0 =	sadd.s32 @!p0 $0x100000, s0;
	[bflag:$0x2] =	sbarrier.arrive $0xFFFF  }
0x56: {  	[sflag:s0] =	ssyncadd.tile.s32 @!p0 $0x1;
	_ =	shalt  }
.Lfunc_end2:
_tile_overlayer_lowered:
.L_overlay_start_2:
0x57: {  	(tag) =	ssettag $0x2  }
0x58: {  	s0 =	rddreg [dreg:$0x0];
	s2 =	stileid.u32  }
0x59: {  	s1 =	rddreg [dreg:$0x1];
	p0 =	sne.s32 s2, $0x0  }
0x5a: {  	s3 =	rddreg [dreg:$0x2];
	[bflag:$0x3] =	sbarrier.arrive $0xFFFF;
	s2 =	simm.s32 @!p0 $0x1C01  }
0x5b: {  	[timem:s3], [sflag:s2] =	dma.local @!p0 [hbm:s0], s1  }
0x5c: {  	s0 =	simm.s32 @!p0 $0x1  }
0x5d: {  	_ =	swait.ge @!p0 [sflag:s0], s1  }
0x5e: {  	s1 =	ssub.s32 @!p0 $0x0, s1;
	[sflag:s0] =	ssyncset.done @!p0 $0x0  }
0x5f: {  	[sflag:s0] =	ssyncadd.s32 @!p0 s1  }
0x60: {  	[bflag:$0x3] =	sbarrier.arrive $0xFFFF  }
0x61: {  	_ =	shalt  }

// kernel: kernel.14.cloned.1.call-start
scs
__scs_entry_jumppad:
0x0: {  	(pc) =	sbr.rel $0x88, $3  }
0x1: {  	(tag) =	ssettag $0x0;
	lr =	simm.s32 $0x1  }
0x2: {  	[smem:$0x3F95] =	sst lr;
	_ =	strace $0xD0000000  }
0x3: {  	_ = 	snop  }
0x4: {  	_ = 	snop  }
0x5: {  	_ = 	snop  }
0x6: {  	_ = 	snop  }
0x7: {  	_ = 	snop  }
__scs_overlays_trampoline_lowered:
0x8: {  	[smem:$0x3FA4] =	sst s0  }
0x9: {  	[smem:$0x3FA5] =	sst s1  }
0xa: {  	[smem:$0x3FA6] =	sst s2  }
0xb: {  	[smem:$0x3FA7] =	sst s3  }
0xc: {  	[smem:$0x3FA8] =	sst s4  }
0xd: {  	[smem:$0x3FA9] =	sst s5  }
0xe: {  	[smem:$0x3FAA] =	sst s6  }
0xf: {  	[smem:$0x3FAB] =	sst s7  }
0x10: {  	[smem:$0x3FAC] =	sst s8  }
0x11: {  	[smem:$0x3FAD] =	sst s9;
	s0 =	simm.s32 @!p0 $0x0  }
0x12: {  	s1 =	sld [smem:$0x3F93];
	s0 =	simm.s32 @p0 $0x1  }
0x13: {  	[smem:$0x3FAE] =	sst s0;
	s0 =	simm.s32 @!p1 $0x0  }
0x14: {  	s2 =	sld [smem:$0x3F92];
	s0 =	simm.s32 @p1 $0x1  }
0x15: {  	[smem:$0x3FAF] =	sst s0;
	s0 =	simm.s32 @!p2 $0x0  }
0x16: {  	s3 =	sld [smem:$0x3FDB];
	s0 =	simm.s32 @p2 $0x1  }
0x17: {  	s4 =	simm.s32 $0x1BF5;
	[smem:$0x3FB1] =	sst s0  }
0x18: {  	s0 =	sld [smem:$0x3F94];
	_ =	swait.ge [sflag:s4], $0x0  }
0x19: {  	s7 =	sld [smem:$0x3F95]  }
0x1a: {  	s8 =	sadd.s32 $0xFFFFE003, lr  }
0x1b: {  	s9 =	sadd.s32 $0xFFFFFEF7, lr;
	s5 =	simm.s32 $0xFFFFFFFF;
	p2 =	slt.u32 s8, $0xFFFFF086  }
0x1c: {  	p1 =	slt.u32 s9, $0xF7A;
	s5 =	simm.s32 @!p2 $0x0  }
0x1d: {  	s5 =	simm.s32 @p1 $0x1;
	p0 =	seq.s32 s7, s2  }
0x1e: {  	s7 =	smul.u32 @!p0 $0xF7A, s2;
	p2 =	seq.s32 @!p0 s5, $0x0  }
0x1f: {  	s9 =	smul.u32 $0xF7A, s1;
	s8 =	simm.s32 @!p0 $0x1BF5;
	p2 =	por !p2, p0  }
0x20: {  	[sflag:s8] =	ssyncset.s32 @!p0 $0xFFFFF086;
	s6 =	sadd.s32 @!p0 s3, s7;
	s7 =	simm.s32 @!p0 $0x108  }
0x21: {  	s3 =	sadd.s32 s3, s9;
	s6 =	sadd.s32 @!p0 $0x88, s6;
	s7 =	simm.s32 @p2 $0x1082  }
0x22: {  	[simem:s7], [sflag:s8] =	dma.local @!p0 [hbm:s6], $0xF7A  }
0x23: {  	s9 =	sor.u32 $0xD0000000, s2;
	s6 =	simm.s32 $0x108;
	_ =	swait.ge @!p0 [sflag:s8], $0x0  }
0x24: {  	s3 =	sadd.s32 $0x88, s3;
	s6 =	simm.s32 @!p1 $0x1082;
	[sflag:s4] =	ssyncset.s32 $0xFFFFF086  }
0x25: {  	[simem:s6], [sflag:s4] =	dma.local [hbm:s3], $0xF7A  }
0x26: {  	[smem:$0x3F95] =	sst s1;
	(tag) =	ssettag s2;
	_ =	strace s9  }
0x27: {  	s1 =	sld [smem:$0x3FA5]  }
0x28: {  	s2 =	sld [smem:$0x3FA6]  }
0x29: {  	s4 =	sld [smem:$0x3FA8]  }
0x2a: {  	p0 =	seq.s32 s5, $0x0;
	s5 =	sld [smem:$0x3FA9]  }
0x2b: {  	s6 =	sld [smem:$0x3FAA]  }
0x2c: {  	s7 =	sld [smem:$0x3FAB]  }
0x2d: {  	s3 =	simm.s32 $0x108;
	s8 =	sld [smem:$0x3FAC]  }
0x2e: {  	s3 =	simm.s32 @!p0 $0x1082;
	s9 =	sld [smem:$0x3FAD]  }
0x2f: {  	lr =	sadd.s32 s0, s3;
	s0 =	sld [smem:$0x3FA4]  }
0x30: {  	s3 =	sld [smem:$0x3FA7]  }
0x31: {  	[smem:$0x3FB0] =	sst s10  }
0x32: {  	s10 =	sld [smem:$0x3FAE];
	_ =	sdelay $0x3  }
0x33: {  	p0 =	seq.s32 s10, $0x1;
	s10 =	sld [smem:$0x3FB0];
	_ =	sdelay $0x3  }
0x34: {  	[smem:$0x3FB0] =	sst s10  }
0x35: {  	s10 =	sld [smem:$0x3FAF];
	_ =	sdelay $0x3  }
0x36: {  	p1 =	seq.s32 s10, $0x1;
	s10 =	sld [smem:$0x3FB0];
	_ =	sdelay $0x3  }
0x37: {  	[smem:$0x3FB0] =	sst s10  }
0x38: {  	s10 =	sld [smem:$0x3FB1]  }
0x39: {  	_ = 	snop;
	(pc) =	sbr.ind lr, $3  }
0x3a: {  	_ = 	snop  }
0x3b: {  	_ = 	snop  }
0x3c: {  	p2 =	seq.s32 s10, $0x1;
	s10 =	sld [smem:$0x3FB0]  }
0x3d: {  	_ =	shalt  }
0x3e: {  	_ =	shalt  }
0x3f: {  	_ =	shalt  }
0x40: {  	_ =	shalt  }
0x41: {  	_ =	shalt  }
0x42: {  	_ =	shalt  }
0x43: {  	_ =	shalt  }
0x44: {  	_ =	shalt  }
0x45: {  	_ =	shalt  }
0x46: {  	_ =	shalt  }
0x47: {  	_ =	shalt  }
0x48: {  	_ =	shalt  }
0x49: {  	_ =	shalt  }
0x4a: {  	_ =	shalt  }
0x4b: {  	_ =	shalt  }
0x4c: {  	_ =	shalt  }
0x4d: {  	_ =	shalt  }
0x4e: {  	_ =	shalt  }
0x4f: {  	_ =	shalt  }
0x50: {  	_ =	shalt  }
0x51: {  	_ =	shalt  }
0x52: {  	_ =	shalt  }
0x53: {  	_ =	shalt  }
0x54: {  	_ =	shalt  }
0x55: {  	_ =	shalt  }
0x56: {  	_ =	shalt  }
0x57: {  	_ =	shalt  }
0x58: {  	_ =	shalt  }
0x59: {  	_ =	shalt  }
0x5a: {  	_ =	shalt  }
0x5b: {  	_ =	shalt  }
0x5c: {  	_ =	shalt  }
0x5d: {  	_ =	shalt  }
0x5e: {  	_ =	shalt  }
0x5f: {  	_ =	shalt  }
0x60: {  	_ =	shalt  }
0x61: {  	_ =	shalt  }
0x62: {  	_ =	shalt  }
0x63: {  	_ =	shalt  }
0x64: {  	_ =	shalt  }
0x65: {  	_ =	shalt  }
0x66: {  	_ =	shalt  }
0x67: {  	_ =	shalt  }
0x68: {  	_ =	shalt  }
0x69: {  	_ =	shalt  }
0x6a: {  	_ =	shalt  }
0x6b: {  	_ =	shalt  }
0x6c: {  	_ =	shalt  }
0x6d: {  	_ =	shalt  }
0x6e: {  	_ =	shalt  }
0x6f: {  	_ =	shalt  }
0x70: {  	_ =	shalt  }
0x71: {  	_ =	shalt  }
0x72: {  	_ =	shalt  }
0x73: {  	_ =	shalt  }
0x74: {  	_ =	shalt  }
0x75: {  	_ =	shalt  }
0x76: {  	_ =	shalt  }
0x77: {  	_ =	shalt  }
0x78: {  	_ =	shalt  }
0x79: {  	_ =	shalt  }
0x7a: {  	_ =	shalt  }
0x7b: {  	_ =	shalt  }
0x7c: {  	_ =	shalt  }
0x7d: {  	_ =	shalt  }
0x7e: {  	_ =	shalt  }
0x7f: {  	_ =	shalt  }
0x80: {  	_ =	shalt  }
0x81: {  	_ =	shalt  }
0x82: {  	_ =	shalt  }
0x83: {  	_ =	shalt  }
0x84: {  	_ =	shalt  }
0x85: {  	_ =	shalt  }
0x86: {  	_ =	shalt  }
0x87: {  	_ =	shalt  }
.Lfunc_end0:
.L_simem_size_0:
called_computation.5_lowered:
.L_overlay_start_0:
0x88: {  	s2 =	sld [smem:$0x3FD9]  }
0x89: {  	s3 =	sld [smem:$0x3FFE];
	_ =	sdelay $0x1  }
0x8a: {  	s1 =	srdreg.scid  }
0x8b: {  	s0 =	sand.u32 $0x1, s1  }
0x8c: {  	s17 =	sshll.u32 s0, $0xA;
	s2 =	sadd.s32 s3, s2  }
0x8d: {  	s2 =	sadd.s32 s2, s17  }
0x8e: {  	[smem:$0x3FBC] =	sst s2  }
0x8f: {  	_ = 	snop  }
0x90: {  	(tm) =	ssettm $0x1  }
0x91: {  	s18 =	sld [smem:$0x3FFB];
	_ =	sdelay $0x3  }
0x92: {  	_ =	strace s18  }
0x93: {  	s2 =	sld [smem:$0x3FFC];
	_ =	sdelay $0x3  }
0x94: {  	_ =	strace s2  }
0x95: {  	s2 =	sld [smem:$0x3FFD];
	_ =	sdelay $0x3  }
0x96: {  	_ =	strace s2  }
0x97: {  	_ =	strace $0x8FFFFFFF  }
0x98: {  	s19 =	sld [smem:$0x3FDB];
	_ =	sdelay $0x1  }
0x99: {  	s20 =	simm.s32 $_scs_section_size  }
0x9a: {  	s4 =	simm.s32 $_size__tile_overlayer_lowered;
	s5 =	simm.s32 $_tile_overlayer_lowered  }
0x9b: {  	s6 =	simm.s32 $0x1BFF;
	s21 =	sshll.u32 s5, $0x1;
	s3 =	sadd.s32 s20, s19  }
0x9c: {  	s22 =	simm.s32 $0x0;
	s4 =	sshll.u32 s4, $0x1;
	s5 =	sadd.s32 s21, s3  }
0x9d: {  	[timem:s22], [sflag:s6] =	dma.local [hbm:s5], s4  }
0x9e: {  	_ =	swait.ge [sflag:s6], s4  }
0x9f: {  	s4 =	ssub.s32 $0x0, s4;
	[sflag:s6] =	ssyncset.done $0x0  }
0xa0: {  	[sflag:s6] =	ssyncadd.s32 s4;
	_ =	sdelay $0x1  }
0xa1: {  	s23 =	simm.s32 $0x1B8B  }
0xa2: {  	_ =	swait.ge [sflag:s23], $0x1  }
0xa3: {  	[sflag:s23] =	ssyncset.done $0x0  }
0xa4: {  	[sflag:s23] =	ssyncadd.s32 $0xFFFFFFFF  }
0xa5: {  	s4 =	sld [smem:$0x0]  }
0xa6: {  	s5 =	sand.u32 $0xFFFFFFFE, s1  }
0xa7: {  	p0 =	sne.s32 s1, s5  }
0xa8: {  	s5 =	sshll.u32 @p0 s5, $0xE  }
0xa9: {  	s5 =	sadd.s32 @p0 $0x11B8D, s5;
	s6 =	sshll.u32 @p0 s4, $0x11  }
0xaa: {  	s5 =	sor.u32 @p0 s6, s5  }
0xab: {  	[sflag:s5] =	ssyncadd.remote.s32 @p0 $0x1;
	_ =	sdelay $0x1  }
0xac: {  	s5 =	simm.s32 @p0 $0x1B8D  }
0xad: {  	_ =	swait.eq @p0 [sflag:s5], $0x1  }
0xae: {  	[sflag:s5] =	ssyncadd.s32 @p0 $0xFFFFFFFF  }
0xaf: {  	s6 =	sshll.u32 @!p0 s1, $0xE  }
0xb0: {  	s6 =	sor.u32 @!p0 $0x4000, s6;
	s5 =	simm.s32 @!p0 $0x1B8D  }
0xb1: {  	s4 =	sshll.u32 @!p0 s4, $0x11;
	s6 =	sadd.s32 @!p0 $0x11B8D, s6;
	_ =	swait.eq @!p0 [sflag:s5], $0x1  }
0xb2: {  	s4 =	sor.u32 @!p0 s4, s6;
	[sflag:s5] =	ssyncadd.s32 @!p0 $0xFFFFFFFF  }
0xb3: {  	s25 =	simm.s32 $0x1B8E;
	s24 =	sld [smem:$0x3FFE];
	[sflag:s4] =	ssyncadd.remote.s32 @!p0 $0x1  }
0xb4: {  	s26 =	simm.s32 $execute0_lowered;
	[smem:$0x3FD2] =	sst s25  }
0xb5: {  	s5 =	sshll.u32 s26, $0x1;
	_ =	strace $0x80000055;
	[dreg:$0x1] =	wrdreg $0xFFFFFFFF  }
0xb6: {  	s28 =	simm.s32 $_size_execute0_lowered;
	s3 =	sadd.s32 s3, s5;
	[dreg:$0x0] =	wrdreg $0x0  }
0xb7: {  	s5 =	sshll.u32 s28, $0x1;
	[dreg:$0x2] =	wrdreg s3  }
0xb8: {  	[dreg:$0x3] =	wrdreg s5  }
0xb9: {  	[dreg:$0x4] =	wrdreg $0xC0  }
0xba: {  	_ =	task [dreg:s22], $0x5FFFF  }
0xbb: {  	[dreg:$0x1] =	wrdreg $0xFFFFFFFF  }
0xbc: {  	[dreg:$0x0] =	wrdreg $0x60  }
0xbd: {  	[dreg:$0x2] =	wrdreg s24  }
0xbe: {  	[dreg:$0x3] =	wrdreg $0x29000  }
0xbf: {  	[dreg:$0x4] =	wrdreg $0xA  }
0xc0: {  	_ =	task.clear_ibuf [dreg:s22], $0x5FFFF;
	_ =	strace $0x90000055  }
0xc1: {  	s29 =	simm.s32 $0xA;
	_ =	strace $0x80000057  }
0xc2: {  	_ =	swait.ge [sflag:s29], $0x1  }
0xc3: {  	[sflag:s29] =	ssyncadd.s32 $0xFFFFFFFF  }
0xc4: {  	_ =	strace $0x90000057  }
0xc5: {  	_ =	sfence  }
0xc6: {  	s30 =	sld [smem:$0x0];
	_ =	sdelay $0x2  }
0xc7: {  	s31 =	sshll.u32 s1, $0xD;
	s1 =	sshrl.u32 s1, $0x2  }
0xc8: {  	s4 =	sand.u32 $0x4000, s31;
	s1 =	sadd.s32 s1, s30  }
0xc9: {  	s0 =	sor.u32 s4, s0;
	s1 =	sshll.u32 s1, $0x11  }
0xca: {  	s0 =	sor.u32 s1, s0  }
0xcb: {  	s0 =	sadd.s32 $0x8F2B, s0  }
0xcc: {  	[sflag:s0] =	ssyncadd.remote.s32 $0x1  }
0xcd: {  	_ =	sfence.sel $0xFFFF  }
0xce: {  	[dreg:$0x0] =	wrdreg $0xFFFFFFFF;
	(pc) =	sbr.abs _section_cstart, $3  }
0xcf: {  	[dreg:$0x1] =	wrdreg $0xFFFFFFFF  }
0xd0: {  	_ =	task.clear_ibuf [dreg:s22], $0x2FFFF;
	_ =	strace $0x9FFFFFFF  }
0xd1: {  	(tm) =	ssettm $0x7FFFFFFF  }
tec
execute0_lowered:
.L_overlay_start_1:
0x0: {  	(tag) =	ssettag $0x1  }
0x1: {  	s9 =	rddreg [dreg:$0x0]  }
0x2: {  	s1 =	rddreg [dreg:$0x1]  }
0x3: {  	s0 =	rddreg [dreg:$0x2];
	s2 =	simm.s32 $0x0;
	s3 =	srdreg.scid  }
0x4: {  	s8 =	simm.s32 $0x5;
	s15 =	simm.s32 $0x1;
	s17 =	simm.s32 $0x80  }
0x5: {  	s18 =	simm.s32 $0x0;
	[smem:$0x7FF] =	sst s2;
	s4 =	sadd.s32 $0x69600, s9  }
0x6: {  	s5 =	sadd.s32 $0x16400, s9;
	s16 =	sand.u32 $0x1, s3;
	s3 =	stileid.u32  }
0x7: {  	s6 =	sadd.s32 $0x11400, s9;
	s7 =	sadd.s32 $0x2400, s9;
	s11 =	smul.u32 $0x2800, s3  }
0x8: {  	_ =	strace $0x80000056;
	s10 =	ssub.s32 $0x2, s16;
	s13 =	smul.u32 $0x50000, s3  }
.Ltmp0:
0x9: {  	p0 =	seq.s32 s3, $0xF;
	s12 =	sshrl.u32 s10, $0x1;
	(pc) =	sbr.rel .LBB2_1-.Ltmp0, $4  }
0xa: {  	s8 =	simm.s32 @!p0 $0x8;
	p0 =	sne.s32 s16, $0x0;
	s16 =	simm.s32 $0x50  }
0xb: {  	s14 =	sadd.s32 s11, s9;
	s10 =	ssub.s32 s10, s12;
	s31 =	sshrl.u32 s13, $0x2  }
0xc: {  	s9 =	smul.u32 $0x2710, s3;
	s10 =	smax.u32 s10, $0x1;
	s11 =	sadd.s32 s31, s1  }
0xd: {  	s12 =	sadd.s32 $0x90800, s14;
	s13 =	sadd.s32 $0xB7A00, s14;
	s14 =	simm.s32 $0x100  }
.LBB2_13:
0xe: {  	[sflag:s15] =	ssyncadd.s32 $0xFFFFD800  }
.LBB2_14:
0xf: {  	s18 =	sadd.s32 $0x1, s18  }
0x10: {  	p1 =	sne.s32 s18, s10  }
.Ltmp1:
0x11: {  	_ = 	snop;
	(pc) =	sbr.rel @!p1 .LBB2_15-.Ltmp1, $1  }
0x12: {  	_ =	sdelay $0x3  }
.LBB2_1:
0x13: {  	[tilespmem:s14], [sflag:$0x1] =	stream.linear.gather [hbm4b:s7+s2], $0x2800, $0x38;
	[tilespmem:$0x16180] =	vst v63  }
0x14: {  	p1 =	sne.s32 s8, $0x1;
	_ =	swait.ge [sflag:s15], $0x2800  }
.Ltmp2:
0x15: {  	[sflag:s15] =	ssyncset.done $0x0;
	(pc) =	sbr.rel @!p1 .LBB2_3-.Ltmp2, $4  }
0x16: {  	[sflag:s15] =	ssyncadd.s32 $0xFFFFD800  }
0x17: {  	[spmem:s11] =	stream.linear.scatter [tilespmem:s14], [sflag:$0x1], $0x2800, $0x38;
	[tilespmem:$0x16180] =	vst v63  }
0x18: {  	_ =	swait.ge [sflag:s15], $0x2800  }
0x19: {  	s19 =	sadd.s32 $0xFFFFFFFF, s8;
	s20 =	smov.u32 s11;
	[sflag:s15] =	ssyncset.done $0x0  }
.LBB2_2:
0x1a: {  	p2 =	sne.s32 s19, $0x1;
	[sflag:s15] =	ssyncadd.s32 $0xFFFFD800;
	s20 =	sadd.s32 $0x2800, s20  }
.Ltmp3:
0x1b: {  	s19 =	sadd.s32 $0xFFFFFFFF, s19;
	(pc) =	sbr.rel @p2 .LBB2_2-.Ltmp3, $4  }
0x1c: {  	_ = 	snop  }
0x1d: {  	[spmem:s20] =	stream.linear.scatter [tilespmem:s14], [sflag:$0x1], $0x2800, $0x38;
	[tilespmem:$0x16180] =	vst v63  }
0x1e: {  	_ =	swait.ge [sflag:s15], $0x2800  }
0x1f: {  	[sflag:s15] =	ssyncset.done $0x0  }
.LBB2_3:
0x20: {  	s19 =	simm.s32 $0x0  }
0x21: {  	s19 =	smul.u32 $0x39, s19;
	_ =	sdelay $0x1  }
0x22: {  	s20 =	sand.u32 $0xFFFF, s19  }
0x23: {  	s20 =	smul.u32 $0x625, s20;
	_ =	sdelay $0x1  }
0x24: {  	s20 =	sshrl.u32 s20, $0x10  }
0x25: {  	s21 =	ssub.s32 s19, s20  }
0x26: {  	s21 =	sand.u32 $0xFFFE, s21  }
0x27: {  	s21 =	sshrl.u32 s21, $0x1  }
0x28: {  	s22 =	simm.s32 $0x1;
	s20 =	sadd.s32 s20, s21  }
0x29: {  	s21 =	smul.u32 $0x39, s22;
	s20 =	sshrl.u32 s20, $0x6  }
0x2a: {  	s30 =	simm.s32 $0x2;
	s23 =	smul.u32 $0x7D, s20  }
0x2b: {  	s22 =	sand.u32 $0xFFFF, s21;
	s20 =	smul.u32 $0x39, s30  }
0x2c: {  	s22 =	smul.u32 $0x625, s22;
	s19 =	ssub.s32 s19, s23  }
0x2d: {  	[sflag:s15] =	ssyncadd.s32 $0xFFFFD800;
	s19 =	smul.u32 $0x50, s19  }
.Ltmp4:
0x2e: {  	s25 =	simm.s32 $0x3;
	s24 =	sand.u32 $0xFFFF, s20;
	(pc) =	sbr.rel @p0 .LBB2_9-.Ltmp4, $4  }
0x2f: {  	s22 =	sshrl.u32 s22, $0x10;
	s24 =	smul.u32 $0x625, s24;
	s19 =	sand.u32 $0xFFF0, s19  }
0x30: {  	[bflag:$0x0] =	sbarrier.arrive $0xFFFF;
	s31 =	ssub.s32 s21, s22;
	s19 =	sadd.s32 s19, s9  }
0x31: {  	s23 =	sand.u32 $0xFFFE, s31;
	s24 =	sshrl.u32 s24, $0x10;
	s26 =	sshrl.u32 s19, $0x3  }
0x32: {  	s23 =	sshrl.u32 s23, $0x1;
	s19 =	smul.u32 $0x39, s25;
	s25 =	sadd.s32 s5, s26  }
0x33: {  	[tilespmem:s2], [sflag:$0x1] =	stream.linear.gather [hbm4b:s25+s2], $0x50, $0x38;
	[tilespmem:$0x16180] =	vst v63  }
0x34: {  	s22 =	sadd.s32 s22, s23;
	s28 =	ssub.s32 s20, s24;
	_ =	swait.ge [sflag:s15], $0x50  }
0x35: {  	s23 =	sand.u32 $0xFFFE, s28;
	s29 =	sand.u32 $0xFFFF, s19;
	[sflag:s15] =	ssyncset.done $0x0  }
0x36: {  	s28 =	sshrl.u32 s22, $0x6;
	s25 =	smul.u32 $0x625, s29;
	[sflag:s15] =	ssyncadd.s32 $0xFFFFFFB0  }
0x37: {  	[tilespmem:s14], [sflag:$0x1] =	stream.indirect.gather [hbm4b:s4+s16], $0x80, s2, s16, $0xb8;
	[tilespmem:$0x16180] =	vst v63  }
0x38: {  	s23 =	sshrl.u32 s23, $0x1;
	s31 =	smul.u32 $0x7D, s28;
	_ =	swait.ge [sflag:s15], $0x2800  }
0x39: {  	s28 =	sadd.s32 s6, s26;
	s30 =	sadd.s32 s24, s23;
	[sflag:s15] =	ssyncset.done $0x0  }
0x3a: {  	s23 =	simm.s32 $0x4;
	s24 =	sshrl.u32 s25, $0x10;
	[sflag:s15] =	ssyncadd.s32 $0xFFFFD800  }
0x3b: {  	[tilespmem:s17], [sflag:$0x1] =	stream.linear.gather [hbm4b:s28+s2], $0x50, $0x38;
	[tilespmem:$0x16180] =	vst v63  }
0x3c: {  	s22 =	sshrl.u32 s30, $0x6;
	s29 =	ssub.s32 s19, s24;
	_ =	swait.ge [sflag:s15], $0x50  }
0x3d: {  	s21 =	ssub.s32 s21, s31;
	s26 =	sand.u32 $0xFFFE, s29;
	[sflag:s15] =	ssyncset.done $0x0  }
0x3e: {  	s21 =	smul.u32 $0x50, s21;
	s30 =	sshrl.u32 s26, $0x1;
	[sflag:s15] =	ssyncadd.s32 $0xFFFFFFB0  }
0x3f: {  	[spmem:s1] =	stream.indirect.scatter.add.f32 [tilespmem:s14], [sflag:$0x1], $0x80, s17, s16, $0xb8;
	[tilespmem:$0x16180] =	vst v63  }
0x40: {  	s31 =	sand.u32 $0xFFF0, s21;
	s24 =	sadd.s32 s24, s30;
	_ =	swait.ge [sflag:s15], $0x2800  }
0x41: {  	s21 =	sshrl.u32 s24, $0x6;
	s24 =	sadd.s32 s31, s9;
	[sflag:s15] =	ssyncset.done $0x0  }
.LBB2_5:
0x42: {  	s24 =	sshrl.u32 s24, $0x3;
	[sflag:s15] =	ssyncadd.s32 $0xFFFFD800  }
0x43: {  	s25 =	smov.u32 s23;
	s26 =	sadd.s32 $0x1, s23;
	s28 =	smov.u32 s19  }
0x44: {  	p1 =	seq.s32 s23, $0x7C;
	s19 =	smul.u32 $0x39, s25;
	s23 =	sadd.s32 s5, s24  }
0x45: {  	[tilespmem:s2], [sflag:$0x1] =	stream.linear.gather [hbm4b:s23+s2], $0x50, $0x38;
	[tilespmem:$0x16180] =	vst v63  }
0x46: {  	s23 =	sand.u32 $0xFFFF, s19;
	_ =	swait.ge [sflag:s15], $0x50  }
0x47: {  	[sflag:s15] =	ssyncset.done $0x0  }
0x48: {  	s23 =	smul.u32 $0x625, s23;
	[sflag:s15] =	ssyncadd.s32 $0xFFFFFFB0  }
0x49: {  	[tilespmem:s14], [sflag:$0x1] =	stream.indirect.gather [hbm4b:s4+s16], $0x80, s2, s16, $0xb8;
	[tilespmem:$0x16180] =	vst v63  }
0x4a: {  	s29 =	smul.u32 $0x7D, s22;
	s23 =	sshrl.u32 s23, $0x10;
	_ =	swait.ge [sflag:s15], $0x2800  }
0x4b: {  	s22 =	sadd.s32 s6, s24;
	s25 =	ssub.s32 s19, s23;
	[sflag:s15] =	ssyncset.done $0x0  }
0x4c: {  	s20 =	ssub.s32 s20, s29;
	s25 =	sand.u32 $0xFFFE, s25;
	[sflag:s15] =	ssyncadd.s32 $0xFFFFD800  }
0x4d: {  	[tilespmem:s17], [sflag:$0x1] =	stream.linear.gather [hbm4b:s22+s2], $0x50, $0x38;
	[tilespmem:$0x16180] =	vst v63  }
0x4e: {  	s20 =	smul.u32 $0x50, s20;
	s22 =	smov.u32 s21;
	_ =	swait.ge [sflag:s15], $0x50  }
.Ltmp5:
0x4f: {  	s21 =	sshrl.u32 s25, $0x1;
	[sflag:s15] =	ssyncset.done $0x0;
	(pc) =	sbr.rel @!p1 .LBB2_5-.Ltmp5, $4  }
0x50: {  	s20 =	sand.u32 $0xFFF0, s20;
	s21 =	sadd.s32 s23, s21;
	[sflag:s15] =	ssyncadd.s32 $0xFFFFFFB0  }
0x51: {  	[spmem:s1] =	stream.indirect.scatter.add.f32 [tilespmem:s14], [sflag:$0x1], $0x80, s17, s16, $0xb8;
	[tilespmem:$0x16180] =	vst v63  }
0x52: {  	s24 =	sadd.s32 s20, s9;
	s21 =	sshrl.u32 s21, $0x6;
	_ =	swait.ge [sflag:s15], $0x2800  }
0x53: {  	s20 =	smov.u32 s28;
	s23 =	smov.u32 s26;
	[sflag:s15] =	ssyncset.done $0x0  }
0x54: {  	s23 =	sshrl.u32 s24, $0x3  }
0x55: {  	[sflag:s15] =	ssyncadd.s32 $0xFFFFD800;
	s24 =	sadd.s32 s5, s23  }
0x56: {  	[tilespmem:s2], [sflag:$0x1] =	stream.linear.gather [hbm4b:s24+s2], $0x50, $0x38;
	[tilespmem:$0x16180] =	vst v63  }
0x57: {  	_ =	swait.ge [sflag:s15], $0x50  }
0x58: {  	[sflag:s15] =	ssyncset.done $0x0  }
0x59: {  	[sflag:s15] =	ssyncadd.s32 $0xFFFFFFB0  }
0x5a: {  	[tilespmem:s14], [sflag:$0x1] =	stream.indirect.gather [hbm4b:s4+s16], $0x80, s2, s16, $0xb8;
	[tilespmem:$0x16180] =	vst v63  }
0x5b: {  	s22 =	smul.u32 $0x7D, s22;
	_ =	swait.ge [sflag:s15], $0x2800  }
0x5c: {  	[sflag:s15] =	ssyncset.done $0x0  }
0x5d: {  	s23 =	sadd.s32 s6, s23;
	s20 =	ssub.s32 s20, s22;
	[sflag:s15] =	ssyncadd.s32 $0xFFFFD800  }
0x5e: {  	[tilespmem:s17], [sflag:$0x1] =	stream.linear.gather [hbm4b:s23+s2], $0x50, $0x38;
	[tilespmem:$0x16180] =	vst v63  }
0x5f: {  	s20 =	smul.u32 $0x50, s20;
	_ =	swait.ge [sflag:s15], $0x50  }
0x60: {  	[sflag:s15] =	ssyncset.done $0x0  }
0x61: {  	s20 =	sand.u32 $0xFFF0, s20;
	[sflag:s15] =	ssyncadd.s32 $0xFFFFFFB0  }
0x62: {  	[spmem:s1] =	stream.indirect.scatter.add.f32 [tilespmem:s14], [sflag:$0x1], $0x80, s17, s16, $0xb8;
	[tilespmem:$0x16180] =	vst v63  }
0x63: {  	s20 =	sadd.s32 s20, s9;
	_ =	swait.ge [sflag:s15], $0x2800  }
0x64: {  	s20 =	sshrl.u32 s20, $0x3;
	[sflag:s15] =	ssyncset.done $0x0  }
0x65: {  	s30 =	sadd.s32 s5, s20;
	[sflag:s15] =	ssyncadd.s32 $0xFFFFD800  }
0x66: {  	[tilespmem:s2], [sflag:$0x1] =	stream.linear.gather [hbm4b:s30+s2], $0x50, $0x38;
	[tilespmem:$0x16180] =	vst v63  }
0x67: {  	_ =	swait.ge [sflag:s15], $0x50  }
0x68: {  	[sflag:s15] =	ssyncset.done $0x0  }
0x69: {  	[sflag:s15] =	ssyncadd.s32 $0xFFFFFFB0  }
0x6a: {  	[tilespmem:s14], [sflag:$0x1] =	stream.indirect.gather [hbm4b:s4+s16], $0x80, s2, s16, $0xb8;
	[tilespmem:$0x16180] =	vst v63  }
0x6b: {  	s21 =	smul.u32 $0x7D, s21;
	_ =	swait.ge [sflag:s15], $0x2800  }
0x6c: {  	[sflag:s15] =	ssyncset.done $0x0  }
0x6d: {  	s19 =	ssub.s32 s19, s21;
	s20 =	sadd.s32 s6, s20;
	[sflag:s15] =	ssyncadd.s32 $0xFFFFD800  }
0x6e: {  	[tilespmem:s17], [sflag:$0x1] =	stream.linear.gather [hbm4b:s20+s2], $0x50, $0x38;
	[tilespmem:$0x16180] =	vst v63  }
0x6f: {  	s19 =	smul.u32 $0x50, s19;
	_ =	swait.ge [sflag:s15], $0x50  }
0x70: {  	[sflag:s15] =	ssyncset.done $0x0  }
0x71: {  	s19 =	sand.u32 $0xFFF0, s19;
	[sflag:s15] =	ssyncadd.s32 $0xFFFFFFB0  }
0x72: {  	[spmem:s1] =	stream.indirect.scatter.add.f32 [tilespmem:s14], [sflag:$0x1], $0x80, s17, s16, $0xb8;
	[tilespmem:$0x16180] =	vst v63  }
0x73: {  	s19 =	sadd.s32 s19, s9;
	_ =	swait.ge [sflag:s15], $0x2800  }
0x74: {  	s19 =	sshrl.u32 s19, $0x3;
	[sflag:s15] =	ssyncset.done $0x0  }
0x75: {  	s31 =	sadd.s32 s5, s19;
	[sflag:s15] =	ssyncadd.s32 $0xFFFFD800  }
0x76: {  	[tilespmem:s2], [sflag:$0x1] =	stream.linear.gather [hbm4b:s31+s2], $0x50, $0x38;
	[tilespmem:$0x16180] =	vst v63  }
0x77: {  	_ =	swait.ge [sflag:s15], $0x50  }
0x78: {  	[sflag:s15] =	ssyncset.done $0x0  }
0x79: {  	[sflag:s15] =	ssyncadd.s32 $0xFFFFFFB0  }
0x7a: {  	[tilespmem:s14], [sflag:$0x1] =	stream.indirect.gather [hbm4b:s4+s16], $0x80, s2, s16, $0xb8;
	[tilespmem:$0x16180] =	vst v63  }
0x7b: {  	_ =	swait.ge [sflag:s15], $0x2800  }
0x7c: {  	[sflag:s15] =	ssyncset.done $0x0  }
0x7d: {  	s19 =	sadd.s32 s6, s19;
	[sflag:s15] =	ssyncadd.s32 $0xFFFFD800  }
0x7e: {  	[tilespmem:s17], [sflag:$0x1] =	stream.linear.gather [hbm4b:s19+s2], $0x50, $0x38;
	[tilespmem:$0x16180] =	vst v63  }
0x7f: {  	_ =	swait.ge [sflag:s15], $0x50  }
0x80: {  	[sflag:s15] =	ssyncset.done $0x0  }
0x81: {  	[sflag:s15] =	ssyncadd.s32 $0xFFFFFFB0  }
0x82: {  	[spmem:s1] =	stream.indirect.scatter.add.f32 [tilespmem:s14], [sflag:$0x1], $0x80, s17, s16, $0xb8;
	[tilespmem:$0x16180] =	vst v63  }
0x83: {  	_ =	swait.ge [sflag:s15], $0x2800  }
0x84: {  	[sflag:s15] =	ssyncset.done $0x0  }
0x85: {  	[sflag:s15] =	ssyncadd.s32 $0xFFFFD800  }
0x86: {  	[bflag:$0x0] =	sbarrier.arrive $0xFFFF  }
0x87: {  	[tilespmem:s14], [sflag:$0x1] =	stream.linear.gather [spmem:s11], $0x2800, $0x38;
	[tilespmem:$0x16180] =	vst v63  }
0x88: {  	p1 =	seq.s32 s8, $0x1;
	_ =	swait.ge [sflag:s15], $0x2800  }
.Ltmp6:
0x89: {  	[sflag:s15] =	ssyncset.done $0x0;
	(pc) =	sbr.rel @p1 .LBB2_8-.Ltmp6, $4  }
0x8a: {  	[sflag:s15] =	ssyncadd.s32 $0xFFFFD800  }
0x8b: {  	[hbm4b:s13+s2] =	stream.linear.scatter [tilespmem:s14], [sflag:$0x1], $0x2800, $0x38;
	[tilespmem:$0x16180] =	vst v63  }
0x8c: {  	s21 =	smov.u32 s11;
	_ =	swait.ge [sflag:s15], $0x2800  }
0x8d: {  	s20 =	smov.u32 s13;
	s19 =	sadd.s32 $0xFFFFFFFF, s8;
	[sflag:s15] =	ssyncset.done $0x0  }
.LBB2_7:
0x8e: {  	[sflag:s15] =	ssyncadd.s32 $0xFFFFD800;
	s20 =	sadd.s32 $0x500, s20;
	s21 =	sadd.s32 $0x2800, s21  }
0x8f: {  	[tilespmem:s14], [sflag:$0x1] =	stream.linear.gather [spmem:s21], $0x2800, $0x38;
	[tilespmem:$0x16180] =	vst v63  }
0x90: {  	p1 =	seq.s32 s19, $0x1;
	s19 =	sadd.s32 $0xFFFFFFFF, s19;
	_ =	swait.ge [sflag:s15], $0x2800  }
.Ltmp7:
0x91: {  	[sflag:s15] =	ssyncset.done $0x0;
	(pc) =	sbr.rel @!p1 .LBB2_7-.Ltmp7, $4  }
0x92: {  	[sflag:s15] =	ssyncadd.s32 $0xFFFFD800  }
0x93: {  	[hbm4b:s20+s2] =	stream.linear.scatter [tilespmem:s14], [sflag:$0x1], $0x2800, $0x38;
	[tilespmem:$0x16180] =	vst v63  }
0x94: {  	_ =	swait.ge [sflag:s15], $0x2800  }
0x95: {  	[sflag:s15] =	ssyncset.done $0x0  }
.LBB2_8:
.Ltmp8:
0x96: {  	(pc) =	sbr.rel .LBB2_14-.Ltmp8, $2  }
0x97: {  	_ =	sdelay $0x2  }
0x98: {  	[sflag:s15] =	ssyncadd.s32 $0xFFFFD800  }
.LBB2_9:
0x99: {  	[tilespmem:s2], [sflag:$0x1] =	stream.linear.gather [hbm4b:s25+s2], $0x50, $0x38;
	[tilespmem:$0x16180] =	vst v63  }
0x9a: {  	s22 =	sadd.s32 s22, s23;
	s28 =	ssub.s32 s20, s24;
	_ =	swait.ge [sflag:s15], $0x50  }
0x9b: {  	s23 =	sand.u32 $0xFFFE, s28;
	s29 =	sand.u32 $0xFFFF, s19;
	[sflag:s15] =	ssyncset.done $0x0  }
0x9c: {  	s28 =	sshrl.u32 s22, $0x6;
	s25 =	smul.u32 $0x625, s29;
	[sflag:s15] =	ssyncadd.s32 $0xFFFFFFB0  }
0x9d: {  	[tilespmem:s14], [sflag:$0x1] =	stream.indirect.gather [hbm4b:s4+s16], $0x80, s2, s16, $0xb8;
	[tilespmem:$0x16180] =	vst v63  }
0x9e: {  	s23 =	sshrl.u32 s23, $0x1;
	s31 =	smul.u32 $0x7D, s28;
	_ =	swait.ge [sflag:s15], $0x2800  }
0x9f: {  	s28 =	sadd.s32 s6, s26;
	s30 =	sadd.s32 s24, s23;
	[sflag:s15] =	ssyncset.done $0x0  }
0xa0: {  	s23 =	simm.s32 $0x4;
	s24 =	sshrl.u32 s25, $0x10;
	[sflag:s15] =	ssyncadd.s32 $0xFFFFD800  }
0xa1: {  	[tilespmem:s17], [sflag:$0x1] =	stream.linear.gather [hbm4b:s28+s2], $0x50, $0x38;
	[tilespmem:$0x16180] =	vst v63  }
0xa2: {  	s22 =	sshrl.u32 s30, $0x6;
	s29 =	ssub.s32 s19, s24;
	_ =	swait.ge [sflag:s15], $0x50  }
0xa3: {  	s21 =	ssub.s32 s21, s31;
	s26 =	sand.u32 $0xFFFE, s29;
	[sflag:s15] =	ssyncset.done $0x0  }
0xa4: {  	s21 =	smul.u32 $0x50, s21;
	s30 =	sshrl.u32 s26, $0x1;
	[sflag:s15] =	ssyncadd.s32 $0xFFFFFFB0  }
0xa5: {  	[spmem:s1] =	stream.indirect.scatter.add.f32 [tilespmem:s14], [sflag:$0x1], $0x80, s17, s16, $0xb8;
	[tilespmem:$0x16180] =	vst v63  }
0xa6: {  	s31 =	sand.u32 $0xFFF0, s21;
	s24 =	sadd.s32 s24, s30;
	_ =	swait.ge [sflag:s15], $0x2800  }
0xa7: {  	s21 =	sshrl.u32 s24, $0x6;
	s24 =	sadd.s32 s31, s9;
	[sflag:s15] =	ssyncset.done $0x0  }
.LBB2_10:
0xa8: {  	s24 =	sshrl.u32 s24, $0x3;
	[sflag:s15] =	ssyncadd.s32 $0xFFFFD800  }
0xa9: {  	s25 =	smov.u32 s23;
	s26 =	sadd.s32 $0x1, s23;
	s28 =	smov.u32 s19  }
0xaa: {  	p2 =	seq.s32 s23, $0x7C;
	s19 =	smul.u32 $0x39, s25;
	s23 =	sadd.s32 s5, s24  }
0xab: {  	[tilespmem:s2], [sflag:$0x1] =	stream.linear.gather [hbm4b:s23+s2], $0x50, $0x38;
	[tilespmem:$0x16180] =	vst v63  }
0xac: {  	s23 =	sand.u32 $0xFFFF, s19;
	_ =	swait.ge [sflag:s15], $0x50  }
0xad: {  	[sflag:s15] =	ssyncset.done $0x0  }
0xae: {  	s23 =	smul.u32 $0x625, s23;
	[sflag:s15] =	ssyncadd.s32 $0xFFFFFFB0  }
0xaf: {  	[tilespmem:s14], [sflag:$0x1] =	stream.indirect.gather [hbm4b:s4+s16], $0x80, s2, s16, $0xb8;
	[tilespmem:$0x16180] =	vst v63  }
0xb0: {  	s29 =	smul.u32 $0x7D, s22;
	s23 =	sshrl.u32 s23, $0x10;
	_ =	swait.ge [sflag:s15], $0x2800  }
0xb1: {  	s22 =	sadd.s32 s6, s24;
	s25 =	ssub.s32 s19, s23;
	[sflag:s15] =	ssyncset.done $0x0  }
0xb2: {  	s20 =	ssub.s32 s20, s29;
	s25 =	sand.u32 $0xFFFE, s25;
	[sflag:s15] =	ssyncadd.s32 $0xFFFFD800  }
0xb3: {  	[tilespmem:s17], [sflag:$0x1] =	stream.linear.gather [hbm4b:s22+s2], $0x50, $0x38;
	[tilespmem:$0x16180] =	vst v63  }
0xb4: {  	s20 =	smul.u32 $0x50, s20;
	s22 =	smov.u32 s21;
	_ =	swait.ge [sflag:s15], $0x50  }
.Ltmp9:
0xb5: {  	s21 =	sshrl.u32 s25, $0x1;
	[sflag:s15] =	ssyncset.done $0x0;
	(pc) =	sbr.rel @!p2 .LBB2_10-.Ltmp9, $4  }
0xb6: {  	s20 =	sand.u32 $0xFFF0, s20;
	s21 =	sadd.s32 s23, s21;
	[sflag:s15] =	ssyncadd.s32 $0xFFFFFFB0  }
0xb7: {  	[spmem:s1] =	stream.indirect.scatter.add.f32 [tilespmem:s14], [sflag:$0x1], $0x80, s17, s16, $0xb8;
	[tilespmem:$0x16180] =	vst v63  }
0xb8: {  	s24 =	sadd.s32 s20, s9;
	s21 =	sshrl.u32 s21, $0x6;
	_ =	swait.ge [sflag:s15], $0x2800  }
0xb9: {  	s20 =	smov.u32 s28;
	s23 =	smov.u32 s26;
	[sflag:s15] =	ssyncset.done $0x0  }
0xba: {  	s23 =	sshrl.u32 s24, $0x3  }
0xbb: {  	[sflag:s15] =	ssyncadd.s32 $0xFFFFD800;
	s24 =	sadd.s32 s5, s23  }
0xbc: {  	[tilespmem:s2], [sflag:$0x1] =	stream.linear.gather [hbm4b:s24+s2], $0x50, $0x38;
	[tilespmem:$0x16180] =	vst v63  }
0xbd: {  	_ =	swait.ge [sflag:s15], $0x50  }
0xbe: {  	[sflag:s15] =	ssyncset.done $0x0  }
0xbf: {  	[sflag:s15] =	ssyncadd.s32 $0xFFFFFFB0  }
0xc0: {  	[tilespmem:s14], [sflag:$0x1] =	stream.indirect.gather [hbm4b:s4+s16], $0x80, s2, s16, $0xb8;
	[tilespmem:$0x16180] =	vst v63  }
0xc1: {  	s22 =	smul.u32 $0x7D, s22;
	_ =	swait.ge [sflag:s15], $0x2800  }
0xc2: {  	[sflag:s15] =	ssyncset.done $0x0  }
0xc3: {  	s23 =	sadd.s32 s6, s23;
	s20 =	ssub.s32 s20, s22;
	[sflag:s15] =	ssyncadd.s32 $0xFFFFD800  }
0xc4: {  	[tilespmem:s17], [sflag:$0x1] =	stream.linear.gather [hbm4b:s23+s2], $0x50, $0x38;
	[tilespmem:$0x16180] =	vst v63  }
0xc5: {  	s20 =	smul.u32 $0x50, s20;
	_ =	swait.ge [sflag:s15], $0x50  }
0xc6: {  	[sflag:s15] =	ssyncset.done $0x0  }
0xc7: {  	s20 =	sand.u32 $0xFFF0, s20;
	[sflag:s15] =	ssyncadd.s32 $0xFFFFFFB0  }
0xc8: {  	[spmem:s1] =	stream.indirect.scatter.add.f32 [tilespmem:s14], [sflag:$0x1], $0x80, s17, s16, $0xb8;
	[tilespmem:$0x16180] =	vst v63  }
0xc9: {  	s20 =	sadd.s32 s20, s9;
	_ =	swait.ge [sflag:s15], $0x2800  }
0xca: {  	s20 =	sshrl.u32 s20, $0x3;
	[sflag:s15] =	ssyncset.done $0x0  }
0xcb: {  	s30 =	sadd.s32 s5, s20;
	[sflag:s15] =	ssyncadd.s32 $0xFFFFD800  }
0xcc: {  	[tilespmem:s2], [sflag:$0x1] =	stream.linear.gather [hbm4b:s30+s2], $0x50, $0x38;
	[tilespmem:$0x16180] =	vst v63  }
0xcd: {  	_ =	swait.ge [sflag:s15], $0x50  }
0xce: {  	[sflag:s15] =	ssyncset.done $0x0  }
0xcf: {  	[sflag:s15] =	ssyncadd.s32 $0xFFFFFFB0  }
0xd0: {  	[tilespmem:s14], [sflag:$0x1] =	stream.indirect.gather [hbm4b:s4+s16], $0x80, s2, s16, $0xb8;
	[tilespmem:$0x16180] =	vst v63  }
0xd1: {  	s21 =	smul.u32 $0x7D, s21;
	_ =	swait.ge [sflag:s15], $0x2800  }
0xd2: {  	[sflag:s15] =	ssyncset.done $0x0  }
0xd3: {  	s19 =	ssub.s32 s19, s21;
	s20 =	sadd.s32 s6, s20;
	[sflag:s15] =	ssyncadd.s32 $0xFFFFD800  }
0xd4: {  	[tilespmem:s17], [sflag:$0x1] =	stream.linear.gather [hbm4b:s20+s2], $0x50, $0x38;
	[tilespmem:$0x16180] =	vst v63  }
0xd5: {  	s19 =	smul.u32 $0x50, s19;
	_ =	swait.ge [sflag:s15], $0x50  }
0xd6: {  	[sflag:s15] =	ssyncset.done $0x0  }
0xd7: {  	s19 =	sand.u32 $0xFFF0, s19;
	[sflag:s15] =	ssyncadd.s32 $0xFFFFFFB0  }
0xd8: {  	[spmem:s1] =	stream.indirect.scatter.add.f32 [tilespmem:s14], [sflag:$0x1], $0x80, s17, s16, $0xb8;
	[tilespmem:$0x16180] =	vst v63  }
0xd9: {  	s19 =	sadd.s32 s19, s9;
	_ =	swait.ge [sflag:s15], $0x2800  }
0xda: {  	s19 =	sshrl.u32 s19, $0x3;
	[sflag:s15] =	ssyncset.done $0x0  }
0xdb: {  	s31 =	sadd.s32 s5, s19;
	[sflag:s15] =	ssyncadd.s32 $0xFFFFD800  }
0xdc: {  	[tilespmem:s2], [sflag:$0x1] =	stream.linear.gather [hbm4b:s31+s2], $0x50, $0x38;
	[tilespmem:$0x16180] =	vst v63  }
0xdd: {  	_ =	swait.ge [sflag:s15], $0x50  }
0xde: {  	[sflag:s15] =	ssyncset.done $0x0  }
0xdf: {  	[sflag:s15] =	ssyncadd.s32 $0xFFFFFFB0  }
0xe0: {  	[tilespmem:s14], [sflag:$0x1] =	stream.indirect.gather [hbm4b:s4+s16], $0x80, s2, s16, $0xb8;
	[tilespmem:$0x16180] =	vst v63  }
0xe1: {  	_ =	swait.ge [sflag:s15], $0x2800  }
0xe2: {  	[sflag:s15] =	ssyncset.done $0x0  }
0xe3: {  	s19 =	sadd.s32 s6, s19;
	[sflag:s15] =	ssyncadd.s32 $0xFFFFD800  }
0xe4: {  	[tilespmem:s17], [sflag:$0x1] =	stream.linear.gather [hbm4b:s19+s2], $0x50, $0x38;
	[tilespmem:$0x16180] =	vst v63  }
0xe5: {  	_ =	swait.ge [sflag:s15], $0x50  }
0xe6: {  	[sflag:s15] =	ssyncset.done $0x0  }
0xe7: {  	[sflag:s15] =	ssyncadd.s32 $0xFFFFFFB0  }
0xe8: {  	[spmem:s1] =	stream.indirect.scatter.add.f32 [tilespmem:s14], [sflag:$0x1], $0x80, s17, s16, $0xb8;
	[tilespmem:$0x16180] =	vst v63  }
0xe9: {  	_ =	swait.ge [sflag:s15], $0x2800  }
0xea: {  	[sflag:s15] =	ssyncset.done $0x0  }
0xeb: {  	[sflag:s15] =	ssyncadd.s32 $0xFFFFD800  }
0xec: {  	[bflag:$0x0] =	sbarrier.arrive $0xFFFF  }
0xed: {  	[tilespmem:s14], [sflag:$0x1] =	stream.linear.gather [spmem:s11], $0x2800, $0x38;
	[tilespmem:$0x16180] =	vst v63  }
0xee: {  	_ =	swait.ge [sflag:s15], $0x2800  }
.Ltmp10:
0xef: {  	[sflag:s15] =	ssyncset.done $0x0;
	(pc) =	sbr.rel @!p1 .LBB2_13-.Ltmp10, $4  }
0xf0: {  	[sflag:s15] =	ssyncadd.s32 $0xFFFFD800  }
0xf1: {  	[hbm4b:s12+s2] =	stream.linear.scatter [tilespmem:s14], [sflag:$0x1], $0x2800, $0x38;
	[tilespmem:$0x16180] =	vst v63  }
0xf2: {  	s21 =	smov.u32 s11;
	_ =	swait.ge [sflag:s15], $0x2800  }
0xf3: {  	s20 =	smov.u32 s12;
	s19 =	sadd.s32 $0xFFFFFFFF, s8;
	[sflag:s15] =	ssyncset.done $0x0  }
.LBB2_12:
0xf4: {  	[sflag:s15] =	ssyncadd.s32 $0xFFFFD800;
	s20 =	sadd.s32 $0x500, s20;
	s21 =	sadd.s32 $0x2800, s21  }
0xf5: {  	[tilespmem:s14], [sflag:$0x1] =	stream.linear.gather [spmem:s21], $0x2800, $0x38;
	[tilespmem:$0x16180] =	vst v63  }
0xf6: {  	p1 =	sne.s32 s19, $0x1;
	s19 =	sadd.s32 $0xFFFFFFFF, s19;
	_ =	swait.ge [sflag:s15], $0x2800  }
.Ltmp11:
0xf7: {  	[sflag:s15] =	ssyncset.done $0x0;
	(pc) =	sbr.rel @p1 .LBB2_12-.Ltmp11, $4  }
0xf8: {  	[sflag:s15] =	ssyncadd.s32 $0xFFFFD800  }
0xf9: {  	[hbm4b:s20+s2] =	stream.linear.scatter [tilespmem:s14], [sflag:$0x1], $0x2800, $0x38;
	[tilespmem:$0x16180] =	vst v63  }
0xfa: {  	_ =	swait.ge [sflag:s15], $0x2800  }
0xfb: {  	[sflag:s15] =	ssyncset.done $0x0  }
.Ltmp12:
0xfc: {  	_ = 	snop;
	(pc) =	sbr.rel .LBB2_13-.Ltmp12, $1  }
0xfd: {  	_ =	sdelay $0x3  }
.LBB2_15:
0xfe: {  	_ =	sfence.sel $0x180000  }
0xff: {  	[bflag:$0x0] =	sbarrier.arrive $0xFFFF  }
0x100: {  	p0 =	sne.s32 s3, $0x0;
	_ =	strace $0x90000056  }
0x101: {  	s0 =	sadd.s32 @!p0 $0x100000, s0;
	[bflag:$0x2] =	sbarrier.arrive $0xFFFF  }
0x102: {  	[sflag:s0] =	ssyncadd.tile.s32 @!p0 $0x1;
	_ =	shalt  }
.Lfunc_end2:
_tile_overlayer_lowered:
.L_overlay_start_2:
0x103: {  	(tag) =	ssettag $0x2  }
0x104: {  	s0 =	rddreg [dreg:$0x0];
	s2 =	stileid.u32  }
0x105: {  	s1 =	rddreg [dreg:$0x1];
	p0 =	sne.s32 s2, $0x0  }
0x106: {  	s3 =	rddreg [dreg:$0x2];
	[bflag:$0x3] =	sbarrier.arrive $0xFFFF;
	s2 =	simm.s32 @!p0 $0x1C01  }
0x107: {  	[timem:s3], [sflag:s2] =	dma.local @!p0 [hbm:s0], s1  }
0x108: {  	s0 =	simm.s32 @!p0 $0x1  }
0x109: {  	_ =	swait.ge @!p0 [sflag:s0], s1  }
0x10a: {  	s1 =	ssub.s32 @!p0 $0x0, s1;
	[sflag:s0] =	ssyncset.done @!p0 $0x0  }
0x10b: {  	[sflag:s0] =	ssyncadd.s32 @!p0 s1  }
0x10c: {  	[bflag:$0x3] =	sbarrier.arrive $0xFFFF  }
0x10d: {  	_ =	shalt  }

// kernel: kernel.17.cloned.1.call-start
scs
__scs_entry_jumppad:
0x0: {  	(pc) =	sbr.rel $0x88, $3  }
0x1: {  	(tag) =	ssettag $0x0;
	lr =	simm.s32 $0x1  }
0x2: {  	[smem:$0x3F95] =	sst lr;
	_ =	strace $0xD0000000  }
0x3: {  	_ = 	snop  }
0x4: {  	_ = 	snop  }
0x5: {  	_ = 	snop  }
0x6: {  	_ = 	snop  }
0x7: {  	_ = 	snop  }
__scs_overlays_trampoline_lowered:
0x8: {  	[smem:$0x3FA4] =	sst s0  }
0x9: {  	[smem:$0x3FA5] =	sst s1  }
0xa: {  	[smem:$0x3FA6] =	sst s2  }
0xb: {  	[smem:$0x3FA7] =	sst s3  }
0xc: {  	[smem:$0x3FA8] =	sst s4  }
0xd: {  	[smem:$0x3FA9] =	sst s5  }
0xe: {  	[smem:$0x3FAA] =	sst s6  }
0xf: {  	[smem:$0x3FAB] =	sst s7  }
0x10: {  	[smem:$0x3FAC] =	sst s8  }
0x11: {  	[smem:$0x3FAD] =	sst s9;
	s0 =	simm.s32 @!p0 $0x0  }
0x12: {  	s1 =	sld [smem:$0x3F93];
	s0 =	simm.s32 @p0 $0x1  }
0x13: {  	[smem:$0x3FAE] =	sst s0;
	s0 =	simm.s32 @!p1 $0x0  }
0x14: {  	s2 =	sld [smem:$0x3F92];
	s0 =	simm.s32 @p1 $0x1  }
0x15: {  	[smem:$0x3FAF] =	sst s0;
	s0 =	simm.s32 @!p2 $0x0  }
0x16: {  	s3 =	sld [smem:$0x3FDB];
	s0 =	simm.s32 @p2 $0x1  }
0x17: {  	s4 =	simm.s32 $0x1BF5;
	[smem:$0x3FB1] =	sst s0  }
0x18: {  	s0 =	sld [smem:$0x3F94];
	_ =	swait.ge [sflag:s4], $0x0  }
0x19: {  	s7 =	sld [smem:$0x3F95]  }
0x1a: {  	s8 =	sadd.s32 $0xFFFFE003, lr  }
0x1b: {  	s9 =	sadd.s32 $0xFFFFFEF7, lr;
	s5 =	simm.s32 $0xFFFFFFFF;
	p2 =	slt.u32 s8, $0xFFFFF086  }
0x1c: {  	p1 =	slt.u32 s9, $0xF7A;
	s5 =	simm.s32 @!p2 $0x0  }
0x1d: {  	s5 =	simm.s32 @p1 $0x1;
	p0 =	seq.s32 s7, s2  }
0x1e: {  	s7 =	smul.u32 @!p0 $0xF7A, s2;
	p2 =	seq.s32 @!p0 s5, $0x0  }
0x1f: {  	s9 =	smul.u32 $0xF7A, s1;
	s8 =	simm.s32 @!p0 $0x1BF5;
	p2 =	por !p2, p0  }
0x20: {  	[sflag:s8] =	ssyncset.s32 @!p0 $0xFFFFF086;
	s6 =	sadd.s32 @!p0 s3, s7;
	s7 =	simm.s32 @!p0 $0x108  }
0x21: {  	s3 =	sadd.s32 s3, s9;
	s6 =	sadd.s32 @!p0 $0x88, s6;
	s7 =	simm.s32 @p2 $0x1082  }
0x22: {  	[simem:s7], [sflag:s8] =	dma.local @!p0 [hbm:s6], $0xF7A  }
0x23: {  	s9 =	sor.u32 $0xD0000000, s2;
	s6 =	simm.s32 $0x108;
	_ =	swait.ge @!p0 [sflag:s8], $0x0  }
0x24: {  	s3 =	sadd.s32 $0x88, s3;
	s6 =	simm.s32 @!p1 $0x1082;
	[sflag:s4] =	ssyncset.s32 $0xFFFFF086  }
0x25: {  	[simem:s6], [sflag:s4] =	dma.local [hbm:s3], $0xF7A  }
0x26: {  	[smem:$0x3F95] =	sst s1;
	(tag) =	ssettag s2;
	_ =	strace s9  }
0x27: {  	s1 =	sld [smem:$0x3FA5]  }
0x28: {  	s2 =	sld [smem:$0x3FA6]  }
0x29: {  	s4 =	sld [smem:$0x3FA8]  }
0x2a: {  	p0 =	seq.s32 s5, $0x0;
	s5 =	sld [smem:$0x3FA9]  }
0x2b: {  	s6 =	sld [smem:$0x3FAA]  }
0x2c: {  	s7 =	sld [smem:$0x3FAB]  }
0x2d: {  	s3 =	simm.s32 $0x108;
	s8 =	sld [smem:$0x3FAC]  }
0x2e: {  	s3 =	simm.s32 @!p0 $0x1082;
	s9 =	sld [smem:$0x3FAD]  }
0x2f: {  	lr =	sadd.s32 s0, s3;
	s0 =	sld [smem:$0x3FA4]  }
0x30: {  	s3 =	sld [smem:$0x3FA7]  }
0x31: {  	[smem:$0x3FB0] =	sst s10  }
0x32: {  	s10 =	sld [smem:$0x3FAE];
	_ =	sdelay $0x3  }
0x33: {  	p0 =	seq.s32 s10, $0x1;
	s10 =	sld [smem:$0x3FB0];
	_ =	sdelay $0x3  }
0x34: {  	[smem:$0x3FB0] =	sst s10  }
0x35: {  	s10 =	sld [smem:$0x3FAF];
	_ =	sdelay $0x3  }
0x36: {  	p1 =	seq.s32 s10, $0x1;
	s10 =	sld [smem:$0x3FB0];
	_ =	sdelay $0x3  }
0x37: {  	[smem:$0x3FB0] =	sst s10  }
0x38: {  	s10 =	sld [smem:$0x3FB1]  }
0x39: {  	_ = 	snop;
	(pc) =	sbr.ind lr, $3  }
0x3a: {  	_ = 	snop  }
0x3b: {  	_ = 	snop  }
0x3c: {  	p2 =	seq.s32 s10, $0x1;
	s10 =	sld [smem:$0x3FB0]  }
0x3d: {  	_ =	shalt  }
0x3e: {  	_ =	shalt  }
0x3f: {  	_ =	shalt  }
0x40: {  	_ =	shalt  }
0x41: {  	_ =	shalt  }
0x42: {  	_ =	shalt  }
0x43: {  	_ =	shalt  }
0x44: {  	_ =	shalt  }
0x45: {  	_ =	shalt  }
0x46: {  	_ =	shalt  }
0x47: {  	_ =	shalt  }
0x48: {  	_ =	shalt  }
0x49: {  	_ =	shalt  }
0x4a: {  	_ =	shalt  }
0x4b: {  	_ =	shalt  }
0x4c: {  	_ =	shalt  }
0x4d: {  	_ =	shalt  }
0x4e: {  	_ =	shalt  }
0x4f: {  	_ =	shalt  }
0x50: {  	_ =	shalt  }
0x51: {  	_ =	shalt  }
0x52: {  	_ =	shalt  }
0x53: {  	_ =	shalt  }
0x54: {  	_ =	shalt  }
0x55: {  	_ =	shalt  }
0x56: {  	_ =	shalt  }
0x57: {  	_ =	shalt  }
0x58: {  	_ =	shalt  }
0x59: {  	_ =	shalt  }
0x5a: {  	_ =	shalt  }
0x5b: {  	_ =	shalt  }
0x5c: {  	_ =	shalt  }
0x5d: {  	_ =	shalt  }
0x5e: {  	_ =	shalt  }
0x5f: {  	_ =	shalt  }
0x60: {  	_ =	shalt  }
0x61: {  	_ =	shalt  }
0x62: {  	_ =	shalt  }
0x63: {  	_ =	shalt  }
0x64: {  	_ =	shalt  }
0x65: {  	_ =	shalt  }
0x66: {  	_ =	shalt  }
0x67: {  	_ =	shalt  }
0x68: {  	_ =	shalt  }
0x69: {  	_ =	shalt  }
0x6a: {  	_ =	shalt  }
0x6b: {  	_ =	shalt  }
0x6c: {  	_ =	shalt  }
0x6d: {  	_ =	shalt  }
0x6e: {  	_ =	shalt  }
0x6f: {  	_ =	shalt  }
0x70: {  	_ =	shalt  }
0x71: {  	_ =	shalt  }
0x72: {  	_ =	shalt  }
0x73: {  	_ =	shalt  }
0x74: {  	_ =	shalt  }
0x75: {  	_ =	shalt  }
0x76: {  	_ =	shalt  }
0x77: {  	_ =	shalt  }
0x78: {  	_ =	shalt  }
0x79: {  	_ =	shalt  }
0x7a: {  	_ =	shalt  }
0x7b: {  	_ =	shalt  }
0x7c: {  	_ =	shalt  }
0x7d: {  	_ =	shalt  }
0x7e: {  	_ =	shalt  }
0x7f: {  	_ =	shalt  }
0x80: {  	_ =	shalt  }
0x81: {  	_ =	shalt  }
0x82: {  	_ =	shalt  }
0x83: {  	_ =	shalt  }
0x84: {  	_ =	shalt  }
0x85: {  	_ =	shalt  }
0x86: {  	_ =	shalt  }
0x87: {  	_ =	shalt  }
.Lfunc_end0:
.L_simem_size_0:
called_computation.6_lowered:
.L_overlay_start_0:
0x88: {  	s2 =	sld [smem:$0x3FD9]  }
0x89: {  	s3 =	sld [smem:$0x3FFE];
	_ =	sdelay $0x1  }
0x8a: {  	s1 =	srdreg.scid  }
0x8b: {  	s0 =	sand.u32 $0x1, s1  }
0x8c: {  	s17 =	sshll.u32 s0, $0xA;
	s2 =	sadd.s32 s3, s2  }
0x8d: {  	s2 =	sadd.s32 s2, s17  }
0x8e: {  	[smem:$0x3FBC] =	sst s2  }
0x8f: {  	_ = 	snop  }
0x90: {  	(tm) =	ssettm $0x1  }
0x91: {  	s18 =	sld [smem:$0x3FFB];
	_ =	sdelay $0x3  }
0x92: {  	_ =	strace s18  }
0x93: {  	s2 =	sld [smem:$0x3FFC];
	_ =	sdelay $0x3  }
0x94: {  	_ =	strace s2  }
0x95: {  	s2 =	sld [smem:$0x3FFD];
	_ =	sdelay $0x3  }
0x96: {  	_ =	strace s2  }
0x97: {  	_ =	strace $0x8FFFFFFF  }
0x98: {  	s19 =	sld [smem:$0x3FDB];
	_ =	sdelay $0x1  }
0x99: {  	s20 =	simm.s32 $_scs_section_size  }
0x9a: {  	s4 =	simm.s32 $_size__tile_overlayer_lowered;
	s5 =	simm.s32 $_tile_overlayer_lowered  }
0x9b: {  	s6 =	simm.s32 $0x1BFF;
	s21 =	sshll.u32 s5, $0x1;
	s3 =	sadd.s32 s20, s19  }
0x9c: {  	s22 =	simm.s32 $0x0;
	s4 =	sshll.u32 s4, $0x1;
	s5 =	sadd.s32 s21, s3  }
0x9d: {  	[timem:s22], [sflag:s6] =	dma.local [hbm:s5], s4  }
0x9e: {  	_ =	swait.ge [sflag:s6], s4  }
0x9f: {  	s4 =	ssub.s32 $0x0, s4;
	[sflag:s6] =	ssyncset.done $0x0  }
0xa0: {  	[sflag:s6] =	ssyncadd.s32 s4;
	_ =	sdelay $0x1  }
0xa1: {  	s23 =	simm.s32 $0x1B8B  }
0xa2: {  	_ =	swait.ge [sflag:s23], $0x1  }
0xa3: {  	[sflag:s23] =	ssyncset.done $0x0  }
0xa4: {  	[sflag:s23] =	ssyncadd.s32 $0xFFFFFFFF  }
0xa5: {  	s4 =	sld [smem:$0x0]  }
0xa6: {  	s5 =	sand.u32 $0xFFFFFFFE, s1  }
0xa7: {  	p0 =	sne.s32 s1, s5  }
0xa8: {  	s5 =	sshll.u32 @p0 s5, $0xE  }
0xa9: {  	s5 =	sadd.s32 @p0 $0x11B8D, s5;
	s6 =	sshll.u32 @p0 s4, $0x11  }
0xaa: {  	s5 =	sor.u32 @p0 s6, s5  }
0xab: {  	[sflag:s5] =	ssyncadd.remote.s32 @p0 $0x1;
	_ =	sdelay $0x1  }
0xac: {  	s5 =	simm.s32 @p0 $0x1B8D  }
0xad: {  	_ =	swait.eq @p0 [sflag:s5], $0x1  }
0xae: {  	[sflag:s5] =	ssyncadd.s32 @p0 $0xFFFFFFFF  }
0xaf: {  	s6 =	sshll.u32 @!p0 s1, $0xE  }
0xb0: {  	s6 =	sor.u32 @!p0 $0x4000, s6;
	s5 =	simm.s32 @!p0 $0x1B8D  }
0xb1: {  	s4 =	sshll.u32 @!p0 s4, $0x11;
	s6 =	sadd.s32 @!p0 $0x11B8D, s6;
	_ =	swait.eq @!p0 [sflag:s5], $0x1  }
0xb2: {  	s4 =	sor.u32 @!p0 s4, s6;
	[sflag:s5] =	ssyncadd.s32 @!p0 $0xFFFFFFFF  }
0xb3: {  	s25 =	simm.s32 $0x1B8E;
	s24 =	sld [smem:$0x3FFE];
	[sflag:s4] =	ssyncadd.remote.s32 @!p0 $0x1  }
0xb4: {  	s26 =	simm.s32 $execute0_lowered;
	[smem:$0x3FD2] =	sst s25  }
0xb5: {  	s5 =	sshll.u32 s26, $0x1;
	_ =	strace $0x80000058;
	[dreg:$0x1] =	wrdreg $0xFFFFFFFF  }
0xb6: {  	s28 =	simm.s32 $_size_execute0_lowered;
	s3 =	sadd.s32 s3, s5;
	[dreg:$0x0] =	wrdreg $0x0  }
0xb7: {  	s5 =	sshll.u32 s28, $0x1;
	[dreg:$0x2] =	wrdreg s3  }
0xb8: {  	[dreg:$0x3] =	wrdreg s5  }
0xb9: {  	[dreg:$0x4] =	wrdreg $0xC0  }
0xba: {  	_ =	task [dreg:s22], $0x5FFFF  }
0xbb: {  	[dreg:$0x1] =	wrdreg $0xFFFFFFFF  }
0xbc: {  	[dreg:$0x0] =	wrdreg $0x60  }
0xbd: {  	[dreg:$0x2] =	wrdreg s24  }
0xbe: {  	[dreg:$0x3] =	wrdreg $0x29000  }
0xbf: {  	[dreg:$0x4] =	wrdreg $0x9  }
0xc0: {  	_ =	task.clear_ibuf [dreg:s22], $0x5FFFF;
	_ =	strace $0x90000058  }
0xc1: {  	s29 =	simm.s32 $0x9;
	_ =	strace $0x8000005A  }
0xc2: {  	_ =	swait.ge [sflag:s29], $0x1  }
0xc3: {  	[sflag:s29] =	ssyncadd.s32 $0xFFFFFFFF  }
0xc4: {  	_ =	strace $0x9000005A  }
0xc5: {  	_ =	sfence  }
0xc6: {  	s30 =	sld [smem:$0x0];
	_ =	sdelay $0x2  }
0xc7: {  	s31 =	sshll.u32 s1, $0xD;
	s1 =	sshrl.u32 s1, $0x2  }
0xc8: {  	s4 =	sand.u32 $0x4000, s31;
	s1 =	sadd.s32 s1, s30  }
0xc9: {  	s0 =	sor.u32 s4, s0;
	s1 =	sshll.u32 s1, $0x11  }
0xca: {  	s0 =	sor.u32 s1, s0  }
0xcb: {  	s0 =	sadd.s32 $0x8F2B, s0  }
0xcc: {  	[sflag:s0] =	ssyncadd.remote.s32 $0x1  }
0xcd: {  	_ =	sfence.sel $0xFFFF  }
0xce: {  	[dreg:$0x0] =	wrdreg $0xFFFFFFFF;
	(pc) =	sbr.abs _section_cstart, $3  }
0xcf: {  	[dreg:$0x1] =	wrdreg $0xFFFFFFFF  }
0xd0: {  	_ =	task.clear_ibuf [dreg:s22], $0x2FFFF;
	_ =	strace $0x9FFFFFFF  }
0xd1: {  	(tm) =	ssettm $0x7FFFFFFF  }
tec
execute0_lowered:
.L_overlay_start_1:
0x0: {  	(tag) =	ssettag $0x1  }
0x1: {  	s10 =	rddreg [dreg:$0x0]  }
0x2: {  	s1 =	rddreg [dreg:$0x1]  }
0x3: {  	s0 =	rddreg [dreg:$0x2]  }
0x4: {  	s2 =	simm.s32 $0x0;
	s4 =	srdreg.scid;
	s9 =	simm.s32 $0x5  }
0x5: {  	s16 =	simm.s32 $0x1;
	s18 =	simm.s32 $0x80;
	s19 =	simm.s32 $0x0  }
0x6: {  	[smem:$0x7FF] =	sst s2;
	s3 =	sadd.s32 $0x105E00, s10;
	s5 =	sadd.s32 $0xDEC00, s10  }
0x7: {  	s6 =	sadd.s32 $0x16400, s10;
	s17 =	sand.u32 $0x1, s4;
	s4 =	stileid.u32  }
0x8: {  	s7 =	sadd.s32 $0x11400, s10;
	s8 =	sadd.s32 $0x2400, s10;
	s12 =	smul.u32 $0x2800, s4  }
0x9: {  	_ =	strace $0x80000059;
	s11 =	ssub.s32 $0x2, s17;
	s14 =	smul.u32 $0x50000, s4  }
.Ltmp0:
0xa: {  	p0 =	seq.s32 s4, $0xF;
	s13 =	sshrl.u32 s11, $0x1;
	(pc) =	sbr.rel .LBB2_1-.Ltmp0, $4  }
0xb: {  	s9 =	simm.s32 @!p0 $0x8;
	p0 =	sne.s32 s17, $0x0;
	s17 =	simm.s32 $0x50  }
0xc: {  	s15 =	sadd.s32 s12, s10;
	s11 =	ssub.s32 s11, s13;
	s31 =	sshrl.u32 s14, $0x2  }
0xd: {  	s10 =	smul.u32 $0x2710, s4;
	s11 =	smax.u32 s11, $0x1;
	s12 =	sadd.s32 s31, s1  }
0xe: {  	s13 =	sadd.s32 $0x154200, s15;
	s14 =	sadd.s32 $0x12D000, s15;
	s15 =	simm.s32 $0x100  }
.LBB2_13:
0xf: {  	[sflag:s16] =	ssyncadd.s32 $0xFFFFD800  }
.LBB2_14:
0x10: {  	s19 =	sadd.s32 $0x1, s19  }
0x11: {  	p1 =	sne.s32 s19, s11  }
.Ltmp1:
0x12: {  	_ = 	snop;
	(pc) =	sbr.rel @!p1 .LBB2_15-.Ltmp1, $1  }
0x13: {  	_ =	sdelay $0x3  }
.LBB2_1:
0x14: {  	[tilespmem:s15], [sflag:$0x1] =	stream.linear.gather [hbm4b:s8+s2], $0x2800, $0x38;
	[tilespmem:$0x16180] =	vst v63  }
0x15: {  	p1 =	sne.s32 s9, $0x1;
	_ =	swait.ge [sflag:s16], $0x2800  }
.Ltmp2:
0x16: {  	[sflag:s16] =	ssyncset.done $0x0;
	(pc) =	sbr.rel @!p1 .LBB2_3-.Ltmp2, $4  }
0x17: {  	[sflag:s16] =	ssyncadd.s32 $0xFFFFD800  }
0x18: {  	[spmem:s12] =	stream.linear.scatter [tilespmem:s15], [sflag:$0x1], $0x2800, $0x38;
	[tilespmem:$0x16180] =	vst v63  }
0x19: {  	_ =	swait.ge [sflag:s16], $0x2800  }
0x1a: {  	s20 =	sadd.s32 $0xFFFFFFFF, s9;
	s21 =	smov.u32 s12;
	[sflag:s16] =	ssyncset.done $0x0  }
.LBB2_2:
0x1b: {  	p2 =	sne.s32 s20, $0x1;
	[sflag:s16] =	ssyncadd.s32 $0xFFFFD800;
	s21 =	sadd.s32 $0x2800, s21  }
.Ltmp3:
0x1c: {  	s20 =	sadd.s32 $0xFFFFFFFF, s20;
	(pc) =	sbr.rel @p2 .LBB2_2-.Ltmp3, $4  }
0x1d: {  	_ = 	snop  }
0x1e: {  	[spmem:s21] =	stream.linear.scatter [tilespmem:s15], [sflag:$0x1], $0x2800, $0x38;
	[tilespmem:$0x16180] =	vst v63  }
0x1f: {  	_ =	swait.ge [sflag:s16], $0x2800  }
0x20: {  	[sflag:s16] =	ssyncset.done $0x0  }
.LBB2_3:
0x21: {  	s20 =	simm.s32 $0x0  }
0x22: {  	s20 =	smul.u32 $0x39, s20;
	_ =	sdelay $0x1  }
0x23: {  	s21 =	sand.u32 $0xFFFF, s20  }
0x24: {  	s21 =	smul.u32 $0x625, s21;
	_ =	sdelay $0x1  }
0x25: {  	s21 =	sshrl.u32 s21, $0x10  }
0x26: {  	s22 =	ssub.s32 s20, s21  }
0x27: {  	s22 =	sand.u32 $0xFFFE, s22  }
0x28: {  	s22 =	sshrl.u32 s22, $0x1  }
0x29: {  	s23 =	simm.s32 $0x1;
	s21 =	sadd.s32 s21, s22  }
0x2a: {  	s22 =	smul.u32 $0x39, s23;
	s21 =	sshrl.u32 s21, $0x6  }
0x2b: {  	s30 =	simm.s32 $0x2;
	s24 =	smul.u32 $0x7D, s21  }
0x2c: {  	s23 =	sand.u32 $0xFFFF, s22;
	s21 =	smul.u32 $0x39, s30  }
0x2d: {  	s23 =	smul.u32 $0x625, s23;
	s20 =	ssub.s32 s20, s24  }
0x2e: {  	[sflag:s16] =	ssyncadd.s32 $0xFFFFD800;
	s20 =	smul.u32 $0x50, s20  }
.Ltmp4:
0x2f: {  	s26 =	simm.s32 $0x3;
	s25 =	sand.u32 $0xFFFF, s21;
	(pc) =	sbr.rel @p0 .LBB2_9-.Ltmp4, $4  }
0x30: {  	s23 =	sshrl.u32 s23, $0x10;
	s25 =	smul.u32 $0x625, s25;
	s20 =	sand.u32 $0xFFF0, s20  }
0x31: {  	[bflag:$0x0] =	sbarrier.arrive $0xFFFF;
	s31 =	ssub.s32 s22, s23;
	s20 =	sadd.s32 s20, s10  }
0x32: {  	s24 =	sand.u32 $0xFFFE, s31;
	s25 =	sshrl.u32 s25, $0x10;
	s28 =	sshrl.u32 s20, $0x3  }
0x33: {  	s24 =	sshrl.u32 s24, $0x1;
	s20 =	smul.u32 $0x39, s26;
	s26 =	sadd.s32 s6, s28  }
0x34: {  	[tilespmem:s2], [sflag:$0x1] =	stream.linear.gather [hbm4b:s26+s2], $0x50, $0x38;
	[tilespmem:$0x16180] =	vst v63  }
0x35: {  	s23 =	sadd.s32 s23, s24;
	s26 =	ssub.s32 s21, s25;
	_ =	swait.ge [sflag:s16], $0x50  }
0x36: {  	s28 =	sadd.s32 s7, s28;
	s24 =	sand.u32 $0xFFFE, s26;
	[sflag:s16] =	ssyncset.done $0x0  }
0x37: {  	s29 =	sand.u32 $0xFFFF, s20;
	s24 =	sshrl.u32 s24, $0x1;
	[sflag:s16] =	ssyncadd.s32 $0xFFFFFFB0  }
0x38: {  	[tilespmem:s15], [sflag:$0x1] =	stream.indirect.gather [hbm4b:s3+s17], $0x80, s2, s17, $0xb8;
	[tilespmem:$0x16180] =	vst v63  }
0x39: {  	s26 =	smul.u32 $0x625, s29;
	s29 =	sshrl.u32 s23, $0x6;
	_ =	swait.ge [sflag:s16], $0x2800  }
0x3a: {  	s30 =	sadd.s32 s25, s24;
	s31 =	smul.u32 $0x7D, s29;
	[sflag:s16] =	ssyncset.done $0x0  }
0x3b: {  	s24 =	simm.s32 $0x4;
	s25 =	sshrl.u32 s26, $0x10;
	[sflag:s16] =	ssyncadd.s32 $0xFFFFD800  }
0x3c: {  	[tilespmem:s18], [sflag:$0x1] =	stream.linear.gather [hbm4b:s28+s2], $0x50, $0x38;
	[tilespmem:$0x16180] =	vst v63  }
0x3d: {  	s23 =	sshrl.u32 s30, $0x6;
	s29 =	ssub.s32 s20, s25;
	_ =	swait.ge [sflag:s16], $0x50  }
0x3e: {  	s22 =	ssub.s32 s22, s31;
	s28 =	sand.u32 $0xFFFE, s29;
	[sflag:s16] =	ssyncset.done $0x0  }
0x3f: {  	s22 =	smul.u32 $0x50, s22;
	s30 =	sshrl.u32 s28, $0x1;
	[sflag:s16] =	ssyncadd.s32 $0xFFFFFFB0  }
0x40: {  	[spmem:s1] =	stream.indirect.scatter.add.f32 [tilespmem:s15], [sflag:$0x1], $0x80, s18, s17, $0xb8;
	[tilespmem:$0x16180] =	vst v63  }
0x41: {  	s31 =	sand.u32 $0xFFF0, s22;
	s25 =	sadd.s32 s25, s30;
	_ =	swait.ge [sflag:s16], $0x2800  }
0x42: {  	s22 =	sshrl.u32 s25, $0x6;
	s25 =	sadd.s32 s31, s10;
	[sflag:s16] =	ssyncset.done $0x0  }
.LBB2_5:
0x43: {  	s25 =	sshrl.u32 s25, $0x3;
	[sflag:s16] =	ssyncadd.s32 $0xFFFFD800  }
0x44: {  	s26 =	smov.u32 s24;
	s28 =	sadd.s32 $0x1, s24;
	s29 =	smov.u32 s20  }
0x45: {  	p1 =	seq.s32 s24, $0x7C;
	s20 =	smul.u32 $0x39, s26;
	s24 =	sadd.s32 s6, s25  }
0x46: {  	[tilespmem:s2], [sflag:$0x1] =	stream.linear.gather [hbm4b:s24+s2], $0x50, $0x38;
	[tilespmem:$0x16180] =	vst v63  }
0x47: {  	s24 =	sand.u32 $0xFFFF, s20;
	_ =	swait.ge [sflag:s16], $0x50  }
0x48: {  	[sflag:s16] =	ssyncset.done $0x0  }
0x49: {  	s24 =	smul.u32 $0x625, s24;
	[sflag:s16] =	ssyncadd.s32 $0xFFFFFFB0  }
0x4a: {  	[tilespmem:s15], [sflag:$0x1] =	stream.indirect.gather [hbm4b:s3+s17], $0x80, s2, s17, $0xb8;
	[tilespmem:$0x16180] =	vst v63  }
0x4b: {  	s30 =	smul.u32 $0x7D, s23;
	s24 =	sshrl.u32 s24, $0x10;
	_ =	swait.ge [sflag:s16], $0x2800  }
0x4c: {  	s23 =	sadd.s32 s7, s25;
	s26 =	ssub.s32 s20, s24;
	[sflag:s16] =	ssyncset.done $0x0  }
0x4d: {  	s21 =	ssub.s32 s21, s30;
	s26 =	sand.u32 $0xFFFE, s26;
	[sflag:s16] =	ssyncadd.s32 $0xFFFFD800  }
0x4e: {  	[tilespmem:s18], [sflag:$0x1] =	stream.linear.gather [hbm4b:s23+s2], $0x50, $0x38;
	[tilespmem:$0x16180] =	vst v63  }
0x4f: {  	s21 =	smul.u32 $0x50, s21;
	s23 =	smov.u32 s22;
	_ =	swait.ge [sflag:s16], $0x50  }
.Ltmp5:
0x50: {  	s22 =	sshrl.u32 s26, $0x1;
	[sflag:s16] =	ssyncset.done $0x0;
	(pc) =	sbr.rel @!p1 .LBB2_5-.Ltmp5, $4  }
0x51: {  	s21 =	sand.u32 $0xFFF0, s21;
	s22 =	sadd.s32 s24, s22;
	[sflag:s16] =	ssyncadd.s32 $0xFFFFFFB0  }
0x52: {  	[spmem:s1] =	stream.indirect.scatter.add.f32 [tilespmem:s15], [sflag:$0x1], $0x80, s18, s17, $0xb8;
	[tilespmem:$0x16180] =	vst v63  }
0x53: {  	s25 =	sadd.s32 s21, s10;
	s22 =	sshrl.u32 s22, $0x6;
	_ =	swait.ge [sflag:s16], $0x2800  }
0x54: {  	s21 =	smov.u32 s29;
	s24 =	smov.u32 s28;
	[sflag:s16] =	ssyncset.done $0x0  }
0x55: {  	s24 =	sshrl.u32 s25, $0x3  }
0x56: {  	[sflag:s16] =	ssyncadd.s32 $0xFFFFD800;
	s25 =	sadd.s32 s6, s24  }
0x57: {  	[tilespmem:s2], [sflag:$0x1] =	stream.linear.gather [hbm4b:s25+s2], $0x50, $0x38;
	[tilespmem:$0x16180] =	vst v63  }
0x58: {  	_ =	swait.ge [sflag:s16], $0x50  }
0x59: {  	[sflag:s16] =	ssyncset.done $0x0  }
0x5a: {  	[sflag:s16] =	ssyncadd.s32 $0xFFFFFFB0  }
0x5b: {  	[tilespmem:s15], [sflag:$0x1] =	stream.indirect.gather [hbm4b:s3+s17], $0x80, s2, s17, $0xb8;
	[tilespmem:$0x16180] =	vst v63  }
0x5c: {  	s23 =	smul.u32 $0x7D, s23;
	_ =	swait.ge [sflag:s16], $0x2800  }
0x5d: {  	[sflag:s16] =	ssyncset.done $0x0  }
0x5e: {  	s24 =	sadd.s32 s7, s24;
	s21 =	ssub.s32 s21, s23;
	[sflag:s16] =	ssyncadd.s32 $0xFFFFD800  }
0x5f: {  	[tilespmem:s18], [sflag:$0x1] =	stream.linear.gather [hbm4b:s24+s2], $0x50, $0x38;
	[tilespmem:$0x16180] =	vst v63  }
0x60: {  	s21 =	smul.u32 $0x50, s21;
	_ =	swait.ge [sflag:s16], $0x50  }
0x61: {  	[sflag:s16] =	ssyncset.done $0x0  }
0x62: {  	s21 =	sand.u32 $0xFFF0, s21;
	[sflag:s16] =	ssyncadd.s32 $0xFFFFFFB0  }
0x63: {  	[spmem:s1] =	stream.indirect.scatter.add.f32 [tilespmem:s15], [sflag:$0x1], $0x80, s18, s17, $0xb8;
	[tilespmem:$0x16180] =	vst v63  }
0x64: {  	s21 =	sadd.s32 s21, s10;
	_ =	swait.ge [sflag:s16], $0x2800  }
0x65: {  	s21 =	sshrl.u32 s21, $0x3;
	[sflag:s16] =	ssyncset.done $0x0  }
0x66: {  	s30 =	sadd.s32 s6, s21;
	[sflag:s16] =	ssyncadd.s32 $0xFFFFD800  }
0x67: {  	[tilespmem:s2], [sflag:$0x1] =	stream.linear.gather [hbm4b:s30+s2], $0x50, $0x38;
	[tilespmem:$0x16180] =	vst v63  }
0x68: {  	_ =	swait.ge [sflag:s16], $0x50  }
0x69: {  	[sflag:s16] =	ssyncset.done $0x0  }
0x6a: {  	[sflag:s16] =	ssyncadd.s32 $0xFFFFFFB0  }
0x6b: {  	[tilespmem:s15], [sflag:$0x1] =	stream.indirect.gather [hbm4b:s3+s17], $0x80, s2, s17, $0xb8;
	[tilespmem:$0x16180] =	vst v63  }
0x6c: {  	s22 =	smul.u32 $0x7D, s22;
	_ =	swait.ge [sflag:s16], $0x2800  }
0x6d: {  	[sflag:s16] =	ssyncset.done $0x0  }
0x6e: {  	s20 =	ssub.s32 s20, s22;
	s21 =	sadd.s32 s7, s21;
	[sflag:s16] =	ssyncadd.s32 $0xFFFFD800  }
0x6f: {  	[tilespmem:s18], [sflag:$0x1] =	stream.linear.gather [hbm4b:s21+s2], $0x50, $0x38;
	[tilespmem:$0x16180] =	vst v63  }
0x70: {  	s20 =	smul.u32 $0x50, s20;
	_ =	swait.ge [sflag:s16], $0x50  }
0x71: {  	[sflag:s16] =	ssyncset.done $0x0  }
0x72: {  	s20 =	sand.u32 $0xFFF0, s20;
	[sflag:s16] =	ssyncadd.s32 $0xFFFFFFB0  }
0x73: {  	[spmem:s1] =	stream.indirect.scatter.add.f32 [tilespmem:s15], [sflag:$0x1], $0x80, s18, s17, $0xb8;
	[tilespmem:$0x16180] =	vst v63  }
0x74: {  	s20 =	sadd.s32 s20, s10;
	_ =	swait.ge [sflag:s16], $0x2800  }
0x75: {  	s20 =	sshrl.u32 s20, $0x3;
	[sflag:s16] =	ssyncset.done $0x0  }
0x76: {  	s31 =	sadd.s32 s6, s20;
	[sflag:s16] =	ssyncadd.s32 $0xFFFFD800  }
0x77: {  	[tilespmem:s2], [sflag:$0x1] =	stream.linear.gather [hbm4b:s31+s2], $0x50, $0x38;
	[tilespmem:$0x16180] =	vst v63  }
0x78: {  	_ =	swait.ge [sflag:s16], $0x50  }
0x79: {  	[sflag:s16] =	ssyncset.done $0x0  }
0x7a: {  	[sflag:s16] =	ssyncadd.s32 $0xFFFFFFB0  }
0x7b: {  	[tilespmem:s15], [sflag:$0x1] =	stream.indirect.gather [hbm4b:s3+s17], $0x80, s2, s17, $0xb8;
	[tilespmem:$0x16180] =	vst v63  }
0x7c: {  	_ =	swait.ge [sflag:s16], $0x2800  }
0x7d: {  	[sflag:s16] =	ssyncset.done $0x0  }
0x7e: {  	s20 =	sadd.s32 s7, s20;
	[sflag:s16] =	ssyncadd.s32 $0xFFFFD800  }
0x7f: {  	[tilespmem:s18], [sflag:$0x1] =	stream.linear.gather [hbm4b:s20+s2], $0x50, $0x38;
	[tilespmem:$0x16180] =	vst v63  }
0x80: {  	_ =	swait.ge [sflag:s16], $0x50  }
0x81: {  	[sflag:s16] =	ssyncset.done $0x0  }
0x82: {  	[sflag:s16] =	ssyncadd.s32 $0xFFFFFFB0  }
0x83: {  	[spmem:s1] =	stream.indirect.scatter.add.f32 [tilespmem:s15], [sflag:$0x1], $0x80, s18, s17, $0xb8;
	[tilespmem:$0x16180] =	vst v63  }
0x84: {  	_ =	swait.ge [sflag:s16], $0x2800  }
0x85: {  	[sflag:s16] =	ssyncset.done $0x0  }
0x86: {  	[sflag:s16] =	ssyncadd.s32 $0xFFFFD800  }
0x87: {  	[bflag:$0x0] =	sbarrier.arrive $0xFFFF  }
0x88: {  	[tilespmem:s15], [sflag:$0x1] =	stream.linear.gather [spmem:s12], $0x2800, $0x38;
	[tilespmem:$0x16180] =	vst v63  }
0x89: {  	p1 =	seq.s32 s9, $0x1;
	_ =	swait.ge [sflag:s16], $0x2800  }
.Ltmp6:
0x8a: {  	[sflag:s16] =	ssyncset.done $0x0;
	(pc) =	sbr.rel @p1 .LBB2_8-.Ltmp6, $4  }
0x8b: {  	[sflag:s16] =	ssyncadd.s32 $0xFFFFD800  }
0x8c: {  	[hbm4b:s14+s2] =	stream.linear.scatter [tilespmem:s15], [sflag:$0x1], $0x2800, $0x38;
	[tilespmem:$0x16180] =	vst v63  }
0x8d: {  	s22 =	smov.u32 s12;
	_ =	swait.ge [sflag:s16], $0x2800  }
0x8e: {  	s21 =	smov.u32 s14;
	s20 =	sadd.s32 $0xFFFFFFFF, s9;
	[sflag:s16] =	ssyncset.done $0x0  }
.LBB2_7:
0x8f: {  	[sflag:s16] =	ssyncadd.s32 $0xFFFFD800;
	s21 =	sadd.s32 $0x500, s21;
	s22 =	sadd.s32 $0x2800, s22  }
0x90: {  	[tilespmem:s15], [sflag:$0x1] =	stream.linear.gather [spmem:s22], $0x2800, $0x38;
	[tilespmem:$0x16180] =	vst v63  }
0x91: {  	p1 =	seq.s32 s20, $0x1;
	s20 =	sadd.s32 $0xFFFFFFFF, s20;
	_ =	swait.ge [sflag:s16], $0x2800  }
.Ltmp7:
0x92: {  	[sflag:s16] =	ssyncset.done $0x0;
	(pc) =	sbr.rel @!p1 .LBB2_7-.Ltmp7, $4  }
0x93: {  	[sflag:s16] =	ssyncadd.s32 $0xFFFFD800  }
0x94: {  	[hbm4b:s21+s2] =	stream.linear.scatter [tilespmem:s15], [sflag:$0x1], $0x2800, $0x38;
	[tilespmem:$0x16180] =	vst v63  }
0x95: {  	_ =	swait.ge [sflag:s16], $0x2800  }
0x96: {  	[sflag:s16] =	ssyncset.done $0x0  }
.LBB2_8:
.Ltmp8:
0x97: {  	(pc) =	sbr.rel .LBB2_14-.Ltmp8, $2  }
0x98: {  	_ =	sdelay $0x2  }
0x99: {  	[sflag:s16] =	ssyncadd.s32 $0xFFFFD800  }
.LBB2_9:
0x9a: {  	[tilespmem:s2], [sflag:$0x1] =	stream.linear.gather [hbm4b:s26+s2], $0x50, $0x38;
	[tilespmem:$0x16180] =	vst v63  }
0x9b: {  	s23 =	sadd.s32 s23, s24;
	s26 =	ssub.s32 s21, s25;
	_ =	swait.ge [sflag:s16], $0x50  }
0x9c: {  	s28 =	sadd.s32 s7, s28;
	s24 =	sand.u32 $0xFFFE, s26;
	[sflag:s16] =	ssyncset.done $0x0  }
0x9d: {  	s29 =	sand.u32 $0xFFFF, s20;
	s24 =	sshrl.u32 s24, $0x1;
	[sflag:s16] =	ssyncadd.s32 $0xFFFFFFB0  }
0x9e: {  	[tilespmem:s15], [sflag:$0x1] =	stream.indirect.gather [hbm4b:s5+s17], $0x80, s2, s17, $0xb8;
	[tilespmem:$0x16180] =	vst v63  }
0x9f: {  	s26 =	smul.u32 $0x625, s29;
	s29 =	sshrl.u32 s23, $0x6;
	_ =	swait.ge [sflag:s16], $0x2800  }
0xa0: {  	s30 =	sadd.s32 s25, s24;
	s31 =	smul.u32 $0x7D, s29;
	[sflag:s16] =	ssyncset.done $0x0  }
0xa1: {  	s24 =	simm.s32 $0x4;
	s25 =	sshrl.u32 s26, $0x10;
	[sflag:s16] =	ssyncadd.s32 $0xFFFFD800  }
0xa2: {  	[tilespmem:s18], [sflag:$0x1] =	stream.linear.gather [hbm4b:s28+s2], $0x50, $0x38;
	[tilespmem:$0x16180] =	vst v63  }
0xa3: {  	s23 =	sshrl.u32 s30, $0x6;
	s29 =	ssub.s32 s20, s25;
	_ =	swait.ge [sflag:s16], $0x50  }
0xa4: {  	s22 =	ssub.s32 s22, s31;
	s28 =	sand.u32 $0xFFFE, s29;
	[sflag:s16] =	ssyncset.done $0x0  }
0xa5: {  	s22 =	smul.u32 $0x50, s22;
	s30 =	sshrl.u32 s28, $0x1;
	[sflag:s16] =	ssyncadd.s32 $0xFFFFFFB0  }
0xa6: {  	[spmem:s1] =	stream.indirect.scatter.add.f32 [tilespmem:s15], [sflag:$0x1], $0x80, s18, s17, $0xb8;
	[tilespmem:$0x16180] =	vst v63  }
0xa7: {  	s31 =	sand.u32 $0xFFF0, s22;
	s25 =	sadd.s32 s25, s30;
	_ =	swait.ge [sflag:s16], $0x2800  }
0xa8: {  	s22 =	sshrl.u32 s25, $0x6;
	s25 =	sadd.s32 s31, s10;
	[sflag:s16] =	ssyncset.done $0x0  }
.LBB2_10:
0xa9: {  	s25 =	sshrl.u32 s25, $0x3;
	[sflag:s16] =	ssyncadd.s32 $0xFFFFD800  }
0xaa: {  	s26 =	smov.u32 s24;
	s28 =	sadd.s32 $0x1, s24;
	s29 =	smov.u32 s20  }
0xab: {  	p2 =	seq.s32 s24, $0x7C;
	s20 =	smul.u32 $0x39, s26;
	s24 =	sadd.s32 s6, s25  }
0xac: {  	[tilespmem:s2], [sflag:$0x1] =	stream.linear.gather [hbm4b:s24+s2], $0x50, $0x38;
	[tilespmem:$0x16180] =	vst v63  }
0xad: {  	s24 =	sand.u32 $0xFFFF, s20;
	_ =	swait.ge [sflag:s16], $0x50  }
0xae: {  	[sflag:s16] =	ssyncset.done $0x0  }
0xaf: {  	s24 =	smul.u32 $0x625, s24;
	[sflag:s16] =	ssyncadd.s32 $0xFFFFFFB0  }
0xb0: {  	[tilespmem:s15], [sflag:$0x1] =	stream.indirect.gather [hbm4b:s5+s17], $0x80, s2, s17, $0xb8;
	[tilespmem:$0x16180] =	vst v63  }
0xb1: {  	s30 =	smul.u32 $0x7D, s23;
	s24 =	sshrl.u32 s24, $0x10;
	_ =	swait.ge [sflag:s16], $0x2800  }
0xb2: {  	s23 =	sadd.s32 s7, s25;
	s26 =	ssub.s32 s20, s24;
	[sflag:s16] =	ssyncset.done $0x0  }
0xb3: {  	s21 =	ssub.s32 s21, s30;
	s26 =	sand.u32 $0xFFFE, s26;
	[sflag:s16] =	ssyncadd.s32 $0xFFFFD800  }
0xb4: {  	[tilespmem:s18], [sflag:$0x1] =	stream.linear.gather [hbm4b:s23+s2], $0x50, $0x38;
	[tilespmem:$0x16180] =	vst v63  }
0xb5: {  	s21 =	smul.u32 $0x50, s21;
	s23 =	smov.u32 s22;
	_ =	swait.ge [sflag:s16], $0x50  }
.Ltmp9:
0xb6: {  	s22 =	sshrl.u32 s26, $0x1;
	[sflag:s16] =	ssyncset.done $0x0;
	(pc) =	sbr.rel @!p2 .LBB2_10-.Ltmp9, $4  }
0xb7: {  	s21 =	sand.u32 $0xFFF0, s21;
	s22 =	sadd.s32 s24, s22;
	[sflag:s16] =	ssyncadd.s32 $0xFFFFFFB0  }
0xb8: {  	[spmem:s1] =	stream.indirect.scatter.add.f32 [tilespmem:s15], [sflag:$0x1], $0x80, s18, s17, $0xb8;
	[tilespmem:$0x16180] =	vst v63  }
0xb9: {  	s25 =	sadd.s32 s21, s10;
	s22 =	sshrl.u32 s22, $0x6;
	_ =	swait.ge [sflag:s16], $0x2800  }
0xba: {  	s21 =	smov.u32 s29;
	s24 =	smov.u32 s28;
	[sflag:s16] =	ssyncset.done $0x0  }
0xbb: {  	s24 =	sshrl.u32 s25, $0x3  }
0xbc: {  	[sflag:s16] =	ssyncadd.s32 $0xFFFFD800;
	s25 =	sadd.s32 s6, s24  }
0xbd: {  	[tilespmem:s2], [sflag:$0x1] =	stream.linear.gather [hbm4b:s25+s2], $0x50, $0x38;
	[tilespmem:$0x16180] =	vst v63  }
0xbe: {  	_ =	swait.ge [sflag:s16], $0x50  }
0xbf: {  	[sflag:s16] =	ssyncset.done $0x0  }
0xc0: {  	[sflag:s16] =	ssyncadd.s32 $0xFFFFFFB0  }
0xc1: {  	[tilespmem:s15], [sflag:$0x1] =	stream.indirect.gather [hbm4b:s5+s17], $0x80, s2, s17, $0xb8;
	[tilespmem:$0x16180] =	vst v63  }
0xc2: {  	s23 =	smul.u32 $0x7D, s23;
	_ =	swait.ge [sflag:s16], $0x2800  }
0xc3: {  	[sflag:s16] =	ssyncset.done $0x0  }
0xc4: {  	s24 =	sadd.s32 s7, s24;
	s21 =	ssub.s32 s21, s23;
	[sflag:s16] =	ssyncadd.s32 $0xFFFFD800  }
0xc5: {  	[tilespmem:s18], [sflag:$0x1] =	stream.linear.gather [hbm4b:s24+s2], $0x50, $0x38;
	[tilespmem:$0x16180] =	vst v63  }
0xc6: {  	s21 =	smul.u32 $0x50, s21;
	_ =	swait.ge [sflag:s16], $0x50  }
0xc7: {  	[sflag:s16] =	ssyncset.done $0x0  }
0xc8: {  	s21 =	sand.u32 $0xFFF0, s21;
	[sflag:s16] =	ssyncadd.s32 $0xFFFFFFB0  }
0xc9: {  	[spmem:s1] =	stream.indirect.scatter.add.f32 [tilespmem:s15], [sflag:$0x1], $0x80, s18, s17, $0xb8;
	[tilespmem:$0x16180] =	vst v63  }
0xca: {  	s21 =	sadd.s32 s21, s10;
	_ =	swait.ge [sflag:s16], $0x2800  }
0xcb: {  	s21 =	sshrl.u32 s21, $0x3;
	[sflag:s16] =	ssyncset.done $0x0  }
0xcc: {  	s30 =	sadd.s32 s6, s21;
	[sflag:s16] =	ssyncadd.s32 $0xFFFFD800  }
0xcd: {  	[tilespmem:s2], [sflag:$0x1] =	stream.linear.gather [hbm4b:s30+s2], $0x50, $0x38;
	[tilespmem:$0x16180] =	vst v63  }
0xce: {  	_ =	swait.ge [sflag:s16], $0x50  }
0xcf: {  	[sflag:s16] =	ssyncset.done $0x0  }
0xd0: {  	[sflag:s16] =	ssyncadd.s32 $0xFFFFFFB0  }
0xd1: {  	[tilespmem:s15], [sflag:$0x1] =	stream.indirect.gather [hbm4b:s5+s17], $0x80, s2, s17, $0xb8;
	[tilespmem:$0x16180] =	vst v63  }
0xd2: {  	s22 =	smul.u32 $0x7D, s22;
	_ =	swait.ge [sflag:s16], $0x2800  }
0xd3: {  	[sflag:s16] =	ssyncset.done $0x0  }
0xd4: {  	s20 =	ssub.s32 s20, s22;
	s21 =	sadd.s32 s7, s21;
	[sflag:s16] =	ssyncadd.s32 $0xFFFFD800  }
0xd5: {  	[tilespmem:s18], [sflag:$0x1] =	stream.linear.gather [hbm4b:s21+s2], $0x50, $0x38;
	[tilespmem:$0x16180] =	vst v63  }
0xd6: {  	s20 =	smul.u32 $0x50, s20;
	_ =	swait.ge [sflag:s16], $0x50  }
0xd7: {  	[sflag:s16] =	ssyncset.done $0x0  }
0xd8: {  	s20 =	sand.u32 $0xFFF0, s20;
	[sflag:s16] =	ssyncadd.s32 $0xFFFFFFB0  }
0xd9: {  	[spmem:s1] =	stream.indirect.scatter.add.f32 [tilespmem:s15], [sflag:$0x1], $0x80, s18, s17, $0xb8;
	[tilespmem:$0x16180] =	vst v63  }
0xda: {  	s20 =	sadd.s32 s20, s10;
	_ =	swait.ge [sflag:s16], $0x2800  }
0xdb: {  	s20 =	sshrl.u32 s20, $0x3;
	[sflag:s16] =	ssyncset.done $0x0  }
0xdc: {  	s31 =	sadd.s32 s6, s20;
	[sflag:s16] =	ssyncadd.s32 $0xFFFFD800  }
0xdd: {  	[tilespmem:s2], [sflag:$0x1] =	stream.linear.gather [hbm4b:s31+s2], $0x50, $0x38;
	[tilespmem:$0x16180] =	vst v63  }
0xde: {  	_ =	swait.ge [sflag:s16], $0x50  }
0xdf: {  	[sflag:s16] =	ssyncset.done $0x0  }
0xe0: {  	[sflag:s16] =	ssyncadd.s32 $0xFFFFFFB0  }
0xe1: {  	[tilespmem:s15], [sflag:$0x1] =	stream.indirect.gather [hbm4b:s5+s17], $0x80, s2, s17, $0xb8;
	[tilespmem:$0x16180] =	vst v63  }
0xe2: {  	_ =	swait.ge [sflag:s16], $0x2800  }
0xe3: {  	[sflag:s16] =	ssyncset.done $0x0  }
0xe4: {  	s20 =	sadd.s32 s7, s20;
	[sflag:s16] =	ssyncadd.s32 $0xFFFFD800  }
0xe5: {  	[tilespmem:s18], [sflag:$0x1] =	stream.linear.gather [hbm4b:s20+s2], $0x50, $0x38;
	[tilespmem:$0x16180] =	vst v63  }
0xe6: {  	_ =	swait.ge [sflag:s16], $0x50  }
0xe7: {  	[sflag:s16] =	ssyncset.done $0x0  }
0xe8: {  	[sflag:s16] =	ssyncadd.s32 $0xFFFFFFB0  }
0xe9: {  	[spmem:s1] =	stream.indirect.scatter.add.f32 [tilespmem:s15], [sflag:$0x1], $0x80, s18, s17, $0xb8;
	[tilespmem:$0x16180] =	vst v63  }
0xea: {  	_ =	swait.ge [sflag:s16], $0x2800  }
0xeb: {  	[sflag:s16] =	ssyncset.done $0x0  }
0xec: {  	[sflag:s16] =	ssyncadd.s32 $0xFFFFD800  }
0xed: {  	[bflag:$0x0] =	sbarrier.arrive $0xFFFF  }
0xee: {  	[tilespmem:s15], [sflag:$0x1] =	stream.linear.gather [spmem:s12], $0x2800, $0x38;
	[tilespmem:$0x16180] =	vst v63  }
0xef: {  	_ =	swait.ge [sflag:s16], $0x2800  }
.Ltmp10:
0xf0: {  	[sflag:s16] =	ssyncset.done $0x0;
	(pc) =	sbr.rel @!p1 .LBB2_13-.Ltmp10, $4  }
0xf1: {  	[sflag:s16] =	ssyncadd.s32 $0xFFFFD800  }
0xf2: {  	[hbm4b:s13+s2] =	stream.linear.scatter [tilespmem:s15], [sflag:$0x1], $0x2800, $0x38;
	[tilespmem:$0x16180] =	vst v63  }
0xf3: {  	s22 =	smov.u32 s12;
	_ =	swait.ge [sflag:s16], $0x2800  }
0xf4: {  	s21 =	smov.u32 s13;
	s20 =	sadd.s32 $0xFFFFFFFF, s9;
	[sflag:s16] =	ssyncset.done $0x0  }
.LBB2_12:
0xf5: {  	[sflag:s16] =	ssyncadd.s32 $0xFFFFD800;
	s21 =	sadd.s32 $0x500, s21;
	s22 =	sadd.s32 $0x2800, s22  }
0xf6: {  	[tilespmem:s15], [sflag:$0x1] =	stream.linear.gather [spmem:s22], $0x2800, $0x38;
	[tilespmem:$0x16180] =	vst v63  }
0xf7: {  	p1 =	sne.s32 s20, $0x1;
	s20 =	sadd.s32 $0xFFFFFFFF, s20;
	_ =	swait.ge [sflag:s16], $0x2800  }
.Ltmp11:
0xf8: {  	[sflag:s16] =	ssyncset.done $0x0;
	(pc) =	sbr.rel @p1 .LBB2_12-.Ltmp11, $4  }
0xf9: {  	[sflag:s16] =	ssyncadd.s32 $0xFFFFD800  }
0xfa: {  	[hbm4b:s21+s2] =	stream.linear.scatter [tilespmem:s15], [sflag:$0x1], $0x2800, $0x38;
	[tilespmem:$0x16180] =	vst v63  }
0xfb: {  	_ =	swait.ge [sflag:s16], $0x2800  }
0xfc: {  	[sflag:s16] =	ssyncset.done $0x0  }
.Ltmp12:
0xfd: {  	_ = 	snop;
	(pc) =	sbr.rel .LBB2_13-.Ltmp12, $1  }
0xfe: {  	_ =	sdelay $0x3  }
.LBB2_15:
0xff: {  	_ =	sfence.sel $0x180000  }
0x100: {  	[bflag:$0x0] =	sbarrier.arrive $0xFFFF  }
0x101: {  	p0 =	sne.s32 s4, $0x0;
	_ =	strace $0x90000059  }
0x102: {  	s0 =	sadd.s32 @!p0 $0x100000, s0;
	[bflag:$0x2] =	sbarrier.arrive $0xFFFF  }
0x103: {  	[sflag:s0] =	ssyncadd.tile.s32 @!p0 $0x1;
	_ =	shalt  }
.Lfunc_end2:
_tile_overlayer_lowered:
.L_overlay_start_2:
0x104: {  	(tag) =	ssettag $0x2  }
0x105: {  	s0 =	rddreg [dreg:$0x0];
	s2 =	stileid.u32  }
0x106: {  	s1 =	rddreg [dreg:$0x1];
	p0 =	sne.s32 s2, $0x0  }
0x107: {  	s3 =	rddreg [dreg:$0x2];
	[bflag:$0x3] =	sbarrier.arrive $0xFFFF;
	s2 =	simm.s32 @!p0 $0x1C01  }
0x108: {  	[timem:s3], [sflag:s2] =	dma.local @!p0 [hbm:s0], s1  }
0x109: {  	s0 =	simm.s32 @!p0 $0x1  }
0x10a: {  	_ =	swait.ge @!p0 [sflag:s0], s1  }
0x10b: {  	s1 =	ssub.s32 @!p0 $0x0, s1;
	[sflag:s0] =	ssyncset.done @!p0 $0x0  }
0x10c: {  	[sflag:s0] =	ssyncadd.s32 @!p0 s1  }
0x10d: {  	[bflag:$0x3] =	sbarrier.arrive $0xFFFF  }
0x10e: {  	_ =	shalt  }

// kernel: kernel.20.cloned.1.call-start
scs
__scs_entry_jumppad:
0x0: {  	(pc) =	sbr.rel $0x88, $3  }
0x1: {  	(tag) =	ssettag $0x0;
	lr =	simm.s32 $0x1  }
0x2: {  	[smem:$0x3F95] =	sst lr;
	_ =	strace $0xD0000000  }
0x3: {  	_ = 	snop  }
0x4: {  	_ = 	snop  }
0x5: {  	_ = 	snop  }
0x6: {  	_ = 	snop  }
0x7: {  	_ = 	snop  }
__scs_overlays_trampoline_lowered:
0x8: {  	[smem:$0x3FA4] =	sst s0  }
0x9: {  	[smem:$0x3FA5] =	sst s1  }
0xa: {  	[smem:$0x3FA6] =	sst s2  }
0xb: {  	[smem:$0x3FA7] =	sst s3  }
0xc: {  	[smem:$0x3FA8] =	sst s4  }
0xd: {  	[smem:$0x3FA9] =	sst s5  }
0xe: {  	[smem:$0x3FAA] =	sst s6  }
0xf: {  	[smem:$0x3FAB] =	sst s7  }
0x10: {  	[smem:$0x3FAC] =	sst s8  }
0x11: {  	[smem:$0x3FAD] =	sst s9;
	s0 =	simm.s32 @!p0 $0x0  }
0x12: {  	s1 =	sld [smem:$0x3F93];
	s0 =	simm.s32 @p0 $0x1  }
0x13: {  	[smem:$0x3FAE] =	sst s0;
	s0 =	simm.s32 @!p1 $0x0  }
0x14: {  	s2 =	sld [smem:$0x3F92];
	s0 =	simm.s32 @p1 $0x1  }
0x15: {  	[smem:$0x3FAF] =	sst s0;
	s0 =	simm.s32 @!p2 $0x0  }
0x16: {  	s3 =	sld [smem:$0x3FDB];
	s0 =	simm.s32 @p2 $0x1  }
0x17: {  	s4 =	simm.s32 $0x1BF5;
	[smem:$0x3FB1] =	sst s0  }
0x18: {  	s0 =	sld [smem:$0x3F94];
	_ =	swait.ge [sflag:s4], $0x0  }
0x19: {  	s7 =	sld [smem:$0x3F95]  }
0x1a: {  	s8 =	sadd.s32 $0xFFFFE003, lr  }
0x1b: {  	s9 =	sadd.s32 $0xFFFFFEF7, lr;
	s5 =	simm.s32 $0xFFFFFFFF;
	p2 =	slt.u32 s8, $0xFFFFF086  }
0x1c: {  	p1 =	slt.u32 s9, $0xF7A;
	s5 =	simm.s32 @!p2 $0x0  }
0x1d: {  	s5 =	simm.s32 @p1 $0x1;
	p0 =	seq.s32 s7, s2  }
0x1e: {  	s7 =	smul.u32 @!p0 $0xF7A, s2;
	p2 =	seq.s32 @!p0 s5, $0x0  }
0x1f: {  	s9 =	smul.u32 $0xF7A, s1;
	s8 =	simm.s32 @!p0 $0x1BF5;
	p2 =	por !p2, p0  }
0x20: {  	[sflag:s8] =	ssyncset.s32 @!p0 $0xFFFFF086;
	s6 =	sadd.s32 @!p0 s3, s7;
	s7 =	simm.s32 @!p0 $0x108  }
0x21: {  	s3 =	sadd.s32 s3, s9;
	s6 =	sadd.s32 @!p0 $0x88, s6;
	s7 =	simm.s32 @p2 $0x1082  }
0x22: {  	[simem:s7], [sflag:s8] =	dma.local @!p0 [hbm:s6], $0xF7A  }
0x23: {  	s9 =	sor.u32 $0xD0000000, s2;
	s6 =	simm.s32 $0x108;
	_ =	swait.ge @!p0 [sflag:s8], $0x0  }
0x24: {  	s3 =	sadd.s32 $0x88, s3;
	s6 =	simm.s32 @!p1 $0x1082;
	[sflag:s4] =	ssyncset.s32 $0xFFFFF086  }
0x25: {  	[simem:s6], [sflag:s4] =	dma.local [hbm:s3], $0xF7A  }
0x26: {  	[smem:$0x3F95] =	sst s1;
	(tag) =	ssettag s2;
	_ =	strace s9  }
0x27: {  	s1 =	sld [smem:$0x3FA5]  }
0x28: {  	s2 =	sld [smem:$0x3FA6]  }
0x29: {  	s4 =	sld [smem:$0x3FA8]  }
0x2a: {  	p0 =	seq.s32 s5, $0x0;
	s5 =	sld [smem:$0x3FA9]  }
0x2b: {  	s6 =	sld [smem:$0x3FAA]  }
0x2c: {  	s7 =	sld [smem:$0x3FAB]  }
0x2d: {  	s3 =	simm.s32 $0x108;
	s8 =	sld [smem:$0x3FAC]  }
0x2e: {  	s3 =	simm.s32 @!p0 $0x1082;
	s9 =	sld [smem:$0x3FAD]  }
0x2f: {  	lr =	sadd.s32 s0, s3;
	s0 =	sld [smem:$0x3FA4]  }
0x30: {  	s3 =	sld [smem:$0x3FA7]  }
0x31: {  	[smem:$0x3FB0] =	sst s10  }
0x32: {  	s10 =	sld [smem:$0x3FAE];
	_ =	sdelay $0x3  }
0x33: {  	p0 =	seq.s32 s10, $0x1;
	s10 =	sld [smem:$0x3FB0];
	_ =	sdelay $0x3  }
0x34: {  	[smem:$0x3FB0] =	sst s10  }
0x35: {  	s10 =	sld [smem:$0x3FAF];
	_ =	sdelay $0x3  }
0x36: {  	p1 =	seq.s32 s10, $0x1;
	s10 =	sld [smem:$0x3FB0];
	_ =	sdelay $0x3  }
0x37: {  	[smem:$0x3FB0] =	sst s10  }
0x38: {  	s10 =	sld [smem:$0x3FB1]  }
0x39: {  	_ = 	snop;
	(pc) =	sbr.ind lr, $3  }
0x3a: {  	_ = 	snop  }
0x3b: {  	_ = 	snop  }
0x3c: {  	p2 =	seq.s32 s10, $0x1;
	s10 =	sld [smem:$0x3FB0]  }
0x3d: {  	_ =	shalt  }
0x3e: {  	_ =	shalt  }
0x3f: {  	_ =	shalt  }
0x40: {  	_ =	shalt  }
0x41: {  	_ =	shalt  }
0x42: {  	_ =	shalt  }
0x43: {  	_ =	shalt  }
0x44: {  	_ =	shalt  }
0x45: {  	_ =	shalt  }
0x46: {  	_ =	shalt  }
0x47: {  	_ =	shalt  }
0x48: {  	_ =	shalt  }
0x49: {  	_ =	shalt  }
0x4a: {  	_ =	shalt  }
0x4b: {  	_ =	shalt  }
0x4c: {  	_ =	shalt  }
0x4d: {  	_ =	shalt  }
0x4e: {  	_ =	shalt  }
0x4f: {  	_ =	shalt  }
0x50: {  	_ =	shalt  }
0x51: {  	_ =	shalt  }
0x52: {  	_ =	shalt  }
0x53: {  	_ =	shalt  }
0x54: {  	_ =	shalt  }
0x55: {  	_ =	shalt  }
0x56: {  	_ =	shalt  }
0x57: {  	_ =	shalt  }
0x58: {  	_ =	shalt  }
0x59: {  	_ =	shalt  }
0x5a: {  	_ =	shalt  }
0x5b: {  	_ =	shalt  }
0x5c: {  	_ =	shalt  }
0x5d: {  	_ =	shalt  }
0x5e: {  	_ =	shalt  }
0x5f: {  	_ =	shalt  }
0x60: {  	_ =	shalt  }
0x61: {  	_ =	shalt  }
0x62: {  	_ =	shalt  }
0x63: {  	_ =	shalt  }
0x64: {  	_ =	shalt  }
0x65: {  	_ =	shalt  }
0x66: {  	_ =	shalt  }
0x67: {  	_ =	shalt  }
0x68: {  	_ =	shalt  }
0x69: {  	_ =	shalt  }
0x6a: {  	_ =	shalt  }
0x6b: {  	_ =	shalt  }
0x6c: {  	_ =	shalt  }
0x6d: {  	_ =	shalt  }
0x6e: {  	_ =	shalt  }
0x6f: {  	_ =	shalt  }
0x70: {  	_ =	shalt  }
0x71: {  	_ =	shalt  }
0x72: {  	_ =	shalt  }
0x73: {  	_ =	shalt  }
0x74: {  	_ =	shalt  }
0x75: {  	_ =	shalt  }
0x76: {  	_ =	shalt  }
0x77: {  	_ =	shalt  }
0x78: {  	_ =	shalt  }
0x79: {  	_ =	shalt  }
0x7a: {  	_ =	shalt  }
0x7b: {  	_ =	shalt  }
0x7c: {  	_ =	shalt  }
0x7d: {  	_ =	shalt  }
0x7e: {  	_ =	shalt  }
0x7f: {  	_ =	shalt  }
0x80: {  	_ =	shalt  }
0x81: {  	_ =	shalt  }
0x82: {  	_ =	shalt  }
0x83: {  	_ =	shalt  }
0x84: {  	_ =	shalt  }
0x85: {  	_ =	shalt  }
0x86: {  	_ =	shalt  }
0x87: {  	_ =	shalt  }
.Lfunc_end0:
.L_simem_size_0:
called_computation.7_lowered:
.L_overlay_start_0:
0x88: {  	s2 =	sld [smem:$0x3FD9]  }
0x89: {  	s3 =	sld [smem:$0x3FFE];
	_ =	sdelay $0x1  }
0x8a: {  	s1 =	srdreg.scid  }
0x8b: {  	s0 =	sand.u32 $0x1, s1  }
0x8c: {  	s17 =	sshll.u32 s0, $0xA;
	s2 =	sadd.s32 s3, s2  }
0x8d: {  	s2 =	sadd.s32 s2, s17  }
0x8e: {  	[smem:$0x3FBC] =	sst s2  }
0x8f: {  	_ = 	snop  }
0x90: {  	(tm) =	ssettm $0x1  }
0x91: {  	s18 =	sld [smem:$0x3FFB];
	_ =	sdelay $0x3  }
0x92: {  	_ =	strace s18  }
0x93: {  	s2 =	sld [smem:$0x3FFC];
	_ =	sdelay $0x3  }
0x94: {  	_ =	strace s2  }
0x95: {  	s2 =	sld [smem:$0x3FFD];
	_ =	sdelay $0x3  }
0x96: {  	_ =	strace s2  }
0x97: {  	_ =	strace $0x8FFFFFFF  }
0x98: {  	s19 =	sld [smem:$0x3FDB];
	_ =	sdelay $0x1  }
0x99: {  	s20 =	simm.s32 $_scs_section_size  }
0x9a: {  	s4 =	simm.s32 $_size__tile_overlayer_lowered;
	s5 =	simm.s32 $_tile_overlayer_lowered  }
0x9b: {  	s6 =	simm.s32 $0x1BFF;
	s21 =	sshll.u32 s5, $0x1;
	s3 =	sadd.s32 s20, s19  }
0x9c: {  	s22 =	simm.s32 $0x0;
	s4 =	sshll.u32 s4, $0x1;
	s5 =	sadd.s32 s21, s3  }
0x9d: {  	[timem:s22], [sflag:s6] =	dma.local [hbm:s5], s4  }
0x9e: {  	_ =	swait.ge [sflag:s6], s4  }
0x9f: {  	s4 =	ssub.s32 $0x0, s4;
	[sflag:s6] =	ssyncset.done $0x0  }
0xa0: {  	[sflag:s6] =	ssyncadd.s32 s4;
	_ =	sdelay $0x1  }
0xa1: {  	s23 =	simm.s32 $0x1B8B  }
0xa2: {  	_ =	swait.ge [sflag:s23], $0x1  }
0xa3: {  	[sflag:s23] =	ssyncset.done $0x0  }
0xa4: {  	[sflag:s23] =	ssyncadd.s32 $0xFFFFFFFF  }
0xa5: {  	s4 =	sld [smem:$0x0]  }
0xa6: {  	s5 =	sand.u32 $0xFFFFFFFE, s1  }
0xa7: {  	p0 =	sne.s32 s1, s5  }
0xa8: {  	s5 =	sshll.u32 @p0 s5, $0xE  }
0xa9: {  	s5 =	sadd.s32 @p0 $0x11B8D, s5;
	s6 =	sshll.u32 @p0 s4, $0x11  }
0xaa: {  	s5 =	sor.u32 @p0 s6, s5  }
0xab: {  	[sflag:s5] =	ssyncadd.remote.s32 @p0 $0x1;
	_ =	sdelay $0x1  }
0xac: {  	s5 =	simm.s32 @p0 $0x1B8D  }
0xad: {  	_ =	swait.eq @p0 [sflag:s5], $0x1  }
0xae: {  	[sflag:s5] =	ssyncadd.s32 @p0 $0xFFFFFFFF  }
0xaf: {  	s6 =	sshll.u32 @!p0 s1, $0xE  }
0xb0: {  	s6 =	sor.u32 @!p0 $0x4000, s6;
	s5 =	simm.s32 @!p0 $0x1B8D  }
0xb1: {  	s4 =	sshll.u32 @!p0 s4, $0x11;
	s6 =	sadd.s32 @!p0 $0x11B8D, s6;
	_ =	swait.eq @!p0 [sflag:s5], $0x1  }
0xb2: {  	s4 =	sor.u32 @!p0 s4, s6;
	[sflag:s5] =	ssyncadd.s32 @!p0 $0xFFFFFFFF  }
0xb3: {  	s25 =	simm.s32 $0x1B8E;
	s24 =	sld [smem:$0x3FFE];
	[sflag:s4] =	ssyncadd.remote.s32 @!p0 $0x1  }
0xb4: {  	s26 =	simm.s32 $execute0_lowered;
	[smem:$0x3FD2] =	sst s25  }
0xb5: {  	s5 =	sshll.u32 s26, $0x1;
	_ =	strace $0x8000005E;
	[dreg:$0x1] =	wrdreg $0xFFFFFFFF  }
0xb6: {  	s28 =	simm.s32 $_size_execute0_lowered;
	s3 =	sadd.s32 s3, s5;
	[dreg:$0x0] =	wrdreg $0x0  }
0xb7: {  	s5 =	sshll.u32 s28, $0x1;
	[dreg:$0x2] =	wrdreg s3  }
0xb8: {  	[dreg:$0x3] =	wrdreg s5  }
0xb9: {  	[dreg:$0x4] =	wrdreg $0xC0  }
0xba: {  	_ =	task [dreg:s22], $0x5FFFF  }
0xbb: {  	[dreg:$0x1] =	wrdreg $0xFFFFFFFF  }
0xbc: {  	[dreg:$0x0] =	wrdreg $0x60  }
0xbd: {  	[dreg:$0x2] =	wrdreg s24  }
0xbe: {  	[dreg:$0x3] =	wrdreg $0x29000  }
0xbf: {  	[dreg:$0x4] =	wrdreg $0x9  }
0xc0: {  	_ =	task.clear_ibuf [dreg:s22], $0x5FFFF;
	_ =	strace $0x9000005E  }
0xc1: {  	s29 =	simm.s32 $0x9;
	_ =	strace $0x80000060  }
0xc2: {  	_ =	swait.ge [sflag:s29], $0x1  }
0xc3: {  	[sflag:s29] =	ssyncadd.s32 $0xFFFFFFFF  }
0xc4: {  	_ =	strace $0x90000060  }
0xc5: {  	_ =	sfence  }
0xc6: {  	s30 =	sld [smem:$0x0];
	_ =	sdelay $0x2  }
0xc7: {  	s31 =	sshll.u32 s1, $0xD;
	s1 =	sshrl.u32 s1, $0x2  }
0xc8: {  	s4 =	sand.u32 $0x4000, s31;
	s1 =	sadd.s32 s1, s30  }
0xc9: {  	s0 =	sor.u32 s4, s0;
	s1 =	sshll.u32 s1, $0x11  }
0xca: {  	s0 =	sor.u32 s1, s0  }
0xcb: {  	s0 =	sadd.s32 $0x8F2B, s0  }
0xcc: {  	[sflag:s0] =	ssyncadd.remote.s32 $0x1  }
0xcd: {  	_ =	sfence.sel $0xFFFF  }
0xce: {  	[dreg:$0x0] =	wrdreg $0xFFFFFFFF;
	(pc) =	sbr.abs _section_cstart, $3  }
0xcf: {  	[dreg:$0x1] =	wrdreg $0xFFFFFFFF  }
0xd0: {  	_ =	task.clear_ibuf [dreg:s22], $0x2FFFF;
	_ =	strace $0x9FFFFFFF  }
0xd1: {  	(tm) =	ssettm $0x7FFFFFFF  }
tec
execute0_lowered:
.L_overlay_start_1:
0x0: {  	(tag) =	ssettag $0x1  }
0x1: {  	s10 =	rddreg [dreg:$0x0]  }
0x2: {  	s1 =	rddreg [dreg:$0x1]  }
0x3: {  	s0 =	rddreg [dreg:$0x2]  }
0x4: {  	s2 =	simm.s32 $0x0;
	s4 =	srdreg.scid;
	s9 =	simm.s32 $0x5  }
0x5: {  	s16 =	simm.s32 $0x1;
	s18 =	simm.s32 $0x80;
	s19 =	simm.s32 $0x0  }
0x6: {  	[smem:$0x7FF] =	sst s2;
	s3 =	sadd.s32 $0x17B000, s10;
	s5 =	sadd.s32 $0x69800, s10  }
0x7: {  	s6 =	sadd.s32 $0x16400, s10;
	s17 =	sand.u32 $0x1, s4;
	s4 =	stileid.u32  }
0x8: {  	s7 =	sadd.s32 $0x11400, s10;
	s8 =	sadd.s32 $0x2400, s10;
	s12 =	smul.u32 $0x2800, s4  }
0x9: {  	_ =	strace $0x8000005F;
	s11 =	ssub.s32 $0x2, s17;
	s14 =	smul.u32 $0x50000, s4  }
.Ltmp0:
0xa: {  	p0 =	seq.s32 s4, $0xF;
	s13 =	sshrl.u32 s11, $0x1;
	(pc) =	sbr.rel .LBB2_1-.Ltmp0, $4  }
0xb: {  	s9 =	simm.s32 @!p0 $0x8;
	p0 =	sne.s32 s17, $0x0;
	s17 =	simm.s32 $0x50  }
0xc: {  	s15 =	sadd.s32 s12, s10;
	s11 =	ssub.s32 s11, s13;
	s31 =	sshrl.u32 s14, $0x2  }
0xd: {  	s10 =	smul.u32 $0x2710, s4;
	s11 =	smax.u32 s11, $0x1;
	s12 =	sadd.s32 s31, s1  }
0xe: {  	s13 =	sadd.s32 $0x217800, s15;
	s14 =	sadd.s32 $0x1F0600, s15;
	s15 =	simm.s32 $0x100  }
.LBB2_13:
0xf: {  	[sflag:s16] =	ssyncadd.s32 $0xFFFFD800  }
.LBB2_14:
0x10: {  	s19 =	sadd.s32 $0x1, s19  }
0x11: {  	p1 =	sne.s32 s19, s11  }
.Ltmp1:
0x12: {  	_ = 	snop;
	(pc) =	sbr.rel @!p1 .LBB2_15-.Ltmp1, $1  }
0x13: {  	_ =	sdelay $0x3  }
.LBB2_1:
0x14: {  	[tilespmem:s15], [sflag:$0x1] =	stream.linear.gather [hbm4b:s8+s2], $0x2800, $0x38;
	[tilespmem:$0x16180] =	vst v63  }
0x15: {  	p1 =	sne.s32 s9, $0x1;
	_ =	swait.ge [sflag:s16], $0x2800  }
.Ltmp2:
0x16: {  	[sflag:s16] =	ssyncset.done $0x0;
	(pc) =	sbr.rel @!p1 .LBB2_3-.Ltmp2, $4  }
0x17: {  	[sflag:s16] =	ssyncadd.s32 $0xFFFFD800  }
0x18: {  	[spmem:s12] =	stream.linear.scatter [tilespmem:s15], [sflag:$0x1], $0x2800, $0x38;
	[tilespmem:$0x16180] =	vst v63  }
0x19: {  	_ =	swait.ge [sflag:s16], $0x2800  }
0x1a: {  	s20 =	sadd.s32 $0xFFFFFFFF, s9;
	s21 =	smov.u32 s12;
	[sflag:s16] =	ssyncset.done $0x0  }
.LBB2_2:
0x1b: {  	p2 =	sne.s32 s20, $0x1;
	[sflag:s16] =	ssyncadd.s32 $0xFFFFD800;
	s21 =	sadd.s32 $0x2800, s21  }
.Ltmp3:
0x1c: {  	s20 =	sadd.s32 $0xFFFFFFFF, s20;
	(pc) =	sbr.rel @p2 .LBB2_2-.Ltmp3, $4  }
0x1d: {  	_ = 	snop  }
0x1e: {  	[spmem:s21] =	stream.linear.scatter [tilespmem:s15], [sflag:$0x1], $0x2800, $0x38;
	[tilespmem:$0x16180] =	vst v63  }
0x1f: {  	_ =	swait.ge [sflag:s16], $0x2800  }
0x20: {  	[sflag:s16] =	ssyncset.done $0x0  }
.LBB2_3:
0x21: {  	s20 =	simm.s32 $0x0  }
0x22: {  	s20 =	smul.u32 $0x39, s20;
	_ =	sdelay $0x1  }
0x23: {  	s21 =	sand.u32 $0xFFFF, s20  }
0x24: {  	s21 =	smul.u32 $0x625, s21;
	_ =	sdelay $0x1  }
0x25: {  	s21 =	sshrl.u32 s21, $0x10  }
0x26: {  	s22 =	ssub.s32 s20, s21  }
0x27: {  	s22 =	sand.u32 $0xFFFE, s22  }
0x28: {  	s22 =	sshrl.u32 s22, $0x1  }
0x29: {  	s23 =	simm.s32 $0x1;
	s21 =	sadd.s32 s21, s22  }
0x2a: {  	s22 =	smul.u32 $0x39, s23;
	s21 =	sshrl.u32 s21, $0x6  }
0x2b: {  	s30 =	simm.s32 $0x2;
	s24 =	smul.u32 $0x7D, s21  }
0x2c: {  	s23 =	sand.u32 $0xFFFF, s22;
	s21 =	smul.u32 $0x39, s30  }
0x2d: {  	s23 =	smul.u32 $0x625, s23;
	s20 =	ssub.s32 s20, s24  }
0x2e: {  	[sflag:s16] =	ssyncadd.s32 $0xFFFFD800;
	s20 =	smul.u32 $0x50, s20  }
.Ltmp4:
0x2f: {  	s26 =	simm.s32 $0x3;
	s25 =	sand.u32 $0xFFFF, s21;
	(pc) =	sbr.rel @p0 .LBB2_9-.Ltmp4, $4  }
0x30: {  	s23 =	sshrl.u32 s23, $0x10;
	s25 =	smul.u32 $0x625, s25;
	s20 =	sand.u32 $0xFFF0, s20  }
0x31: {  	[bflag:$0x0] =	sbarrier.arrive $0xFFFF;
	s31 =	ssub.s32 s22, s23;
	s20 =	sadd.s32 s20, s10  }
0x32: {  	s24 =	sand.u32 $0xFFFE, s31;
	s25 =	sshrl.u32 s25, $0x10;
	s28 =	sshrl.u32 s20, $0x3  }
0x33: {  	s24 =	sshrl.u32 s24, $0x1;
	s20 =	smul.u32 $0x39, s26;
	s26 =	sadd.s32 s6, s28  }
0x34: {  	[tilespmem:s2], [sflag:$0x1] =	stream.linear.gather [hbm4b:s26+s2], $0x50, $0x38;
	[tilespmem:$0x16180] =	vst v63  }
0x35: {  	s23 =	sadd.s32 s23, s24;
	s26 =	ssub.s32 s21, s25;
	_ =	swait.ge [sflag:s16], $0x50  }
0x36: {  	s28 =	sadd.s32 s7, s28;
	s24 =	sand.u32 $0xFFFE, s26;
	[sflag:s16] =	ssyncset.done $0x0  }
0x37: {  	s29 =	sand.u32 $0xFFFF, s20;
	s24 =	sshrl.u32 s24, $0x1;
	[sflag:s16] =	ssyncadd.s32 $0xFFFFFFB0  }
0x38: {  	[tilespmem:s15], [sflag:$0x1] =	stream.indirect.gather [hbm4b:s3+s17], $0x80, s2, s17, $0xb8;
	[tilespmem:$0x16180] =	vst v63  }
0x39: {  	s26 =	smul.u32 $0x625, s29;
	s29 =	sshrl.u32 s23, $0x6;
	_ =	swait.ge [sflag:s16], $0x2800  }
0x3a: {  	s30 =	sadd.s32 s25, s24;
	s31 =	smul.u32 $0x7D, s29;
	[sflag:s16] =	ssyncset.done $0x0  }
0x3b: {  	s24 =	simm.s32 $0x4;
	s25 =	sshrl.u32 s26, $0x10;
	[sflag:s16] =	ssyncadd.s32 $0xFFFFD800  }
0x3c: {  	[tilespmem:s18], [sflag:$0x1] =	stream.linear.gather [hbm4b:s28+s2], $0x50, $0x38;
	[tilespmem:$0x16180] =	vst v63  }
0x3d: {  	s23 =	sshrl.u32 s30, $0x6;
	s29 =	ssub.s32 s20, s25;
	_ =	swait.ge [sflag:s16], $0x50  }
0x3e: {  	s22 =	ssub.s32 s22, s31;
	s28 =	sand.u32 $0xFFFE, s29;
	[sflag:s16] =	ssyncset.done $0x0  }
0x3f: {  	s22 =	smul.u32 $0x50, s22;
	s30 =	sshrl.u32 s28, $0x1;
	[sflag:s16] =	ssyncadd.s32 $0xFFFFFFB0  }
0x40: {  	[spmem:s1] =	stream.indirect.scatter.add.f32 [tilespmem:s15], [sflag:$0x1], $0x80, s18, s17, $0xb8;
	[tilespmem:$0x16180] =	vst v63  }
0x41: {  	s31 =	sand.u32 $0xFFF0, s22;
	s25 =	sadd.s32 s25, s30;
	_ =	swait.ge [sflag:s16], $0x2800  }
0x42: {  	s22 =	sshrl.u32 s25, $0x6;
	s25 =	sadd.s32 s31, s10;
	[sflag:s16] =	ssyncset.done $0x0  }
.LBB2_5:
0x43: {  	s25 =	sshrl.u32 s25, $0x3;
	[sflag:s16] =	ssyncadd.s32 $0xFFFFD800  }
0x44: {  	s26 =	smov.u32 s24;
	s28 =	sadd.s32 $0x1, s24;
	s29 =	smov.u32 s20  }
0x45: {  	p1 =	seq.s32 s24, $0x7C;
	s20 =	smul.u32 $0x39, s26;
	s24 =	sadd.s32 s6, s25  }
0x46: {  	[tilespmem:s2], [sflag:$0x1] =	stream.linear.gather [hbm4b:s24+s2], $0x50, $0x38;
	[tilespmem:$0x16180] =	vst v63  }
0x47: {  	s24 =	sand.u32 $0xFFFF, s20;
	_ =	swait.ge [sflag:s16], $0x50  }
0x48: {  	[sflag:s16] =	ssyncset.done $0x0  }
0x49: {  	s24 =	smul.u32 $0x625, s24;
	[sflag:s16] =	ssyncadd.s32 $0xFFFFFFB0  }
0x4a: {  	[tilespmem:s15], [sflag:$0x1] =	stream.indirect.gather [hbm4b:s3+s17], $0x80, s2, s17, $0xb8;
	[tilespmem:$0x16180] =	vst v63  }
0x4b: {  	s30 =	smul.u32 $0x7D, s23;
	s24 =	sshrl.u32 s24, $0x10;
	_ =	swait.ge [sflag:s16], $0x2800  }
0x4c: {  	s23 =	sadd.s32 s7, s25;
	s26 =	ssub.s32 s20, s24;
	[sflag:s16] =	ssyncset.done $0x0  }
0x4d: {  	s21 =	ssub.s32 s21, s30;
	s26 =	sand.u32 $0xFFFE, s26;
	[sflag:s16] =	ssyncadd.s32 $0xFFFFD800  }
0x4e: {  	[tilespmem:s18], [sflag:$0x1] =	stream.linear.gather [hbm4b:s23+s2], $0x50, $0x38;
	[tilespmem:$0x16180] =	vst v63  }
0x4f: {  	s21 =	smul.u32 $0x50, s21;
	s23 =	smov.u32 s22;
	_ =	swait.ge [sflag:s16], $0x50  }
.Ltmp5:
0x50: {  	s22 =	sshrl.u32 s26, $0x1;
	[sflag:s16] =	ssyncset.done $0x0;
	(pc) =	sbr.rel @!p1 .LBB2_5-.Ltmp5, $4  }
0x51: {  	s21 =	sand.u32 $0xFFF0, s21;
	s22 =	sadd.s32 s24, s22;
	[sflag:s16] =	ssyncadd.s32 $0xFFFFFFB0  }
0x52: {  	[spmem:s1] =	stream.indirect.scatter.add.f32 [tilespmem:s15], [sflag:$0x1], $0x80, s18, s17, $0xb8;
	[tilespmem:$0x16180] =	vst v63  }
0x53: {  	s25 =	sadd.s32 s21, s10;
	s22 =	sshrl.u32 s22, $0x6;
	_ =	swait.ge [sflag:s16], $0x2800  }
0x54: {  	s21 =	smov.u32 s29;
	s24 =	smov.u32 s28;
	[sflag:s16] =	ssyncset.done $0x0  }
0x55: {  	s24 =	sshrl.u32 s25, $0x3  }
0x56: {  	[sflag:s16] =	ssyncadd.s32 $0xFFFFD800;
	s25 =	sadd.s32 s6, s24  }
0x57: {  	[tilespmem:s2], [sflag:$0x1] =	stream.linear.gather [hbm4b:s25+s2], $0x50, $0x38;
	[tilespmem:$0x16180] =	vst v63  }
0x58: {  	_ =	swait.ge [sflag:s16], $0x50  }
0x59: {  	[sflag:s16] =	ssyncset.done $0x0  }
0x5a: {  	[sflag:s16] =	ssyncadd.s32 $0xFFFFFFB0  }
0x5b: {  	[tilespmem:s15], [sflag:$0x1] =	stream.indirect.gather [hbm4b:s3+s17], $0x80, s2, s17, $0xb8;
	[tilespmem:$0x16180] =	vst v63  }
0x5c: {  	s23 =	smul.u32 $0x7D, s23;
	_ =	swait.ge [sflag:s16], $0x2800  }
0x5d: {  	[sflag:s16] =	ssyncset.done $0x0  }
0x5e: {  	s24 =	sadd.s32 s7, s24;
	s21 =	ssub.s32 s21, s23;
	[sflag:s16] =	ssyncadd.s32 $0xFFFFD800  }
0x5f: {  	[tilespmem:s18], [sflag:$0x1] =	stream.linear.gather [hbm4b:s24+s2], $0x50, $0x38;
	[tilespmem:$0x16180] =	vst v63  }
0x60: {  	s21 =	smul.u32 $0x50, s21;
	_ =	swait.ge [sflag:s16], $0x50  }
0x61: {  	[sflag:s16] =	ssyncset.done $0x0  }
0x62: {  	s21 =	sand.u32 $0xFFF0, s21;
	[sflag:s16] =	ssyncadd.s32 $0xFFFFFFB0  }
0x63: {  	[spmem:s1] =	stream.indirect.scatter.add.f32 [tilespmem:s15], [sflag:$0x1], $0x80, s18, s17, $0xb8;
	[tilespmem:$0x16180] =	vst v63  }
0x64: {  	s21 =	sadd.s32 s21, s10;
	_ =	swait.ge [sflag:s16], $0x2800  }
0x65: {  	s21 =	sshrl.u32 s21, $0x3;
	[sflag:s16] =	ssyncset.done $0x0  }
0x66: {  	s30 =	sadd.s32 s6, s21;
	[sflag:s16] =	ssyncadd.s32 $0xFFFFD800  }
0x67: {  	[tilespmem:s2], [sflag:$0x1] =	stream.linear.gather [hbm4b:s30+s2], $0x50, $0x38;
	[tilespmem:$0x16180] =	vst v63  }
0x68: {  	_ =	swait.ge [sflag:s16], $0x50  }
0x69: {  	[sflag:s16] =	ssyncset.done $0x0  }
0x6a: {  	[sflag:s16] =	ssyncadd.s32 $0xFFFFFFB0  }
0x6b: {  	[tilespmem:s15], [sflag:$0x1] =	stream.indirect.gather [hbm4b:s3+s17], $0x80, s2, s17, $0xb8;
	[tilespmem:$0x16180] =	vst v63  }
0x6c: {  	s22 =	smul.u32 $0x7D, s22;
	_ =	swait.ge [sflag:s16], $0x2800  }
0x6d: {  	[sflag:s16] =	ssyncset.done $0x0  }
0x6e: {  	s20 =	ssub.s32 s20, s22;
	s21 =	sadd.s32 s7, s21;
	[sflag:s16] =	ssyncadd.s32 $0xFFFFD800  }
0x6f: {  	[tilespmem:s18], [sflag:$0x1] =	stream.linear.gather [hbm4b:s21+s2], $0x50, $0x38;
	[tilespmem:$0x16180] =	vst v63  }
0x70: {  	s20 =	smul.u32 $0x50, s20;
	_ =	swait.ge [sflag:s16], $0x50  }
0x71: {  	[sflag:s16] =	ssyncset.done $0x0  }
0x72: {  	s20 =	sand.u32 $0xFFF0, s20;
	[sflag:s16] =	ssyncadd.s32 $0xFFFFFFB0  }
0x73: {  	[spmem:s1] =	stream.indirect.scatter.add.f32 [tilespmem:s15], [sflag:$0x1], $0x80, s18, s17, $0xb8;
	[tilespmem:$0x16180] =	vst v63  }
0x74: {  	s20 =	sadd.s32 s20, s10;
	_ =	swait.ge [sflag:s16], $0x2800  }
0x75: {  	s20 =	sshrl.u32 s20, $0x3;
	[sflag:s16] =	ssyncset.done $0x0  }
0x76: {  	s31 =	sadd.s32 s6, s20;
	[sflag:s16] =	ssyncadd.s32 $0xFFFFD800  }
0x77: {  	[tilespmem:s2], [sflag:$0x1] =	stream.linear.gather [hbm4b:s31+s2], $0x50, $0x38;
	[tilespmem:$0x16180] =	vst v63  }
0x78: {  	_ =	swait.ge [sflag:s16], $0x50  }
0x79: {  	[sflag:s16] =	ssyncset.done $0x0  }
0x7a: {  	[sflag:s16] =	ssyncadd.s32 $0xFFFFFFB0  }
0x7b: {  	[tilespmem:s15], [sflag:$0x1] =	stream.indirect.gather [hbm4b:s3+s17], $0x80, s2, s17, $0xb8;
	[tilespmem:$0x16180] =	vst v63  }
0x7c: {  	_ =	swait.ge [sflag:s16], $0x2800  }
0x7d: {  	[sflag:s16] =	ssyncset.done $0x0  }
0x7e: {  	s20 =	sadd.s32 s7, s20;
	[sflag:s16] =	ssyncadd.s32 $0xFFFFD800  }
0x7f: {  	[tilespmem:s18], [sflag:$0x1] =	stream.linear.gather [hbm4b:s20+s2], $0x50, $0x38;
	[tilespmem:$0x16180] =	vst v63  }
0x80: {  	_ =	swait.ge [sflag:s16], $0x50  }
0x81: {  	[sflag:s16] =	ssyncset.done $0x0  }
0x82: {  	[sflag:s16] =	ssyncadd.s32 $0xFFFFFFB0  }
0x83: {  	[spmem:s1] =	stream.indirect.scatter.add.f32 [tilespmem:s15], [sflag:$0x1], $0x80, s18, s17, $0xb8;
	[tilespmem:$0x16180] =	vst v63  }
0x84: {  	_ =	swait.ge [sflag:s16], $0x2800  }
0x85: {  	[sflag:s16] =	ssyncset.done $0x0  }
0x86: {  	[sflag:s16] =	ssyncadd.s32 $0xFFFFD800  }
0x87: {  	[bflag:$0x0] =	sbarrier.arrive $0xFFFF  }
0x88: {  	[tilespmem:s15], [sflag:$0x1] =	stream.linear.gather [spmem:s12], $0x2800, $0x38;
	[tilespmem:$0x16180] =	vst v63  }
0x89: {  	p1 =	seq.s32 s9, $0x1;
	_ =	swait.ge [sflag:s16], $0x2800  }
.Ltmp6:
0x8a: {  	[sflag:s16] =	ssyncset.done $0x0;
	(pc) =	sbr.rel @p1 .LBB2_8-.Ltmp6, $4  }
0x8b: {  	[sflag:s16] =	ssyncadd.s32 $0xFFFFD800  }
0x8c: {  	[hbm4b:s14+s2] =	stream.linear.scatter [tilespmem:s15], [sflag:$0x1], $0x2800, $0x38;
	[tilespmem:$0x16180] =	vst v63  }
0x8d: {  	s22 =	smov.u32 s12;
	_ =	swait.ge [sflag:s16], $0x2800  }
0x8e: {  	s21 =	smov.u32 s14;
	s20 =	sadd.s32 $0xFFFFFFFF, s9;
	[sflag:s16] =	ssyncset.done $0x0  }
.LBB2_7:
0x8f: {  	[sflag:s16] =	ssyncadd.s32 $0xFFFFD800;
	s21 =	sadd.s32 $0x500, s21;
	s22 =	sadd.s32 $0x2800, s22  }
0x90: {  	[tilespmem:s15], [sflag:$0x1] =	stream.linear.gather [spmem:s22], $0x2800, $0x38;
	[tilespmem:$0x16180] =	vst v63  }
0x91: {  	p1 =	seq.s32 s20, $0x1;
	s20 =	sadd.s32 $0xFFFFFFFF, s20;
	_ =	swait.ge [sflag:s16], $0x2800  }
.Ltmp7:
0x92: {  	[sflag:s16] =	ssyncset.done $0x0;
	(pc) =	sbr.rel @!p1 .LBB2_7-.Ltmp7, $4  }
0x93: {  	[sflag:s16] =	ssyncadd.s32 $0xFFFFD800  }
0x94: {  	[hbm4b:s21+s2] =	stream.linear.scatter [tilespmem:s15], [sflag:$0x1], $0x2800, $0x38;
	[tilespmem:$0x16180] =	vst v63  }
0x95: {  	_ =	swait.ge [sflag:s16], $0x2800  }
0x96: {  	[sflag:s16] =	ssyncset.done $0x0  }
.LBB2_8:
.Ltmp8:
0x97: {  	(pc) =	sbr.rel .LBB2_14-.Ltmp8, $2  }
0x98: {  	_ =	sdelay $0x2  }
0x99: {  	[sflag:s16] =	ssyncadd.s32 $0xFFFFD800  }
.LBB2_9:
0x9a: {  	[tilespmem:s2], [sflag:$0x1] =	stream.linear.gather [hbm4b:s26+s2], $0x50, $0x38;
	[tilespmem:$0x16180] =	vst v63  }
0x9b: {  	s23 =	sadd.s32 s23, s24;
	s26 =	ssub.s32 s21, s25;
	_ =	swait.ge [sflag:s16], $0x50  }
0x9c: {  	s28 =	sadd.s32 s7, s28;
	s24 =	sand.u32 $0xFFFE, s26;
	[sflag:s16] =	ssyncset.done $0x0  }
0x9d: {  	s29 =	sand.u32 $0xFFFF, s20;
	s24 =	sshrl.u32 s24, $0x1;
	[sflag:s16] =	ssyncadd.s32 $0xFFFFFFB0  }
0x9e: {  	[tilespmem:s15], [sflag:$0x1] =	stream.indirect.gather [hbm4b:s5+s17], $0x80, s2, s17, $0xb8;
	[tilespmem:$0x16180] =	vst v63  }
0x9f: {  	s26 =	smul.u32 $0x625, s29;
	s29 =	sshrl.u32 s23, $0x6;
	_ =	swait.ge [sflag:s16], $0x2800  }
0xa0: {  	s30 =	sadd.s32 s25, s24;
	s31 =	smul.u32 $0x7D, s29;
	[sflag:s16] =	ssyncset.done $0x0  }
0xa1: {  	s24 =	simm.s32 $0x4;
	s25 =	sshrl.u32 s26, $0x10;
	[sflag:s16] =	ssyncadd.s32 $0xFFFFD800  }
0xa2: {  	[tilespmem:s18], [sflag:$0x1] =	stream.linear.gather [hbm4b:s28+s2], $0x50, $0x38;
	[tilespmem:$0x16180] =	vst v63  }
0xa3: {  	s23 =	sshrl.u32 s30, $0x6;
	s29 =	ssub.s32 s20, s25;
	_ =	swait.ge [sflag:s16], $0x50  }
0xa4: {  	s22 =	ssub.s32 s22, s31;
	s28 =	sand.u32 $0xFFFE, s29;
	[sflag:s16] =	ssyncset.done $0x0  }
0xa5: {  	s22 =	smul.u32 $0x50, s22;
	s30 =	sshrl.u32 s28, $0x1;
	[sflag:s16] =	ssyncadd.s32 $0xFFFFFFB0  }
0xa6: {  	[spmem:s1] =	stream.indirect.scatter.add.f32 [tilespmem:s15], [sflag:$0x1], $0x80, s18, s17, $0xb8;
	[tilespmem:$0x16180] =	vst v63  }
0xa7: {  	s31 =	sand.u32 $0xFFF0, s22;
	s25 =	sadd.s32 s25, s30;
	_ =	swait.ge [sflag:s16], $0x2800  }
0xa8: {  	s22 =	sshrl.u32 s25, $0x6;
	s25 =	sadd.s32 s31, s10;
	[sflag:s16] =	ssyncset.done $0x0  }
.LBB2_10:
0xa9: {  	s25 =	sshrl.u32 s25, $0x3;
	[sflag:s16] =	ssyncadd.s32 $0xFFFFD800  }
0xaa: {  	s26 =	smov.u32 s24;
	s28 =	sadd.s32 $0x1, s24;
	s29 =	smov.u32 s20  }
0xab: {  	p2 =	seq.s32 s24, $0x7C;
	s20 =	smul.u32 $0x39, s26;
	s24 =	sadd.s32 s6, s25  }
0xac: {  	[tilespmem:s2], [sflag:$0x1] =	stream.linear.gather [hbm4b:s24+s2], $0x50, $0x38;
	[tilespmem:$0x16180] =	vst v63  }
0xad: {  	s24 =	sand.u32 $0xFFFF, s20;
	_ =	swait.ge [sflag:s16], $0x50  }
0xae: {  	[sflag:s16] =	ssyncset.done $0x0  }
0xaf: {  	s24 =	smul.u32 $0x625, s24;
	[sflag:s16] =	ssyncadd.s32 $0xFFFFFFB0  }
0xb0: {  	[tilespmem:s15], [sflag:$0x1] =	stream.indirect.gather [hbm4b:s5+s17], $0x80, s2, s17, $0xb8;
	[tilespmem:$0x16180] =	vst v63  }
0xb1: {  	s30 =	smul.u32 $0x7D, s23;
	s24 =	sshrl.u32 s24, $0x10;
	_ =	swait.ge [sflag:s16], $0x2800  }
0xb2: {  	s23 =	sadd.s32 s7, s25;
	s26 =	ssub.s32 s20, s24;
	[sflag:s16] =	ssyncset.done $0x0  }
0xb3: {  	s21 =	ssub.s32 s21, s30;
	s26 =	sand.u32 $0xFFFE, s26;
	[sflag:s16] =	ssyncadd.s32 $0xFFFFD800  }
0xb4: {  	[tilespmem:s18], [sflag:$0x1] =	stream.linear.gather [hbm4b:s23+s2], $0x50, $0x38;
	[tilespmem:$0x16180] =	vst v63  }
0xb5: {  	s21 =	smul.u32 $0x50, s21;
	s23 =	smov.u32 s22;
	_ =	swait.ge [sflag:s16], $0x50  }
.Ltmp9:
0xb6: {  	s22 =	sshrl.u32 s26, $0x1;
	[sflag:s16] =	ssyncset.done $0x0;
	(pc) =	sbr.rel @!p2 .LBB2_10-.Ltmp9, $4  }
0xb7: {  	s21 =	sand.u32 $0xFFF0, s21;
	s22 =	sadd.s32 s24, s22;
	[sflag:s16] =	ssyncadd.s32 $0xFFFFFFB0  }
0xb8: {  	[spmem:s1] =	stream.indirect.scatter.add.f32 [tilespmem:s15], [sflag:$0x1], $0x80, s18, s17, $0xb8;
	[tilespmem:$0x16180] =	vst v63  }
0xb9: {  	s25 =	sadd.s32 s21, s10;
	s22 =	sshrl.u32 s22, $0x6;
	_ =	swait.ge [sflag:s16], $0x2800  }
0xba: {  	s21 =	smov.u32 s29;
	s24 =	smov.u32 s28;
	[sflag:s16] =	ssyncset.done $0x0  }
0xbb: {  	s24 =	sshrl.u32 s25, $0x3  }
0xbc: {  	[sflag:s16] =	ssyncadd.s32 $0xFFFFD800;
	s25 =	sadd.s32 s6, s24  }
0xbd: {  	[tilespmem:s2], [sflag:$0x1] =	stream.linear.gather [hbm4b:s25+s2], $0x50, $0x38;
	[tilespmem:$0x16180] =	vst v63  }
0xbe: {  	_ =	swait.ge [sflag:s16], $0x50  }
0xbf: {  	[sflag:s16] =	ssyncset.done $0x0  }
0xc0: {  	[sflag:s16] =	ssyncadd.s32 $0xFFFFFFB0  }
0xc1: {  	[tilespmem:s15], [sflag:$0x1] =	stream.indirect.gather [hbm4b:s5+s17], $0x80, s2, s17, $0xb8;
	[tilespmem:$0x16180] =	vst v63  }
0xc2: {  	s23 =	smul.u32 $0x7D, s23;
	_ =	swait.ge [sflag:s16], $0x2800  }
0xc3: {  	[sflag:s16] =	ssyncset.done $0x0  }
0xc4: {  	s24 =	sadd.s32 s7, s24;
	s21 =	ssub.s32 s21, s23;
	[sflag:s16] =	ssyncadd.s32 $0xFFFFD800  }
0xc5: {  	[tilespmem:s18], [sflag:$0x1] =	stream.linear.gather [hbm4b:s24+s2], $0x50, $0x38;
	[tilespmem:$0x16180] =	vst v63  }
0xc6: {  	s21 =	smul.u32 $0x50, s21;
	_ =	swait.ge [sflag:s16], $0x50  }
0xc7: {  	[sflag:s16] =	ssyncset.done $0x0  }
0xc8: {  	s21 =	sand.u32 $0xFFF0, s21;
	[sflag:s16] =	ssyncadd.s32 $0xFFFFFFB0  }
0xc9: {  	[spmem:s1] =	stream.indirect.scatter.add.f32 [tilespmem:s15], [sflag:$0x1], $0x80, s18, s17, $0xb8;
	[tilespmem:$0x16180] =	vst v63  }
0xca: {  	s21 =	sadd.s32 s21, s10;
	_ =	swait.ge [sflag:s16], $0x2800  }
0xcb: {  	s21 =	sshrl.u32 s21, $0x3;
	[sflag:s16] =	ssyncset.done $0x0  }
0xcc: {  	s30 =	sadd.s32 s6, s21;
	[sflag:s16] =	ssyncadd.s32 $0xFFFFD800  }
0xcd: {  	[tilespmem:s2], [sflag:$0x1] =	stream.linear.gather [hbm4b:s30+s2], $0x50, $0x38;
	[tilespmem:$0x16180] =	vst v63  }
0xce: {  	_ =	swait.ge [sflag:s16], $0x50  }
0xcf: {  	[sflag:s16] =	ssyncset.done $0x0  }
0xd0: {  	[sflag:s16] =	ssyncadd.s32 $0xFFFFFFB0  }
0xd1: {  	[tilespmem:s15], [sflag:$0x1] =	stream.indirect.gather [hbm4b:s5+s17], $0x80, s2, s17, $0xb8;
	[tilespmem:$0x16180] =	vst v63  }
0xd2: {  	s22 =	smul.u32 $0x7D, s22;
	_ =	swait.ge [sflag:s16], $0x2800  }
0xd3: {  	[sflag:s16] =	ssyncset.done $0x0  }
0xd4: {  	s20 =	ssub.s32 s20, s22;
	s21 =	sadd.s32 s7, s21;
	[sflag:s16] =	ssyncadd.s32 $0xFFFFD800  }
0xd5: {  	[tilespmem:s18], [sflag:$0x1] =	stream.linear.gather [hbm4b:s21+s2], $0x50, $0x38;
	[tilespmem:$0x16180] =	vst v63  }
0xd6: {  	s20 =	smul.u32 $0x50, s20;
	_ =	swait.ge [sflag:s16], $0x50  }
0xd7: {  	[sflag:s16] =	ssyncset.done $0x0  }
0xd8: {  	s20 =	sand.u32 $0xFFF0, s20;
	[sflag:s16] =	ssyncadd.s32 $0xFFFFFFB0  }
0xd9: {  	[spmem:s1] =	stream.indirect.scatter.add.f32 [tilespmem:s15], [sflag:$0x1], $0x80, s18, s17, $0xb8;
	[tilespmem:$0x16180] =	vst v63  }
0xda: {  	s20 =	sadd.s32 s20, s10;
	_ =	swait.ge [sflag:s16], $0x2800  }
0xdb: {  	s20 =	sshrl.u32 s20, $0x3;
	[sflag:s16] =	ssyncset.done $0x0  }
0xdc: {  	s31 =	sadd.s32 s6, s20;
	[sflag:s16] =	ssyncadd.s32 $0xFFFFD800  }
0xdd: {  	[tilespmem:s2], [sflag:$0x1] =	stream.linear.gather [hbm4b:s31+s2], $0x50, $0x38;
	[tilespmem:$0x16180] =	vst v63  }
0xde: {  	_ =	swait.ge [sflag:s16], $0x50  }
0xdf: {  	[sflag:s16] =	ssyncset.done $0x0  }
0xe0: {  	[sflag:s16] =	ssyncadd.s32 $0xFFFFFFB0  }
0xe1: {  	[tilespmem:s15], [sflag:$0x1] =	stream.indirect.gather [hbm4b:s5+s17], $0x80, s2, s17, $0xb8;
	[tilespmem:$0x16180] =	vst v63  }
0xe2: {  	_ =	swait.ge [sflag:s16], $0x2800  }
0xe3: {  	[sflag:s16] =	ssyncset.done $0x0  }
0xe4: {  	s20 =	sadd.s32 s7, s20;
	[sflag:s16] =	ssyncadd.s32 $0xFFFFD800  }
0xe5: {  	[tilespmem:s18], [sflag:$0x1] =	stream.linear.gather [hbm4b:s20+s2], $0x50, $0x38;
	[tilespmem:$0x16180] =	vst v63  }
0xe6: {  	_ =	swait.ge [sflag:s16], $0x50  }
0xe7: {  	[sflag:s16] =	ssyncset.done $0x0  }
0xe8: {  	[sflag:s16] =	ssyncadd.s32 $0xFFFFFFB0  }
0xe9: {  	[spmem:s1] =	stream.indirect.scatter.add.f32 [tilespmem:s15], [sflag:$0x1], $0x80, s18, s17, $0xb8;
	[tilespmem:$0x16180] =	vst v63  }
0xea: {  	_ =	swait.ge [sflag:s16], $0x2800  }
0xeb: {  	[sflag:s16] =	ssyncset.done $0x0  }
0xec: {  	[sflag:s16] =	ssyncadd.s32 $0xFFFFD800  }
0xed: {  	[bflag:$0x0] =	sbarrier.arrive $0xFFFF  }
0xee: {  	[tilespmem:s15], [sflag:$0x1] =	stream.linear.gather [spmem:s12], $0x2800, $0x38;
	[tilespmem:$0x16180] =	vst v63  }
0xef: {  	_ =	swait.ge [sflag:s16], $0x2800  }
.Ltmp10:
0xf0: {  	[sflag:s16] =	ssyncset.done $0x0;
	(pc) =	sbr.rel @!p1 .LBB2_13-.Ltmp10, $4  }
0xf1: {  	[sflag:s16] =	ssyncadd.s32 $0xFFFFD800  }
0xf2: {  	[hbm4b:s13+s2] =	stream.linear.scatter [tilespmem:s15], [sflag:$0x1], $0x2800, $0x38;
	[tilespmem:$0x16180] =	vst v63  }
0xf3: {  	s22 =	smov.u32 s12;
	_ =	swait.ge [sflag:s16], $0x2800  }
0xf4: {  	s21 =	smov.u32 s13;
	s20 =	sadd.s32 $0xFFFFFFFF, s9;
	[sflag:s16] =	ssyncset.done $0x0  }
.LBB2_12:
0xf5: {  	[sflag:s16] =	ssyncadd.s32 $0xFFFFD800;
	s21 =	sadd.s32 $0x500, s21;
	s22 =	sadd.s32 $0x2800, s22  }
0xf6: {  	[tilespmem:s15], [sflag:$0x1] =	stream.linear.gather [spmem:s22], $0x2800, $0x38;
	[tilespmem:$0x16180] =	vst v63  }
0xf7: {  	p1 =	sne.s32 s20, $0x1;
	s20 =	sadd.s32 $0xFFFFFFFF, s20;
	_ =	swait.ge [sflag:s16], $0x2800  }
.Ltmp11:
0xf8: {  	[sflag:s16] =	ssyncset.done $0x0;
	(pc) =	sbr.rel @p1 .LBB2_12-.Ltmp11, $4  }
0xf9: {  	[sflag:s16] =	ssyncadd.s32 $0xFFFFD800  }
0xfa: {  	[hbm4b:s21+s2] =	stream.linear.scatter [tilespmem:s15], [sflag:$0x1], $0x2800, $0x38;
	[tilespmem:$0x16180] =	vst v63  }
0xfb: {  	_ =	swait.ge [sflag:s16], $0x2800  }
0xfc: {  	[sflag:s16] =	ssyncset.done $0x0  }
.Ltmp12:
0xfd: {  	_ = 	snop;
	(pc) =	sbr.rel .LBB2_13-.Ltmp12, $1  }
0xfe: {  	_ =	sdelay $0x3  }
.LBB2_15:
0xff: {  	_ =	sfence.sel $0x180000  }
0x100: {  	[bflag:$0x0] =	sbarrier.arrive $0xFFFF  }
0x101: {  	p0 =	sne.s32 s4, $0x0;
	_ =	strace $0x9000005F  }
0x102: {  	s0 =	sadd.s32 @!p0 $0x100000, s0;
	[bflag:$0x2] =	sbarrier.arrive $0xFFFF  }
0x103: {  	[sflag:s0] =	ssyncadd.tile.s32 @!p0 $0x1;
	_ =	shalt  }
.Lfunc_end2:
_tile_overlayer_lowered:
.L_overlay_start_2:
0x104: {  	(tag) =	ssettag $0x2  }
0x105: {  	s0 =	rddreg [dreg:$0x0];
	s2 =	stileid.u32  }
0x106: {  	s1 =	rddreg [dreg:$0x1];
	p0 =	sne.s32 s2, $0x0  }
0x107: {  	s3 =	rddreg [dreg:$0x2];
	[bflag:$0x3] =	sbarrier.arrive $0xFFFF;
	s2 =	simm.s32 @!p0 $0x1C01  }
0x108: {  	[timem:s3], [sflag:s2] =	dma.local @!p0 [hbm:s0], s1  }
0x109: {  	s0 =	simm.s32 @!p0 $0x1  }
0x10a: {  	_ =	swait.ge @!p0 [sflag:s0], s1  }
0x10b: {  	s1 =	ssub.s32 @!p0 $0x0, s1;
	[sflag:s0] =	ssyncset.done @!p0 $0x0  }
0x10c: {  	[sflag:s0] =	ssyncadd.s32 @!p0 s1  }
0x10d: {  	[bflag:$0x3] =	sbarrier.arrive $0xFFFF  }
0x10e: {  	_ =	shalt  }

// kernel: kernel.23.cloned.1.call-start
scs
__scs_entry_jumppad:
0x0: {  	(pc) =	sbr.rel $0x88, $3  }
0x1: {  	(tag) =	ssettag $0x0;
	lr =	simm.s32 $0x1  }
0x2: {  	[smem:$0x3F95] =	sst lr;
	_ =	strace $0xD0000000  }
0x3: {  	_ = 	snop  }
0x4: {  	_ = 	snop  }
0x5: {  	_ = 	snop  }
0x6: {  	_ = 	snop  }
0x7: {  	_ = 	snop  }
__scs_overlays_trampoline_lowered:
0x8: {  	[smem:$0x3FA4] =	sst s0  }
0x9: {  	[smem:$0x3FA5] =	sst s1  }
0xa: {  	[smem:$0x3FA6] =	sst s2  }
0xb: {  	[smem:$0x3FA7] =	sst s3  }
0xc: {  	[smem:$0x3FA8] =	sst s4  }
0xd: {  	[smem:$0x3FA9] =	sst s5  }
0xe: {  	[smem:$0x3FAA] =	sst s6  }
0xf: {  	[smem:$0x3FAB] =	sst s7  }
0x10: {  	[smem:$0x3FAC] =	sst s8  }
0x11: {  	[smem:$0x3FAD] =	sst s9;
	s0 =	simm.s32 @!p0 $0x0  }
0x12: {  	s1 =	sld [smem:$0x3F93];
	s0 =	simm.s32 @p0 $0x1  }
0x13: {  	[smem:$0x3FAE] =	sst s0;
	s0 =	simm.s32 @!p1 $0x0  }
0x14: {  	s2 =	sld [smem:$0x3F92];
	s0 =	simm.s32 @p1 $0x1  }
0x15: {  	[smem:$0x3FAF] =	sst s0;
	s0 =	simm.s32 @!p2 $0x0  }
0x16: {  	s3 =	sld [smem:$0x3FDB];
	s0 =	simm.s32 @p2 $0x1  }
0x17: {  	s4 =	simm.s32 $0x1BF5;
	[smem:$0x3FB1] =	sst s0  }
0x18: {  	s0 =	sld [smem:$0x3F94];
	_ =	swait.ge [sflag:s4], $0x0  }
0x19: {  	s7 =	sld [smem:$0x3F95]  }
0x1a: {  	s8 =	sadd.s32 $0xFFFFE003, lr  }
0x1b: {  	s9 =	sadd.s32 $0xFFFFFEF7, lr;
	s5 =	simm.s32 $0xFFFFFFFF;
	p2 =	slt.u32 s8, $0xFFFFF086  }
0x1c: {  	p1 =	slt.u32 s9, $0xF7A;
	s5 =	simm.s32 @!p2 $0x0  }
0x1d: {  	s5 =	simm.s32 @p1 $0x1;
	p0 =	seq.s32 s7, s2  }
0x1e: {  	s7 =	smul.u32 @!p0 $0xF7A, s2;
	p2 =	seq.s32 @!p0 s5, $0x0  }
0x1f: {  	s9 =	smul.u32 $0xF7A, s1;
	s8 =	simm.s32 @!p0 $0x1BF5;
	p2 =	por !p2, p0  }
0x20: {  	[sflag:s8] =	ssyncset.s32 @!p0 $0xFFFFF086;
	s6 =	sadd.s32 @!p0 s3, s7;
	s7 =	simm.s32 @!p0 $0x108  }
0x21: {  	s3 =	sadd.s32 s3, s9;
	s6 =	sadd.s32 @!p0 $0x88, s6;
	s7 =	simm.s32 @p2 $0x1082  }
0x22: {  	[simem:s7], [sflag:s8] =	dma.local @!p0 [hbm:s6], $0xF7A  }
0x23: {  	s9 =	sor.u32 $0xD0000000, s2;
	s6 =	simm.s32 $0x108;
	_ =	swait.ge @!p0 [sflag:s8], $0x0  }
0x24: {  	s3 =	sadd.s32 $0x88, s3;
	s6 =	simm.s32 @!p1 $0x1082;
	[sflag:s4] =	ssyncset.s32 $0xFFFFF086  }
0x25: {  	[simem:s6], [sflag:s4] =	dma.local [hbm:s3], $0xF7A  }
0x26: {  	[smem:$0x3F95] =	sst s1;
	(tag) =	ssettag s2;
	_ =	strace s9  }
0x27: {  	s1 =	sld [smem:$0x3FA5]  }
0x28: {  	s2 =	sld [smem:$0x3FA6]  }
0x29: {  	s4 =	sld [smem:$0x3FA8]  }
0x2a: {  	p0 =	seq.s32 s5, $0x0;
	s5 =	sld [smem:$0x3FA9]  }
0x2b: {  	s6 =	sld [smem:$0x3FAA]  }
0x2c: {  	s7 =	sld [smem:$0x3FAB]  }
0x2d: {  	s3 =	simm.s32 $0x108;
	s8 =	sld [smem:$0x3FAC]  }
0x2e: {  	s3 =	simm.s32 @!p0 $0x1082;
	s9 =	sld [smem:$0x3FAD]  }
0x2f: {  	lr =	sadd.s32 s0, s3;
	s0 =	sld [smem:$0x3FA4]  }
0x30: {  	s3 =	sld [smem:$0x3FA7]  }
0x31: {  	[smem:$0x3FB0] =	sst s10  }
0x32: {  	s10 =	sld [smem:$0x3FAE];
	_ =	sdelay $0x3  }
0x33: {  	p0 =	seq.s32 s10, $0x1;
	s10 =	sld [smem:$0x3FB0];
	_ =	sdelay $0x3  }
0x34: {  	[smem:$0x3FB0] =	sst s10  }
0x35: {  	s10 =	sld [smem:$0x3FAF];
	_ =	sdelay $0x3  }
0x36: {  	p1 =	seq.s32 s10, $0x1;
	s10 =	sld [smem:$0x3FB0];
	_ =	sdelay $0x3  }
0x37: {  	[smem:$0x3FB0] =	sst s10  }
0x38: {  	s10 =	sld [smem:$0x3FB1]  }
0x39: {  	_ = 	snop;
	(pc) =	sbr.ind lr, $3  }
0x3a: {  	_ = 	snop  }
0x3b: {  	_ = 	snop  }
0x3c: {  	p2 =	seq.s32 s10, $0x1;
	s10 =	sld [smem:$0x3FB0]  }
0x3d: {  	_ =	shalt  }
0x3e: {  	_ =	shalt  }
0x3f: {  	_ =	shalt  }
0x40: {  	_ =	shalt  }
0x41: {  	_ =	shalt  }
0x42: {  	_ =	shalt  }
0x43: {  	_ =	shalt  }
0x44: {  	_ =	shalt  }
0x45: {  	_ =	shalt  }
0x46: {  	_ =	shalt  }
0x47: {  	_ =	shalt  }
0x48: {  	_ =	shalt  }
0x49: {  	_ =	shalt  }
0x4a: {  	_ =	shalt  }
0x4b: {  	_ =	shalt  }
0x4c: {  	_ =	shalt  }
0x4d: {  	_ =	shalt  }
0x4e: {  	_ =	shalt  }
0x4f: {  	_ =	shalt  }
0x50: {  	_ =	shalt  }
0x51: {  	_ =	shalt  }
0x52: {  	_ =	shalt  }
0x53: {  	_ =	shalt  }
0x54: {  	_ =	shalt  }
0x55: {  	_ =	shalt  }
0x56: {  	_ =	shalt  }
0x57: {  	_ =	shalt  }
0x58: {  	_ =	shalt  }
0x59: {  	_ =	shalt  }
0x5a: {  	_ =	shalt  }
0x5b: {  	_ =	shalt  }
0x5c: {  	_ =	shalt  }
0x5d: {  	_ =	shalt  }
0x5e: {  	_ =	shalt  }
0x5f: {  	_ =	shalt  }
0x60: {  	_ =	shalt  }
0x61: {  	_ =	shalt  }
0x62: {  	_ =	shalt  }
0x63: {  	_ =	shalt  }
0x64: {  	_ =	shalt  }
0x65: {  	_ =	shalt  }
0x66: {  	_ =	shalt  }
0x67: {  	_ =	shalt  }
0x68: {  	_ =	shalt  }
0x69: {  	_ =	shalt  }
0x6a: {  	_ =	shalt  }
0x6b: {  	_ =	shalt  }
0x6c: {  	_ =	shalt  }
0x6d: {  	_ =	shalt  }
0x6e: {  	_ =	shalt  }
0x6f: {  	_ =	shalt  }
0x70: {  	_ =	shalt  }
0x71: {  	_ =	shalt  }
0x72: {  	_ =	shalt  }
0x73: {  	_ =	shalt  }
0x74: {  	_ =	shalt  }
0x75: {  	_ =	shalt  }
0x76: {  	_ =	shalt  }
0x77: {  	_ =	shalt  }
0x78: {  	_ =	shalt  }
0x79: {  	_ =	shalt  }
0x7a: {  	_ =	shalt  }
0x7b: {  	_ =	shalt  }
0x7c: {  	_ =	shalt  }
0x7d: {  	_ =	shalt  }
0x7e: {  	_ =	shalt  }
0x7f: {  	_ =	shalt  }
0x80: {  	_ =	shalt  }
0x81: {  	_ =	shalt  }
0x82: {  	_ =	shalt  }
0x83: {  	_ =	shalt  }
0x84: {  	_ =	shalt  }
0x85: {  	_ =	shalt  }
0x86: {  	_ =	shalt  }
0x87: {  	_ =	shalt  }
.Lfunc_end0:
.L_simem_size_0:
called_computation.8_lowered:
.L_overlay_start_0:
0x88: {  	s2 =	sld [smem:$0x3FD9]  }
0x89: {  	s3 =	sld [smem:$0x3FFE];
	_ =	sdelay $0x1  }
0x8a: {  	s1 =	srdreg.scid  }
0x8b: {  	s0 =	sand.u32 $0x1, s1  }
0x8c: {  	s16 =	sshll.u32 s0, $0xA;
	s2 =	sadd.s32 s3, s2  }
0x8d: {  	s2 =	sadd.s32 s2, s16  }
0x8e: {  	[smem:$0x3FBC] =	sst s2  }
0x8f: {  	_ = 	snop  }
0x90: {  	(tm) =	ssettm $0x1  }
0x91: {  	s17 =	sld [smem:$0x3FFB];
	_ =	sdelay $0x3  }
0x92: {  	_ =	strace s17  }
0x93: {  	s2 =	sld [smem:$0x3FFC];
	_ =	sdelay $0x3  }
0x94: {  	_ =	strace s2  }
0x95: {  	s2 =	sld [smem:$0x3FFD];
	_ =	sdelay $0x3  }
0x96: {  	_ =	strace s2  }
0x97: {  	_ =	strace $0x8FFFFFFF  }
0x98: {  	s18 =	sld [smem:$0x3FDB];
	_ =	sdelay $0x1  }
0x99: {  	s19 =	simm.s32 $_scs_section_size  }
0x9a: {  	s4 =	simm.s32 $_size__tile_overlayer_lowered;
	s5 =	simm.s32 $_tile_overlayer_lowered  }
0x9b: {  	s22 =	simm.s32 $0x1BFF;
	s21 =	sshll.u32 s5, $0x1;
	s2 =	sadd.s32 s19, s18  }
0x9c: {  	s6 =	simm.s32 $0x0;
	s20 =	sshll.u32 s4, $0x1;
	s4 =	sadd.s32 s21, s2  }
0x9d: {  	[timem:s6], [sflag:s22] =	dma.local [hbm:s4], s20  }
0x9e: {  	_ =	swait.ge [sflag:s22], s20  }
0x9f: {  	s3 =	ssub.s32 $0x0, s20;
	[sflag:s22] =	ssyncset.done $0x0  }
0xa0: {  	[sflag:s22] =	ssyncadd.s32 s3;
	_ =	sdelay $0x1  }
0xa1: {  	s23 =	simm.s32 $0x1B8B  }
0xa2: {  	_ =	swait.ge [sflag:s23], $0x1  }
0xa3: {  	[sflag:s23] =	ssyncset.done $0x0  }
0xa4: {  	s25 =	simm.s32 $0x1B8E;
	s24 =	sld [smem:$0x3FFE];
	[sflag:s23] =	ssyncadd.s32 $0xFFFFFFFF  }
0xa5: {  	s26 =	simm.s32 $execute0_lowered;
	[smem:$0x3FD2] =	sst s25  }
0xa6: {  	s4 =	sshll.u32 s26, $0x1;
	_ =	strace $0x8000005B;
	[dreg:$0x1] =	wrdreg $0xFFFFFFFF  }
0xa7: {  	s28 =	simm.s32 $_size_execute0_lowered;
	s2 =	sadd.s32 s2, s4;
	[dreg:$0x0] =	wrdreg $0x0  }
0xa8: {  	s4 =	sshll.u32 s28, $0x1;
	[dreg:$0x2] =	wrdreg s2  }
0xa9: {  	[dreg:$0x3] =	wrdreg s4  }
0xaa: {  	[dreg:$0x4] =	wrdreg $0xC0  }
0xab: {  	_ =	task [dreg:s6], $0x5FFFF  }
0xac: {  	[dreg:$0x1] =	wrdreg $0xFFFFFFFF  }
0xad: {  	[dreg:$0x0] =	wrdreg $0x60  }
0xae: {  	[dreg:$0x2] =	wrdreg s24  }
0xaf: {  	[dreg:$0x3] =	wrdreg $0x29000  }
0xb0: {  	[dreg:$0x4] =	wrdreg $0xA  }
0xb1: {  	_ =	task.clear_ibuf [dreg:s6], $0x5FFFF;
	_ =	strace $0x9000005B  }
0xb2: {  	s29 =	simm.s32 $0xA;
	_ =	strace $0x8000005D  }
0xb3: {  	_ =	swait.ge [sflag:s29], $0x1  }
0xb4: {  	[sflag:s29] =	ssyncadd.s32 $0xFFFFFFFF  }
0xb5: {  	_ =	strace $0x9000005D  }
0xb6: {  	_ =	sfence  }
0xb7: {  	s30 =	sld [smem:$0x0];
	_ =	sdelay $0x2  }
0xb8: {  	s31 =	sshll.u32 s1, $0xD;
	s1 =	sshrl.u32 s1, $0x2  }
0xb9: {  	s3 =	sand.u32 $0x4000, s31;
	s1 =	sadd.s32 s1, s30  }
0xba: {  	s0 =	sor.u32 s3, s0;
	s1 =	sshll.u32 s1, $0x11  }
0xbb: {  	s0 =	sor.u32 s1, s0  }
0xbc: {  	s0 =	sadd.s32 $0x8F2B, s0  }
0xbd: {  	[sflag:s0] =	ssyncadd.remote.s32 $0x1  }
0xbe: {  	_ =	sfence.sel $0xFFFF  }
0xbf: {  	[dreg:$0x0] =	wrdreg $0xFFFFFFFF;
	(pc) =	sbr.abs _section_cstart, $3  }
0xc0: {  	[dreg:$0x1] =	wrdreg $0xFFFFFFFF  }
0xc1: {  	_ =	task.clear_ibuf [dreg:s6], $0x2FFFF;
	_ =	strace $0x9FFFFFFF  }
0xc2: {  	(tm) =	ssettm $0x7FFFFFFF  }
0xc3: {  	_ =	shalt  }
tec
execute0_lowered:
.L_overlay_start_1:
0x0: {  	(tag) =	ssettag $0x1  }
0x1: {  	s10 =	rddreg [dreg:$0x0]  }
0x2: {  	s1 =	rddreg [dreg:$0x1]  }
0x3: {  	s0 =	rddreg [dreg:$0x2]  }
0x4: {  	s2 =	simm.s32 $0x0;
	s4 =	srdreg.scid;
	s9 =	simm.s32 $0x5  }
0x5: {  	s16 =	simm.s32 $0x1;
	s18 =	simm.s32 $0x80;
	s19 =	simm.s32 $0x0  }
0x6: {  	[smem:$0x7FF] =	sst s2;
	s3 =	sadd.s32 $0x42600, s10;
	s5 =	sadd.s32 $0x1B400, s10  }
0x7: {  	s6 =	sadd.s32 $0x16400, s10;
	s17 =	sand.u32 $0x1, s4;
	s4 =	stileid.u32  }
0x8: {  	s7 =	sadd.s32 $0x11400, s10;
	s8 =	sadd.s32 $0x2400, s10;
	s12 =	smul.u32 $0x2800, s4  }
0x9: {  	_ =	strace $0x8000005C;
	s11 =	ssub.s32 $0x2, s17;
	s14 =	smul.u32 $0x50000, s4  }
.Ltmp0:
0xa: {  	p0 =	seq.s32 s4, $0xF;
	s13 =	sshrl.u32 s11, $0x1;
	(pc) =	sbr.rel .LBB2_1-.Ltmp0, $4  }
0xb: {  	s9 =	simm.s32 @!p0 $0x8;
	p0 =	sne.s32 s17, $0x0;
	s17 =	simm.s32 $0x50  }
0xc: {  	s15 =	sadd.s32 s12, s10;
	s11 =	ssub.s32 s11, s13;
	s31 =	sshrl.u32 s14, $0x2  }
0xd: {  	s10 =	smul.u32 $0x2710, s4;
	s11 =	smax.u32 s11, $0x1;
	s12 =	sadd.s32 s31, s1  }
0xe: {  	s13 =	sadd.s32 $0x1C9400, s15;
	s14 =	sadd.s32 $0x1A2200, s15;
	s15 =	simm.s32 $0x100  }
.LBB2_13:
0xf: {  	[sflag:s16] =	ssyncadd.s32 $0xFFFFD800  }
.LBB2_14:
0x10: {  	s19 =	sadd.s32 $0x1, s19  }
0x11: {  	p1 =	sne.s32 s19, s11  }
.Ltmp1:
0x12: {  	_ = 	snop;
	(pc) =	sbr.rel @!p1 .LBB2_15-.Ltmp1, $1  }
0x13: {  	_ =	sdelay $0x3  }
.LBB2_1:
0x14: {  	[tilespmem:s15], [sflag:$0x1] =	stream.linear.gather [hbm4b:s8+s2], $0x2800, $0x38;
	[tilespmem:$0x16180] =	vst v63  }
0x15: {  	p1 =	sne.s32 s9, $0x1;
	_ =	swait.ge [sflag:s16], $0x2800  }
.Ltmp2:
0x16: {  	[sflag:s16] =	ssyncset.done $0x0;
	(pc) =	sbr.rel @!p1 .LBB2_3-.Ltmp2, $4  }
0x17: {  	[sflag:s16] =	ssyncadd.s32 $0xFFFFD800  }
0x18: {  	[spmem:s12] =	stream.linear.scatter [tilespmem:s15], [sflag:$0x1], $0x2800, $0x38;
	[tilespmem:$0x16180] =	vst v63  }
0x19: {  	_ =	swait.ge [sflag:s16], $0x2800  }
0x1a: {  	s20 =	sadd.s32 $0xFFFFFFFF, s9;
	s21 =	smov.u32 s12;
	[sflag:s16] =	ssyncset.done $0x0  }
.LBB2_2:
0x1b: {  	p2 =	sne.s32 s20, $0x1;
	[sflag:s16] =	ssyncadd.s32 $0xFFFFD800;
	s21 =	sadd.s32 $0x2800, s21  }
.Ltmp3:
0x1c: {  	s20 =	sadd.s32 $0xFFFFFFFF, s20;
	(pc) =	sbr.rel @p2 .LBB2_2-.Ltmp3, $4  }
0x1d: {  	_ = 	snop  }
0x1e: {  	[spmem:s21] =	stream.linear.scatter [tilespmem:s15], [sflag:$0x1], $0x2800, $0x38;
	[tilespmem:$0x16180] =	vst v63  }
0x1f: {  	_ =	swait.ge [sflag:s16], $0x2800  }
0x20: {  	[sflag:s16] =	ssyncset.done $0x0  }
.LBB2_3:
0x21: {  	s20 =	simm.s32 $0x0  }
0x22: {  	s20 =	smul.u32 $0x39, s20;
	_ =	sdelay $0x1  }
0x23: {  	s21 =	sand.u32 $0xFFFF, s20  }
0x24: {  	s21 =	smul.u32 $0x625, s21;
	_ =	sdelay $0x1  }
0x25: {  	s21 =	sshrl.u32 s21, $0x10  }
0x26: {  	s22 =	ssub.s32 s20, s21  }
0x27: {  	s22 =	sand.u32 $0xFFFE, s22  }
0x28: {  	s22 =	sshrl.u32 s22, $0x1  }
0x29: {  	s23 =	simm.s32 $0x1;
	s21 =	sadd.s32 s21, s22  }
0x2a: {  	s22 =	smul.u32 $0x39, s23;
	s21 =	sshrl.u32 s21, $0x6  }
0x2b: {  	s30 =	simm.s32 $0x2;
	s24 =	smul.u32 $0x7D, s21  }
0x2c: {  	s23 =	sand.u32 $0xFFFF, s22;
	s21 =	smul.u32 $0x39, s30  }
0x2d: {  	s23 =	smul.u32 $0x625, s23;
	s20 =	ssub.s32 s20, s24  }
0x2e: {  	[sflag:s16] =	ssyncadd.s32 $0xFFFFD800;
	s20 =	smul.u32 $0x50, s20  }
.Ltmp4:
0x2f: {  	s26 =	simm.s32 $0x3;
	s25 =	sand.u32 $0xFFFF, s21;
	(pc) =	sbr.rel @p0 .LBB2_9-.Ltmp4, $4  }
0x30: {  	s23 =	sshrl.u32 s23, $0x10;
	s25 =	smul.u32 $0x625, s25;
	s20 =	sand.u32 $0xFFF0, s20  }
0x31: {  	[bflag:$0x0] =	sbarrier.arrive $0xFFFF;
	s31 =	ssub.s32 s22, s23;
	s20 =	sadd.s32 s20, s10  }
0x32: {  	s24 =	sand.u32 $0xFFFE, s31;
	s25 =	sshrl.u32 s25, $0x10;
	s28 =	sshrl.u32 s20, $0x3  }
0x33: {  	s24 =	sshrl.u32 s24, $0x1;
	s20 =	smul.u32 $0x39, s26;
	s26 =	sadd.s32 s6, s28  }
0x34: {  	[tilespmem:s2], [sflag:$0x1] =	stream.linear.gather [hbm4b:s26+s2], $0x50, $0x38;
	[tilespmem:$0x16180] =	vst v63  }
0x35: {  	s23 =	sadd.s32 s23, s24;
	s26 =	ssub.s32 s21, s25;
	_ =	swait.ge [sflag:s16], $0x50  }
0x36: {  	s28 =	sadd.s32 s7, s28;
	s24 =	sand.u32 $0xFFFE, s26;
	[sflag:s16] =	ssyncset.done $0x0  }
0x37: {  	s29 =	sand.u32 $0xFFFF, s20;
	s24 =	sshrl.u32 s24, $0x1;
	[sflag:s16] =	ssyncadd.s32 $0xFFFFFFB0  }
0x38: {  	[tilespmem:s15], [sflag:$0x1] =	stream.indirect.gather [hbm4b:s3+s17], $0x80, s2, s17, $0xb8;
	[tilespmem:$0x16180] =	vst v63  }
0x39: {  	s26 =	smul.u32 $0x625, s29;
	s29 =	sshrl.u32 s23, $0x6;
	_ =	swait.ge [sflag:s16], $0x2800  }
0x3a: {  	s30 =	sadd.s32 s25, s24;
	s31 =	smul.u32 $0x7D, s29;
	[sflag:s16] =	ssyncset.done $0x0  }
0x3b: {  	s24 =	simm.s32 $0x4;
	s25 =	sshrl.u32 s26, $0x10;
	[sflag:s16] =	ssyncadd.s32 $0xFFFFD800  }
0x3c: {  	[tilespmem:s18], [sflag:$0x1] =	stream.linear.gather [hbm4b:s28+s2], $0x50, $0x38;
	[tilespmem:$0x16180] =	vst v63  }
0x3d: {  	s23 =	sshrl.u32 s30, $0x6;
	s29 =	ssub.s32 s20, s25;
	_ =	swait.ge [sflag:s16], $0x50  }
0x3e: {  	s22 =	ssub.s32 s22, s31;
	s28 =	sand.u32 $0xFFFE, s29;
	[sflag:s16] =	ssyncset.done $0x0  }
0x3f: {  	s22 =	smul.u32 $0x50, s22;
	s30 =	sshrl.u32 s28, $0x1;
	[sflag:s16] =	ssyncadd.s32 $0xFFFFFFB0  }
0x40: {  	[spmem:s1] =	stream.indirect.scatter.add.f32 [tilespmem:s15], [sflag:$0x1], $0x80, s18, s17, $0xb8;
	[tilespmem:$0x16180] =	vst v63  }
0x41: {  	s31 =	sand.u32 $0xFFF0, s22;
	s25 =	sadd.s32 s25, s30;
	_ =	swait.ge [sflag:s16], $0x2800  }
0x42: {  	s22 =	sshrl.u32 s25, $0x6;
	s25 =	sadd.s32 s31, s10;
	[sflag:s16] =	ssyncset.done $0x0  }
.LBB2_5:
0x43: {  	s25 =	sshrl.u32 s25, $0x3;
	[sflag:s16] =	ssyncadd.s32 $0xFFFFD800  }
0x44: {  	s26 =	smov.u32 s24;
	s28 =	sadd.s32 $0x1, s24;
	s29 =	smov.u32 s20  }
0x45: {  	p1 =	seq.s32 s24, $0x7C;
	s20 =	smul.u32 $0x39, s26;
	s24 =	sadd.s32 s6, s25  }
0x46: {  	[tilespmem:s2], [sflag:$0x1] =	stream.linear.gather [hbm4b:s24+s2], $0x50, $0x38;
	[tilespmem:$0x16180] =	vst v63  }
0x47: {  	s24 =	sand.u32 $0xFFFF, s20;
	_ =	swait.ge [sflag:s16], $0x50  }
0x48: {  	[sflag:s16] =	ssyncset.done $0x0  }
0x49: {  	s24 =	smul.u32 $0x625, s24;
	[sflag:s16] =	ssyncadd.s32 $0xFFFFFFB0  }
0x4a: {  	[tilespmem:s15], [sflag:$0x1] =	stream.indirect.gather [hbm4b:s3+s17], $0x80, s2, s17, $0xb8;
	[tilespmem:$0x16180] =	vst v63  }
0x4b: {  	s30 =	smul.u32 $0x7D, s23;
	s24 =	sshrl.u32 s24, $0x10;
	_ =	swait.ge [sflag:s16], $0x2800  }
0x4c: {  	s23 =	sadd.s32 s7, s25;
	s26 =	ssub.s32 s20, s24;
	[sflag:s16] =	ssyncset.done $0x0  }
0x4d: {  	s21 =	ssub.s32 s21, s30;
	s26 =	sand.u32 $0xFFFE, s26;
	[sflag:s16] =	ssyncadd.s32 $0xFFFFD800  }
0x4e: {  	[tilespmem:s18], [sflag:$0x1] =	stream.linear.gather [hbm4b:s23+s2], $0x50, $0x38;
	[tilespmem:$0x16180] =	vst v63  }
0x4f: {  	s21 =	smul.u32 $0x50, s21;
	s23 =	smov.u32 s22;
	_ =	swait.ge [sflag:s16], $0x50  }
.Ltmp5:
0x50: {  	s22 =	sshrl.u32 s26, $0x1;
	[sflag:s16] =	ssyncset.done $0x0;
	(pc) =	sbr.rel @!p1 .LBB2_5-.Ltmp5, $4  }
0x51: {  	s21 =	sand.u32 $0xFFF0, s21;
	s22 =	sadd.s32 s24, s22;
	[sflag:s16] =	ssyncadd.s32 $0xFFFFFFB0  }
0x52: {  	[spmem:s1] =	stream.indirect.scatter.add.f32 [tilespmem:s15], [sflag:$0x1], $0x80, s18, s17, $0xb8;
	[tilespmem:$0x16180] =	vst v63  }
0x53: {  	s25 =	sadd.s32 s21, s10;
	s22 =	sshrl.u32 s22, $0x6;
	_ =	swait.ge [sflag:s16], $0x2800  }
0x54: {  	s21 =	smov.u32 s29;
	s24 =	smov.u32 s28;
	[sflag:s16] =	ssyncset.done $0x0  }
0x55: {  	s24 =	sshrl.u32 s25, $0x3  }
0x56: {  	[sflag:s16] =	ssyncadd.s32 $0xFFFFD800;
	s25 =	sadd.s32 s6, s24  }
0x57: {  	[tilespmem:s2], [sflag:$0x1] =	stream.linear.gather [hbm4b:s25+s2], $0x50, $0x38;
	[tilespmem:$0x16180] =	vst v63  }
0x58: {  	_ =	swait.ge [sflag:s16], $0x50  }
0x59: {  	[sflag:s16] =	ssyncset.done $0x0  }
0x5a: {  	[sflag:s16] =	ssyncadd.s32 $0xFFFFFFB0  }
0x5b: {  	[tilespmem:s15], [sflag:$0x1] =	stream.indirect.gather [hbm4b:s3+s17], $0x80, s2, s17, $0xb8;
	[tilespmem:$0x16180] =	vst v63  }
0x5c: {  	s23 =	smul.u32 $0x7D, s23;
	_ =	swait.ge [sflag:s16], $0x2800  }
0x5d: {  	[sflag:s16] =	ssyncset.done $0x0  }
0x5e: {  	s24 =	sadd.s32 s7, s24;
	s21 =	ssub.s32 s21, s23;
	[sflag:s16] =	ssyncadd.s32 $0xFFFFD800  }
0x5f: {  	[tilespmem:s18], [sflag:$0x1] =	stream.linear.gather [hbm4b:s24+s2], $0x50, $0x38;
	[tilespmem:$0x16180] =	vst v63  }
0x60: {  	s21 =	smul.u32 $0x50, s21;
	_ =	swait.ge [sflag:s16], $0x50  }
0x61: {  	[sflag:s16] =	ssyncset.done $0x0  }
0x62: {  	s21 =	sand.u32 $0xFFF0, s21;
	[sflag:s16] =	ssyncadd.s32 $0xFFFFFFB0  }
0x63: {  	[spmem:s1] =	stream.indirect.scatter.add.f32 [tilespmem:s15], [sflag:$0x1], $0x80, s18, s17, $0xb8;
	[tilespmem:$0x16180] =	vst v63  }
0x64: {  	s21 =	sadd.s32 s21, s10;
	_ =	swait.ge [sflag:s16], $0x2800  }
0x65: {  	s21 =	sshrl.u32 s21, $0x3;
	[sflag:s16] =	ssyncset.done $0x0  }
0x66: {  	s30 =	sadd.s32 s6, s21;
	[sflag:s16] =	ssyncadd.s32 $0xFFFFD800  }
0x67: {  	[tilespmem:s2], [sflag:$0x1] =	stream.linear.gather [hbm4b:s30+s2], $0x50, $0x38;
	[tilespmem:$0x16180] =	vst v63  }
0x68: {  	_ =	swait.ge [sflag:s16], $0x50  }
0x69: {  	[sflag:s16] =	ssyncset.done $0x0  }
0x6a: {  	[sflag:s16] =	ssyncadd.s32 $0xFFFFFFB0  }
0x6b: {  	[tilespmem:s15], [sflag:$0x1] =	stream.indirect.gather [hbm4b:s3+s17], $0x80, s2, s17, $0xb8;
	[tilespmem:$0x16180] =	vst v63  }
0x6c: {  	s22 =	smul.u32 $0x7D, s22;
	_ =	swait.ge [sflag:s16], $0x2800  }
0x6d: {  	[sflag:s16] =	ssyncset.done $0x0  }
0x6e: {  	s20 =	ssub.s32 s20, s22;
	s21 =	sadd.s32 s7, s21;
	[sflag:s16] =	ssyncadd.s32 $0xFFFFD800  }
0x6f: {  	[tilespmem:s18], [sflag:$0x1] =	stream.linear.gather [hbm4b:s21+s2], $0x50, $0x38;
	[tilespmem:$0x16180] =	vst v63  }
0x70: {  	s20 =	smul.u32 $0x50, s20;
	_ =	swait.ge [sflag:s16], $0x50  }
0x71: {  	[sflag:s16] =	ssyncset.done $0x0  }
0x72: {  	s20 =	sand.u32 $0xFFF0, s20;
	[sflag:s16] =	ssyncadd.s32 $0xFFFFFFB0  }
0x73: {  	[spmem:s1] =	stream.indirect.scatter.add.f32 [tilespmem:s15], [sflag:$0x1], $0x80, s18, s17, $0xb8;
	[tilespmem:$0x16180] =	vst v63  }
0x74: {  	s20 =	sadd.s32 s20, s10;
	_ =	swait.ge [sflag:s16], $0x2800  }
0x75: {  	s20 =	sshrl.u32 s20, $0x3;
	[sflag:s16] =	ssyncset.done $0x0  }
0x76: {  	s31 =	sadd.s32 s6, s20;
	[sflag:s16] =	ssyncadd.s32 $0xFFFFD800  }
0x77: {  	[tilespmem:s2], [sflag:$0x1] =	stream.linear.gather [hbm4b:s31+s2], $0x50, $0x38;
	[tilespmem:$0x16180] =	vst v63  }
0x78: {  	_ =	swait.ge [sflag:s16], $0x50  }
0x79: {  	[sflag:s16] =	ssyncset.done $0x0  }
0x7a: {  	[sflag:s16] =	ssyncadd.s32 $0xFFFFFFB0  }
0x7b: {  	[tilespmem:s15], [sflag:$0x1] =	stream.indirect.gather [hbm4b:s3+s17], $0x80, s2, s17, $0xb8;
	[tilespmem:$0x16180] =	vst v63  }
0x7c: {  	_ =	swait.ge [sflag:s16], $0x2800  }
0x7d: {  	[sflag:s16] =	ssyncset.done $0x0  }
0x7e: {  	s20 =	sadd.s32 s7, s20;
	[sflag:s16] =	ssyncadd.s32 $0xFFFFD800  }
0x7f: {  	[tilespmem:s18], [sflag:$0x1] =	stream.linear.gather [hbm4b:s20+s2], $0x50, $0x38;
	[tilespmem:$0x16180] =	vst v63  }
0x80: {  	_ =	swait.ge [sflag:s16], $0x50  }
0x81: {  	[sflag:s16] =	ssyncset.done $0x0  }
0x82: {  	[sflag:s16] =	ssyncadd.s32 $0xFFFFFFB0  }
0x83: {  	[spmem:s1] =	stream.indirect.scatter.add.f32 [tilespmem:s15], [sflag:$0x1], $0x80, s18, s17, $0xb8;
	[tilespmem:$0x16180] =	vst v63  }
0x84: {  	_ =	swait.ge [sflag:s16], $0x2800  }
0x85: {  	[sflag:s16] =	ssyncset.done $0x0  }
0x86: {  	[sflag:s16] =	ssyncadd.s32 $0xFFFFD800  }
0x87: {  	[bflag:$0x0] =	sbarrier.arrive $0xFFFF  }
0x88: {  	[tilespmem:s15], [sflag:$0x1] =	stream.linear.gather [spmem:s12], $0x2800, $0x38;
	[tilespmem:$0x16180] =	vst v63  }
0x89: {  	p1 =	seq.s32 s9, $0x1;
	_ =	swait.ge [sflag:s16], $0x2800  }
.Ltmp6:
0x8a: {  	[sflag:s16] =	ssyncset.done $0x0;
	(pc) =	sbr.rel @p1 .LBB2_8-.Ltmp6, $4  }
0x8b: {  	[sflag:s16] =	ssyncadd.s32 $0xFFFFD800  }
0x8c: {  	[hbm4b:s14+s2] =	stream.linear.scatter [tilespmem:s15], [sflag:$0x1], $0x2800, $0x38;
	[tilespmem:$0x16180] =	vst v63  }
0x8d: {  	s22 =	smov.u32 s12;
	_ =	swait.ge [sflag:s16], $0x2800  }
0x8e: {  	s21 =	smov.u32 s14;
	s20 =	sadd.s32 $0xFFFFFFFF, s9;
	[sflag:s16] =	ssyncset.done $0x0  }
.LBB2_7:
0x8f: {  	[sflag:s16] =	ssyncadd.s32 $0xFFFFD800;
	s21 =	sadd.s32 $0x500, s21;
	s22 =	sadd.s32 $0x2800, s22  }
0x90: {  	[tilespmem:s15], [sflag:$0x1] =	stream.linear.gather [spmem:s22], $0x2800, $0x38;
	[tilespmem:$0x16180] =	vst v63  }
0x91: {  	p1 =	seq.s32 s20, $0x1;
	s20 =	sadd.s32 $0xFFFFFFFF, s20;
	_ =	swait.ge [sflag:s16], $0x2800  }
.Ltmp7:
0x92: {  	[sflag:s16] =	ssyncset.done $0x0;
	(pc) =	sbr.rel @!p1 .LBB2_7-.Ltmp7, $4  }
0x93: {  	[sflag:s16] =	ssyncadd.s32 $0xFFFFD800  }
0x94: {  	[hbm4b:s21+s2] =	stream.linear.scatter [tilespmem:s15], [sflag:$0x1], $0x2800, $0x38;
	[tilespmem:$0x16180] =	vst v63  }
0x95: {  	_ =	swait.ge [sflag:s16], $0x2800  }
0x96: {  	[sflag:s16] =	ssyncset.done $0x0  }
.LBB2_8:
.Ltmp8:
0x97: {  	(pc) =	sbr.rel .LBB2_14-.Ltmp8, $2  }
0x98: {  	_ =	sdelay $0x2  }
0x99: {  	[sflag:s16] =	ssyncadd.s32 $0xFFFFD800  }
.LBB2_9:
0x9a: {  	[tilespmem:s2], [sflag:$0x1] =	stream.linear.gather [hbm4b:s26+s2], $0x50, $0x38;
	[tilespmem:$0x16180] =	vst v63  }
0x9b: {  	s23 =	sadd.s32 s23, s24;
	s26 =	ssub.s32 s21, s25;
	_ =	swait.ge [sflag:s16], $0x50  }
0x9c: {  	s28 =	sadd.s32 s7, s28;
	s24 =	sand.u32 $0xFFFE, s26;
	[sflag:s16] =	ssyncset.done $0x0  }
0x9d: {  	s29 =	sand.u32 $0xFFFF, s20;
	s24 =	sshrl.u32 s24, $0x1;
	[sflag:s16] =	ssyncadd.s32 $0xFFFFFFB0  }
0x9e: {  	[tilespmem:s15], [sflag:$0x1] =	stream.indirect.gather [hbm4b:s5+s17], $0x80, s2, s17, $0xb8;
	[tilespmem:$0x16180] =	vst v63  }
0x9f: {  	s26 =	smul.u32 $0x625, s29;
	s29 =	sshrl.u32 s23, $0x6;
	_ =	swait.ge [sflag:s16], $0x2800  }
0xa0: {  	s30 =	sadd.s32 s25, s24;
	s31 =	smul.u32 $0x7D, s29;
	[sflag:s16] =	ssyncset.done $0x0  }
0xa1: {  	s24 =	simm.s32 $0x4;
	s25 =	sshrl.u32 s26, $0x10;
	[sflag:s16] =	ssyncadd.s32 $0xFFFFD800  }
0xa2: {  	[tilespmem:s18], [sflag:$0x1] =	stream.linear.gather [hbm4b:s28+s2], $0x50, $0x38;
	[tilespmem:$0x16180] =	vst v63  }
0xa3: {  	s23 =	sshrl.u32 s30, $0x6;
	s29 =	ssub.s32 s20, s25;
	_ =	swait.ge [sflag:s16], $0x50  }
0xa4: {  	s22 =	ssub.s32 s22, s31;
	s28 =	sand.u32 $0xFFFE, s29;
	[sflag:s16] =	ssyncset.done $0x0  }
0xa5: {  	s22 =	smul.u32 $0x50, s22;
	s30 =	sshrl.u32 s28, $0x1;
	[sflag:s16] =	ssyncadd.s32 $0xFFFFFFB0  }
0xa6: {  	[spmem:s1] =	stream.indirect.scatter.add.f32 [tilespmem:s15], [sflag:$0x1], $0x80, s18, s17, $0xb8;
	[tilespmem:$0x16180] =	vst v63  }
0xa7: {  	s31 =	sand.u32 $0xFFF0, s22;
	s25 =	sadd.s32 s25, s30;
	_ =	swait.ge [sflag:s16], $0x2800  }
0xa8: {  	s22 =	sshrl.u32 s25, $0x6;
	s25 =	sadd.s32 s31, s10;
	[sflag:s16] =	ssyncset.done $0x0  }
.LBB2_10:
0xa9: {  	s25 =	sshrl.u32 s25, $0x3;
	[sflag:s16] =	ssyncadd.s32 $0xFFFFD800  }
0xaa: {  	s26 =	smov.u32 s24;
	s28 =	sadd.s32 $0x1, s24;
	s29 =	smov.u32 s20  }
0xab: {  	p2 =	seq.s32 s24, $0x7C;
	s20 =	smul.u32 $0x39, s26;
	s24 =	sadd.s32 s6, s25  }
0xac: {  	[tilespmem:s2], [sflag:$0x1] =	stream.linear.gather [hbm4b:s24+s2], $0x50, $0x38;
	[tilespmem:$0x16180] =	vst v63  }
0xad: {  	s24 =	sand.u32 $0xFFFF, s20;
	_ =	swait.ge [sflag:s16], $0x50  }
0xae: {  	[sflag:s16] =	ssyncset.done $0x0  }
0xaf: {  	s24 =	smul.u32 $0x625, s24;
	[sflag:s16] =	ssyncadd.s32 $0xFFFFFFB0  }
0xb0: {  	[tilespmem:s15], [sflag:$0x1] =	stream.indirect.gather [hbm4b:s5+s17], $0x80, s2, s17, $0xb8;
	[tilespmem:$0x16180] =	vst v63  }
0xb1: {  	s30 =	smul.u32 $0x7D, s23;
	s24 =	sshrl.u32 s24, $0x10;
	_ =	swait.ge [sflag:s16], $0x2800  }
0xb2: {  	s23 =	sadd.s32 s7, s25;
	s26 =	ssub.s32 s20, s24;
	[sflag:s16] =	ssyncset.done $0x0  }
0xb3: {  	s21 =	ssub.s32 s21, s30;
	s26 =	sand.u32 $0xFFFE, s26;
	[sflag:s16] =	ssyncadd.s32 $0xFFFFD800  }
0xb4: {  	[tilespmem:s18], [sflag:$0x1] =	stream.linear.gather [hbm4b:s23+s2], $0x50, $0x38;
	[tilespmem:$0x16180] =	vst v63  }
0xb5: {  	s21 =	smul.u32 $0x50, s21;
	s23 =	smov.u32 s22;
	_ =	swait.ge [sflag:s16], $0x50  }
.Ltmp9:
0xb6: {  	s22 =	sshrl.u32 s26, $0x1;
	[sflag:s16] =	ssyncset.done $0x0;
	(pc) =	sbr.rel @!p2 .LBB2_10-.Ltmp9, $4  }
0xb7: {  	s21 =	sand.u32 $0xFFF0, s21;
	s22 =	sadd.s32 s24, s22;
	[sflag:s16] =	ssyncadd.s32 $0xFFFFFFB0  }
0xb8: {  	[spmem:s1] =	stream.indirect.scatter.add.f32 [tilespmem:s15], [sflag:$0x1], $0x80, s18, s17, $0xb8;
	[tilespmem:$0x16180] =	vst v63  }
0xb9: {  	s25 =	sadd.s32 s21, s10;
	s22 =	sshrl.u32 s22, $0x6;
	_ =	swait.ge [sflag:s16], $0x2800  }
0xba: {  	s21 =	smov.u32 s29;
	s24 =	smov.u32 s28;
	[sflag:s16] =	ssyncset.done $0x0  }
0xbb: {  	s24 =	sshrl.u32 s25, $0x3  }
0xbc: {  	[sflag:s16] =	ssyncadd.s32 $0xFFFFD800;
	s25 =	sadd.s32 s6, s24  }
0xbd: {  	[tilespmem:s2], [sflag:$0x1] =	stream.linear.gather [hbm4b:s25+s2], $0x50, $0x38;
	[tilespmem:$0x16180] =	vst v63  }
0xbe: {  	_ =	swait.ge [sflag:s16], $0x50  }
0xbf: {  	[sflag:s16] =	ssyncset.done $0x0  }
0xc0: {  	[sflag:s16] =	ssyncadd.s32 $0xFFFFFFB0  }
0xc1: {  	[tilespmem:s15], [sflag:$0x1] =	stream.indirect.gather [hbm4b:s5+s17], $0x80, s2, s17, $0xb8;
	[tilespmem:$0x16180] =	vst v63  }
0xc2: {  	s23 =	smul.u32 $0x7D, s23;
	_ =	swait.ge [sflag:s16], $0x2800  }
0xc3: {  	[sflag:s16] =	ssyncset.done $0x0  }
0xc4: {  	s24 =	sadd.s32 s7, s24;
	s21 =	ssub.s32 s21, s23;
	[sflag:s16] =	ssyncadd.s32 $0xFFFFD800  }
0xc5: {  	[tilespmem:s18], [sflag:$0x1] =	stream.linear.gather [hbm4b:s24+s2], $0x50, $0x38;
	[tilespmem:$0x16180] =	vst v63  }
0xc6: {  	s21 =	smul.u32 $0x50, s21;
	_ =	swait.ge [sflag:s16], $0x50  }
0xc7: {  	[sflag:s16] =	ssyncset.done $0x0  }
0xc8: {  	s21 =	sand.u32 $0xFFF0, s21;
	[sflag:s16] =	ssyncadd.s32 $0xFFFFFFB0  }
0xc9: {  	[spmem:s1] =	stream.indirect.scatter.add.f32 [tilespmem:s15], [sflag:$0x1], $0x80, s18, s17, $0xb8;
	[tilespmem:$0x16180] =	vst v63  }
0xca: {  	s21 =	sadd.s32 s21, s10;
	_ =	swait.ge [sflag:s16], $0x2800  }
0xcb: {  	s21 =	sshrl.u32 s21, $0x3;
	[sflag:s16] =	ssyncset.done $0x0  }
0xcc: {  	s30 =	sadd.s32 s6, s21;
	[sflag:s16] =	ssyncadd.s32 $0xFFFFD800  }
0xcd: {  	[tilespmem:s2], [sflag:$0x1] =	stream.linear.gather [hbm4b:s30+s2], $0x50, $0x38;
	[tilespmem:$0x16180] =	vst v63  }
0xce: {  	_ =	swait.ge [sflag:s16], $0x50  }
0xcf: {  	[sflag:s16] =	ssyncset.done $0x0  }
0xd0: {  	[sflag:s16] =	ssyncadd.s32 $0xFFFFFFB0  }
0xd1: {  	[tilespmem:s15], [sflag:$0x1] =	stream.indirect.gather [hbm4b:s5+s17], $0x80, s2, s17, $0xb8;
	[tilespmem:$0x16180] =	vst v63  }
0xd2: {  	s22 =	smul.u32 $0x7D, s22;
	_ =	swait.ge [sflag:s16], $0x2800  }
0xd3: {  	[sflag:s16] =	ssyncset.done $0x0  }
0xd4: {  	s20 =	ssub.s32 s20, s22;
	s21 =	sadd.s32 s7, s21;
	[sflag:s16] =	ssyncadd.s32 $0xFFFFD800  }
0xd5: {  	[tilespmem:s18], [sflag:$0x1] =	stream.linear.gather [hbm4b:s21+s2], $0x50, $0x38;
	[tilespmem:$0x16180] =	vst v63  }
0xd6: {  	s20 =	smul.u32 $0x50, s20;
	_ =	swait.ge [sflag:s16], $0x50  }
0xd7: {  	[sflag:s16] =	ssyncset.done $0x0  }
0xd8: {  	s20 =	sand.u32 $0xFFF0, s20;
	[sflag:s16] =	ssyncadd.s32 $0xFFFFFFB0  }
0xd9: {  	[spmem:s1] =	stream.indirect.scatter.add.f32 [tilespmem:s15], [sflag:$0x1], $0x80, s18, s17, $0xb8;
	[tilespmem:$0x16180] =	vst v63  }
0xda: {  	s20 =	sadd.s32 s20, s10;
	_ =	swait.ge [sflag:s16], $0x2800  }
0xdb: {  	s20 =	sshrl.u32 s20, $0x3;
	[sflag:s16] =	ssyncset.done $0x0  }
0xdc: {  	s31 =	sadd.s32 s6, s20;
	[sflag:s16] =	ssyncadd.s32 $0xFFFFD800  }
0xdd: {  	[tilespmem:s2], [sflag:$0x1] =	stream.linear.gather [hbm4b:s31+s2], $0x50, $0x38;
	[tilespmem:$0x16180] =	vst v63  }
0xde: {  	_ =	swait.ge [sflag:s16], $0x50  }
0xdf: {  	[sflag:s16] =	ssyncset.done $0x0  }
0xe0: {  	[sflag:s16] =	ssyncadd.s32 $0xFFFFFFB0  }
0xe1: {  	[tilespmem:s15], [sflag:$0x1] =	stream.indirect.gather [hbm4b:s5+s17], $0x80, s2, s17, $0xb8;
	[tilespmem:$0x16180] =	vst v63  }
0xe2: {  	_ =	swait.ge [sflag:s16], $0x2800  }
0xe3: {  	[sflag:s16] =	ssyncset.done $0x0  }
0xe4: {  	s20 =	sadd.s32 s7, s20;
	[sflag:s16] =	ssyncadd.s32 $0xFFFFD800  }
0xe5: {  	[tilespmem:s18], [sflag:$0x1] =	stream.linear.gather [hbm4b:s20+s2], $0x50, $0x38;
	[tilespmem:$0x16180] =	vst v63  }
0xe6: {  	_ =	swait.ge [sflag:s16], $0x50  }
0xe7: {  	[sflag:s16] =	ssyncset.done $0x0  }
0xe8: {  	[sflag:s16] =	ssyncadd.s32 $0xFFFFFFB0  }
0xe9: {  	[spmem:s1] =	stream.indirect.scatter.add.f32 [tilespmem:s15], [sflag:$0x1], $0x80, s18, s17, $0xb8;
	[tilespmem:$0x16180] =	vst v63  }
0xea: {  	_ =	swait.ge [sflag:s16], $0x2800  }
0xeb: {  	[sflag:s16] =	ssyncset.done $0x0  }
0xec: {  	[sflag:s16] =	ssyncadd.s32 $0xFFFFD800  }
0xed: {  	[bflag:$0x0] =	sbarrier.arrive $0xFFFF  }
0xee: {  	[tilespmem:s15], [sflag:$0x1] =	stream.linear.gather [spmem:s12], $0x2800, $0x38;
	[tilespmem:$0x16180] =	vst v63  }
0xef: {  	_ =	swait.ge [sflag:s16], $0x2800  }
.Ltmp10:
0xf0: {  	[sflag:s16] =	ssyncset.done $0x0;
	(pc) =	sbr.rel @!p1 .LBB2_13-.Ltmp10, $4  }
0xf1: {  	[sflag:s16] =	ssyncadd.s32 $0xFFFFD800  }
0xf2: {  	[hbm4b:s13+s2] =	stream.linear.scatter [tilespmem:s15], [sflag:$0x1], $0x2800, $0x38;
	[tilespmem:$0x16180] =	vst v63  }
0xf3: {  	s22 =	smov.u32 s12;
	_ =	swait.ge [sflag:s16], $0x2800  }
0xf4: {  	s21 =	smov.u32 s13;
	s20 =	sadd.s32 $0xFFFFFFFF, s9;
	[sflag:s16] =	ssyncset.done $0x0  }
.LBB2_12:
0xf5: {  	[sflag:s16] =	ssyncadd.s32 $0xFFFFD800;
	s21 =	sadd.s32 $0x500, s21;
	s22 =	sadd.s32 $0x2800, s22  }
0xf6: {  	[tilespmem:s15], [sflag:$0x1] =	stream.linear.gather [spmem:s22], $0x2800, $0x38;
	[tilespmem:$0x16180] =	vst v63  }
0xf7: {  	p1 =	sne.s32 s20, $0x1;
	s20 =	sadd.s32 $0xFFFFFFFF, s20;
	_ =	swait.ge [sflag:s16], $0x2800  }
.Ltmp11:
0xf8: {  	[sflag:s16] =	ssyncset.done $0x0;
	(pc) =	sbr.rel @p1 .LBB2_12-.Ltmp11, $4  }
0xf9: {  	[sflag:s16] =	ssyncadd.s32 $0xFFFFD800  }
0xfa: {  	[hbm4b:s21+s2] =	stream.linear.scatter [tilespmem:s15], [sflag:$0x1], $0x2800, $0x38;
	[tilespmem:$0x16180] =	vst v63  }
0xfb: {  	_ =	swait.ge [sflag:s16], $0x2800  }
0xfc: {  	[sflag:s16] =	ssyncset.done $0x0  }
.Ltmp12:
0xfd: {  	_ = 	snop;
	(pc) =	sbr.rel .LBB2_13-.Ltmp12, $1  }
0xfe: {  	_ =	sdelay $0x3  }
.LBB2_15:
0xff: {  	_ =	sfence.sel $0x180000  }
0x100: {  	[bflag:$0x0] =	sbarrier.arrive $0xFFFF  }
0x101: {  	p0 =	sne.s32 s4, $0x0;
	_ =	strace $0x9000005C  }
0x102: {  	s0 =	sadd.s32 @!p0 $0x100000, s0;
	[bflag:$0x2] =	sbarrier.arrive $0xFFFF  }
0x103: {  	[sflag:s0] =	ssyncadd.tile.s32 @!p0 $0x1;
	_ =	shalt  }
.Lfunc_end2:
_tile_overlayer_lowered:
.L_overlay_start_2:
0x104: {  	(tag) =	ssettag $0x2  }
0x105: {  	s0 =	rddreg [dreg:$0x0];
	s2 =	stileid.u32  }
0x106: {  	s1 =	rddreg [dreg:$0x1];
	p0 =	sne.s32 s2, $0x0  }
0x107: {  	s3 =	rddreg [dreg:$0x2];
	[bflag:$0x3] =	sbarrier.arrive $0xFFFF;
	s2 =	simm.s32 @!p0 $0x1C01  }
0x108: {  	[timem:s3], [sflag:s2] =	dma.local @!p0 [hbm:s0], s1  }
0x109: {  	s0 =	simm.s32 @!p0 $0x1  }
0x10a: {  	_ =	swait.ge @!p0 [sflag:s0], s1  }
0x10b: {  	s1 =	ssub.s32 @!p0 $0x0, s1;
	[sflag:s0] =	ssyncset.done @!p0 $0x0  }
0x10c: {  	[sflag:s0] =	ssyncadd.s32 @!p0 s1  }
0x10d: {  	[bflag:$0x3] =	sbarrier.arrive $0xFFFF  }
0x10e: {  	_ =	shalt  }

</sc_bundles>
